<compile_context>
chip_gen: v7x
topology: tpu7x:2x2x1
jax: 0.10.2.dev20260603
libtpu: 0.0.44.dev20260713+nightly
codegen_flags: <defaults>
</compile_context>

<pallas_src>
import functools

import jax
import jax.numpy as jnp
from jax import lax
from jax.experimental import pallas as pl
from jax.experimental.pallas import tpu as pltpu
from jax.experimental.pallas import tpu_sc as plsc

N = 10000
E = 320000
D = 128

NC = 2
NS = 16
C = 80
ROWS_PER_TILE = 640

K = 5
CE = E // K
DW = D // 2



def _project_kernel(nf_ref, ws_ref, wr_ref, ps_ref, pr_ref):
    x = nf_ref[:]
    ps_ref[:] = jnp.dot(x, ws_ref[:], preferred_element_type=jnp.float32)
    pr_ref[:] = jnp.dot(x, wr_ref[:], preferred_element_type=jnp.float32)


def _project(nf, w1s, w1r):
    BN = 1000
    grid = (N // BN,)
    return pl.pallas_call(
        _project_kernel,
        grid=grid,
        in_specs=[
            pl.BlockSpec((BN, D), lambda i: (i, 0)),
            pl.BlockSpec((D, D), lambda i: (0, 0)),
            pl.BlockSpec((D, D), lambda i: (0, 0)),
        ],
        out_specs=[
            pl.BlockSpec((BN, D), lambda i: (i, 0)),
            pl.BlockSpec((BN, D), lambda i: (i, 0)),
        ],
        out_shape=[
            jax.ShapeDtypeStruct((N, D), jnp.float32),
            jax.ShapeDtypeStruct((N, D), jnp.float32),
        ],
    )(nf, w1s, w1r)


def _edge_mlp_kernel(gs_ref, gr_ref, ef_ref, w1_ref, b1_ref, w2_ref, b2_ref,
                     w3_ref, b3_ref, g_ref, bt_ref, ln_ref, out_ref):
    ef = ef_ref[:]
    h = (gs_ref[:].astype(jnp.float32) + gr_ref[:].astype(jnp.float32)
         + b1_ref[:] + jnp.dot(ef, w1_ref[:],
                               preferred_element_type=jnp.float32))
    h = jnp.maximum(h, 0.0)
    h = jnp.dot(h, w2_ref[:], preferred_element_type=jnp.float32) + b2_ref[:]
    h = jnp.maximum(h, 0.0)
    h = jnp.dot(h, w3_ref[:], preferred_element_type=jnp.float32) + b3_ref[:]
    mu = jnp.mean(h, axis=1, keepdims=True)
    d = h - mu
    var = jnp.mean(d * d, axis=1, keepdims=True)
    y = d * lax.rsqrt(var + 1e-5) * g_ref[:] + bt_ref[:]
    ln_ref[:] = y
    out_ref[:] = y + ef


def _edge_mlp_chunk(k, gs, gr, ef, w1e, b1, w2, b2, w3, b3, g, bt, e_acc):
    BE = 2000
    nblk = CE // BE
    koff = k * nblk
    blk = lambda i: (i, 0)
    out_blk = lambda i: (i + koff, 0)
    wspec = pl.BlockSpec((D, D), lambda i: (0, 0))
    vspec = pl.BlockSpec((1, D), lambda i: (0, 0))
    in_specs = [
        pl.BlockSpec((BE, D), blk),
        pl.BlockSpec((BE, D), blk),
        pl.BlockSpec((BE, D), out_blk),
        wspec, vspec, wspec, vspec, wspec, vspec, vspec, vspec,
    ]
    args = [gs, gr, ef, w1e, b1, w2, b2, w3, b3, g, bt]
    kwargs = {}
    kfn = _edge_mlp_kernel
    if e_acc is not None:
        in_specs.append(pl.BlockSpec(memory_space=pl.ANY))
        args.append(e_acc)
        kwargs["input_output_aliases"] = {11: 1}
        kfn = lambda *refs: _edge_mlp_kernel(*refs[:11], *refs[12:])
    return pl.pallas_call(
        kfn,
        grid=(nblk,),
        in_specs=in_specs,
        out_specs=[pl.BlockSpec((BE, D), blk), pl.BlockSpec((BE, D), out_blk)],
        out_shape=[
            jax.ShapeDtypeStruct((CE, D), jnp.float32),
            jax.ShapeDtypeStruct((E, D), jnp.float32),
        ],
        **kwargs,
    )(*args)


def _node_mlp_kernel(nf_ref, p0_ref, p1_ref,
                     w1n_ref, w1a_ref, b1_ref,
                     w2_ref, b2_ref, w3_ref, b3_ref, g_ref, bt_ref, out_ref):
    nf = nf_ref[:]
    agg = p0_ref[0] + p0_ref[1] + p1_ref[0] + p1_ref[1]
    h = (jnp.dot(nf, w1n_ref[:], preferred_element_type=jnp.float32)
         + jnp.dot(agg, w1a_ref[:], preferred_element_type=jnp.float32)
         + b1_ref[:])
    h = jnp.maximum(h, 0.0)
    h = jnp.dot(h, w2_ref[:], preferred_element_type=jnp.float32) + b2_ref[:]
    h = jnp.maximum(h, 0.0)
    h = jnp.dot(h, w3_ref[:], preferred_element_type=jnp.float32) + b3_ref[:]
    mu = jnp.mean(h, axis=1, keepdims=True)
    d = h - mu
    var = jnp.mean(d * d, axis=1, keepdims=True)
    y = d * lax.rsqrt(var + 1e-5) * g_ref[:] + bt_ref[:]
    out_ref[:] = y + nf


def _node_mlp(nf, p0, p1, w1n, w1a, b1, w2, b2, w3, b3, g, bt):
    BN = 1000
    grid = (N // BN,)
    blk = lambda i: (i, 0)
    pspec = pl.BlockSpec((NC, BN, D), lambda i: (0, i, 0))
    wspec = pl.BlockSpec((D, D), lambda i: (0, 0))
    vspec = pl.BlockSpec((1, D), lambda i: (0, 0))
    return pl.pallas_call(
        _node_mlp_kernel,
        grid=grid,
        in_specs=[
            pl.BlockSpec((BN, D), blk),
            pspec, pspec,
            wspec, wspec, vspec, wspec, vspec, wspec, vspec, vspec, vspec,
        ],
        out_specs=pl.BlockSpec((BN, D), blk),
        out_shape=jax.ShapeDtypeStruct((N, D), jnp.float32),
    )(nf, p0, p1, w1n, w1a, b1, w2, b2, w3, b3, g, bt)



def _gather(ps, pr, snd, rcv):
    mesh = plsc.VectorSubcoreMesh(core_axis_name="c", subcore_axis_name="s")
    epc = CE // NS

    @functools.partial(
        pl.kernel,
        mesh=mesh,
        out_type=(jax.ShapeDtypeStruct((CE, D), jnp.float32),
                  jax.ShapeDtypeStruct((CE, D), jnp.float32)),
        scratch_types=[
            pltpu.VMEM((C,), jnp.int32),
            pltpu.VMEM((C,), jnp.int32),
            pltpu.VMEM((C, D), jnp.float32),
            pltpu.VMEM((C, D), jnp.float32),
            pltpu.VMEM_SHARED((N, D), jnp.float32),
            pltpu.SemaphoreType.DMA,
            pltpu.SemaphoreType.DMA,
        ],
    )
    def k(ps_h, pr_h, snd_h, rcv_h, gs_h, gr_h, idxa, idxb, row0, row1, tab,
          sem0, sem1):
        c = lax.axis_index("c")
        s = lax.axis_index("s")

        def run(tab_h, idx_h, out_h):
            r0 = s * ROWS_PER_TILE

            @pl.when(s < NS - 1)
            def _():
                pltpu.sync_copy(tab_h.at[pl.ds(r0, ROWS_PER_TILE)],
                                tab.at[pl.ds(r0, ROWS_PER_TILE)])

            @pl.when(s == NS - 1)
            def _():
                nrem = N - (NS - 1) * ROWS_PER_TILE
                pltpu.sync_copy(tab_h.at[pl.ds(r0, nrem)],
                                tab.at[pl.ds(r0, nrem)])

            plsc.subcore_barrier()

            base = s * epc

            def body(i, carry):
                off = base + 2 * i * C
                pltpu.sync_copy(idx_h.at[pl.ds(off, C)], idxa)
                ca = pltpu.async_copy(tab.at[idxa], row0, sem0)
                pltpu.sync_copy(idx_h.at[pl.ds(off + C, C)], idxb)
                cb = pltpu.async_copy(tab.at[idxb], row1, sem1)
                ca.wait()
                pltpu.sync_copy(row0, out_h.at[pl.ds(off, C)])
                cb.wait()
                pltpu.sync_copy(row1, out_h.at[pl.ds(off + C, C)])
                return carry

            lax.fori_loop(0, epc // (2 * C), body, 0)

        @pl.when(c == 0)
        def _():
            run(ps_h, snd_h, gs_h)

        @pl.when(c == 1)
        def _():
            run(pr_h, rcv_h, gr_h)

    return k(ps, pr, snd, rcv)



def _scatter_multi(ln_chunks, rcv, zeros, k0):
    mesh = plsc.VectorSubcoreMesh(core_axis_name="c", subcore_axis_name="s")
    nk = len(ln_chunks)
    epc = CE // NC
    ept = epc // NS

    @functools.partial(
        pl.kernel,
        mesh=mesh,
        out_type=jax.ShapeDtypeStruct((NC, N, D), jnp.float32),
        scratch_types=[
            pltpu.VMEM((C,), jnp.int32),
            pltpu.VMEM((C,), jnp.int32),
            pltpu.VMEM((C, D), jnp.float32),
            pltpu.VMEM((C, D), jnp.float32),
            pltpu.VMEM_SHARED((N, D), jnp.float32),
            pltpu.SemaphoreType.DMA,
            pltpu.SemaphoreType.DMA,
        ],
    )
    def k(*refs):
        e_hs = refs[:nk]
        rcv_h, z_h, out_h, idxa, idxb, rows0, rows1, acc, sem0, sem1 = refs[nk:]
        c = lax.axis_index("c")
        s = lax.axis_index("s")
        r0 = s * ROWS_PER_TILE
        @pl.when(s < NS - 1)
        def _():
            pltpu.sync_copy(z_h.at[pl.ds(r0, ROWS_PER_TILE)],
                            acc.at[pl.ds(r0, ROWS_PER_TILE)])

        @pl.when(s == NS - 1)
        def _():
            pltpu.sync_copy(z_h.at[pl.ds(r0, N - (NS - 1) * ROWS_PER_TILE)],
                            acc.at[pl.ds(r0, N - (NS - 1) * ROWS_PER_TILE)])

        plsc.subcore_barrier()

        base = c * epc + s * ept

        for j in range(nk):
            e_h = e_hs[j]
            goff = (k0 + j) * CE + base

            def body(i, carry, e_h=e_h, goff=goff):
                off = base + 2 * i * C
                gi = goff + 2 * i * C
                pltpu.sync_copy(rcv_h.at[pl.ds(gi, C)], idxa)
                ca = pltpu.async_copy(e_h.at[pl.ds(off, C)], rows0, sem0)
                pltpu.sync_copy(rcv_h.at[pl.ds(gi + C, C)], idxb)
                cb = pltpu.async_copy(e_h.at[pl.ds(off + C, C)], rows1, sem1)
                ca.wait()
                pltpu.sync_copy(rows0, acc.at[idxa], add=True)
                cb.wait()
                pltpu.sync_copy(rows1, acc.at[idxb], add=True)
                return carry

            lax.fori_loop(0, ept // (2 * C), body, 0)
            if ept % (2 * C) != 0:
                toff = base + (ept // (2 * C)) * 2 * C
                gtoff = goff + (ept // (2 * C)) * 2 * C
                pltpu.sync_copy(rcv_h.at[pl.ds(gtoff, C)], idxa)
                pltpu.sync_copy(e_h.at[pl.ds(toff, C)], rows0)
                pltpu.sync_copy(rows0, acc.at[idxa], add=True)

        plsc.subcore_barrier()

        @pl.when(s < NS - 1)
        def _():
            pltpu.sync_copy(acc.at[pl.ds(r0, ROWS_PER_TILE)],
                            out_h.at[c, pl.ds(r0, ROWS_PER_TILE)])

        @pl.when(s == NS - 1)
        def _():
            pltpu.sync_copy(acc.at[pl.ds(r0, N - (NS - 1) * ROWS_PER_TILE)],
                            out_h.at[c, pl.ds(r0, N - (NS - 1) * ROWS_PER_TILE)])

    return k(*ln_chunks, rcv, zeros)



def kernel(node_features, edge_features, senders, receivers,
           ew1, eb1, ew2, eb2, ew3, eb3, eg, ebt,
           nw1, nb1, nw2, nb2, nw3, nb3, ng, nbt):
    w1s, w1r, w1e = ew1[:D], ew1[D:2 * D], ew1[2 * D:]
    w1n, w1a = nw1[:D], nw1[D:]
    eb1r = eb1.reshape(1, D)
    eb2r = eb2.reshape(1, D)
    eb3r = eb3.reshape(1, D)
    egr = eg.reshape(1, D)
    ebtr = ebt.reshape(1, D)
    nb1r = nb1.reshape(1, D)
    nb2r = nb2.reshape(1, D)
    nb3r = nb3.reshape(1, D)
    ngr = ng.reshape(1, D)
    nbtr = nbt.reshape(1, D)

    ps, pr = _project(node_features, w1s, w1r)
    zeros = jnp.zeros((N, D), jnp.float32)

    lns = []
    e_acc = None
    for k in range(K):
        lo = k * CE
        snd_k = lax.slice(senders, (lo,), (lo + CE,))
        rcv_k = lax.slice(receivers, (lo,), (lo + CE,))
        gs_k, gr_k = _gather(ps, pr, snd_k, rcv_k)
        ln_k, e_acc = _edge_mlp_chunk(k, gs_k, gr_k, edge_features,
                                      w1e, eb1r, ew2, eb2r, ew3, eb3r,
                                      egr, ebtr, e_acc)
        lns.append(ln_k)

    p0 = _scatter_multi(lns[:3], receivers, zeros, 0)
    p1 = _scatter_multi(lns[3:], receivers, zeros, 3)

    new_n = _node_mlp(node_features, p0, p1, w1n, w1a, nb1r,
                      nw2, nb2r, nw3, nb3r, ngr, nbtr)
    return (new_n, e_acc)

# --- scband reference (transcript-rebuilt; emitter-appended) ---
"""Pipeline reference for scband-graph-net-block-28114855920032 (READ-ONLY COPY).

The authoritative reference and input builder live on the scoring server;
editing this copy changes nothing except your own understanding.
"""

import jax, jax.numpy as jnp
import numpy as np

N = 10000
E = 320000
D = 128


def _layer_norm(x, g, b):
    mu = jnp.mean(x, axis=-1, keepdims=True)
    var = jnp.var(x, axis=-1, keepdims=True)
    return (x - mu) / jnp.sqrt(var + 1e-5) * g + b


def _mlp(x, w1, b1, w2, b2, w3, b3, g, bt):
    h = jax.nn.relu(x @ w1 + b1)
    h = jax.nn.relu(h @ w2 + b2)
    h = h @ w3 + b3
    return _layer_norm(h, g, bt)


def setup_inputs(seed: int = 0) -> dict:
    key = jax.random.key(seed)
    ks = jax.random.split(key, 24)
    inp = {}
    inp['node_features'] = jax.random.normal(ks[0], (N, D), dtype=jnp.float32)
    inp['edge_features'] = jax.random.normal(ks[1], (E, D), dtype=jnp.float32)
    inp['senders'] = jax.random.randint(ks[2], (E,), 0, N, dtype=jnp.int32)
    inp['receivers'] = jax.random.randint(ks[3], (E,), 0, N, dtype=jnp.int32)
    # edge MLP: in 3*D -> 128 -> 128 -> D, then LayerNorm
    inp['ew1'] = jax.random.normal(ks[4], (3 * D, 128), dtype=jnp.float32) * 0.05
    inp['eb1'] = jnp.zeros((128,), dtype=jnp.float32)
    inp['ew2'] = jax.random.normal(ks[5], (128, 128), dtype=jnp.float32) * 0.05
    inp['eb2'] = jnp.zeros((128,), dtype=jnp.float32)
    inp['ew3'] = jax.random.normal(ks[6], (128, D), dtype=jnp.float32) * 0.05
    inp['eb3'] = jnp.zeros((D,), dtype=jnp.float32)
    inp['eg'] = jnp.ones((D,), dtype=jnp.float32)
    inp['ebt'] = jnp.zeros((D,), dtype=jnp.float32)
    # node MLP: in 2*D -> 128 -> 128 -> D, then LayerNorm
    inp['nw1'] = jax.random.normal(ks[7], (2 * D, 128), dtype=jnp.float32) * 0.05
    inp['nb1'] = jnp.zeros((128,), dtype=jnp.float32)
    inp['nw2'] = jax.random.normal(ks[8], (128, 128), dtype=jnp.float32) * 0.05
    inp['nb2'] = jnp.zeros((128,), dtype=jnp.float32)
    inp['nw3'] = jax.random.normal(ks[9], (128, D), dtype=jnp.float32) * 0.05
    inp['nb3'] = jnp.zeros((D,), dtype=jnp.float32)
    inp['ng'] = jnp.ones((D,), dtype=jnp.float32)
    inp['nbt'] = jnp.zeros((D,), dtype=jnp.float32)
    return inp


def reference(node_features, edge_features, senders, receivers,
              ew1, eb1, ew2, eb2, ew3, eb3, eg, ebt,
              nw1, nb1, nw2, nb2, nw3, nb3, ng, nbt):
    # _update_edge_features: gather sender/receiver node feats, concat, edge MLP
    sf = jnp.take(node_features, senders, axis=0)
    rf = jnp.take(node_features, receivers, axis=0)
    e_in = jnp.concatenate([sf, rf, edge_features], axis=-1)
    new_e = _mlp(e_in, ew1, eb1, ew2, eb2, ew3, eb3, eg, ebt)
    # _update_node_features: unsorted segment sum over receivers, concat, node MLP
    agg = jax.ops.segment_sum(new_e, receivers, num_segments=node_features.shape[0])
    n_in = jnp.concatenate([node_features, agg], axis=-1)
    new_n = _mlp(n_in, nw1, nb1, nw2, nb2, nw3, nb3, ng, nbt)
    # residual connections
    new_n = new_n + node_features
    new_e = new_e + edge_features
    return (new_n, new_e)

if __name__ == "__main__":
    import jax
    _d = setup_inputs()
    print(jax.jit(kernel)(*tuple(_d.values())))

</pallas_src>

<mosaic_0001>
#map = affine_map<(d0, d1) -> (0, 0)>
#map1 = affine_map<(d0, d1) -> (0)>
module attributes {stable_mosaic.version = 14 : i64} {
  func.func @k(%arg0: i32, %arg1: i32, %arg2: memref<10000x128xf32, #tpu.memory_space<hbm>>, %arg3: memref<10000x128xf32, #tpu.memory_space<hbm>>, %arg4: memref<64000xi32, #tpu.memory_space<hbm>>, %arg5: memref<64000xi32, #tpu.memory_space<hbm>>, %arg6: memref<64000x128xf32, #tpu.memory_space<hbm>>, %arg7: memref<64000x128xf32, #tpu.memory_space<hbm>>, %arg8: memref<80xi32, #tpu.memory_space<vmem>>, %arg9: memref<80xi32, #tpu.memory_space<vmem>>, %arg10: memref<80x128xf32, #tpu.memory_space<vmem>>, %arg11: memref<80x128xf32, #tpu.memory_space<vmem>>, %arg12: memref<10000x128xf32, #tpu.memory_space<vmem_shared>>, %arg13: memref<!tpu.dma_semaphore, #tpu.memory_space<semaphore_mem>>, %arg14: memref<!tpu.dma_semaphore, #tpu.memory_space<semaphore_mem>>) attributes {dimension_semantics = [#tpu.dimension_semantics<core_parallel>, #tpu.dimension_semantics<subcore_parallel>], iteration_bounds = array<i64: 2, 16>, scalar_prefetch = 0 : i64, scratch_operands = 7 : i64, tpu.core_type = #tpu.core_type<sc_vector_subcore>, window_params = [{transform_indices = #map}, {transform_indices = #map}, {transform_indices = #map1}, {transform_indices = #map1}, {transform_indices = #map}, {transform_indices = #map}]} {
    %eq3A = arith.constant 0 : i32
    %eq3A_0 = arith.cmpi eq, %arg0, %eq3A : i32
    %convert_element_type3A = arith.extui %eq3A_0 : i1 to i32
    %cond3A = arith.constant 0 : i32
    %cond3A_1 = arith.cmpi ne, %convert_element_type3A, %cond3A : i32
    scf.if %cond3A_1 {
      %mul3A = arith.constant 640 : i32
      %mul3A_7 = arith.muli %arg1, %mul3A : i32
      %lt3A = arith.constant 15 : i32
      %lt3A_8 = arith.cmpi slt, %arg1, %lt3A : i32
      %convert_element_type3A_9 = arith.extui %lt3A_8 : i1 to i32
      %cond3A_10 = arith.constant 0 : i32
      %cond3A_11 = arith.cmpi ne, %convert_element_type3A_9, %cond3A_10 : i32
      scf.if %cond3A_11 {
        "tpu.region"() ({
          %run_scoped3A = tpu.sem_alloc : memref<!tpu.dma_semaphore, #tpu.memory_space<semaphore_mem>>
          %dma_start3A = arith.constant 0 : i32
          %dma_start3A_24 = tpu.memref_slice %arg12[%mul3A_7, %dma_start3A] : memref<10000x128xf32, #tpu.memory_space<vmem_shared>> -> memref<640x128xf32, #tpu.memory_space<vmem_shared>>
          %dma_start3A_25 = arith.constant 0 : i32
          %dma_start3A_26 = tpu.memref_slice %arg2[%mul3A_7, %dma_start3A_25] : memref<10000x128xf32, #tpu.memory_space<hbm>> -> memref<640x128xf32, #tpu.memory_space<hbm>>
          tpu.enqueue_dma source(%dma_start3A_26 : memref<640x128xf32, #tpu.memory_space<hbm>>) target(%dma_start3A_24 : memref<640x128xf32, #tpu.memory_space<vmem_shared>>) target_semaphore(%run_scoped3A : memref<!tpu.dma_semaphore, #tpu.memory_space<semaphore_mem>>)
          %dma_wait3A = arith.constant 0 : i32
          %dma_wait3A_27 = tpu.memref_slice %arg12[%mul3A_7, %dma_wait3A] : memref<10000x128xf32, #tpu.memory_space<vmem_shared>> -> memref<640x128xf32, #tpu.memory_space<vmem_shared>>
          %dma_wait3A_28 = arith.constant 0 : i32
          %dma_wait3A_29 = tpu.memref_slice %arg2[%mul3A_7, %dma_wait3A_28] : memref<10000x128xf32, #tpu.memory_space<hbm>> -> memref<640x128xf32, #tpu.memory_space<hbm>>
          tpu.wait_dma2 semaphore(%run_scoped3A : memref<!tpu.dma_semaphore, #tpu.memory_space<semaphore_mem>>) src(%dma_wait3A_29 : memref<640x128xf32, #tpu.memory_space<hbm>>) dst(%dma_wait3A_27 : memref<640x128xf32, #tpu.memory_space<vmem_shared>>)
          tpu.yield
        }) : () -> ()
      } else {
      }
      %eq3A_12 = arith.constant 15 : i32
      %eq3A_13 = arith.cmpi eq, %arg1, %eq3A_12 : i32
      %convert_element_type3A_14 = arith.extui %eq3A_13 : i1 to i32
      %cond3A_15 = arith.constant 0 : i32
      %cond3A_16 = arith.cmpi ne, %convert_element_type3A_14, %cond3A_15 : i32
      scf.if %cond3A_16 {
        "tpu.region"() ({
          %run_scoped3A = tpu.sem_alloc : memref<!tpu.dma_semaphore, #tpu.memory_space<semaphore_mem>>
          %dma_start3A = arith.constant 0 : i32
          %dma_start3A_24 = tpu.memref_slice %arg12[%mul3A_7, %dma_start3A] : memref<10000x128xf32, #tpu.memory_space<vmem_shared>> -> memref<400x128xf32, #tpu.memory_space<vmem_shared>>
          %dma_start3A_25 = arith.constant 0 : i32
          %dma_start3A_26 = tpu.memref_slice %arg2[%mul3A_7, %dma_start3A_25] : memref<10000x128xf32, #tpu.memory_space<hbm>> -> memref<400x128xf32, #tpu.memory_space<hbm>>
          tpu.enqueue_dma source(%dma_start3A_26 : memref<400x128xf32, #tpu.memory_space<hbm>>) target(%dma_start3A_24 : memref<400x128xf32, #tpu.memory_space<vmem_shared>>) target_semaphore(%run_scoped3A : memref<!tpu.dma_semaphore, #tpu.memory_space<semaphore_mem>>)
          %dma_wait3A = arith.constant 0 : i32
          %dma_wait3A_27 = tpu.memref_slice %arg12[%mul3A_7, %dma_wait3A] : memref<10000x128xf32, #tpu.memory_space<vmem_shared>> -> memref<400x128xf32, #tpu.memory_space<vmem_shared>>
          %dma_wait3A_28 = arith.constant 0 : i32
          %dma_wait3A_29 = tpu.memref_slice %arg2[%mul3A_7, %dma_wait3A_28] : memref<10000x128xf32, #tpu.memory_space<hbm>> -> memref<400x128xf32, #tpu.memory_space<hbm>>
          tpu.wait_dma2 semaphore(%run_scoped3A : memref<!tpu.dma_semaphore, #tpu.memory_space<semaphore_mem>>) src(%dma_wait3A_29 : memref<400x128xf32, #tpu.memory_space<hbm>>) dst(%dma_wait3A_27 : memref<400x128xf32, #tpu.memory_space<vmem_shared>>)
          tpu.yield
        }) : () -> ()
      } else {
      }
      %barrier3A = arith.constant 0 : index
      tpu.barrier barrier_id(%barrier3A)
      %mul3A_17 = arith.constant 4000 : i32
      %mul3A_18 = arith.muli %arg1, %mul3A_17 : i32
      %scan3A = arith.constant 0 : i32
      %scan3A_19 = arith.constant 0 : i32
      %scan3A_20 = arith.constant 25 : i32
      %scan3A_21 = arith.addi %scan3A_19, %scan3A_20 : i32
      %scan3A_22 = arith.constant 1 : i32
      scf.for %scan3A_24 = %scan3A_19 to %scan3A_21 step %scan3A_22  : i32 {
        %mul3A_25 = arith.constant 2 : i32
        %mul3A_26 = arith.muli %mul3A_25, %scan3A_24 : i32
        %mul3A_27 = arith.constant 80 : i32
        %mul3A_28 = arith.muli %mul3A_26, %mul3A_27 : i32
        %add3A = arith.addi %mul3A_18, %mul3A_28 : i32
        "tpu.region"() ({
          %run_scoped3A = tpu.sem_alloc : memref<!tpu.dma_semaphore, #tpu.memory_space<semaphore_mem>>
          %dma_start3A_43 = tpu.memref_slice %arg4[%add3A] : memref<64000xi32, #tpu.memory_space<hbm>> -> memref<80xi32, #tpu.memory_space<hbm>>
          %dma_start3A_44 = tpu.memref_slice %arg4[%add3A] : memref<64000xi32, #tpu.memory_space<hbm>> -> memref<80xi32, #tpu.memory_space<hbm>>
          tpu.enqueue_dma source(%dma_start3A_44 : memref<80xi32, #tpu.memory_space<hbm>>) target(%arg8 : memref<80xi32, #tpu.memory_space<vmem>>) target_semaphore(%run_scoped3A : memref<!tpu.dma_semaphore, #tpu.memory_space<semaphore_mem>>)
          %dma_wait3A_45 = tpu.memref_slice %arg4[%add3A] : memref<64000xi32, #tpu.memory_space<hbm>> -> memref<80xi32, #tpu.memory_space<hbm>>
          %dma_wait3A_46 = tpu.memref_slice %arg4[%add3A] : memref<64000xi32, #tpu.memory_space<hbm>> -> memref<80xi32, #tpu.memory_space<hbm>>
          tpu.wait_dma2 semaphore(%run_scoped3A : memref<!tpu.dma_semaphore, #tpu.memory_space<semaphore_mem>>) src(%dma_wait3A_46 : memref<80xi32, #tpu.memory_space<hbm>>) dst(%arg8 : memref<80xi32, #tpu.memory_space<vmem>>)
          tpu.yield
        }) : () -> ()
        %dma_start3A = arith.constant 0 : i32
        %dma_start3A_29 = arith.constant 0 : i32
        %dma_start3A_30 = tpu.memref_slice %arg12[%dma_start3A, %dma_start3A_29] : memref<10000x128xf32, #tpu.memory_space<vmem_shared>> -> memref<10000x128xf32, #tpu.memory_space<vmem_shared>>
        tpu.enqueue_indirect_dma source(%dma_start3A_30 : memref<10000x128xf32, #tpu.memory_space<vmem_shared>>) target(%arg10 : memref<80x128xf32, #tpu.memory_space<vmem>>) offsets(%arg8 : memref<80xi32, #tpu.memory_space<vmem>>) semaphore(%arg13 : memref<!tpu.dma_semaphore, #tpu.memory_space<semaphore_mem>>)
        %add3A_31 = arith.constant 80 : i32
        %add3A_32 = arith.addi %add3A, %add3A_31 : i32
        "tpu.region"() ({
          %run_scoped3A = tpu.sem_alloc : memref<!tpu.dma_semaphore, #tpu.memory_space<semaphore_mem>>
          %dma_start3A_43 = tpu.memref_slice %arg4[%add3A_32] : memref<64000xi32, #tpu.memory_space<hbm>> -> memref<80xi32, #tpu.memory_space<hbm>>
          %dma_start3A_44 = tpu.memref_slice %arg4[%add3A_32] : memref<64000xi32, #tpu.memory_space<hbm>> -> memref<80xi32, #tpu.memory_space<hbm>>
          tpu.enqueue_dma source(%dma_start3A_44 : memref<80xi32, #tpu.memory_space<hbm>>) target(%arg9 : memref<80xi32, #tpu.memory_space<vmem>>) target_semaphore(%run_scoped3A : memref<!tpu.dma_semaphore, #tpu.memory_space<semaphore_mem>>)
          %dma_wait3A_45 = tpu.memref_slice %arg4[%add3A_32] : memref<64000xi32, #tpu.memory_space<hbm>> -> memref<80xi32, #tpu.memory_space<hbm>>
          %dma_wait3A_46 = tpu.memref_slice %arg4[%add3A_32] : memref<64000xi32, #tpu.memory_space<hbm>> -> memref<80xi32, #tpu.memory_space<hbm>>
          tpu.wait_dma2 semaphore(%run_scoped3A : memref<!tpu.dma_semaphore, #tpu.memory_space<semaphore_mem>>) src(%dma_wait3A_46 : memref<80xi32, #tpu.memory_space<hbm>>) dst(%arg9 : memref<80xi32, #tpu.memory_space<vmem>>)
          tpu.yield
        }) : () -> ()
        %dma_start3A_33 = arith.constant 0 : i32
        %dma_start3A_34 = arith.constant 0 : i32
        %dma_start3A_35 = tpu.memref_slice %arg12[%dma_start3A_33, %dma_start3A_34] : memref<10000x128xf32, #tpu.memory_space<vmem_shared>> -> memref<10000x128xf32, #tpu.memory_space<vmem_shared>>
        tpu.enqueue_indirect_dma source(%dma_start3A_35 : memref<10000x128xf32, #tpu.memory_space<vmem_shared>>) target(%arg11 : memref<80x128xf32, #tpu.memory_space<vmem>>) offsets(%arg9 : memref<80xi32, #tpu.memory_space<vmem>>) semaphore(%arg14 : memref<!tpu.dma_semaphore, #tpu.memory_space<semaphore_mem>>)
        %dma_wait3A = arith.constant 0 : i32
        %dma_wait3A_36 = arith.constant 0 : i32
        %dma_wait3A_37 = tpu.memref_slice %arg12[%dma_wait3A, %dma_wait3A_36] : memref<10000x128xf32, #tpu.memory_space<vmem_shared>> -> memref<10000x128xf32, #tpu.memory_space<vmem_shared>>
        tpu.wait_indirect_dma semaphore(%arg13 : memref<!tpu.dma_semaphore, #tpu.memory_space<semaphore_mem>>) src(%dma_wait3A_37 : memref<10000x128xf32, #tpu.memory_space<vmem_shared>>) dst(%arg10 : memref<80x128xf32, #tpu.memory_space<vmem>>)
        "tpu.region"() ({
          %run_scoped3A = tpu.sem_alloc : memref<!tpu.dma_semaphore, #tpu.memory_space<semaphore_mem>>
          %dma_start3A_43 = arith.constant 0 : i32
          %dma_start3A_44 = tpu.memref_slice %arg6[%add3A, %dma_start3A_43] : memref<64000x128xf32, #tpu.memory_space<hbm>> -> memref<80x128xf32, #tpu.memory_space<hbm>>
          %dma_start3A_45 = arith.constant 0 : i32
          %dma_start3A_46 = tpu.memref_slice %arg6[%add3A, %dma_start3A_45] : memref<64000x128xf32, #tpu.memory_space<hbm>> -> memref<80x128xf32, #tpu.memory_space<hbm>>
          tpu.enqueue_dma source(%arg10 : memref<80x128xf32, #tpu.memory_space<vmem>>) target(%dma_start3A_46 : memref<80x128xf32, #tpu.memory_space<hbm>>) target_semaphore(%run_scoped3A : memref<!tpu.dma_semaphore, #tpu.memory_space<semaphore_mem>>)
          %dma_wait3A_47 = arith.constant 0 : i32
          %dma_wait3A_48 = tpu.memref_slice %arg6[%add3A, %dma_wait3A_47] : memref<64000x128xf32, #tpu.memory_space<hbm>> -> memref<80x128xf32, #tpu.memory_space<hbm>>
          %dma_wait3A_49 = arith.constant 0 : i32
          %dma_wait3A_50 = tpu.memref_slice %arg6[%add3A, %dma_wait3A_49] : memref<64000x128xf32, #tpu.memory_space<hbm>> -> memref<80x128xf32, #tpu.memory_space<hbm>>
          tpu.wait_dma2 semaphore(%run_scoped3A : memref<!tpu.dma_semaphore, #tpu.memory_space<semaphore_mem>>) src(%arg10 : memref<80x128xf32, #tpu.memory_space<vmem>>) dst(%dma_wait3A_50 : memref<80x128xf32, #tpu.memory_space<hbm>>)
          tpu.yield
        }) : () -> ()
        %dma_wait3A_38 = arith.constant 0 : i32
        %dma_wait3A_39 = arith.constant 0 : i32
        %dma_wait3A_40 = tpu.memref_slice %arg12[%dma_wait3A_38, %dma_wait3A_39] : memref<10000x128xf32, #tpu.memory_space<vmem_shared>> -> memref<10000x128xf32, #tpu.memory_space<vmem_shared>>
        tpu.wait_indirect_dma semaphore(%arg14 : memref<!tpu.dma_semaphore, #tpu.memory_space<semaphore_mem>>) src(%dma_wait3A_40 : memref<10000x128xf32, #tpu.memory_space<vmem_shared>>) dst(%arg11 : memref<80x128xf32, #tpu.memory_space<vmem>>)
        %add3A_41 = arith.constant 80 : i32
        %add3A_42 = arith.addi %add3A, %add3A_41 : i32
        "tpu.region"() ({
          %run_scoped3A = tpu.sem_alloc : memref<!tpu.dma_semaphore, #tpu.memory_space<semaphore_mem>>
          %dma_start3A_43 = arith.constant 0 : i32
          %dma_start3A_44 = tpu.memref_slice %arg6[%add3A_42, %dma_start3A_43] : memref<64000x128xf32, #tpu.memory_space<hbm>> -> memref<80x128xf32, #tpu.memory_space<hbm>>
          %dma_start3A_45 = arith.constant 0 : i32
          %dma_start3A_46 = tpu.memref_slice %arg6[%add3A_42, %dma_start3A_45] : memref<64000x128xf32, #tpu.memory_space<hbm>> -> memref<80x128xf32, #tpu.memory_space<hbm>>
          tpu.enqueue_dma source(%arg11 : memref<80x128xf32, #tpu.memory_space<vmem>>) target(%dma_start3A_46 : memref<80x128xf32, #tpu.memory_space<hbm>>) target_semaphore(%run_scoped3A : memref<!tpu.dma_semaphore, #tpu.memory_space<semaphore_mem>>)
          %dma_wait3A_47 = arith.constant 0 : i32
          %dma_wait3A_48 = tpu.memref_slice %arg6[%add3A_42, %dma_wait3A_47] : memref<64000x128xf32, #tpu.memory_space<hbm>> -> memref<80x128xf32, #tpu.memory_space<hbm>>
          %dma_wait3A_49 = arith.constant 0 : i32
          %dma_wait3A_50 = tpu.memref_slice %arg6[%add3A_42, %dma_wait3A_49] : memref<64000x128xf32, #tpu.memory_space<hbm>> -> memref<80x128xf32, #tpu.memory_space<hbm>>
          tpu.wait_dma2 semaphore(%run_scoped3A : memref<!tpu.dma_semaphore, #tpu.memory_space<semaphore_mem>>) src(%arg11 : memref<80x128xf32, #tpu.memory_space<vmem>>) dst(%dma_wait3A_50 : memref<80x128xf32, #tpu.memory_space<hbm>>)
          tpu.yield
        }) : () -> ()
      }
      %scan3A_23 = arith.constant 25 : i32
    } else {
    }
    %eq3A_2 = arith.constant 1 : i32
    %eq3A_3 = arith.cmpi eq, %arg0, %eq3A_2 : i32
    %convert_element_type3A_4 = arith.extui %eq3A_3 : i1 to i32
    %cond3A_5 = arith.constant 0 : i32
    %cond3A_6 = arith.cmpi ne, %convert_element_type3A_4, %cond3A_5 : i32
    scf.if %cond3A_6 {
      %mul3A = arith.constant 640 : i32
      %mul3A_7 = arith.muli %arg1, %mul3A : i32
      %lt3A = arith.constant 15 : i32
      %lt3A_8 = arith.cmpi slt, %arg1, %lt3A : i32
      %convert_element_type3A_9 = arith.extui %lt3A_8 : i1 to i32
      %cond3A_10 = arith.constant 0 : i32
      %cond3A_11 = arith.cmpi ne, %convert_element_type3A_9, %cond3A_10 : i32
      scf.if %cond3A_11 {
        "tpu.region"() ({
          %run_scoped3A = tpu.sem_alloc : memref<!tpu.dma_semaphore, #tpu.memory_space<semaphore_mem>>
          %dma_start3A = arith.constant 0 : i32
          %dma_start3A_24 = tpu.memref_slice %arg12[%mul3A_7, %dma_start3A] : memref<10000x128xf32, #tpu.memory_space<vmem_shared>> -> memref<640x128xf32, #tpu.memory_space<vmem_shared>>
          %dma_start3A_25 = arith.constant 0 : i32
          %dma_start3A_26 = tpu.memref_slice %arg3[%mul3A_7, %dma_start3A_25] : memref<10000x128xf32, #tpu.memory_space<hbm>> -> memref<640x128xf32, #tpu.memory_space<hbm>>
          tpu.enqueue_dma source(%dma_start3A_26 : memref<640x128xf32, #tpu.memory_space<hbm>>) target(%dma_start3A_24 : memref<640x128xf32, #tpu.memory_space<vmem_shared>>) target_semaphore(%run_scoped3A : memref<!tpu.dma_semaphore, #tpu.memory_space<semaphore_mem>>)
          %dma_wait3A = arith.constant 0 : i32
          %dma_wait3A_27 = tpu.memref_slice %arg12[%mul3A_7, %dma_wait3A] : memref<10000x128xf32, #tpu.memory_space<vmem_shared>> -> memref<640x128xf32, #tpu.memory_space<vmem_shared>>
          %dma_wait3A_28 = arith.constant 0 : i32
          %dma_wait3A_29 = tpu.memref_slice %arg3[%mul3A_7, %dma_wait3A_28] : memref<10000x128xf32, #tpu.memory_space<hbm>> -> memref<640x128xf32, #tpu.memory_space<hbm>>
          tpu.wait_dma2 semaphore(%run_scoped3A : memref<!tpu.dma_semaphore, #tpu.memory_space<semaphore_mem>>) src(%dma_wait3A_29 : memref<640x128xf32, #tpu.memory_space<hbm>>) dst(%dma_wait3A_27 : memref<640x128xf32, #tpu.memory_space<vmem_shared>>)
          tpu.yield
        }) : () -> ()
      } else {
      }
      %eq3A_12 = arith.constant 15 : i32
      %eq3A_13 = arith.cmpi eq, %arg1, %eq3A_12 : i32
      %convert_element_type3A_14 = arith.extui %eq3A_13 : i1 to i32
      %cond3A_15 = arith.constant 0 : i32
      %cond3A_16 = arith.cmpi ne, %convert_element_type3A_14, %cond3A_15 : i32
      scf.if %cond3A_16 {
        "tpu.region"() ({
          %run_scoped3A = tpu.sem_alloc : memref<!tpu.dma_semaphore, #tpu.memory_space<semaphore_mem>>
          %dma_start3A = arith.constant 0 : i32
          %dma_start3A_24 = tpu.memref_slice %arg12[%mul3A_7, %dma_start3A] : memref<10000x128xf32, #tpu.memory_space<vmem_shared>> -> memref<400x128xf32, #tpu.memory_space<vmem_shared>>
          %dma_start3A_25 = arith.constant 0 : i32
          %dma_start3A_26 = tpu.memref_slice %arg3[%mul3A_7, %dma_start3A_25] : memref<10000x128xf32, #tpu.memory_space<hbm>> -> memref<400x128xf32, #tpu.memory_space<hbm>>
          tpu.enqueue_dma source(%dma_start3A_26 : memref<400x128xf32, #tpu.memory_space<hbm>>) target(%dma_start3A_24 : memref<400x128xf32, #tpu.memory_space<vmem_shared>>) target_semaphore(%run_scoped3A : memref<!tpu.dma_semaphore, #tpu.memory_space<semaphore_mem>>)
          %dma_wait3A = arith.constant 0 : i32
          %dma_wait3A_27 = tpu.memref_slice %arg12[%mul3A_7, %dma_wait3A] : memref<10000x128xf32, #tpu.memory_space<vmem_shared>> -> memref<400x128xf32, #tpu.memory_space<vmem_shared>>
          %dma_wait3A_28 = arith.constant 0 : i32
          %dma_wait3A_29 = tpu.memref_slice %arg3[%mul3A_7, %dma_wait3A_28] : memref<10000x128xf32, #tpu.memory_space<hbm>> -> memref<400x128xf32, #tpu.memory_space<hbm>>
          tpu.wait_dma2 semaphore(%run_scoped3A : memref<!tpu.dma_semaphore, #tpu.memory_space<semaphore_mem>>) src(%dma_wait3A_29 : memref<400x128xf32, #tpu.memory_space<hbm>>) dst(%dma_wait3A_27 : memref<400x128xf32, #tpu.memory_space<vmem_shared>>)
          tpu.yield
        }) : () -> ()
      } else {
      }
      %barrier3A = arith.constant 0 : index
      tpu.barrier barrier_id(%barrier3A)
      %mul3A_17 = arith.constant 4000 : i32
      %mul3A_18 = arith.muli %arg1, %mul3A_17 : i32
      %scan3A = arith.constant 0 : i32
      %scan3A_19 = arith.constant 0 : i32
      %scan3A_20 = arith.constant 25 : i32
      %scan3A_21 = arith.addi %scan3A_19, %scan3A_20 : i32
      %scan3A_22 = arith.constant 1 : i32
      scf.for %scan3A_24 = %scan3A_19 to %scan3A_21 step %scan3A_22  : i32 {
        %mul3A_25 = arith.constant 2 : i32
        %mul3A_26 = arith.muli %mul3A_25, %scan3A_24 : i32
        %mul3A_27 = arith.constant 80 : i32
        %mul3A_28 = arith.muli %mul3A_26, %mul3A_27 : i32
        %add3A = arith.addi %mul3A_18, %mul3A_28 : i32
        "tpu.region"() ({
          %run_scoped3A = tpu.sem_alloc : memref<!tpu.dma_semaphore, #tpu.memory_space<semaphore_mem>>
          %dma_start3A_43 = tpu.memref_slice %arg5[%add3A] : memref<64000xi32, #tpu.memory_space<hbm>> -> memref<80xi32, #tpu.memory_space<hbm>>
          %dma_start3A_44 = tpu.memref_slice %arg5[%add3A] : memref<64000xi32, #tpu.memory_space<hbm>> -> memref<80xi32, #tpu.memory_space<hbm>>
          tpu.enqueue_dma source(%dma_start3A_44 : memref<80xi32, #tpu.memory_space<hbm>>) target(%arg8 : memref<80xi32, #tpu.memory_space<vmem>>) target_semaphore(%run_scoped3A : memref<!tpu.dma_semaphore, #tpu.memory_space<semaphore_mem>>)
          %dma_wait3A_45 = tpu.memref_slice %arg5[%add3A] : memref<64000xi32, #tpu.memory_space<hbm>> -> memref<80xi32, #tpu.memory_space<hbm>>
          %dma_wait3A_46 = tpu.memref_slice %arg5[%add3A] : memref<64000xi32, #tpu.memory_space<hbm>> -> memref<80xi32, #tpu.memory_space<hbm>>
          tpu.wait_dma2 semaphore(%run_scoped3A : memref<!tpu.dma_semaphore, #tpu.memory_space<semaphore_mem>>) src(%dma_wait3A_46 : memref<80xi32, #tpu.memory_space<hbm>>) dst(%arg8 : memref<80xi32, #tpu.memory_space<vmem>>)
          tpu.yield
        }) : () -> ()
        %dma_start3A = arith.constant 0 : i32
        %dma_start3A_29 = arith.constant 0 : i32
        %dma_start3A_30 = tpu.memref_slice %arg12[%dma_start3A, %dma_start3A_29] : memref<10000x128xf32, #tpu.memory_space<vmem_shared>> -> memref<10000x128xf32, #tpu.memory_space<vmem_shared>>
        tpu.enqueue_indirect_dma source(%dma_start3A_30 : memref<10000x128xf32, #tpu.memory_space<vmem_shared>>) target(%arg10 : memref<80x128xf32, #tpu.memory_space<vmem>>) offsets(%arg8 : memref<80xi32, #tpu.memory_space<vmem>>) semaphore(%arg13 : memref<!tpu.dma_semaphore, #tpu.memory_space<semaphore_mem>>)
        %add3A_31 = arith.constant 80 : i32
        %add3A_32 = arith.addi %add3A, %add3A_31 : i32
        "tpu.region"() ({
          %run_scoped3A = tpu.sem_alloc : memref<!tpu.dma_semaphore, #tpu.memory_space<semaphore_mem>>
          %dma_start3A_43 = tpu.memref_slice %arg5[%add3A_32] : memref<64000xi32, #tpu.memory_space<hbm>> -> memref<80xi32, #tpu.memory_space<hbm>>
          %dma_start3A_44 = tpu.memref_slice %arg5[%add3A_32] : memref<64000xi32, #tpu.memory_space<hbm>> -> memref<80xi32, #tpu.memory_space<hbm>>
          tpu.enqueue_dma source(%dma_start3A_44 : memref<80xi32, #tpu.memory_space<hbm>>) target(%arg9 : memref<80xi32, #tpu.memory_space<vmem>>) target_semaphore(%run_scoped3A : memref<!tpu.dma_semaphore, #tpu.memory_space<semaphore_mem>>)
          %dma_wait3A_45 = tpu.memref_slice %arg5[%add3A_32] : memref<64000xi32, #tpu.memory_space<hbm>> -> memref<80xi32, #tpu.memory_space<hbm>>
          %dma_wait3A_46 = tpu.memref_slice %arg5[%add3A_32] : memref<64000xi32, #tpu.memory_space<hbm>> -> memref<80xi32, #tpu.memory_space<hbm>>
          tpu.wait_dma2 semaphore(%run_scoped3A : memref<!tpu.dma_semaphore, #tpu.memory_space<semaphore_mem>>) src(%dma_wait3A_46 : memref<80xi32, #tpu.memory_space<hbm>>) dst(%arg9 : memref<80xi32, #tpu.memory_space<vmem>>)
          tpu.yield
        }) : () -> ()
        %dma_start3A_33 = arith.constant 0 : i32
        %dma_start3A_34 = arith.constant 0 : i32
        %dma_start3A_35 = tpu.memref_slice %arg12[%dma_start3A_33, %dma_start3A_34] : memref<10000x128xf32, #tpu.memory_space<vmem_shared>> -> memref<10000x128xf32, #tpu.memory_space<vmem_shared>>
        tpu.enqueue_indirect_dma source(%dma_start3A_35 : memref<10000x128xf32, #tpu.memory_space<vmem_shared>>) target(%arg11 : memref<80x128xf32, #tpu.memory_space<vmem>>) offsets(%arg9 : memref<80xi32, #tpu.memory_space<vmem>>) semaphore(%arg14 : memref<!tpu.dma_semaphore, #tpu.memory_space<semaphore_mem>>)
        %dma_wait3A = arith.constant 0 : i32
        %dma_wait3A_36 = arith.constant 0 : i32
        %dma_wait3A_37 = tpu.memref_slice %arg12[%dma_wait3A, %dma_wait3A_36] : memref<10000x128xf32, #tpu.memory_space<vmem_shared>> -> memref<10000x128xf32, #tpu.memory_space<vmem_shared>>
        tpu.wait_indirect_dma semaphore(%arg13 : memref<!tpu.dma_semaphore, #tpu.memory_space<semaphore_mem>>) src(%dma_wait3A_37 : memref<10000x128xf32, #tpu.memory_space<vmem_shared>>) dst(%arg10 : memref<80x128xf32, #tpu.memory_space<vmem>>)
        "tpu.region"() ({
          %run_scoped3A = tpu.sem_alloc : memref<!tpu.dma_semaphore, #tpu.memory_space<semaphore_mem>>
          %dma_start3A_43 = arith.constant 0 : i32
          %dma_start3A_44 = tpu.memref_slice %arg7[%add3A, %dma_start3A_43] : memref<64000x128xf32, #tpu.memory_space<hbm>> -> memref<80x128xf32, #tpu.memory_space<hbm>>
          %dma_start3A_45 = arith.constant 0 : i32
          %dma_start3A_46 = tpu.memref_slice %arg7[%add3A, %dma_start3A_45] : memref<64000x128xf32, #tpu.memory_space<hbm>> -> memref<80x128xf32, #tpu.memory_space<hbm>>
          tpu.enqueue_dma source(%arg10 : memref<80x128xf32, #tpu.memory_space<vmem>>) target(%dma_start3A_46 : memref<80x128xf32, #tpu.memory_space<hbm>>) target_semaphore(%run_scoped3A : memref<!tpu.dma_semaphore, #tpu.memory_space<semaphore_mem>>)
          %dma_wait3A_47 = arith.constant 0 : i32
          %dma_wait3A_48 = tpu.memref_slice %arg7[%add3A, %dma_wait3A_47] : memref<64000x128xf32, #tpu.memory_space<hbm>> -> memref<80x128xf32, #tpu.memory_space<hbm>>
          %dma_wait3A_49 = arith.constant 0 : i32
          %dma_wait3A_50 = tpu.memref_slice %arg7[%add3A, %dma_wait3A_49] : memref<64000x128xf32, #tpu.memory_space<hbm>> -> memref<80x128xf32, #tpu.memory_space<hbm>>
          tpu.wait_dma2 semaphore(%run_scoped3A : memref<!tpu.dma_semaphore, #tpu.memory_space<semaphore_mem>>) src(%arg10 : memref<80x128xf32, #tpu.memory_space<vmem>>) dst(%dma_wait3A_50 : memref<80x128xf32, #tpu.memory_space<hbm>>)
          tpu.yield
        }) : () -> ()
        %dma_wait3A_38 = arith.constant 0 : i32
        %dma_wait3A_39 = arith.constant 0 : i32
        %dma_wait3A_40 = tpu.memref_slice %arg12[%dma_wait3A_38, %dma_wait3A_39] : memref<10000x128xf32, #tpu.memory_space<vmem_shared>> -> memref<10000x128xf32, #tpu.memory_space<vmem_shared>>
        tpu.wait_indirect_dma semaphore(%arg14 : memref<!tpu.dma_semaphore, #tpu.memory_space<semaphore_mem>>) src(%dma_wait3A_40 : memref<10000x128xf32, #tpu.memory_space<vmem_shared>>) dst(%arg11 : memref<80x128xf32, #tpu.memory_space<vmem>>)
        %add3A_41 = arith.constant 80 : i32
        %add3A_42 = arith.addi %add3A, %add3A_41 : i32
        "tpu.region"() ({
          %run_scoped3A = tpu.sem_alloc : memref<!tpu.dma_semaphore, #tpu.memory_space<semaphore_mem>>
          %dma_start3A_43 = arith.constant 0 : i32
          %dma_start3A_44 = tpu.memref_slice %arg7[%add3A_42, %dma_start3A_43] : memref<64000x128xf32, #tpu.memory_space<hbm>> -> memref<80x128xf32, #tpu.memory_space<hbm>>
          %dma_start3A_45 = arith.constant 0 : i32
          %dma_start3A_46 = tpu.memref_slice %arg7[%add3A_42, %dma_start3A_45] : memref<64000x128xf32, #tpu.memory_space<hbm>> -> memref<80x128xf32, #tpu.memory_space<hbm>>
          tpu.enqueue_dma source(%arg11 : memref<80x128xf32, #tpu.memory_space<vmem>>) target(%dma_start3A_46 : memref<80x128xf32, #tpu.memory_space<hbm>>) target_semaphore(%run_scoped3A : memref<!tpu.dma_semaphore, #tpu.memory_space<semaphore_mem>>)
          %dma_wait3A_47 = arith.constant 0 : i32
          %dma_wait3A_48 = tpu.memref_slice %arg7[%add3A_42, %dma_wait3A_47] : memref<64000x128xf32, #tpu.memory_space<hbm>> -> memref<80x128xf32, #tpu.memory_space<hbm>>
          %dma_wait3A_49 = arith.constant 0 : i32
          %dma_wait3A_50 = tpu.memref_slice %arg7[%add3A_42, %dma_wait3A_49] : memref<64000x128xf32, #tpu.memory_space<hbm>> -> memref<80x128xf32, #tpu.memory_space<hbm>>
          tpu.wait_dma2 semaphore(%run_scoped3A : memref<!tpu.dma_semaphore, #tpu.memory_space<semaphore_mem>>) src(%arg11 : memref<80x128xf32, #tpu.memory_space<vmem>>) dst(%dma_wait3A_50 : memref<80x128xf32, #tpu.memory_space<hbm>>)
          tpu.yield
        }) : () -> ()
      }
      %scan3A_23 = arith.constant 25 : i32
    } else {
    }
    return
  }
}

#map = affine_map<(d0, d1) -> (0, 0)>
#map1 = affine_map<(d0, d1) -> (0)>
module attributes {stable_mosaic.version = 14 : i64} {
  func.func @k(%arg0: i32, %arg1: i32, %arg2: memref<10000x128xf32, #tpu.memory_space<hbm>>, %arg3: memref<10000x128xf32, #tpu.memory_space<hbm>>, %arg4: memref<64000xi32, #tpu.memory_space<hbm>>, %arg5: memref<64000xi32, #tpu.memory_space<hbm>>, %arg6: memref<64000x128xf32, #tpu.memory_space<hbm>>, %arg7: memref<64000x128xf32, #tpu.memory_space<hbm>>, %arg8: memref<80xi32, #tpu.memory_space<vmem>>, %arg9: memref<80xi32, #tpu.memory_space<vmem>>, %arg10: memref<80x128xf32, #tpu.memory_space<vmem>>, %arg11: memref<80x128xf32, #tpu.memory_space<vmem>>, %arg12: memref<10000x128xf32, #tpu.memory_space<vmem_shared>>, %arg13: memref<!tpu.dma_semaphore, #tpu.memory_space<semaphore_mem>>, %arg14: memref<!tpu.dma_semaphore, #tpu.memory_space<semaphore_mem>>) attributes {dimension_semantics = [#tpu.dimension_semantics<core_parallel>, #tpu.dimension_semantics<subcore_parallel>], iteration_bounds = array<i64: 2, 16>, scalar_prefetch = 0 : i64, scratch_operands = 7 : i64, tpu.core_type = #tpu.core_type<sc_vector_subcore>, window_params = [{transform_indices = #map}, {transform_indices = #map}, {transform_indices = #map1}, {transform_indices = #map1}, {transform_indices = #map}, {transform_indices = #map}]} {
    %eq3A = arith.constant 0 : i32
    %eq3A_0 = arith.cmpi eq, %arg0, %eq3A : i32
    %convert_element_type3A = arith.extui %eq3A_0 : i1 to i32
    %cond3A = arith.constant 0 : i32
    %cond3A_1 = arith.cmpi ne, %convert_element_type3A, %cond3A : i32
    scf.if %cond3A_1 {
      %mul3A = arith.constant 640 : i32
      %mul3A_7 = arith.muli %arg1, %mul3A : i32
      %lt3A = arith.constant 15 : i32
      %lt3A_8 = arith.cmpi slt, %arg1, %lt3A : i32
      %convert_element_type3A_9 = arith.extui %lt3A_8 : i1 to i32
      %cond3A_10 = arith.constant 0 : i32
      %cond3A_11 = arith.cmpi ne, %convert_element_type3A_9, %cond3A_10 : i32
      scf.if %cond3A_11 {
        "tpu.region"() ({
          %run_scoped3A = tpu.sem_alloc : memref<!tpu.dma_semaphore, #tpu.memory_space<semaphore_mem>>
          %dma_start3A = arith.constant 0 : i32
          %dma_start3A_24 = tpu.memref_slice %arg12[%mul3A_7, %dma_start3A] : memref<10000x128xf32, #tpu.memory_space<vmem_shared>> -> memref<640x128xf32, #tpu.memory_space<vmem_shared>>
          %dma_start3A_25 = arith.constant 0 : i32
          %dma_start3A_26 = tpu.memref_slice %arg2[%mul3A_7, %dma_start3A_25] : memref<10000x128xf32, #tpu.memory_space<hbm>> -> memref<640x128xf32, #tpu.memory_space<hbm>>
          tpu.enqueue_dma source(%dma_start3A_26 : memref<640x128xf32, #tpu.memory_space<hbm>>) target(%dma_start3A_24 : memref<640x128xf32, #tpu.memory_space<vmem_shared>>) target_semaphore(%run_scoped3A : memref<!tpu.dma_semaphore, #tpu.memory_space<semaphore_mem>>)
          %dma_wait3A = arith.constant 0 : i32
          %dma_wait3A_27 = tpu.memref_slice %arg12[%mul3A_7, %dma_wait3A] : memref<10000x128xf32, #tpu.memory_space<vmem_shared>> -> memref<640x128xf32, #tpu.memory_space<vmem_shared>>
          %dma_wait3A_28 = arith.constant 0 : i32
          %dma_wait3A_29 = tpu.memref_slice %arg2[%mul3A_7, %dma_wait3A_28] : memref<10000x128xf32, #tpu.memory_space<hbm>> -> memref<640x128xf32, #tpu.memory_space<hbm>>
          tpu.wait_dma2 semaphore(%run_scoped3A : memref<!tpu.dma_semaphore, #tpu.memory_space<semaphore_mem>>) src(%dma_wait3A_29 : memref<640x128xf32, #tpu.memory_space<hbm>>) dst(%dma_wait3A_27 : memref<640x128xf32, #tpu.memory_space<vmem_shared>>)
          tpu.yield
        }) : () -> ()
      } else {
      }
      %eq3A_12 = arith.constant 15 : i32
      %eq3A_13 = arith.cmpi eq, %arg1, %eq3A_12 : i32
      %convert_element_type3A_14 = arith.extui %eq3A_13 : i1 to i32
      %cond3A_15 = arith.constant 0 : i32
      %cond3A_16 = arith.cmpi ne, %convert_element_type3A_14, %cond3A_15 : i32
      scf.if %cond3A_16 {
        "tpu.region"() ({
          %run_scoped3A = tpu.sem_alloc : memref<!tpu.dma_semaphore, #tpu.memory_space<semaphore_mem>>
          %dma_start3A = arith.constant 0 : i32
          %dma_start3A_24 = tpu.memref_slice %arg12[%mul3A_7, %dma_start3A] : memref<10000x128xf32, #tpu.memory_space<vmem_shared>> -> memref<400x128xf32, #tpu.memory_space<vmem_shared>>
          %dma_start3A_25 = arith.constant 0 : i32
          %dma_start3A_26 = tpu.memref_slice %arg2[%mul3A_7, %dma_start3A_25] : memref<10000x128xf32, #tpu.memory_space<hbm>> -> memref<400x128xf32, #tpu.memory_space<hbm>>
          tpu.enqueue_dma source(%dma_start3A_26 : memref<400x128xf32, #tpu.memory_space<hbm>>) target(%dma_start3A_24 : memref<400x128xf32, #tpu.memory_space<vmem_shared>>) target_semaphore(%run_scoped3A : memref<!tpu.dma_semaphore, #tpu.memory_space<semaphore_mem>>)
          %dma_wait3A = arith.constant 0 : i32
          %dma_wait3A_27 = tpu.memref_slice %arg12[%mul3A_7, %dma_wait3A] : memref<10000x128xf32, #tpu.memory_space<vmem_shared>> -> memref<400x128xf32, #tpu.memory_space<vmem_shared>>
          %dma_wait3A_28 = arith.constant 0 : i32
          %dma_wait3A_29 = tpu.memref_slice %arg2[%mul3A_7, %dma_wait3A_28] : memref<10000x128xf32, #tpu.memory_space<hbm>> -> memref<400x128xf32, #tpu.memory_space<hbm>>
          tpu.wait_dma2 semaphore(%run_scoped3A : memref<!tpu.dma_semaphore, #tpu.memory_space<semaphore_mem>>) src(%dma_wait3A_29 : memref<400x128xf32, #tpu.memory_space<hbm>>) dst(%dma_wait3A_27 : memref<400x128xf32, #tpu.memory_space<vmem_shared>>)
          tpu.yield
        }) : () -> ()
      } else {
      }
      %barrier3A = arith.constant 0 : index
      tpu.barrier barrier_id(%barrier3A)
      %mul3A_17 = arith.constant 4000 : i32
      %mul3A_18 = arith.muli %arg1, %mul3A_17 : i32
      %scan3A = arith.constant 0 : i32
      %scan3A_19 = arith.constant 0 : i32
      %scan3A_20 = arith.constant 25 : i32
      %scan3A_21 = arith.addi %scan3A_19, %scan3A_20 : i32
      %scan3A_22 = arith.constant 1 : i32
      scf.for %scan3A_24 = %scan3A_19 to %scan3A_21 step %scan3A_22  : i32 {
        %mul3A_25 = arith.constant 2 : i32
        %mul3A_26 = arith.muli %mul3A_25, %scan3A_24 : i32
        %mul3A_27 = arith.constant 80 : i32
        %mul3A_28 = arith.muli %mul3A_26, %mul3A_27 : i32
        %add3A = arith.addi %mul3A_18, %mul3A_28 : i32
        "tpu.region"() ({
          %run_scoped3A = tpu.sem_alloc : memref<!tpu.dma_semaphore, #tpu.memory_space<semaphore_mem>>
          %dma_start3A_43 = tpu.memref_slice %arg4[%add3A] : memref<64000xi32, #tpu.memory_space<hbm>> -> memref<80xi32, #tpu.memory_space<hbm>>
          %dma_start3A_44 = tpu.memref_slice %arg4[%add3A] : memref<64000xi32, #tpu.memory_space<hbm>> -> memref<80xi32, #tpu.memory_space<hbm>>
          tpu.enqueue_dma source(%dma_start3A_44 : memref<80xi32, #tpu.memory_space<hbm>>) target(%arg8 : memref<80xi32, #tpu.memory_space<vmem>>) target_semaphore(%run_scoped3A : memref<!tpu.dma_semaphore, #tpu.memory_space<semaphore_mem>>)
          %dma_wait3A_45 = tpu.memref_slice %arg4[%add3A] : memref<64000xi32, #tpu.memory_space<hbm>> -> memref<80xi32, #tpu.memory_space<hbm>>
          %dma_wait3A_46 = tpu.memref_slice %arg4[%add3A] : memref<64000xi32, #tpu.memory_space<hbm>> -> memref<80xi32, #tpu.memory_space<hbm>>
          tpu.wait_dma2 semaphore(%run_scoped3A : memref<!tpu.dma_semaphore, #tpu.memory_space<semaphore_mem>>) src(%dma_wait3A_46 : memref<80xi32, #tpu.memory_space<hbm>>) dst(%arg8 : memref<80xi32, #tpu.memory_space<vmem>>)
          tpu.yield
        }) : () -> ()
        %dma_start3A = arith.constant 0 : i32
        %dma_start3A_29 = arith.constant 0 : i32
        %dma_start3A_30 = tpu.memref_slice %arg12[%dma_start3A, %dma_start3A_29] : memref<10000x128xf32, #tpu.memory_space<vmem_shared>> -> memref<10000x128xf32, #tpu.memory_space<vmem_shared>>
        tpu.enqueue_indirect_dma source(%dma_start3A_30 : memref<10000x128xf32, #tpu.memory_space<vmem_shared>>) target(%arg10 : memref<80x128xf32, #tpu.memory_space<vmem>>) offsets(%arg8 : memref<80xi32, #tpu.memory_space<vmem>>) semaphore(%arg13 : memref<!tpu.dma_semaphore, #tpu.memory_space<semaphore_mem>>)
        %add3A_31 = arith.constant 80 : i32
        %add3A_32 = arith.addi %add3A, %add3A_31 : i32
        "tpu.region"() ({
          %run_scoped3A = tpu.sem_alloc : memref<!tpu.dma_semaphore, #tpu.memory_space<semaphore_mem>>
          %dma_start3A_43 = tpu.memref_slice %arg4[%add3A_32] : memref<64000xi32, #tpu.memory_space<hbm>> -> memref<80xi32, #tpu.memory_space<hbm>>
          %dma_start3A_44 = tpu.memref_slice %arg4[%add3A_32] : memref<64000xi32, #tpu.memory_space<hbm>> -> memref<80xi32, #tpu.memory_space<hbm>>
          tpu.enqueue_dma source(%dma_start3A_44 : memref<80xi32, #tpu.memory_space<hbm>>) target(%arg9 : memref<80xi32, #tpu.memory_space<vmem>>) target_semaphore(%run_scoped3A : memref<!tpu.dma_semaphore, #tpu.memory_space<semaphore_mem>>)
          %dma_wait3A_45 = tpu.memref_slice %arg4[%add3A_32] : memref<64000xi32, #tpu.memory_space<hbm>> -> memref<80xi32, #tpu.memory_space<hbm>>
          %dma_wait3A_46 = tpu.memref_slice %arg4[%add3A_32] : memref<64000xi32, #tpu.memory_space<hbm>> -> memref<80xi32, #tpu.memory_space<hbm>>
          tpu.wait_dma2 semaphore(%run_scoped3A : memref<!tpu.dma_semaphore, #tpu.memory_space<semaphore_mem>>) src(%dma_wait3A_46 : memref<80xi32, #tpu.memory_space<hbm>>) dst(%arg9 : memref<80xi32, #tpu.memory_space<vmem>>)
          tpu.yield
        }) : () -> ()
        %dma_start3A_33 = arith.constant 0 : i32
        %dma_start3A_34 = arith.constant 0 : i32
        %dma_start3A_35 = tpu.memref_slice %arg12[%dma_start3A_33, %dma_start3A_34] : memref<10000x128xf32, #tpu.memory_space<vmem_shared>> -> memref<10000x128xf32, #tpu.memory_space<vmem_shared>>
        tpu.enqueue_indirect_dma source(%dma_start3A_35 : memref<10000x128xf32, #tpu.memory_space<vmem_shared>>) target(%arg11 : memref<80x128xf32, #tpu.memory_space<vmem>>) offsets(%arg9 : memref<80xi32, #tpu.memory_space<vmem>>) semaphore(%arg14 : memref<!tpu.dma_semaphore, #tpu.memory_space<semaphore_mem>>)
        %dma_wait3A = arith.constant 0 : i32
        %dma_wait3A_36 = arith.constant 0 : i32
        %dma_wait3A_37 = tpu.memref_slice %arg12[%dma_wait3A, %dma_wait3A_36] : memref<10000x128xf32, #tpu.memory_space<vmem_shared>> -> memref<10000x128xf32, #tpu.memory_space<vmem_shared>>
        tpu.wait_indirect_dma semaphore(%arg13 : memref<!tpu.dma_semaphore, #tpu.memory_space<semaphore_mem>>) src(%dma_wait3A_37 : memref<10000x128xf32, #tpu.memory_space<vmem_shared>>) dst(%arg10 : memref<80x128xf32, #tpu.memory_space<vmem>>)
        "tpu.region"() ({
          %run_scoped3A = tpu.sem_alloc : memref<!tpu.dma_semaphore, #tpu.memory_space<semaphore_mem>>
          %dma_start3A_43 = arith.constant 0 : i32
          %dma_start3A_44 = tpu.memref_slice %arg6[%add3A, %dma_start3A_43] : memref<64000x128xf32, #tpu.memory_space<hbm>> -> memref<80x128xf32, #tpu.memory_space<hbm>>
          %dma_start3A_45 = arith.constant 0 : i32
          %dma_start3A_46 = tpu.memref_slice %arg6[%add3A, %dma_start3A_45] : memref<64000x128xf32, #tpu.memory_space<hbm>> -> memref<80x128xf32, #tpu.memory_space<hbm>>
          tpu.enqueue_dma source(%arg10 : memref<80x128xf32, #tpu.memory_space<vmem>>) target(%dma_start3A_46 : memref<80x128xf32, #tpu.memory_space<hbm>>) target_semaphore(%run_scoped3A : memref<!tpu.dma_semaphore, #tpu.memory_space<semaphore_mem>>)
          %dma_wait3A_47 = arith.constant 0 : i32
          %dma_wait3A_48 = tpu.memref_slice %arg6[%add3A, %dma_wait3A_47] : memref<64000x128xf32, #tpu.memory_space<hbm>> -> memref<80x128xf32, #tpu.memory_space<hbm>>
          %dma_wait3A_49 = arith.constant 0 : i32
          %dma_wait3A_50 = tpu.memref_slice %arg6[%add3A, %dma_wait3A_49] : memref<64000x128xf32, #tpu.memory_space<hbm>> -> memref<80x128xf32, #tpu.memory_space<hbm>>
          tpu.wait_dma2 semaphore(%run_scoped3A : memref<!tpu.dma_semaphore, #tpu.memory_space<semaphore_mem>>) src(%arg10 : memref<80x128xf32, #tpu.memory_space<vmem>>) dst(%dma_wait3A_50 : memref<80x128xf32, #tpu.memory_space<hbm>>)
          tpu.yield
        }) : () -> ()
        %dma_wait3A_38 = arith.constant 0 : i32
        %dma_wait3A_39 = arith.constant 0 : i32
        %dma_wait3A_40 = tpu.memref_slice %arg12[%dma_wait3A_38, %dma_wait3A_39] : memref<10000x128xf32, #tpu.memory_space<vmem_shared>> -> memref<10000x128xf32, #tpu.memory_space<vmem_shared>>
        tpu.wait_indirect_dma semaphore(%arg14 : memref<!tpu.dma_semaphore, #tpu.memory_space<semaphore_mem>>) src(%dma_wait3A_40 : memref<10000x128xf32, #tpu.memory_space<vmem_shared>>) dst(%arg11 : memref<80x128xf32, #tpu.memory_space<vmem>>)
        %add3A_41 = arith.constant 80 : i32
        %add3A_42 = arith.addi %add3A, %add3A_41 : i32
        "tpu.region"() ({
          %run_scoped3A = tpu.sem_alloc : memref<!tpu.dma_semaphore, #tpu.memory_space<semaphore_mem>>
          %dma_start3A_43 = arith.constant 0 : i32
          %dma_start3A_44 = tpu.memref_slice %arg6[%add3A_42, %dma_start3A_43] : memref<64000x128xf32, #tpu.memory_space<hbm>> -> memref<80x128xf32, #tpu.memory_space<hbm>>
          %dma_start3A_45 = arith.constant 0 : i32
          %dma_start3A_46 = tpu.memref_slice %arg6[%add3A_42, %dma_start3A_45] : memref<64000x128xf32, #tpu.memory_space<hbm>> -> memref<80x128xf32, #tpu.memory_space<hbm>>
          tpu.enqueue_dma source(%arg11 : memref<80x128xf32, #tpu.memory_space<vmem>>) target(%dma_start3A_46 : memref<80x128xf32, #tpu.memory_space<hbm>>) target_semaphore(%run_scoped3A : memref<!tpu.dma_semaphore, #tpu.memory_space<semaphore_mem>>)
          %dma_wait3A_47 = arith.constant 0 : i32
          %dma_wait3A_48 = tpu.memref_slice %arg6[%add3A_42, %dma_wait3A_47] : memref<64000x128xf32, #tpu.memory_space<hbm>> -> memref<80x128xf32, #tpu.memory_space<hbm>>
          %dma_wait3A_49 = arith.constant 0 : i32
          %dma_wait3A_50 = tpu.memref_slice %arg6[%add3A_42, %dma_wait3A_49] : memref<64000x128xf32, #tpu.memory_space<hbm>> -> memref<80x128xf32, #tpu.memory_space<hbm>>
          tpu.wait_dma2 semaphore(%run_scoped3A : memref<!tpu.dma_semaphore, #tpu.memory_space<semaphore_mem>>) src(%arg11 : memref<80x128xf32, #tpu.memory_space<vmem>>) dst(%dma_wait3A_50 : memref<80x128xf32, #tpu.memory_space<hbm>>)
          tpu.yield
        }) : () -> ()
      }
      %scan3A_23 = arith.constant 25 : i32
    } else {
    }
    %eq3A_2 = arith.constant 1 : i32
    %eq3A_3 = arith.cmpi eq, %arg0, %eq3A_2 : i32
    %convert_element_type3A_4 = arith.extui %eq3A_3 : i1 to i32
    %cond3A_5 = arith.constant 0 : i32
    %cond3A_6 = arith.cmpi ne, %convert_element_type3A_4, %cond3A_5 : i32
    scf.if %cond3A_6 {
      %mul3A = arith.constant 640 : i32
      %mul3A_7 = arith.muli %arg1, %mul3A : i32
      %lt3A = arith.constant 15 : i32
      %lt3A_8 = arith.cmpi slt, %arg1, %lt3A : i32
      %convert_element_type3A_9 = arith.extui %lt3A_8 : i1 to i32
      %cond3A_10 = arith.constant 0 : i32
      %cond3A_11 = arith.cmpi ne, %convert_element_type3A_9, %cond3A_10 : i32
      scf.if %cond3A_11 {
        "tpu.region"() ({
          %run_scoped3A = tpu.sem_alloc : memref<!tpu.dma_semaphore, #tpu.memory_space<semaphore_mem>>
          %dma_start3A = arith.constant 0 : i32
          %dma_start3A_24 = tpu.memref_slice %arg12[%mul3A_7, %dma_start3A] : memref<10000x128xf32, #tpu.memory_space<vmem_shared>> -> memref<640x128xf32, #tpu.memory_space<vmem_shared>>
          %dma_start3A_25 = arith.constant 0 : i32
          %dma_start3A_26 = tpu.memref_slice %arg3[%mul3A_7, %dma_start3A_25] : memref<10000x128xf32, #tpu.memory_space<hbm>> -> memref<640x128xf32, #tpu.memory_space<hbm>>
          tpu.enqueue_dma source(%dma_start3A_26 : memref<640x128xf32, #tpu.memory_space<hbm>>) target(%dma_start3A_24 : memref<640x128xf32, #tpu.memory_space<vmem_shared>>) target_semaphore(%run_scoped3A : memref<!tpu.dma_semaphore, #tpu.memory_space<semaphore_mem>>)
          %dma_wait3A = arith.constant 0 : i32
          %dma_wait3A_27 = tpu.memref_slice %arg12[%mul3A_7, %dma_wait3A] : memref<10000x128xf32, #tpu.memory_space<vmem_shared>> -> memref<640x128xf32, #tpu.memory_space<vmem_shared>>
          %dma_wait3A_28 = arith.constant 0 : i32
          %dma_wait3A_29 = tpu.memref_slice %arg3[%mul3A_7, %dma_wait3A_28] : memref<10000x128xf32, #tpu.memory_space<hbm>> -> memref<640x128xf32, #tpu.memory_space<hbm>>
          tpu.wait_dma2 semaphore(%run_scoped3A : memref<!tpu.dma_semaphore, #tpu.memory_space<semaphore_mem>>) src(%dma_wait3A_29 : memref<640x128xf32, #tpu.memory_space<hbm>>) dst(%dma_wait3A_27 : memref<640x128xf32, #tpu.memory_space<vmem_shared>>)
          tpu.yield
        }) : () -> ()
      } else {
      }
      %eq3A_12 = arith.constant 15 : i32
      %eq3A_13 = arith.cmpi eq, %arg1, %eq3A_12 : i32
      %convert_element_type3A_14 = arith.extui %eq3A_13 : i1 to i32
      %cond3A_15 = arith.constant 0 : i32
      %cond3A_16 = arith.cmpi ne, %convert_element_type3A_14, %cond3A_15 : i32
      scf.if %cond3A_16 {
        "tpu.region"() ({
          %run_scoped3A = tpu.sem_alloc : memref<!tpu.dma_semaphore, #tpu.memory_space<semaphore_mem>>
          %dma_start3A = arith.constant 0 : i32
          %dma_start3A_24 = tpu.memref_slice %arg12[%mul3A_7, %dma_start3A] : memref<10000x128xf32, #tpu.memory_space<vmem_shared>> -> memref<400x128xf32, #tpu.memory_space<vmem_shared>>
          %dma_start3A_25 = arith.constant 0 : i32
          %dma_start3A_26 = tpu.memref_slice %arg3[%mul3A_7, %dma_start3A_25] : memref<10000x128xf32, #tpu.memory_space<hbm>> -> memref<400x128xf32, #tpu.memory_space<hbm>>
          tpu.enqueue_dma source(%dma_start3A_26 : memref<400x128xf32, #tpu.memory_space<hbm>>) target(%dma_start3A_24 : memref<400x128xf32, #tpu.memory_space<vmem_shared>>) target_semaphore(%run_scoped3A : memref<!tpu.dma_semaphore, #tpu.memory_space<semaphore_mem>>)
          %dma_wait3A = arith.constant 0 : i32
          %dma_wait3A_27 = tpu.memref_slice %arg12[%mul3A_7, %dma_wait3A] : memref<10000x128xf32, #tpu.memory_space<vmem_shared>> -> memref<400x128xf32, #tpu.memory_space<vmem_shared>>
          %dma_wait3A_28 = arith.constant 0 : i32
          %dma_wait3A_29 = tpu.memref_slice %arg3[%mul3A_7, %dma_wait3A_28] : memref<10000x128xf32, #tpu.memory_space<hbm>> -> memref<400x128xf32, #tpu.memory_space<hbm>>
          tpu.wait_dma2 semaphore(%run_scoped3A : memref<!tpu.dma_semaphore, #tpu.memory_space<semaphore_mem>>) src(%dma_wait3A_29 : memref<400x128xf32, #tpu.memory_space<hbm>>) dst(%dma_wait3A_27 : memref<400x128xf32, #tpu.memory_space<vmem_shared>>)
          tpu.yield
        }) : () -> ()
      } else {
      }
      %barrier3A = arith.constant 0 : index
      tpu.barrier barrier_id(%barrier3A)
      %mul3A_17 = arith.constant 4000 : i32
      %mul3A_18 = arith.muli %arg1, %mul3A_17 : i32
      %scan3A = arith.constant 0 : i32
      %scan3A_19 = arith.constant 0 : i32
      %scan3A_20 = arith.constant 25 : i32
      %scan3A_21 = arith.addi %scan3A_19, %scan3A_20 : i32
      %scan3A_22 = arith.constant 1 : i32
      scf.for %scan3A_24 = %scan3A_19 to %scan3A_21 step %scan3A_22  : i32 {
        %mul3A_25 = arith.constant 2 : i32
        %mul3A_26 = arith.muli %mul3A_25, %scan3A_24 : i32
        %mul3A_27 = arith.constant 80 : i32
        %mul3A_28 = arith.muli %mul3A_26, %mul3A_27 : i32
        %add3A = arith.addi %mul3A_18, %mul3A_28 : i32
        "tpu.region"() ({
          %run_scoped3A = tpu.sem_alloc : memref<!tpu.dma_semaphore, #tpu.memory_space<semaphore_mem>>
          %dma_start3A_43 = tpu.memref_slice %arg5[%add3A] : memref<64000xi32, #tpu.memory_space<hbm>> -> memref<80xi32, #tpu.memory_space<hbm>>
          %dma_start3A_44 = tpu.memref_slice %arg5[%add3A] : memref<64000xi32, #tpu.memory_space<hbm>> -> memref<80xi32, #tpu.memory_space<hbm>>
          tpu.enqueue_dma source(%dma_start3A_44 : memref<80xi32, #tpu.memory_space<hbm>>) target(%arg8 : memref<80xi32, #tpu.memory_space<vmem>>) target_semaphore(%run_scoped3A : memref<!tpu.dma_semaphore, #tpu.memory_space<semaphore_mem>>)
          %dma_wait3A_45 = tpu.memref_slice %arg5[%add3A] : memref<64000xi32, #tpu.memory_space<hbm>> -> memref<80xi32, #tpu.memory_space<hbm>>
          %dma_wait3A_46 = tpu.memref_slice %arg5[%add3A] : memref<64000xi32, #tpu.memory_space<hbm>> -> memref<80xi32, #tpu.memory_space<hbm>>
          tpu.wait_dma2 semaphore(%run_scoped3A : memref<!tpu.dma_semaphore, #tpu.memory_space<semaphore_mem>>) src(%dma_wait3A_46 : memref<80xi32, #tpu.memory_space<hbm>>) dst(%arg8 : memref<80xi32, #tpu.memory_space<vmem>>)
          tpu.yield
        }) : () -> ()
        %dma_start3A = arith.constant 0 : i32
        %dma_start3A_29 = arith.constant 0 : i32
        %dma_start3A_30 = tpu.memref_slice %arg12[%dma_start3A, %dma_start3A_29] : memref<10000x128xf32, #tpu.memory_space<vmem_shared>> -> memref<10000x128xf32, #tpu.memory_space<vmem_shared>>
        tpu.enqueue_indirect_dma source(%dma_start3A_30 : memref<10000x128xf32, #tpu.memory_space<vmem_shared>>) target(%arg10 : memref<80x128xf32, #tpu.memory_space<vmem>>) offsets(%arg8 : memref<80xi32, #tpu.memory_space<vmem>>) semaphore(%arg13 : memref<!tpu.dma_semaphore, #tpu.memory_space<semaphore_mem>>)
        %add3A_31 = arith.constant 80 : i32
        %add3A_32 = arith.addi %add3A, %add3A_31 : i32
        "tpu.region"() ({
          %run_scoped3A = tpu.sem_alloc : memref<!tpu.dma_semaphore, #tpu.memory_space<semaphore_mem>>
          %dma_start3A_43 = tpu.memref_slice %arg5[%add3A_32] : memref<64000xi32, #tpu.memory_space<hbm>> -> memref<80xi32, #tpu.memory_space<hbm>>
          %dma_start3A_44 = tpu.memref_slice %arg5[%add3A_32] : memref<64000xi32, #tpu.memory_space<hbm>> -> memref<80xi32, #tpu.memory_space<hbm>>
          tpu.enqueue_dma source(%dma_start3A_44 : memref<80xi32, #tpu.memory_space<hbm>>) target(%arg9 : memref<80xi32, #tpu.memory_space<vmem>>) target_semaphore(%run_scoped3A : memref<!tpu.dma_semaphore, #tpu.memory_space<semaphore_mem>>)
          %dma_wait3A_45 = tpu.memref_slice %arg5[%add3A_32] : memref<64000xi32, #tpu.memory_space<hbm>> -> memref<80xi32, #tpu.memory_space<hbm>>
          %dma_wait3A_46 = tpu.memref_slice %arg5[%add3A_32] : memref<64000xi32, #tpu.memory_space<hbm>> -> memref<80xi32, #tpu.memory_space<hbm>>
          tpu.wait_dma2 semaphore(%run_scoped3A : memref<!tpu.dma_semaphore, #tpu.memory_space<semaphore_mem>>) src(%dma_wait3A_46 : memref<80xi32, #tpu.memory_space<hbm>>) dst(%arg9 : memref<80xi32, #tpu.memory_space<vmem>>)
          tpu.yield
        }) : () -> ()
        %dma_start3A_33 = arith.constant 0 : i32
        %dma_start3A_34 = arith.constant 0 : i32
        %dma_start3A_35 = tpu.memref_slice %arg12[%dma_start3A_33, %dma_start3A_34] : memref<10000x128xf32, #tpu.memory_space<vmem_shared>> -> memref<10000x128xf32, #tpu.memory_space<vmem_shared>>
        tpu.enqueue_indirect_dma source(%dma_start3A_35 : memref<10000x128xf32, #tpu.memory_space<vmem_shared>>) target(%arg11 : memref<80x128xf32, #tpu.memory_space<vmem>>) offsets(%arg9 : memref<80xi32, #tpu.memory_space<vmem>>) semaphore(%arg14 : memref<!tpu.dma_semaphore, #tpu.memory_space<semaphore_mem>>)
        %dma_wait3A = arith.constant 0 : i32
        %dma_wait3A_36 = arith.constant 0 : i32
        %dma_wait3A_37 = tpu.memref_slice %arg12[%dma_wait3A, %dma_wait3A_36] : memref<10000x128xf32, #tpu.memory_space<vmem_shared>> -> memref<10000x128xf32, #tpu.memory_space<vmem_shared>>
        tpu.wait_indirect_dma semaphore(%arg13 : memref<!tpu.dma_semaphore, #tpu.memory_space<semaphore_mem>>) src(%dma_wait3A_37 : memref<10000x128xf32, #tpu.memory_space<vmem_shared>>) dst(%arg10 : memref<80x128xf32, #tpu.memory_space<vmem>>)
        "tpu.region"() ({
          %run_scoped3A = tpu.sem_alloc : memref<!tpu.dma_semaphore, #tpu.memory_space<semaphore_mem>>
          %dma_start3A_43 = arith.constant 0 : i32
          %dma_start3A_44 = tpu.memref_slice %arg7[%add3A, %dma_start3A_43] : memref<64000x128xf32, #tpu.memory_space<hbm>> -> memref<80x128xf32, #tpu.memory_space<hbm>>
          %dma_start3A_45 = arith.constant 0 : i32
          %dma_start3A_46 = tpu.memref_slice %arg7[%add3A, %dma_start3A_45] : memref<64000x128xf32, #tpu.memory_space<hbm>> -> memref<80x128xf32, #tpu.memory_space<hbm>>
          tpu.enqueue_dma source(%arg10 : memref<80x128xf32, #tpu.memory_space<vmem>>) target(%dma_start3A_46 : memref<80x128xf32, #tpu.memory_space<hbm>>) target_semaphore(%run_scoped3A : memref<!tpu.dma_semaphore, #tpu.memory_space<semaphore_mem>>)
          %dma_wait3A_47 = arith.constant 0 : i32
          %dma_wait3A_48 = tpu.memref_slice %arg7[%add3A, %dma_wait3A_47] : memref<64000x128xf32, #tpu.memory_space<hbm>> -> memref<80x128xf32, #tpu.memory_space<hbm>>
          %dma_wait3A_49 = arith.constant 0 : i32
          %dma_wait3A_50 = tpu.memref_slice %arg7[%add3A, %dma_wait3A_49] : memref<64000x128xf32, #tpu.memory_space<hbm>> -> memref<80x128xf32, #tpu.memory_space<hbm>>
          tpu.wait_dma2 semaphore(%run_scoped3A : memref<!tpu.dma_semaphore, #tpu.memory_space<semaphore_mem>>) src(%arg10 : memref<80x128xf32, #tpu.memory_space<vmem>>) dst(%dma_wait3A_50 : memref<80x128xf32, #tpu.memory_space<hbm>>)
          tpu.yield
        }) : () -> ()
        %dma_wait3A_38 = arith.constant 0 : i32
        %dma_wait3A_39 = arith.constant 0 : i32
        %dma_wait3A_40 = tpu.memref_slice %arg12[%dma_wait3A_38, %dma_wait3A_39] : memref<10000x128xf32, #tpu.memory_space<vmem_shared>> -> memref<10000x128xf32, #tpu.memory_space<vmem_shared>>
        tpu.wait_indirect_dma semaphore(%arg14 : memref<!tpu.dma_semaphore, #tpu.memory_space<semaphore_mem>>) src(%dma_wait3A_40 : memref<10000x128xf32, #tpu.memory_space<vmem_shared>>) dst(%arg11 : memref<80x128xf32, #tpu.memory_space<vmem>>)
        %add3A_41 = arith.constant 80 : i32
        %add3A_42 = arith.addi %add3A, %add3A_41 : i32
        "tpu.region"() ({
          %run_scoped3A = tpu.sem_alloc : memref<!tpu.dma_semaphore, #tpu.memory_space<semaphore_mem>>
          %dma_start3A_43 = arith.constant 0 : i32
          %dma_start3A_44 = tpu.memref_slice %arg7[%add3A_42, %dma_start3A_43] : memref<64000x128xf32, #tpu.memory_space<hbm>> -> memref<80x128xf32, #tpu.memory_space<hbm>>
          %dma_start3A_45 = arith.constant 0 : i32
          %dma_start3A_46 = tpu.memref_slice %arg7[%add3A_42, %dma_start3A_45] : memref<64000x128xf32, #tpu.memory_space<hbm>> -> memref<80x128xf32, #tpu.memory_space<hbm>>
          tpu.enqueue_dma source(%arg11 : memref<80x128xf32, #tpu.memory_space<vmem>>) target(%dma_start3A_46 : memref<80x128xf32, #tpu.memory_space<hbm>>) target_semaphore(%run_scoped3A : memref<!tpu.dma_semaphore, #tpu.memory_space<semaphore_mem>>)
          %dma_wait3A_47 = arith.constant 0 : i32
          %dma_wait3A_48 = tpu.memref_slice %arg7[%add3A_42, %dma_wait3A_47] : memref<64000x128xf32, #tpu.memory_space<hbm>> -> memref<80x128xf32, #tpu.memory_space<hbm>>
          %dma_wait3A_49 = arith.constant 0 : i32
          %dma_wait3A_50 = tpu.memref_slice %arg7[%add3A_42, %dma_wait3A_49] : memref<64000x128xf32, #tpu.memory_space<hbm>> -> memref<80x128xf32, #tpu.memory_space<hbm>>
          tpu.wait_dma2 semaphore(%run_scoped3A : memref<!tpu.dma_semaphore, #tpu.memory_space<semaphore_mem>>) src(%arg11 : memref<80x128xf32, #tpu.memory_space<vmem>>) dst(%dma_wait3A_50 : memref<80x128xf32, #tpu.memory_space<hbm>>)
          tpu.yield
        }) : () -> ()
      }
      %scan3A_23 = arith.constant 25 : i32
    } else {
    }
    return
  }
}

#map = affine_map<(d0, d1) -> (0, 0)>
#map1 = affine_map<(d0, d1) -> (0)>
module attributes {stable_mosaic.version = 14 : i64} {
  func.func @k(%arg0: i32, %arg1: i32, %arg2: memref<10000x128xf32, #tpu.memory_space<hbm>>, %arg3: memref<10000x128xf32, #tpu.memory_space<hbm>>, %arg4: memref<64000xi32, #tpu.memory_space<hbm>>, %arg5: memref<64000xi32, #tpu.memory_space<hbm>>, %arg6: memref<64000x128xf32, #tpu.memory_space<hbm>>, %arg7: memref<64000x128xf32, #tpu.memory_space<hbm>>, %arg8: memref<80xi32, #tpu.memory_space<vmem>>, %arg9: memref<80xi32, #tpu.memory_space<vmem>>, %arg10: memref<80x128xf32, #tpu.memory_space<vmem>>, %arg11: memref<80x128xf32, #tpu.memory_space<vmem>>, %arg12: memref<10000x128xf32, #tpu.memory_space<vmem_shared>>, %arg13: memref<!tpu.dma_semaphore, #tpu.memory_space<semaphore_mem>>, %arg14: memref<!tpu.dma_semaphore, #tpu.memory_space<semaphore_mem>>) attributes {dimension_semantics = [#tpu.dimension_semantics<core_parallel>, #tpu.dimension_semantics<subcore_parallel>], iteration_bounds = array<i64: 2, 16>, scalar_prefetch = 0 : i64, scratch_operands = 7 : i64, tpu.core_type = #tpu.core_type<sc_vector_subcore>, window_params = [{transform_indices = #map}, {transform_indices = #map}, {transform_indices = #map1}, {transform_indices = #map1}, {transform_indices = #map}, {transform_indices = #map}]} {
    %eq3A = arith.constant 0 : i32
    %eq3A_0 = arith.cmpi eq, %arg0, %eq3A : i32
    %convert_element_type3A = arith.extui %eq3A_0 : i1 to i32
    %cond3A = arith.constant 0 : i32
    %cond3A_1 = arith.cmpi ne, %convert_element_type3A, %cond3A : i32
    scf.if %cond3A_1 {
      %mul3A = arith.constant 640 : i32
      %mul3A_7 = arith.muli %arg1, %mul3A : i32
      %lt3A = arith.constant 15 : i32
      %lt3A_8 = arith.cmpi slt, %arg1, %lt3A : i32
      %convert_element_type3A_9 = arith.extui %lt3A_8 : i1 to i32
      %cond3A_10 = arith.constant 0 : i32
      %cond3A_11 = arith.cmpi ne, %convert_element_type3A_9, %cond3A_10 : i32
      scf.if %cond3A_11 {
        "tpu.region"() ({
          %run_scoped3A = tpu.sem_alloc : memref<!tpu.dma_semaphore, #tpu.memory_space<semaphore_mem>>
          %dma_start3A = arith.constant 0 : i32
          %dma_start3A_24 = tpu.memref_slice %arg12[%mul3A_7, %dma_start3A] : memref<10000x128xf32, #tpu.memory_space<vmem_shared>> -> memref<640x128xf32, #tpu.memory_space<vmem_shared>>
          %dma_start3A_25 = arith.constant 0 : i32
          %dma_start3A_26 = tpu.memref_slice %arg2[%mul3A_7, %dma_start3A_25] : memref<10000x128xf32, #tpu.memory_space<hbm>> -> memref<640x128xf32, #tpu.memory_space<hbm>>
          tpu.enqueue_dma source(%dma_start3A_26 : memref<640x128xf32, #tpu.memory_space<hbm>>) target(%dma_start3A_24 : memref<640x128xf32, #tpu.memory_space<vmem_shared>>) target_semaphore(%run_scoped3A : memref<!tpu.dma_semaphore, #tpu.memory_space<semaphore_mem>>)
          %dma_wait3A = arith.constant 0 : i32
          %dma_wait3A_27 = tpu.memref_slice %arg12[%mul3A_7, %dma_wait3A] : memref<10000x128xf32, #tpu.memory_space<vmem_shared>> -> memref<640x128xf32, #tpu.memory_space<vmem_shared>>
          %dma_wait3A_28 = arith.constant 0 : i32
          %dma_wait3A_29 = tpu.memref_slice %arg2[%mul3A_7, %dma_wait3A_28] : memref<10000x128xf32, #tpu.memory_space<hbm>> -> memref<640x128xf32, #tpu.memory_space<hbm>>
          tpu.wait_dma2 semaphore(%run_scoped3A : memref<!tpu.dma_semaphore, #tpu.memory_space<semaphore_mem>>) src(%dma_wait3A_29 : memref<640x128xf32, #tpu.memory_space<hbm>>) dst(%dma_wait3A_27 : memref<640x128xf32, #tpu.memory_space<vmem_shared>>)
          tpu.yield
        }) : () -> ()
      } else {
      }
      %eq3A_12 = arith.constant 15 : i32
      %eq3A_13 = arith.cmpi eq, %arg1, %eq3A_12 : i32
      %convert_element_type3A_14 = arith.extui %eq3A_13 : i1 to i32
      %cond3A_15 = arith.constant 0 : i32
      %cond3A_16 = arith.cmpi ne, %convert_element_type3A_14, %cond3A_15 : i32
      scf.if %cond3A_16 {
        "tpu.region"() ({
          %run_scoped3A = tpu.sem_alloc : memref<!tpu.dma_semaphore, #tpu.memory_space<semaphore_mem>>
          %dma_start3A = arith.constant 0 : i32
          %dma_start3A_24 = tpu.memref_slice %arg12[%mul3A_7, %dma_start3A] : memref<10000x128xf32, #tpu.memory_space<vmem_shared>> -> memref<400x128xf32, #tpu.memory_space<vmem_shared>>
          %dma_start3A_25 = arith.constant 0 : i32
          %dma_start3A_26 = tpu.memref_slice %arg2[%mul3A_7, %dma_start3A_25] : memref<10000x128xf32, #tpu.memory_space<hbm>> -> memref<400x128xf32, #tpu.memory_space<hbm>>
          tpu.enqueue_dma source(%dma_start3A_26 : memref<400x128xf32, #tpu.memory_space<hbm>>) target(%dma_start3A_24 : memref<400x128xf32, #tpu.memory_space<vmem_shared>>) target_semaphore(%run_scoped3A : memref<!tpu.dma_semaphore, #tpu.memory_space<semaphore_mem>>)
          %dma_wait3A = arith.constant 0 : i32
          %dma_wait3A_27 = tpu.memref_slice %arg12[%mul3A_7, %dma_wait3A] : memref<10000x128xf32, #tpu.memory_space<vmem_shared>> -> memref<400x128xf32, #tpu.memory_space<vmem_shared>>
          %dma_wait3A_28 = arith.constant 0 : i32
          %dma_wait3A_29 = tpu.memref_slice %arg2[%mul3A_7, %dma_wait3A_28] : memref<10000x128xf32, #tpu.memory_space<hbm>> -> memref<400x128xf32, #tpu.memory_space<hbm>>
          tpu.wait_dma2 semaphore(%run_scoped3A : memref<!tpu.dma_semaphore, #tpu.memory_space<semaphore_mem>>) src(%dma_wait3A_29 : memref<400x128xf32, #tpu.memory_space<hbm>>) dst(%dma_wait3A_27 : memref<400x128xf32, #tpu.memory_space<vmem_shared>>)
          tpu.yield
        }) : () -> ()
      } else {
      }
      %barrier3A = arith.constant 0 : index
      tpu.barrier barrier_id(%barrier3A)
      %mul3A_17 = arith.constant 4000 : i32
      %mul3A_18 = arith.muli %arg1, %mul3A_17 : i32
      %scan3A = arith.constant 0 : i32
      %scan3A_19 = arith.constant 0 : i32
      %scan3A_20 = arith.constant 25 : i32
      %scan3A_21 = arith.addi %scan3A_19, %scan3A_20 : i32
      %scan3A_22 = arith.constant 1 : i32
      scf.for %scan3A_24 = %scan3A_19 to %scan3A_21 step %scan3A_22  : i32 {
        %mul3A_25 = arith.constant 2 : i32
        %mul3A_26 = arith.muli %mul3A_25, %scan3A_24 : i32
        %mul3A_27 = arith.constant 80 : i32
        %mul3A_28 = arith.muli %mul3A_26, %mul3A_27 : i32
        %add3A = arith.addi %mul3A_18, %mul3A_28 : i32
        "tpu.region"() ({
          %run_scoped3A = tpu.sem_alloc : memref<!tpu.dma_semaphore, #tpu.memory_space<semaphore_mem>>
          %dma_start3A_43 = tpu.memref_slice %arg4[%add3A] : memref<64000xi32, #tpu.memory_space<hbm>> -> memref<80xi32, #tpu.memory_space<hbm>>
          %dma_start3A_44 = tpu.memref_slice %arg4[%add3A] : memref<64000xi32, #tpu.memory_space<hbm>> -> memref<80xi32, #tpu.memory_space<hbm>>
          tpu.enqueue_dma source(%dma_start3A_44 : memref<80xi32, #tpu.memory_space<hbm>>) target(%arg8 : memref<80xi32, #tpu.memory_space<vmem>>) target_semaphore(%run_scoped3A : memref<!tpu.dma_semaphore, #tpu.memory_space<semaphore_mem>>)
          %dma_wait3A_45 = tpu.memref_slice %arg4[%add3A] : memref<64000xi32, #tpu.memory_space<hbm>> -> memref<80xi32, #tpu.memory_space<hbm>>
          %dma_wait3A_46 = tpu.memref_slice %arg4[%add3A] : memref<64000xi32, #tpu.memory_space<hbm>> -> memref<80xi32, #tpu.memory_space<hbm>>
          tpu.wait_dma2 semaphore(%run_scoped3A : memref<!tpu.dma_semaphore, #tpu.memory_space<semaphore_mem>>) src(%dma_wait3A_46 : memref<80xi32, #tpu.memory_space<hbm>>) dst(%arg8 : memref<80xi32, #tpu.memory_space<vmem>>)
          tpu.yield
        }) : () -> ()
        %dma_start3A = arith.constant 0 : i32
        %dma_start3A_29 = arith.constant 0 : i32
        %dma_start3A_30 = tpu.memref_slice %arg12[%dma_start3A, %dma_start3A_29] : memref<10000x128xf32, #tpu.memory_space<vmem_shared>> -> memref<10000x128xf32, #tpu.memory_space<vmem_shared>>
        tpu.enqueue_indirect_dma source(%dma_start3A_30 : memref<10000x128xf32, #tpu.memory_space<vmem_shared>>) target(%arg10 : memref<80x128xf32, #tpu.memory_space<vmem>>) offsets(%arg8 : memref<80xi32, #tpu.memory_space<vmem>>) semaphore(%arg13 : memref<!tpu.dma_semaphore, #tpu.memory_space<semaphore_mem>>)
        %add3A_31 = arith.constant 80 : i32
        %add3A_32 = arith.addi %add3A, %add3A_31 : i32
        "tpu.region"() ({
          %run_scoped3A = tpu.sem_alloc : memref<!tpu.dma_semaphore, #tpu.memory_space<semaphore_mem>>
          %dma_start3A_43 = tpu.memref_slice %arg4[%add3A_32] : memref<64000xi32, #tpu.memory_space<hbm>> -> memref<80xi32, #tpu.memory_space<hbm>>
          %dma_start3A_44 = tpu.memref_slice %arg4[%add3A_32] : memref<64000xi32, #tpu.memory_space<hbm>> -> memref<80xi32, #tpu.memory_space<hbm>>
          tpu.enqueue_dma source(%dma_start3A_44 : memref<80xi32, #tpu.memory_space<hbm>>) target(%arg9 : memref<80xi32, #tpu.memory_space<vmem>>) target_semaphore(%run_scoped3A : memref<!tpu.dma_semaphore, #tpu.memory_space<semaphore_mem>>)
          %dma_wait3A_45 = tpu.memref_slice %arg4[%add3A_32] : memref<64000xi32, #tpu.memory_space<hbm>> -> memref<80xi32, #tpu.memory_space<hbm>>
          %dma_wait3A_46 = tpu.memref_slice %arg4[%add3A_32] : memref<64000xi32, #tpu.memory_space<hbm>> -> memref<80xi32, #tpu.memory_space<hbm>>
          tpu.wait_dma2 semaphore(%run_scoped3A : memref<!tpu.dma_semaphore, #tpu.memory_space<semaphore_mem>>) src(%dma_wait3A_46 : memref<80xi32, #tpu.memory_space<hbm>>) dst(%arg9 : memref<80xi32, #tpu.memory_space<vmem>>)
          tpu.yield
        }) : () -> ()
        %dma_start3A_33 = arith.constant 0 : i32
        %dma_start3A_34 = arith.constant 0 : i32
        %dma_start3A_35 = tpu.memref_slice %arg12[%dma_start3A_33, %dma_start3A_34] : memref<10000x128xf32, #tpu.memory_space<vmem_shared>> -> memref<10000x128xf32, #tpu.memory_space<vmem_shared>>
        tpu.enqueue_indirect_dma source(%dma_start3A_35 : memref<10000x128xf32, #tpu.memory_space<vmem_shared>>) target(%arg11 : memref<80x128xf32, #tpu.memory_space<vmem>>) offsets(%arg9 : memref<80xi32, #tpu.memory_space<vmem>>) semaphore(%arg14 : memref<!tpu.dma_semaphore, #tpu.memory_space<semaphore_mem>>)
        %dma_wait3A = arith.constant 0 : i32
        %dma_wait3A_36 = arith.constant 0 : i32
        %dma_wait3A_37 = tpu.memref_slice %arg12[%dma_wait3A, %dma_wait3A_36] : memref<10000x128xf32, #tpu.memory_space<vmem_shared>> -> memref<10000x128xf32, #tpu.memory_space<vmem_shared>>
        tpu.wait_indirect_dma semaphore(%arg13 : memref<!tpu.dma_semaphore, #tpu.memory_space<semaphore_mem>>) src(%dma_wait3A_37 : memref<10000x128xf32, #tpu.memory_space<vmem_shared>>) dst(%arg10 : memref<80x128xf32, #tpu.memory_space<vmem>>)
        "tpu.region"() ({
          %run_scoped3A = tpu.sem_alloc : memref<!tpu.dma_semaphore, #tpu.memory_space<semaphore_mem>>
          %dma_start3A_43 = arith.constant 0 : i32
          %dma_start3A_44 = tpu.memref_slice %arg6[%add3A, %dma_start3A_43] : memref<64000x128xf32, #tpu.memory_space<hbm>> -> memref<80x128xf32, #tpu.memory_space<hbm>>
          %dma_start3A_45 = arith.constant 0 : i32
          %dma_start3A_46 = tpu.memref_slice %arg6[%add3A, %dma_start3A_45] : memref<64000x128xf32, #tpu.memory_space<hbm>> -> memref<80x128xf32, #tpu.memory_space<hbm>>
          tpu.enqueue_dma source(%arg10 : memref<80x128xf32, #tpu.memory_space<vmem>>) target(%dma_start3A_46 : memref<80x128xf32, #tpu.memory_space<hbm>>) target_semaphore(%run_scoped3A : memref<!tpu.dma_semaphore, #tpu.memory_space<semaphore_mem>>)
          %dma_wait3A_47 = arith.constant 0 : i32
          %dma_wait3A_48 = tpu.memref_slice %arg6[%add3A, %dma_wait3A_47] : memref<64000x128xf32, #tpu.memory_space<hbm>> -> memref<80x128xf32, #tpu.memory_space<hbm>>
          %dma_wait3A_49 = arith.constant 0 : i32
          %dma_wait3A_50 = tpu.memref_slice %arg6[%add3A, %dma_wait3A_49] : memref<64000x128xf32, #tpu.memory_space<hbm>> -> memref<80x128xf32, #tpu.memory_space<hbm>>
          tpu.wait_dma2 semaphore(%run_scoped3A : memref<!tpu.dma_semaphore, #tpu.memory_space<semaphore_mem>>) src(%arg10 : memref<80x128xf32, #tpu.memory_space<vmem>>) dst(%dma_wait3A_50 : memref<80x128xf32, #tpu.memory_space<hbm>>)
          tpu.yield
        }) : () -> ()
        %dma_wait3A_38 = arith.constant 0 : i32
        %dma_wait3A_39 = arith.constant 0 : i32
        %dma_wait3A_40 = tpu.memref_slice %arg12[%dma_wait3A_38, %dma_wait3A_39] : memref<10000x128xf32, #tpu.memory_space<vmem_shared>> -> memref<10000x128xf32, #tpu.memory_space<vmem_shared>>
        tpu.wait_indirect_dma semaphore(%arg14 : memref<!tpu.dma_semaphore, #tpu.memory_space<semaphore_mem>>) src(%dma_wait3A_40 : memref<10000x128xf32, #tpu.memory_space<vmem_shared>>) dst(%arg11 : memref<80x128xf32, #tpu.memory_space<vmem>>)
        %add3A_41 = arith.constant 80 : i32
        %add3A_42 = arith.addi %add3A, %add3A_41 : i32
        "tpu.region"() ({
          %run_scoped3A = tpu.sem_alloc : memref<!tpu.dma_semaphore, #tpu.memory_space<semaphore_mem>>
          %dma_start3A_43 = arith.constant 0 : i32
          %dma_start3A_44 = tpu.memref_slice %arg6[%add3A_42, %dma_start3A_43] : memref<64000x128xf32, #tpu.memory_space<hbm>> -> memref<80x128xf32, #tpu.memory_space<hbm>>
          %dma_start3A_45 = arith.constant 0 : i32
          %dma_start3A_46 = tpu.memref_slice %arg6[%add3A_42, %dma_start3A_45] : memref<64000x128xf32, #tpu.memory_space<hbm>> -> memref<80x128xf32, #tpu.memory_space<hbm>>
          tpu.enqueue_dma source(%arg11 : memref<80x128xf32, #tpu.memory_space<vmem>>) target(%dma_start3A_46 : memref<80x128xf32, #tpu.memory_space<hbm>>) target_semaphore(%run_scoped3A : memref<!tpu.dma_semaphore, #tpu.memory_space<semaphore_mem>>)
          %dma_wait3A_47 = arith.constant 0 : i32
          %dma_wait3A_48 = tpu.memref_slice %arg6[%add3A_42, %dma_wait3A_47] : memref<64000x128xf32, #tpu.memory_space<hbm>> -> memref<80x128xf32, #tpu.memory_space<hbm>>
          %dma_wait3A_49 = arith.constant 0 : i32
          %dma_wait3A_50 = tpu.memref_slice %arg6[%add3A_42, %dma_wait3A_49] : memref<64000x128xf32, #tpu.memory_space<hbm>> -> memref<80x128xf32, #tpu.memory_space<hbm>>
          tpu.wait_dma2 semaphore(%run_scoped3A : memref<!tpu.dma_semaphore, #tpu.memory_space<semaphore_mem>>) src(%arg11 : memref<80x128xf32, #tpu.memory_space<vmem>>) dst(%dma_wait3A_50 : memref<80x128xf32, #tpu.memory_space<hbm>>)
          tpu.yield
        }) : () -> ()
      }
      %scan3A_23 = arith.constant 25 : i32
    } else {
    }
    %eq3A_2 = arith.constant 1 : i32
    %eq3A_3 = arith.cmpi eq, %arg0, %eq3A_2 : i32
    %convert_element_type3A_4 = arith.extui %eq3A_3 : i1 to i32
    %cond3A_5 = arith.constant 0 : i32
    %cond3A_6 = arith.cmpi ne, %convert_element_type3A_4, %cond3A_5 : i32
    scf.if %cond3A_6 {
      %mul3A = arith.constant 640 : i32
      %mul3A_7 = arith.muli %arg1, %mul3A : i32
      %lt3A = arith.constant 15 : i32
      %lt3A_8 = arith.cmpi slt, %arg1, %lt3A : i32
      %convert_element_type3A_9 = arith.extui %lt3A_8 : i1 to i32
      %cond3A_10 = arith.constant 0 : i32
      %cond3A_11 = arith.cmpi ne, %convert_element_type3A_9, %cond3A_10 : i32
      scf.if %cond3A_11 {
        "tpu.region"() ({
          %run_scoped3A = tpu.sem_alloc : memref<!tpu.dma_semaphore, #tpu.memory_space<semaphore_mem>>
          %dma_start3A = arith.constant 0 : i32
          %dma_start3A_24 = tpu.memref_slice %arg12[%mul3A_7, %dma_start3A] : memref<10000x128xf32, #tpu.memory_space<vmem_shared>> -> memref<640x128xf32, #tpu.memory_space<vmem_shared>>
          %dma_start3A_25 = arith.constant 0 : i32
          %dma_start3A_26 = tpu.memref_slice %arg3[%mul3A_7, %dma_start3A_25] : memref<10000x128xf32, #tpu.memory_space<hbm>> -> memref<640x128xf32, #tpu.memory_space<hbm>>
          tpu.enqueue_dma source(%dma_start3A_26 : memref<640x128xf32, #tpu.memory_space<hbm>>) target(%dma_start3A_24 : memref<640x128xf32, #tpu.memory_space<vmem_shared>>) target_semaphore(%run_scoped3A : memref<!tpu.dma_semaphore, #tpu.memory_space<semaphore_mem>>)
          %dma_wait3A = arith.constant 0 : i32
          %dma_wait3A_27 = tpu.memref_slice %arg12[%mul3A_7, %dma_wait3A] : memref<10000x128xf32, #tpu.memory_space<vmem_shared>> -> memref<640x128xf32, #tpu.memory_space<vmem_shared>>
          %dma_wait3A_28 = arith.constant 0 : i32
          %dma_wait3A_29 = tpu.memref_slice %arg3[%mul3A_7, %dma_wait3A_28] : memref<10000x128xf32, #tpu.memory_space<hbm>> -> memref<640x128xf32, #tpu.memory_space<hbm>>
          tpu.wait_dma2 semaphore(%run_scoped3A : memref<!tpu.dma_semaphore, #tpu.memory_space<semaphore_mem>>) src(%dma_wait3A_29 : memref<640x128xf32, #tpu.memory_space<hbm>>) dst(%dma_wait3A_27 : memref<640x128xf32, #tpu.memory_space<vmem_shared>>)
          tpu.yield
        }) : () -> ()
      } else {
      }
      %eq3A_12 = arith.constant 15 : i32
      %eq3A_13 = arith.cmpi eq, %arg1, %eq3A_12 : i32
      %convert_element_type3A_14 = arith.extui %eq3A_13 : i1 to i32
      %cond3A_15 = arith.constant 0 : i32
      %cond3A_16 = arith.cmpi ne, %convert_element_type3A_14, %cond3A_15 : i32
      scf.if %cond3A_16 {
        "tpu.region"() ({
          %run_scoped3A = tpu.sem_alloc : memref<!tpu.dma_semaphore, #tpu.memory_space<semaphore_mem>>
          %dma_start3A = arith.constant 0 : i32
          %dma_start3A_24 = tpu.memref_slice %arg12[%mul3A_7, %dma_start3A] : memref<10000x128xf32, #tpu.memory_space<vmem_shared>> -> memref<400x128xf32, #tpu.memory_space<vmem_shared>>
          %dma_start3A_25 = arith.constant 0 : i32
          %dma_start3A_26 = tpu.memref_slice %arg3[%mul3A_7, %dma_start3A_25] : memref<10000x128xf32, #tpu.memory_space<hbm>> -> memref<400x128xf32, #tpu.memory_space<hbm>>
          tpu.enqueue_dma source(%dma_start3A_26 : memref<400x128xf32, #tpu.memory_space<hbm>>) target(%dma_start3A_24 : memref<400x128xf32, #tpu.memory_space<vmem_shared>>) target_semaphore(%run_scoped3A : memref<!tpu.dma_semaphore, #tpu.memory_space<semaphore_mem>>)
          %dma_wait3A = arith.constant 0 : i32
          %dma_wait3A_27 = tpu.memref_slice %arg12[%mul3A_7, %dma_wait3A] : memref<10000x128xf32, #tpu.memory_space<vmem_shared>> -> memref<400x128xf32, #tpu.memory_space<vmem_shared>>
          %dma_wait3A_28 = arith.constant 0 : i32
          %dma_wait3A_29 = tpu.memref_slice %arg3[%mul3A_7, %dma_wait3A_28] : memref<10000x128xf32, #tpu.memory_space<hbm>> -> memref<400x128xf32, #tpu.memory_space<hbm>>
          tpu.wait_dma2 semaphore(%run_scoped3A : memref<!tpu.dma_semaphore, #tpu.memory_space<semaphore_mem>>) src(%dma_wait3A_29 : memref<400x128xf32, #tpu.memory_space<hbm>>) dst(%dma_wait3A_27 : memref<400x128xf32, #tpu.memory_space<vmem_shared>>)
          tpu.yield
        }) : () -> ()
      } else {
      }
      %barrier3A = arith.constant 0 : index
      tpu.barrier barrier_id(%barrier3A)
      %mul3A_17 = arith.constant 4000 : i32
      %mul3A_18 = arith.muli %arg1, %mul3A_17 : i32
      %scan3A = arith.constant 0 : i32
      %scan3A_19 = arith.constant 0 : i32
      %scan3A_20 = arith.constant 25 : i32
      %scan3A_21 = arith.addi %scan3A_19, %scan3A_20 : i32
      %scan3A_22 = arith.constant 1 : i32
      scf.for %scan3A_24 = %scan3A_19 to %scan3A_21 step %scan3A_22  : i32 {
        %mul3A_25 = arith.constant 2 : i32
        %mul3A_26 = arith.muli %mul3A_25, %scan3A_24 : i32
        %mul3A_27 = arith.constant 80 : i32
        %mul3A_28 = arith.muli %mul3A_26, %mul3A_27 : i32
        %add3A = arith.addi %mul3A_18, %mul3A_28 : i32
        "tpu.region"() ({
          %run_scoped3A = tpu.sem_alloc : memref<!tpu.dma_semaphore, #tpu.memory_space<semaphore_mem>>
          %dma_start3A_43 = tpu.memref_slice %arg5[%add3A] : memref<64000xi32, #tpu.memory_space<hbm>> -> memref<80xi32, #tpu.memory_space<hbm>>
          %dma_start3A_44 = tpu.memref_slice %arg5[%add3A] : memref<64000xi32, #tpu.memory_space<hbm>> -> memref<80xi32, #tpu.memory_space<hbm>>
          tpu.enqueue_dma source(%dma_start3A_44 : memref<80xi32, #tpu.memory_space<hbm>>) target(%arg8 : memref<80xi32, #tpu.memory_space<vmem>>) target_semaphore(%run_scoped3A : memref<!tpu.dma_semaphore, #tpu.memory_space<semaphore_mem>>)
          %dma_wait3A_45 = tpu.memref_slice %arg5[%add3A] : memref<64000xi32, #tpu.memory_space<hbm>> -> memref<80xi32, #tpu.memory_space<hbm>>
          %dma_wait3A_46 = tpu.memref_slice %arg5[%add3A] : memref<64000xi32, #tpu.memory_space<hbm>> -> memref<80xi32, #tpu.memory_space<hbm>>
          tpu.wait_dma2 semaphore(%run_scoped3A : memref<!tpu.dma_semaphore, #tpu.memory_space<semaphore_mem>>) src(%dma_wait3A_46 : memref<80xi32, #tpu.memory_space<hbm>>) dst(%arg8 : memref<80xi32, #tpu.memory_space<vmem>>)
          tpu.yield
        }) : () -> ()
        %dma_start3A = arith.constant 0 : i32
        %dma_start3A_29 = arith.constant 0 : i32
        %dma_start3A_30 = tpu.memref_slice %arg12[%dma_start3A, %dma_start3A_29] : memref<10000x128xf32, #tpu.memory_space<vmem_shared>> -> memref<10000x128xf32, #tpu.memory_space<vmem_shared>>
        tpu.enqueue_indirect_dma source(%dma_start3A_30 : memref<10000x128xf32, #tpu.memory_space<vmem_shared>>) target(%arg10 : memref<80x128xf32, #tpu.memory_space<vmem>>) offsets(%arg8 : memref<80xi32, #tpu.memory_space<vmem>>) semaphore(%arg13 : memref<!tpu.dma_semaphore, #tpu.memory_space<semaphore_mem>>)
        %add3A_31 = arith.constant 80 : i32
        %add3A_32 = arith.addi %add3A, %add3A_31 : i32
        "tpu.region"() ({
          %run_scoped3A = tpu.sem_alloc : memref<!tpu.dma_semaphore, #tpu.memory_space<semaphore_mem>>
          %dma_start3A_43 = tpu.memref_slice %arg5[%add3A_32] : memref<64000xi32, #tpu.memory_space<hbm>> -> memref<80xi32, #tpu.memory_space<hbm>>
          %dma_start3A_44 = tpu.memref_slice %arg5[%add3A_32] : memref<64000xi32, #tpu.memory_space<hbm>> -> memref<80xi32, #tpu.memory_space<hbm>>
          tpu.enqueue_dma source(%dma_start3A_44 : memref<80xi32, #tpu.memory_space<hbm>>) target(%arg9 : memref<80xi32, #tpu.memory_space<vmem>>) target_semaphore(%run_scoped3A : memref<!tpu.dma_semaphore, #tpu.memory_space<semaphore_mem>>)
          %dma_wait3A_45 = tpu.memref_slice %arg5[%add3A_32] : memref<64000xi32, #tpu.memory_space<hbm>> -> memref<80xi32, #tpu.memory_space<hbm>>
          %dma_wait3A_46 = tpu.memref_slice %arg5[%add3A_32] : memref<64000xi32, #tpu.memory_space<hbm>> -> memref<80xi32, #tpu.memory_space<hbm>>
          tpu.wait_dma2 semaphore(%run_scoped3A : memref<!tpu.dma_semaphore, #tpu.memory_space<semaphore_mem>>) src(%dma_wait3A_46 : memref<80xi32, #tpu.memory_space<hbm>>) dst(%arg9 : memref<80xi32, #tpu.memory_space<vmem>>)
          tpu.yield
        }) : () -> ()
        %dma_start3A_33 = arith.constant 0 : i32
        %dma_start3A_34 = arith.constant 0 : i32
        %dma_start3A_35 = tpu.memref_slice %arg12[%dma_start3A_33, %dma_start3A_34] : memref<10000x128xf32, #tpu.memory_space<vmem_shared>> -> memref<10000x128xf32, #tpu.memory_space<vmem_shared>>
        tpu.enqueue_indirect_dma source(%dma_start3A_35 : memref<10000x128xf32, #tpu.memory_space<vmem_shared>>) target(%arg11 : memref<80x128xf32, #tpu.memory_space<vmem>>) offsets(%arg9 : memref<80xi32, #tpu.memory_space<vmem>>) semaphore(%arg14 : memref<!tpu.dma_semaphore, #tpu.memory_space<semaphore_mem>>)
        %dma_wait3A = arith.constant 0 : i32
        %dma_wait3A_36 = arith.constant 0 : i32
        %dma_wait3A_37 = tpu.memref_slice %arg12[%dma_wait3A, %dma_wait3A_36] : memref<10000x128xf32, #tpu.memory_space<vmem_shared>> -> memref<10000x128xf32, #tpu.memory_space<vmem_shared>>
        tpu.wait_indirect_dma semaphore(%arg13 : memref<!tpu.dma_semaphore, #tpu.memory_space<semaphore_mem>>) src(%dma_wait3A_37 : memref<10000x128xf32, #tpu.memory_space<vmem_shared>>) dst(%arg10 : memref<80x128xf32, #tpu.memory_space<vmem>>)
        "tpu.region"() ({
          %run_scoped3A = tpu.sem_alloc : memref<!tpu.dma_semaphore, #tpu.memory_space<semaphore_mem>>
          %dma_start3A_43 = arith.constant 0 : i32
          %dma_start3A_44 = tpu.memref_slice %arg7[%add3A, %dma_start3A_43] : memref<64000x128xf32, #tpu.memory_space<hbm>> -> memref<80x128xf32, #tpu.memory_space<hbm>>
          %dma_start3A_45 = arith.constant 0 : i32
          %dma_start3A_46 = tpu.memref_slice %arg7[%add3A, %dma_start3A_45] : memref<64000x128xf32, #tpu.memory_space<hbm>> -> memref<80x128xf32, #tpu.memory_space<hbm>>
          tpu.enqueue_dma source(%arg10 : memref<80x128xf32, #tpu.memory_space<vmem>>) target(%dma_start3A_46 : memref<80x128xf32, #tpu.memory_space<hbm>>) target_semaphore(%run_scoped3A : memref<!tpu.dma_semaphore, #tpu.memory_space<semaphore_mem>>)
          %dma_wait3A_47 = arith.constant 0 : i32
          %dma_wait3A_48 = tpu.memref_slice %arg7[%add3A, %dma_wait3A_47] : memref<64000x128xf32, #tpu.memory_space<hbm>> -> memref<80x128xf32, #tpu.memory_space<hbm>>
          %dma_wait3A_49 = arith.constant 0 : i32
          %dma_wait3A_50 = tpu.memref_slice %arg7[%add3A, %dma_wait3A_49] : memref<64000x128xf32, #tpu.memory_space<hbm>> -> memref<80x128xf32, #tpu.memory_space<hbm>>
          tpu.wait_dma2 semaphore(%run_scoped3A : memref<!tpu.dma_semaphore, #tpu.memory_space<semaphore_mem>>) src(%arg10 : memref<80x128xf32, #tpu.memory_space<vmem>>) dst(%dma_wait3A_50 : memref<80x128xf32, #tpu.memory_space<hbm>>)
          tpu.yield
        }) : () -> ()
        %dma_wait3A_38 = arith.constant 0 : i32
        %dma_wait3A_39 = arith.constant 0 : i32
        %dma_wait3A_40 = tpu.memref_slice %arg12[%dma_wait3A_38, %dma_wait3A_39] : memref<10000x128xf32, #tpu.memory_space<vmem_shared>> -> memref<10000x128xf32, #tpu.memory_space<vmem_shared>>
        tpu.wait_indirect_dma semaphore(%arg14 : memref<!tpu.dma_semaphore, #tpu.memory_space<semaphore_mem>>) src(%dma_wait3A_40 : memref<10000x128xf32, #tpu.memory_space<vmem_shared>>) dst(%arg11 : memref<80x128xf32, #tpu.memory_space<vmem>>)
        %add3A_41 = arith.constant 80 : i32
        %add3A_42 = arith.addi %add3A, %add3A_41 : i32
        "tpu.region"() ({
          %run_scoped3A = tpu.sem_alloc : memref<!tpu.dma_semaphore, #tpu.memory_space<semaphore_mem>>
          %dma_start3A_43 = arith.constant 0 : i32
          %dma_start3A_44 = tpu.memref_slice %arg7[%add3A_42, %dma_start3A_43] : memref<64000x128xf32, #tpu.memory_space<hbm>> -> memref<80x128xf32, #tpu.memory_space<hbm>>
          %dma_start3A_45 = arith.constant 0 : i32
          %dma_start3A_46 = tpu.memref_slice %arg7[%add3A_42, %dma_start3A_45] : memref<64000x128xf32, #tpu.memory_space<hbm>> -> memref<80x128xf32, #tpu.memory_space<hbm>>
          tpu.enqueue_dma source(%arg11 : memref<80x128xf32, #tpu.memory_space<vmem>>) target(%dma_start3A_46 : memref<80x128xf32, #tpu.memory_space<hbm>>) target_semaphore(%run_scoped3A : memref<!tpu.dma_semaphore, #tpu.memory_space<semaphore_mem>>)
          %dma_wait3A_47 = arith.constant 0 : i32
          %dma_wait3A_48 = tpu.memref_slice %arg7[%add3A_42, %dma_wait3A_47] : memref<64000x128xf32, #tpu.memory_space<hbm>> -> memref<80x128xf32, #tpu.memory_space<hbm>>
          %dma_wait3A_49 = arith.constant 0 : i32
          %dma_wait3A_50 = tpu.memref_slice %arg7[%add3A_42, %dma_wait3A_49] : memref<64000x128xf32, #tpu.memory_space<hbm>> -> memref<80x128xf32, #tpu.memory_space<hbm>>
          tpu.wait_dma2 semaphore(%run_scoped3A : memref<!tpu.dma_semaphore, #tpu.memory_space<semaphore_mem>>) src(%arg11 : memref<80x128xf32, #tpu.memory_space<vmem>>) dst(%dma_wait3A_50 : memref<80x128xf32, #tpu.memory_space<hbm>>)
          tpu.yield
        }) : () -> ()
      }
      %scan3A_23 = arith.constant 25 : i32
    } else {
    }
    return
  }
}

#map = affine_map<(d0, d1) -> (0, 0)>
#map1 = affine_map<(d0, d1) -> (0)>
module attributes {stable_mosaic.version = 14 : i64} {
  func.func @k(%arg0: i32, %arg1: i32, %arg2: memref<10000x128xf32, #tpu.memory_space<hbm>>, %arg3: memref<10000x128xf32, #tpu.memory_space<hbm>>, %arg4: memref<64000xi32, #tpu.memory_space<hbm>>, %arg5: memref<64000xi32, #tpu.memory_space<hbm>>, %arg6: memref<64000x128xf32, #tpu.memory_space<hbm>>, %arg7: memref<64000x128xf32, #tpu.memory_space<hbm>>, %arg8: memref<80xi32, #tpu.memory_space<vmem>>, %arg9: memref<80xi32, #tpu.memory_space<vmem>>, %arg10: memref<80x128xf32, #tpu.memory_space<vmem>>, %arg11: memref<80x128xf32, #tpu.memory_space<vmem>>, %arg12: memref<10000x128xf32, #tpu.memory_space<vmem_shared>>, %arg13: memref<!tpu.dma_semaphore, #tpu.memory_space<semaphore_mem>>, %arg14: memref<!tpu.dma_semaphore, #tpu.memory_space<semaphore_mem>>) attributes {dimension_semantics = [#tpu.dimension_semantics<core_parallel>, #tpu.dimension_semantics<subcore_parallel>], iteration_bounds = array<i64: 2, 16>, scalar_prefetch = 0 : i64, scratch_operands = 7 : i64, tpu.core_type = #tpu.core_type<sc_vector_subcore>, window_params = [{transform_indices = #map}, {transform_indices = #map}, {transform_indices = #map1}, {transform_indices = #map1}, {transform_indices = #map}, {transform_indices = #map}]} {
    %eq3A = arith.constant 0 : i32
    %eq3A_0 = arith.cmpi eq, %arg0, %eq3A : i32
    %convert_element_type3A = arith.extui %eq3A_0 : i1 to i32
    %cond3A = arith.constant 0 : i32
    %cond3A_1 = arith.cmpi ne, %convert_element_type3A, %cond3A : i32
    scf.if %cond3A_1 {
      %mul3A = arith.constant 640 : i32
      %mul3A_7 = arith.muli %arg1, %mul3A : i32
      %lt3A = arith.constant 15 : i32
      %lt3A_8 = arith.cmpi slt, %arg1, %lt3A : i32
      %convert_element_type3A_9 = arith.extui %lt3A_8 : i1 to i32
      %cond3A_10 = arith.constant 0 : i32
      %cond3A_11 = arith.cmpi ne, %convert_element_type3A_9, %cond3A_10 : i32
      scf.if %cond3A_11 {
        "tpu.region"() ({
          %run_scoped3A = tpu.sem_alloc : memref<!tpu.dma_semaphore, #tpu.memory_space<semaphore_mem>>
          %dma_start3A = arith.constant 0 : i32
          %dma_start3A_24 = tpu.memref_slice %arg12[%mul3A_7, %dma_start3A] : memref<10000x128xf32, #tpu.memory_space<vmem_shared>> -> memref<640x128xf32, #tpu.memory_space<vmem_shared>>
          %dma_start3A_25 = arith.constant 0 : i32
          %dma_start3A_26 = tpu.memref_slice %arg2[%mul3A_7, %dma_start3A_25] : memref<10000x128xf32, #tpu.memory_space<hbm>> -> memref<640x128xf32, #tpu.memory_space<hbm>>
          tpu.enqueue_dma source(%dma_start3A_26 : memref<640x128xf32, #tpu.memory_space<hbm>>) target(%dma_start3A_24 : memref<640x128xf32, #tpu.memory_space<vmem_shared>>) target_semaphore(%run_scoped3A : memref<!tpu.dma_semaphore, #tpu.memory_space<semaphore_mem>>)
          %dma_wait3A = arith.constant 0 : i32
          %dma_wait3A_27 = tpu.memref_slice %arg12[%mul3A_7, %dma_wait3A] : memref<10000x128xf32, #tpu.memory_space<vmem_shared>> -> memref<640x128xf32, #tpu.memory_space<vmem_shared>>
          %dma_wait3A_28 = arith.constant 0 : i32
          %dma_wait3A_29 = tpu.memref_slice %arg2[%mul3A_7, %dma_wait3A_28] : memref<10000x128xf32, #tpu.memory_space<hbm>> -> memref<640x128xf32, #tpu.memory_space<hbm>>
          tpu.wait_dma2 semaphore(%run_scoped3A : memref<!tpu.dma_semaphore, #tpu.memory_space<semaphore_mem>>) src(%dma_wait3A_29 : memref<640x128xf32, #tpu.memory_space<hbm>>) dst(%dma_wait3A_27 : memref<640x128xf32, #tpu.memory_space<vmem_shared>>)
          tpu.yield
        }) : () -> ()
      } else {
      }
      %eq3A_12 = arith.constant 15 : i32
      %eq3A_13 = arith.cmpi eq, %arg1, %eq3A_12 : i32
      %convert_element_type3A_14 = arith.extui %eq3A_13 : i1 to i32
      %cond3A_15 = arith.constant 0 : i32
      %cond3A_16 = arith.cmpi ne, %convert_element_type3A_14, %cond3A_15 : i32
      scf.if %cond3A_16 {
        "tpu.region"() ({
          %run_scoped3A = tpu.sem_alloc : memref<!tpu.dma_semaphore, #tpu.memory_space<semaphore_mem>>
          %dma_start3A = arith.constant 0 : i32
          %dma_start3A_24 = tpu.memref_slice %arg12[%mul3A_7, %dma_start3A] : memref<10000x128xf32, #tpu.memory_space<vmem_shared>> -> memref<400x128xf32, #tpu.memory_space<vmem_shared>>
          %dma_start3A_25 = arith.constant 0 : i32
          %dma_start3A_26 = tpu.memref_slice %arg2[%mul3A_7, %dma_start3A_25] : memref<10000x128xf32, #tpu.memory_space<hbm>> -> memref<400x128xf32, #tpu.memory_space<hbm>>
          tpu.enqueue_dma source(%dma_start3A_26 : memref<400x128xf32, #tpu.memory_space<hbm>>) target(%dma_start3A_24 : memref<400x128xf32, #tpu.memory_space<vmem_shared>>) target_semaphore(%run_scoped3A : memref<!tpu.dma_semaphore, #tpu.memory_space<semaphore_mem>>)
          %dma_wait3A = arith.constant 0 : i32
          %dma_wait3A_27 = tpu.memref_slice %arg12[%mul3A_7, %dma_wait3A] : memref<10000x128xf32, #tpu.memory_space<vmem_shared>> -> memref<400x128xf32, #tpu.memory_space<vmem_shared>>
          %dma_wait3A_28 = arith.constant 0 : i32
          %dma_wait3A_29 = tpu.memref_slice %arg2[%mul3A_7, %dma_wait3A_28] : memref<10000x128xf32, #tpu.memory_space<hbm>> -> memref<400x128xf32, #tpu.memory_space<hbm>>
          tpu.wait_dma2 semaphore(%run_scoped3A : memref<!tpu.dma_semaphore, #tpu.memory_space<semaphore_mem>>) src(%dma_wait3A_29 : memref<400x128xf32, #tpu.memory_space<hbm>>) dst(%dma_wait3A_27 : memref<400x128xf32, #tpu.memory_space<vmem_shared>>)
          tpu.yield
        }) : () -> ()
      } else {
      }
      %barrier3A = arith.constant 0 : index
      tpu.barrier barrier_id(%barrier3A)
      %mul3A_17 = arith.constant 4000 : i32
      %mul3A_18 = arith.muli %arg1, %mul3A_17 : i32
      %scan3A = arith.constant 0 : i32
      %scan3A_19 = arith.constant 0 : i32
      %scan3A_20 = arith.constant 25 : i32
      %scan3A_21 = arith.addi %scan3A_19, %scan3A_20 : i32
      %scan3A_22 = arith.constant 1 : i32
      scf.for %scan3A_24 = %scan3A_19 to %scan3A_21 step %scan3A_22  : i32 {
        %mul3A_25 = arith.constant 2 : i32
        %mul3A_26 = arith.muli %mul3A_25, %scan3A_24 : i32
        %mul3A_27 = arith.constant 80 : i32
        %mul3A_28 = arith.muli %mul3A_26, %mul3A_27 : i32
        %add3A = arith.addi %mul3A_18, %mul3A_28 : i32
        "tpu.region"() ({
          %run_scoped3A = tpu.sem_alloc : memref<!tpu.dma_semaphore, #tpu.memory_space<semaphore_mem>>
          %dma_start3A_43 = tpu.memref_slice %arg4[%add3A] : memref<64000xi32, #tpu.memory_space<hbm>> -> memref<80xi32, #tpu.memory_space<hbm>>
          %dma_start3A_44 = tpu.memref_slice %arg4[%add3A] : memref<64000xi32, #tpu.memory_space<hbm>> -> memref<80xi32, #tpu.memory_space<hbm>>
          tpu.enqueue_dma source(%dma_start3A_44 : memref<80xi32, #tpu.memory_space<hbm>>) target(%arg8 : memref<80xi32, #tpu.memory_space<vmem>>) target_semaphore(%run_scoped3A : memref<!tpu.dma_semaphore, #tpu.memory_space<semaphore_mem>>)
          %dma_wait3A_45 = tpu.memref_slice %arg4[%add3A] : memref<64000xi32, #tpu.memory_space<hbm>> -> memref<80xi32, #tpu.memory_space<hbm>>
          %dma_wait3A_46 = tpu.memref_slice %arg4[%add3A] : memref<64000xi32, #tpu.memory_space<hbm>> -> memref<80xi32, #tpu.memory_space<hbm>>
          tpu.wait_dma2 semaphore(%run_scoped3A : memref<!tpu.dma_semaphore, #tpu.memory_space<semaphore_mem>>) src(%dma_wait3A_46 : memref<80xi32, #tpu.memory_space<hbm>>) dst(%arg8 : memref<80xi32, #tpu.memory_space<vmem>>)
          tpu.yield
        }) : () -> ()
        %dma_start3A = arith.constant 0 : i32
        %dma_start3A_29 = arith.constant 0 : i32
        %dma_start3A_30 = tpu.memref_slice %arg12[%dma_start3A, %dma_start3A_29] : memref<10000x128xf32, #tpu.memory_space<vmem_shared>> -> memref<10000x128xf32, #tpu.memory_space<vmem_shared>>
        tpu.enqueue_indirect_dma source(%dma_start3A_30 : memref<10000x128xf32, #tpu.memory_space<vmem_shared>>) target(%arg10 : memref<80x128xf32, #tpu.memory_space<vmem>>) offsets(%arg8 : memref<80xi32, #tpu.memory_space<vmem>>) semaphore(%arg13 : memref<!tpu.dma_semaphore, #tpu.memory_space<semaphore_mem>>)
        %add3A_31 = arith.constant 80 : i32
        %add3A_32 = arith.addi %add3A, %add3A_31 : i32
        "tpu.region"() ({
          %run_scoped3A = tpu.sem_alloc : memref<!tpu.dma_semaphore, #tpu.memory_space<semaphore_mem>>
          %dma_start3A_43 = tpu.memref_slice %arg4[%add3A_32] : memref<64000xi32, #tpu.memory_space<hbm>> -> memref<80xi32, #tpu.memory_space<hbm>>
          %dma_start3A_44 = tpu.memref_slice %arg4[%add3A_32] : memref<64000xi32, #tpu.memory_space<hbm>> -> memref<80xi32, #tpu.memory_space<hbm>>
          tpu.enqueue_dma source(%dma_start3A_44 : memref<80xi32, #tpu.memory_space<hbm>>) target(%arg9 : memref<80xi32, #tpu.memory_space<vmem>>) target_semaphore(%run_scoped3A : memref<!tpu.dma_semaphore, #tpu.memory_space<semaphore_mem>>)
          %dma_wait3A_45 = tpu.memref_slice %arg4[%add3A_32] : memref<64000xi32, #tpu.memory_space<hbm>> -> memref<80xi32, #tpu.memory_space<hbm>>
          %dma_wait3A_46 = tpu.memref_slice %arg4[%add3A_32] : memref<64000xi32, #tpu.memory_space<hbm>> -> memref<80xi32, #tpu.memory_space<hbm>>
          tpu.wait_dma2 semaphore(%run_scoped3A : memref<!tpu.dma_semaphore, #tpu.memory_space<semaphore_mem>>) src(%dma_wait3A_46 : memref<80xi32, #tpu.memory_space<hbm>>) dst(%arg9 : memref<80xi32, #tpu.memory_space<vmem>>)
          tpu.yield
        }) : () -> ()
        %dma_start3A_33 = arith.constant 0 : i32
        %dma_start3A_34 = arith.constant 0 : i32
        %dma_start3A_35 = tpu.memref_slice %arg12[%dma_start3A_33, %dma_start3A_34] : memref<10000x128xf32, #tpu.memory_space<vmem_shared>> -> memref<10000x128xf32, #tpu.memory_space<vmem_shared>>
        tpu.enqueue_indirect_dma source(%dma_start3A_35 : memref<10000x128xf32, #tpu.memory_space<vmem_shared>>) target(%arg11 : memref<80x128xf32, #tpu.memory_space<vmem>>) offsets(%arg9 : memref<80xi32, #tpu.memory_space<vmem>>) semaphore(%arg14 : memref<!tpu.dma_semaphore, #tpu.memory_space<semaphore_mem>>)
        %dma_wait3A = arith.constant 0 : i32
        %dma_wait3A_36 = arith.constant 0 : i32
        %dma_wait3A_37 = tpu.memref_slice %arg12[%dma_wait3A, %dma_wait3A_36] : memref<10000x128xf32, #tpu.memory_space<vmem_shared>> -> memref<10000x128xf32, #tpu.memory_space<vmem_shared>>
        tpu.wait_indirect_dma semaphore(%arg13 : memref<!tpu.dma_semaphore, #tpu.memory_space<semaphore_mem>>) src(%dma_wait3A_37 : memref<10000x128xf32, #tpu.memory_space<vmem_shared>>) dst(%arg10 : memref<80x128xf32, #tpu.memory_space<vmem>>)
        "tpu.region"() ({
          %run_scoped3A = tpu.sem_alloc : memref<!tpu.dma_semaphore, #tpu.memory_space<semaphore_mem>>
          %dma_start3A_43 = arith.constant 0 : i32
          %dma_start3A_44 = tpu.memref_slice %arg6[%add3A, %dma_start3A_43] : memref<64000x128xf32, #tpu.memory_space<hbm>> -> memref<80x128xf32, #tpu.memory_space<hbm>>
          %dma_start3A_45 = arith.constant 0 : i32
          %dma_start3A_46 = tpu.memref_slice %arg6[%add3A, %dma_start3A_45] : memref<64000x128xf32, #tpu.memory_space<hbm>> -> memref<80x128xf32, #tpu.memory_space<hbm>>
          tpu.enqueue_dma source(%arg10 : memref<80x128xf32, #tpu.memory_space<vmem>>) target(%dma_start3A_46 : memref<80x128xf32, #tpu.memory_space<hbm>>) target_semaphore(%run_scoped3A : memref<!tpu.dma_semaphore, #tpu.memory_space<semaphore_mem>>)
          %dma_wait3A_47 = arith.constant 0 : i32
          %dma_wait3A_48 = tpu.memref_slice %arg6[%add3A, %dma_wait3A_47] : memref<64000x128xf32, #tpu.memory_space<hbm>> -> memref<80x128xf32, #tpu.memory_space<hbm>>
          %dma_wait3A_49 = arith.constant 0 : i32
          %dma_wait3A_50 = tpu.memref_slice %arg6[%add3A, %dma_wait3A_49] : memref<64000x128xf32, #tpu.memory_space<hbm>> -> memref<80x128xf32, #tpu.memory_space<hbm>>
          tpu.wait_dma2 semaphore(%run_scoped3A : memref<!tpu.dma_semaphore, #tpu.memory_space<semaphore_mem>>) src(%arg10 : memref<80x128xf32, #tpu.memory_space<vmem>>) dst(%dma_wait3A_50 : memref<80x128xf32, #tpu.memory_space<hbm>>)
          tpu.yield
        }) : () -> ()
        %dma_wait3A_38 = arith.constant 0 : i32
        %dma_wait3A_39 = arith.constant 0 : i32
        %dma_wait3A_40 = tpu.memref_slice %arg12[%dma_wait3A_38, %dma_wait3A_39] : memref<10000x128xf32, #tpu.memory_space<vmem_shared>> -> memref<10000x128xf32, #tpu.memory_space<vmem_shared>>
        tpu.wait_indirect_dma semaphore(%arg14 : memref<!tpu.dma_semaphore, #tpu.memory_space<semaphore_mem>>) src(%dma_wait3A_40 : memref<10000x128xf32, #tpu.memory_space<vmem_shared>>) dst(%arg11 : memref<80x128xf32, #tpu.memory_space<vmem>>)
        %add3A_41 = arith.constant 80 : i32
        %add3A_42 = arith.addi %add3A, %add3A_41 : i32
        "tpu.region"() ({
          %run_scoped3A = tpu.sem_alloc : memref<!tpu.dma_semaphore, #tpu.memory_space<semaphore_mem>>
          %dma_start3A_43 = arith.constant 0 : i32
          %dma_start3A_44 = tpu.memref_slice %arg6[%add3A_42, %dma_start3A_43] : memref<64000x128xf32, #tpu.memory_space<hbm>> -> memref<80x128xf32, #tpu.memory_space<hbm>>
          %dma_start3A_45 = arith.constant 0 : i32
          %dma_start3A_46 = tpu.memref_slice %arg6[%add3A_42, %dma_start3A_45] : memref<64000x128xf32, #tpu.memory_space<hbm>> -> memref<80x128xf32, #tpu.memory_space<hbm>>
          tpu.enqueue_dma source(%arg11 : memref<80x128xf32, #tpu.memory_space<vmem>>) target(%dma_start3A_46 : memref<80x128xf32, #tpu.memory_space<hbm>>) target_semaphore(%run_scoped3A : memref<!tpu.dma_semaphore, #tpu.memory_space<semaphore_mem>>)
          %dma_wait3A_47 = arith.constant 0 : i32
          %dma_wait3A_48 = tpu.memref_slice %arg6[%add3A_42, %dma_wait3A_47] : memref<64000x128xf32, #tpu.memory_space<hbm>> -> memref<80x128xf32, #tpu.memory_space<hbm>>
          %dma_wait3A_49 = arith.constant 0 : i32
          %dma_wait3A_50 = tpu.memref_slice %arg6[%add3A_42, %dma_wait3A_49] : memref<64000x128xf32, #tpu.memory_space<hbm>> -> memref<80x128xf32, #tpu.memory_space<hbm>>
          tpu.wait_dma2 semaphore(%run_scoped3A : memref<!tpu.dma_semaphore, #tpu.memory_space<semaphore_mem>>) src(%arg11 : memref<80x128xf32, #tpu.memory_space<vmem>>) dst(%dma_wait3A_50 : memref<80x128xf32, #tpu.memory_space<hbm>>)
          tpu.yield
        }) : () -> ()
      }
      %scan3A_23 = arith.constant 25 : i32
    } else {
    }
    %eq3A_2 = arith.constant 1 : i32
    %eq3A_3 = arith.cmpi eq, %arg0, %eq3A_2 : i32
    %convert_element_type3A_4 = arith.extui %eq3A_3 : i1 to i32
    %cond3A_5 = arith.constant 0 : i32
    %cond3A_6 = arith.cmpi ne, %convert_element_type3A_4, %cond3A_5 : i32
    scf.if %cond3A_6 {
      %mul3A = arith.constant 640 : i32
      %mul3A_7 = arith.muli %arg1, %mul3A : i32
      %lt3A = arith.constant 15 : i32
      %lt3A_8 = arith.cmpi slt, %arg1, %lt3A : i32
      %convert_element_type3A_9 = arith.extui %lt3A_8 : i1 to i32
      %cond3A_10 = arith.constant 0 : i32
      %cond3A_11 = arith.cmpi ne, %convert_element_type3A_9, %cond3A_10 : i32
      scf.if %cond3A_11 {
        "tpu.region"() ({
          %run_scoped3A = tpu.sem_alloc : memref<!tpu.dma_semaphore, #tpu.memory_space<semaphore_mem>>
          %dma_start3A = arith.constant 0 : i32
          %dma_start3A_24 = tpu.memref_slice %arg12[%mul3A_7, %dma_start3A] : memref<10000x128xf32, #tpu.memory_space<vmem_shared>> -> memref<640x128xf32, #tpu.memory_space<vmem_shared>>
          %dma_start3A_25 = arith.constant 0 : i32
          %dma_start3A_26 = tpu.memref_slice %arg3[%mul3A_7, %dma_start3A_25] : memref<10000x128xf32, #tpu.memory_space<hbm>> -> memref<640x128xf32, #tpu.memory_space<hbm>>
          tpu.enqueue_dma source(%dma_start3A_26 : memref<640x128xf32, #tpu.memory_space<hbm>>) target(%dma_start3A_24 : memref<640x128xf32, #tpu.memory_space<vmem_shared>>) target_semaphore(%run_scoped3A : memref<!tpu.dma_semaphore, #tpu.memory_space<semaphore_mem>>)
          %dma_wait3A = arith.constant 0 : i32
          %dma_wait3A_27 = tpu.memref_slice %arg12[%mul3A_7, %dma_wait3A] : memref<10000x128xf32, #tpu.memory_space<vmem_shared>> -> memref<640x128xf32, #tpu.memory_space<vmem_shared>>
          %dma_wait3A_28 = arith.constant 0 : i32
          %dma_wait3A_29 = tpu.memref_slice %arg3[%mul3A_7, %dma_wait3A_28] : memref<10000x128xf32, #tpu.memory_space<hbm>> -> memref<640x128xf32, #tpu.memory_space<hbm>>
          tpu.wait_dma2 semaphore(%run_scoped3A : memref<!tpu.dma_semaphore, #tpu.memory_space<semaphore_mem>>) src(%dma_wait3A_29 : memref<640x128xf32, #tpu.memory_space<hbm>>) dst(%dma_wait3A_27 : memref<640x128xf32, #tpu.memory_space<vmem_shared>>)
          tpu.yield
        }) : () -> ()
      } else {
      }
      %eq3A_12 = arith.constant 15 : i32
      %eq3A_13 = arith.cmpi eq, %arg1, %eq3A_12 : i32
      %convert_element_type3A_14 = arith.extui %eq3A_13 : i1 to i32
      %cond3A_15 = arith.constant 0 : i32
      %cond3A_16 = arith.cmpi ne, %convert_element_type3A_14, %cond3A_15 : i32
      scf.if %cond3A_16 {
        "tpu.region"() ({
          %run_scoped3A = tpu.sem_alloc : memref<!tpu.dma_semaphore, #tpu.memory_space<semaphore_mem>>
          %dma_start3A = arith.constant 0 : i32
          %dma_start3A_24 = tpu.memref_slice %arg12[%mul3A_7, %dma_start3A] : memref<10000x128xf32, #tpu.memory_space<vmem_shared>> -> memref<400x128xf32, #tpu.memory_space<vmem_shared>>
          %dma_start3A_25 = arith.constant 0 : i32
          %dma_start3A_26 = tpu.memref_slice %arg3[%mul3A_7, %dma_start3A_25] : memref<10000x128xf32, #tpu.memory_space<hbm>> -> memref<400x128xf32, #tpu.memory_space<hbm>>
          tpu.enqueue_dma source(%dma_start3A_26 : memref<400x128xf32, #tpu.memory_space<hbm>>) target(%dma_start3A_24 : memref<400x128xf32, #tpu.memory_space<vmem_shared>>) target_semaphore(%run_scoped3A : memref<!tpu.dma_semaphore, #tpu.memory_space<semaphore_mem>>)
          %dma_wait3A = arith.constant 0 : i32
          %dma_wait3A_27 = tpu.memref_slice %arg12[%mul3A_7, %dma_wait3A] : memref<10000x128xf32, #tpu.memory_space<vmem_shared>> -> memref<400x128xf32, #tpu.memory_space<vmem_shared>>
          %dma_wait3A_28 = arith.constant 0 : i32
          %dma_wait3A_29 = tpu.memref_slice %arg3[%mul3A_7, %dma_wait3A_28] : memref<10000x128xf32, #tpu.memory_space<hbm>> -> memref<400x128xf32, #tpu.memory_space<hbm>>
          tpu.wait_dma2 semaphore(%run_scoped3A : memref<!tpu.dma_semaphore, #tpu.memory_space<semaphore_mem>>) src(%dma_wait3A_29 : memref<400x128xf32, #tpu.memory_space<hbm>>) dst(%dma_wait3A_27 : memref<400x128xf32, #tpu.memory_space<vmem_shared>>)
          tpu.yield
        }) : () -> ()
      } else {
      }
      %barrier3A = arith.constant 0 : index
      tpu.barrier barrier_id(%barrier3A)
      %mul3A_17 = arith.constant 4000 : i32
      %mul3A_18 = arith.muli %arg1, %mul3A_17 : i32
      %scan3A = arith.constant 0 : i32
      %scan3A_19 = arith.constant 0 : i32
      %scan3A_20 = arith.constant 25 : i32
      %scan3A_21 = arith.addi %scan3A_19, %scan3A_20 : i32
      %scan3A_22 = arith.constant 1 : i32
      scf.for %scan3A_24 = %scan3A_19 to %scan3A_21 step %scan3A_22  : i32 {
        %mul3A_25 = arith.constant 2 : i32
        %mul3A_26 = arith.muli %mul3A_25, %scan3A_24 : i32
        %mul3A_27 = arith.constant 80 : i32
        %mul3A_28 = arith.muli %mul3A_26, %mul3A_27 : i32
        %add3A = arith.addi %mul3A_18, %mul3A_28 : i32
        "tpu.region"() ({
          %run_scoped3A = tpu.sem_alloc : memref<!tpu.dma_semaphore, #tpu.memory_space<semaphore_mem>>
          %dma_start3A_43 = tpu.memref_slice %arg5[%add3A] : memref<64000xi32, #tpu.memory_space<hbm>> -> memref<80xi32, #tpu.memory_space<hbm>>
          %dma_start3A_44 = tpu.memref_slice %arg5[%add3A] : memref<64000xi32, #tpu.memory_space<hbm>> -> memref<80xi32, #tpu.memory_space<hbm>>
          tpu.enqueue_dma source(%dma_start3A_44 : memref<80xi32, #tpu.memory_space<hbm>>) target(%arg8 : memref<80xi32, #tpu.memory_space<vmem>>) target_semaphore(%run_scoped3A : memref<!tpu.dma_semaphore, #tpu.memory_space<semaphore_mem>>)
          %dma_wait3A_45 = tpu.memref_slice %arg5[%add3A] : memref<64000xi32, #tpu.memory_space<hbm>> -> memref<80xi32, #tpu.memory_space<hbm>>
          %dma_wait3A_46 = tpu.memref_slice %arg5[%add3A] : memref<64000xi32, #tpu.memory_space<hbm>> -> memref<80xi32, #tpu.memory_space<hbm>>
          tpu.wait_dma2 semaphore(%run_scoped3A : memref<!tpu.dma_semaphore, #tpu.memory_space<semaphore_mem>>) src(%dma_wait3A_46 : memref<80xi32, #tpu.memory_space<hbm>>) dst(%arg8 : memref<80xi32, #tpu.memory_space<vmem>>)
          tpu.yield
        }) : () -> ()
        %dma_start3A = arith.constant 0 : i32
        %dma_start3A_29 = arith.constant 0 : i32
        %dma_start3A_30 = tpu.memref_slice %arg12[%dma_start3A, %dma_start3A_29] : memref<10000x128xf32, #tpu.memory_space<vmem_shared>> -> memref<10000x128xf32, #tpu.memory_space<vmem_shared>>
        tpu.enqueue_indirect_dma source(%dma_start3A_30 : memref<10000x128xf32, #tpu.memory_space<vmem_shared>>) target(%arg10 : memref<80x128xf32, #tpu.memory_space<vmem>>) offsets(%arg8 : memref<80xi32, #tpu.memory_space<vmem>>) semaphore(%arg13 : memref<!tpu.dma_semaphore, #tpu.memory_space<semaphore_mem>>)
        %add3A_31 = arith.constant 80 : i32
        %add3A_32 = arith.addi %add3A, %add3A_31 : i32
        "tpu.region"() ({
          %run_scoped3A = tpu.sem_alloc : memref<!tpu.dma_semaphore, #tpu.memory_space<semaphore_mem>>
          %dma_start3A_43 = tpu.memref_slice %arg5[%add3A_32] : memref<64000xi32, #tpu.memory_space<hbm>> -> memref<80xi32, #tpu.memory_space<hbm>>
          %dma_start3A_44 = tpu.memref_slice %arg5[%add3A_32] : memref<64000xi32, #tpu.memory_space<hbm>> -> memref<80xi32, #tpu.memory_space<hbm>>
          tpu.enqueue_dma source(%dma_start3A_44 : memref<80xi32, #tpu.memory_space<hbm>>) target(%arg9 : memref<80xi32, #tpu.memory_space<vmem>>) target_semaphore(%run_scoped3A : memref<!tpu.dma_semaphore, #tpu.memory_space<semaphore_mem>>)
          %dma_wait3A_45 = tpu.memref_slice %arg5[%add3A_32] : memref<64000xi32, #tpu.memory_space<hbm>> -> memref<80xi32, #tpu.memory_space<hbm>>
          %dma_wait3A_46 = tpu.memref_slice %arg5[%add3A_32] : memref<64000xi32, #tpu.memory_space<hbm>> -> memref<80xi32, #tpu.memory_space<hbm>>
          tpu.wait_dma2 semaphore(%run_scoped3A : memref<!tpu.dma_semaphore, #tpu.memory_space<semaphore_mem>>) src(%dma_wait3A_46 : memref<80xi32, #tpu.memory_space<hbm>>) dst(%arg9 : memref<80xi32, #tpu.memory_space<vmem>>)
          tpu.yield
        }) : () -> ()
        %dma_start3A_33 = arith.constant 0 : i32
        %dma_start3A_34 = arith.constant 0 : i32
        %dma_start3A_35 = tpu.memref_slice %arg12[%dma_start3A_33, %dma_start3A_34] : memref<10000x128xf32, #tpu.memory_space<vmem_shared>> -> memref<10000x128xf32, #tpu.memory_space<vmem_shared>>
        tpu.enqueue_indirect_dma source(%dma_start3A_35 : memref<10000x128xf32, #tpu.memory_space<vmem_shared>>) target(%arg11 : memref<80x128xf32, #tpu.memory_space<vmem>>) offsets(%arg9 : memref<80xi32, #tpu.memory_space<vmem>>) semaphore(%arg14 : memref<!tpu.dma_semaphore, #tpu.memory_space<semaphore_mem>>)
        %dma_wait3A = arith.constant 0 : i32
        %dma_wait3A_36 = arith.constant 0 : i32
        %dma_wait3A_37 = tpu.memref_slice %arg12[%dma_wait3A, %dma_wait3A_36] : memref<10000x128xf32, #tpu.memory_space<vmem_shared>> -> memref<10000x128xf32, #tpu.memory_space<vmem_shared>>
        tpu.wait_indirect_dma semaphore(%arg13 : memref<!tpu.dma_semaphore, #tpu.memory_space<semaphore_mem>>) src(%dma_wait3A_37 : memref<10000x128xf32, #tpu.memory_space<vmem_shared>>) dst(%arg10 : memref<80x128xf32, #tpu.memory_space<vmem>>)
        "tpu.region"() ({
          %run_scoped3A = tpu.sem_alloc : memref<!tpu.dma_semaphore, #tpu.memory_space<semaphore_mem>>
          %dma_start3A_43 = arith.constant 0 : i32
          %dma_start3A_44 = tpu.memref_slice %arg7[%add3A, %dma_start3A_43] : memref<64000x128xf32, #tpu.memory_space<hbm>> -> memref<80x128xf32, #tpu.memory_space<hbm>>
          %dma_start3A_45 = arith.constant 0 : i32
          %dma_start3A_46 = tpu.memref_slice %arg7[%add3A, %dma_start3A_45] : memref<64000x128xf32, #tpu.memory_space<hbm>> -> memref<80x128xf32, #tpu.memory_space<hbm>>
          tpu.enqueue_dma source(%arg10 : memref<80x128xf32, #tpu.memory_space<vmem>>) target(%dma_start3A_46 : memref<80x128xf32, #tpu.memory_space<hbm>>) target_semaphore(%run_scoped3A : memref<!tpu.dma_semaphore, #tpu.memory_space<semaphore_mem>>)
          %dma_wait3A_47 = arith.constant 0 : i32
          %dma_wait3A_48 = tpu.memref_slice %arg7[%add3A, %dma_wait3A_47] : memref<64000x128xf32, #tpu.memory_space<hbm>> -> memref<80x128xf32, #tpu.memory_space<hbm>>
          %dma_wait3A_49 = arith.constant 0 : i32
          %dma_wait3A_50 = tpu.memref_slice %arg7[%add3A, %dma_wait3A_49] : memref<64000x128xf32, #tpu.memory_space<hbm>> -> memref<80x128xf32, #tpu.memory_space<hbm>>
          tpu.wait_dma2 semaphore(%run_scoped3A : memref<!tpu.dma_semaphore, #tpu.memory_space<semaphore_mem>>) src(%arg10 : memref<80x128xf32, #tpu.memory_space<vmem>>) dst(%dma_wait3A_50 : memref<80x128xf32, #tpu.memory_space<hbm>>)
          tpu.yield
        }) : () -> ()
        %dma_wait3A_38 = arith.constant 0 : i32
        %dma_wait3A_39 = arith.constant 0 : i32
        %dma_wait3A_40 = tpu.memref_slice %arg12[%dma_wait3A_38, %dma_wait3A_39] : memref<10000x128xf32, #tpu.memory_space<vmem_shared>> -> memref<10000x128xf32, #tpu.memory_space<vmem_shared>>
        tpu.wait_indirect_dma semaphore(%arg14 : memref<!tpu.dma_semaphore, #tpu.memory_space<semaphore_mem>>) src(%dma_wait3A_40 : memref<10000x128xf32, #tpu.memory_space<vmem_shared>>) dst(%arg11 : memref<80x128xf32, #tpu.memory_space<vmem>>)
        %add3A_41 = arith.constant 80 : i32
        %add3A_42 = arith.addi %add3A, %add3A_41 : i32
        "tpu.region"() ({
          %run_scoped3A = tpu.sem_alloc : memref<!tpu.dma_semaphore, #tpu.memory_space<semaphore_mem>>
          %dma_start3A_43 = arith.constant 0 : i32
          %dma_start3A_44 = tpu.memref_slice %arg7[%add3A_42, %dma_start3A_43] : memref<64000x128xf32, #tpu.memory_space<hbm>> -> memref<80x128xf32, #tpu.memory_space<hbm>>
          %dma_start3A_45 = arith.constant 0 : i32
          %dma_start3A_46 = tpu.memref_slice %arg7[%add3A_42, %dma_start3A_45] : memref<64000x128xf32, #tpu.memory_space<hbm>> -> memref<80x128xf32, #tpu.memory_space<hbm>>
          tpu.enqueue_dma source(%arg11 : memref<80x128xf32, #tpu.memory_space<vmem>>) target(%dma_start3A_46 : memref<80x128xf32, #tpu.memory_space<hbm>>) target_semaphore(%run_scoped3A : memref<!tpu.dma_semaphore, #tpu.memory_space<semaphore_mem>>)
          %dma_wait3A_47 = arith.constant 0 : i32
          %dma_wait3A_48 = tpu.memref_slice %arg7[%add3A_42, %dma_wait3A_47] : memref<64000x128xf32, #tpu.memory_space<hbm>> -> memref<80x128xf32, #tpu.memory_space<hbm>>
          %dma_wait3A_49 = arith.constant 0 : i32
          %dma_wait3A_50 = tpu.memref_slice %arg7[%add3A_42, %dma_wait3A_49] : memref<64000x128xf32, #tpu.memory_space<hbm>> -> memref<80x128xf32, #tpu.memory_space<hbm>>
          tpu.wait_dma2 semaphore(%run_scoped3A : memref<!tpu.dma_semaphore, #tpu.memory_space<semaphore_mem>>) src(%arg11 : memref<80x128xf32, #tpu.memory_space<vmem>>) dst(%dma_wait3A_50 : memref<80x128xf32, #tpu.memory_space<hbm>>)
          tpu.yield
        }) : () -> ()
      }
      %scan3A_23 = arith.constant 25 : i32
    } else {
    }
    return
  }
}

#map = affine_map<(d0, d1) -> (0, 0)>
#map1 = affine_map<(d0, d1) -> (0)>
module attributes {stable_mosaic.version = 14 : i64} {
  func.func @k(%arg0: i32, %arg1: i32, %arg2: memref<10000x128xf32, #tpu.memory_space<hbm>>, %arg3: memref<10000x128xf32, #tpu.memory_space<hbm>>, %arg4: memref<64000xi32, #tpu.memory_space<hbm>>, %arg5: memref<64000xi32, #tpu.memory_space<hbm>>, %arg6: memref<64000x128xf32, #tpu.memory_space<hbm>>, %arg7: memref<64000x128xf32, #tpu.memory_space<hbm>>, %arg8: memref<80xi32, #tpu.memory_space<vmem>>, %arg9: memref<80xi32, #tpu.memory_space<vmem>>, %arg10: memref<80x128xf32, #tpu.memory_space<vmem>>, %arg11: memref<80x128xf32, #tpu.memory_space<vmem>>, %arg12: memref<10000x128xf32, #tpu.memory_space<vmem_shared>>, %arg13: memref<!tpu.dma_semaphore, #tpu.memory_space<semaphore_mem>>, %arg14: memref<!tpu.dma_semaphore, #tpu.memory_space<semaphore_mem>>) attributes {dimension_semantics = [#tpu.dimension_semantics<core_parallel>, #tpu.dimension_semantics<subcore_parallel>], iteration_bounds = array<i64: 2, 16>, scalar_prefetch = 0 : i64, scratch_operands = 7 : i64, tpu.core_type = #tpu.core_type<sc_vector_subcore>, window_params = [{transform_indices = #map}, {transform_indices = #map}, {transform_indices = #map1}, {transform_indices = #map1}, {transform_indices = #map}, {transform_indices = #map}]} {
    %eq3A = arith.constant 0 : i32
    %eq3A_0 = arith.cmpi eq, %arg0, %eq3A : i32
    %convert_element_type3A = arith.extui %eq3A_0 : i1 to i32
    %cond3A = arith.constant 0 : i32
    %cond3A_1 = arith.cmpi ne, %convert_element_type3A, %cond3A : i32
    scf.if %cond3A_1 {
      %mul3A = arith.constant 640 : i32
      %mul3A_7 = arith.muli %arg1, %mul3A : i32
      %lt3A = arith.constant 15 : i32
      %lt3A_8 = arith.cmpi slt, %arg1, %lt3A : i32
      %convert_element_type3A_9 = arith.extui %lt3A_8 : i1 to i32
      %cond3A_10 = arith.constant 0 : i32
      %cond3A_11 = arith.cmpi ne, %convert_element_type3A_9, %cond3A_10 : i32
      scf.if %cond3A_11 {
        "tpu.region"() ({
          %run_scoped3A = tpu.sem_alloc : memref<!tpu.dma_semaphore, #tpu.memory_space<semaphore_mem>>
          %dma_start3A = arith.constant 0 : i32
          %dma_start3A_24 = tpu.memref_slice %arg12[%mul3A_7, %dma_start3A] : memref<10000x128xf32, #tpu.memory_space<vmem_shared>> -> memref<640x128xf32, #tpu.memory_space<vmem_shared>>
          %dma_start3A_25 = arith.constant 0 : i32
          %dma_start3A_26 = tpu.memref_slice %arg2[%mul3A_7, %dma_start3A_25] : memref<10000x128xf32, #tpu.memory_space<hbm>> -> memref<640x128xf32, #tpu.memory_space<hbm>>
          tpu.enqueue_dma source(%dma_start3A_26 : memref<640x128xf32, #tpu.memory_space<hbm>>) target(%dma_start3A_24 : memref<640x128xf32, #tpu.memory_space<vmem_shared>>) target_semaphore(%run_scoped3A : memref<!tpu.dma_semaphore, #tpu.memory_space<semaphore_mem>>)
          %dma_wait3A = arith.constant 0 : i32
          %dma_wait3A_27 = tpu.memref_slice %arg12[%mul3A_7, %dma_wait3A] : memref<10000x128xf32, #tpu.memory_space<vmem_shared>> -> memref<640x128xf32, #tpu.memory_space<vmem_shared>>
          %dma_wait3A_28 = arith.constant 0 : i32
          %dma_wait3A_29 = tpu.memref_slice %arg2[%mul3A_7, %dma_wait3A_28] : memref<10000x128xf32, #tpu.memory_space<hbm>> -> memref<640x128xf32, #tpu.memory_space<hbm>>
          tpu.wait_dma2 semaphore(%run_scoped3A : memref<!tpu.dma_semaphore, #tpu.memory_space<semaphore_mem>>) src(%dma_wait3A_29 : memref<640x128xf32, #tpu.memory_space<hbm>>) dst(%dma_wait3A_27 : memref<640x128xf32, #tpu.memory_space<vmem_shared>>)
          tpu.yield
        }) : () -> ()
      } else {
      }
      %eq3A_12 = arith.constant 15 : i32
      %eq3A_13 = arith.cmpi eq, %arg1, %eq3A_12 : i32
      %convert_element_type3A_14 = arith.extui %eq3A_13 : i1 to i32
      %cond3A_15 = arith.constant 0 : i32
      %cond3A_16 = arith.cmpi ne, %convert_element_type3A_14, %cond3A_15 : i32
      scf.if %cond3A_16 {
        "tpu.region"() ({
          %run_scoped3A = tpu.sem_alloc : memref<!tpu.dma_semaphore, #tpu.memory_space<semaphore_mem>>
          %dma_start3A = arith.constant 0 : i32
          %dma_start3A_24 = tpu.memref_slice %arg12[%mul3A_7, %dma_start3A] : memref<10000x128xf32, #tpu.memory_space<vmem_shared>> -> memref<400x128xf32, #tpu.memory_space<vmem_shared>>
          %dma_start3A_25 = arith.constant 0 : i32
          %dma_start3A_26 = tpu.memref_slice %arg2[%mul3A_7, %dma_start3A_25] : memref<10000x128xf32, #tpu.memory_space<hbm>> -> memref<400x128xf32, #tpu.memory_space<hbm>>
          tpu.enqueue_dma source(%dma_start3A_26 : memref<400x128xf32, #tpu.memory_space<hbm>>) target(%dma_start3A_24 : memref<400x128xf32, #tpu.memory_space<vmem_shared>>) target_semaphore(%run_scoped3A : memref<!tpu.dma_semaphore, #tpu.memory_space<semaphore_mem>>)
          %dma_wait3A = arith.constant 0 : i32
          %dma_wait3A_27 = tpu.memref_slice %arg12[%mul3A_7, %dma_wait3A] : memref<10000x128xf32, #tpu.memory_space<vmem_shared>> -> memref<400x128xf32, #tpu.memory_space<vmem_shared>>
          %dma_wait3A_28 = arith.constant 0 : i32
          %dma_wait3A_29 = tpu.memref_slice %arg2[%mul3A_7, %dma_wait3A_28] : memref<10000x128xf32, #tpu.memory_space<hbm>> -> memref<400x128xf32, #tpu.memory_space<hbm>>
          tpu.wait_dma2 semaphore(%run_scoped3A : memref<!tpu.dma_semaphore, #tpu.memory_space<semaphore_mem>>) src(%dma_wait3A_29 : memref<400x128xf32, #tpu.memory_space<hbm>>) dst(%dma_wait3A_27 : memref<400x128xf32, #tpu.memory_space<vmem_shared>>)
          tpu.yield
        }) : () -> ()
      } else {
      }
      %barrier3A = arith.constant 0 : index
      tpu.barrier barrier_id(%barrier3A)
      %mul3A_17 = arith.constant 4000 : i32
      %mul3A_18 = arith.muli %arg1, %mul3A_17 : i32
      %scan3A = arith.constant 0 : i32
      %scan3A_19 = arith.constant 0 : i32
      %scan3A_20 = arith.constant 25 : i32
      %scan3A_21 = arith.addi %scan3A_19, %scan3A_20 : i32
      %scan3A_22 = arith.constant 1 : i32
      scf.for %scan3A_24 = %scan3A_19 to %scan3A_21 step %scan3A_22  : i32 {
        %mul3A_25 = arith.constant 2 : i32
        %mul3A_26 = arith.muli %mul3A_25, %scan3A_24 : i32
        %mul3A_27 = arith.constant 80 : i32
        %mul3A_28 = arith.muli %mul3A_26, %mul3A_27 : i32
        %add3A = arith.addi %mul3A_18, %mul3A_28 : i32
        "tpu.region"() ({
          %run_scoped3A = tpu.sem_alloc : memref<!tpu.dma_semaphore, #tpu.memory_space<semaphore_mem>>
          %dma_start3A_43 = tpu.memref_slice %arg4[%add3A] : memref<64000xi32, #tpu.memory_space<hbm>> -> memref<80xi32, #tpu.memory_space<hbm>>
          %dma_start3A_44 = tpu.memref_slice %arg4[%add3A] : memref<64000xi32, #tpu.memory_space<hbm>> -> memref<80xi32, #tpu.memory_space<hbm>>
          tpu.enqueue_dma source(%dma_start3A_44 : memref<80xi32, #tpu.memory_space<hbm>>) target(%arg8 : memref<80xi32, #tpu.memory_space<vmem>>) target_semaphore(%run_scoped3A : memref<!tpu.dma_semaphore, #tpu.memory_space<semaphore_mem>>)
          %dma_wait3A_45 = tpu.memref_slice %arg4[%add3A] : memref<64000xi32, #tpu.memory_space<hbm>> -> memref<80xi32, #tpu.memory_space<hbm>>
          %dma_wait3A_46 = tpu.memref_slice %arg4[%add3A] : memref<64000xi32, #tpu.memory_space<hbm>> -> memref<80xi32, #tpu.memory_space<hbm>>
          tpu.wait_dma2 semaphore(%run_scoped3A : memref<!tpu.dma_semaphore, #tpu.memory_space<semaphore_mem>>) src(%dma_wait3A_46 : memref<80xi32, #tpu.memory_space<hbm>>) dst(%arg8 : memref<80xi32, #tpu.memory_space<vmem>>)
          tpu.yield
        }) : () -> ()
        %dma_start3A = arith.constant 0 : i32
        %dma_start3A_29 = arith.constant 0 : i32
        %dma_start3A_30 = tpu.memref_slice %arg12[%dma_start3A, %dma_start3A_29] : memref<10000x128xf32, #tpu.memory_space<vmem_shared>> -> memref<10000x128xf32, #tpu.memory_space<vmem_shared>>
        tpu.enqueue_indirect_dma source(%dma_start3A_30 : memref<10000x128xf32, #tpu.memory_space<vmem_shared>>) target(%arg10 : memref<80x128xf32, #tpu.memory_space<vmem>>) offsets(%arg8 : memref<80xi32, #tpu.memory_space<vmem>>) semaphore(%arg13 : memref<!tpu.dma_semaphore, #tpu.memory_space<semaphore_mem>>)
        %add3A_31 = arith.constant 80 : i32
        %add3A_32 = arith.addi %add3A, %add3A_31 : i32
        "tpu.region"() ({
          %run_scoped3A = tpu.sem_alloc : memref<!tpu.dma_semaphore, #tpu.memory_space<semaphore_mem>>
          %dma_start3A_43 = tpu.memref_slice %arg4[%add3A_32] : memref<64000xi32, #tpu.memory_space<hbm>> -> memref<80xi32, #tpu.memory_space<hbm>>
          %dma_start3A_44 = tpu.memref_slice %arg4[%add3A_32] : memref<64000xi32, #tpu.memory_space<hbm>> -> memref<80xi32, #tpu.memory_space<hbm>>
          tpu.enqueue_dma source(%dma_start3A_44 : memref<80xi32, #tpu.memory_space<hbm>>) target(%arg9 : memref<80xi32, #tpu.memory_space<vmem>>) target_semaphore(%run_scoped3A : memref<!tpu.dma_semaphore, #tpu.memory_space<semaphore_mem>>)
          %dma_wait3A_45 = tpu.memref_slice %arg4[%add3A_32] : memref<64000xi32, #tpu.memory_space<hbm>> -> memref<80xi32, #tpu.memory_space<hbm>>
          %dma_wait3A_46 = tpu.memref_slice %arg4[%add3A_32] : memref<64000xi32, #tpu.memory_space<hbm>> -> memref<80xi32, #tpu.memory_space<hbm>>
          tpu.wait_dma2 semaphore(%run_scoped3A : memref<!tpu.dma_semaphore, #tpu.memory_space<semaphore_mem>>) src(%dma_wait3A_46 : memref<80xi32, #tpu.memory_space<hbm>>) dst(%arg9 : memref<80xi32, #tpu.memory_space<vmem>>)
          tpu.yield
        }) : () -> ()
        %dma_start3A_33 = arith.constant 0 : i32
        %dma_start3A_34 = arith.constant 0 : i32
        %dma_start3A_35 = tpu.memref_slice %arg12[%dma_start3A_33, %dma_start3A_34] : memref<10000x128xf32, #tpu.memory_space<vmem_shared>> -> memref<10000x128xf32, #tpu.memory_space<vmem_shared>>
        tpu.enqueue_indirect_dma source(%dma_start3A_35 : memref<10000x128xf32, #tpu.memory_space<vmem_shared>>) target(%arg11 : memref<80x128xf32, #tpu.memory_space<vmem>>) offsets(%arg9 : memref<80xi32, #tpu.memory_space<vmem>>) semaphore(%arg14 : memref<!tpu.dma_semaphore, #tpu.memory_space<semaphore_mem>>)
        %dma_wait3A = arith.constant 0 : i32
        %dma_wait3A_36 = arith.constant 0 : i32
        %dma_wait3A_37 = tpu.memref_slice %arg12[%dma_wait3A, %dma_wait3A_36] : memref<10000x128xf32, #tpu.memory_space<vmem_shared>> -> memref<10000x128xf32, #tpu.memory_space<vmem_shared>>
        tpu.wait_indirect_dma semaphore(%arg13 : memref<!tpu.dma_semaphore, #tpu.memory_space<semaphore_mem>>) src(%dma_wait3A_37 : memref<10000x128xf32, #tpu.memory_space<vmem_shared>>) dst(%arg10 : memref<80x128xf32, #tpu.memory_space<vmem>>)
        "tpu.region"() ({
          %run_scoped3A = tpu.sem_alloc : memref<!tpu.dma_semaphore, #tpu.memory_space<semaphore_mem>>
          %dma_start3A_43 = arith.constant 0 : i32
          %dma_start3A_44 = tpu.memref_slice %arg6[%add3A, %dma_start3A_43] : memref<64000x128xf32, #tpu.memory_space<hbm>> -> memref<80x128xf32, #tpu.memory_space<hbm>>
          %dma_start3A_45 = arith.constant 0 : i32
          %dma_start3A_46 = tpu.memref_slice %arg6[%add3A, %dma_start3A_45] : memref<64000x128xf32, #tpu.memory_space<hbm>> -> memref<80x128xf32, #tpu.memory_space<hbm>>
          tpu.enqueue_dma source(%arg10 : memref<80x128xf32, #tpu.memory_space<vmem>>) target(%dma_start3A_46 : memref<80x128xf32, #tpu.memory_space<hbm>>) target_semaphore(%run_scoped3A : memref<!tpu.dma_semaphore, #tpu.memory_space<semaphore_mem>>)
          %dma_wait3A_47 = arith.constant 0 : i32
          %dma_wait3A_48 = tpu.memref_slice %arg6[%add3A, %dma_wait3A_47] : memref<64000x128xf32, #tpu.memory_space<hbm>> -> memref<80x128xf32, #tpu.memory_space<hbm>>
          %dma_wait3A_49 = arith.constant 0 : i32
          %dma_wait3A_50 = tpu.memref_slice %arg6[%add3A, %dma_wait3A_49] : memref<64000x128xf32, #tpu.memory_space<hbm>> -> memref<80x128xf32, #tpu.memory_space<hbm>>
          tpu.wait_dma2 semaphore(%run_scoped3A : memref<!tpu.dma_semaphore, #tpu.memory_space<semaphore_mem>>) src(%arg10 : memref<80x128xf32, #tpu.memory_space<vmem>>) dst(%dma_wait3A_50 : memref<80x128xf32, #tpu.memory_space<hbm>>)
          tpu.yield
        }) : () -> ()
        %dma_wait3A_38 = arith.constant 0 : i32
        %dma_wait3A_39 = arith.constant 0 : i32
        %dma_wait3A_40 = tpu.memref_slice %arg12[%dma_wait3A_38, %dma_wait3A_39] : memref<10000x128xf32, #tpu.memory_space<vmem_shared>> -> memref<10000x128xf32, #tpu.memory_space<vmem_shared>>
        tpu.wait_indirect_dma semaphore(%arg14 : memref<!tpu.dma_semaphore, #tpu.memory_space<semaphore_mem>>) src(%dma_wait3A_40 : memref<10000x128xf32, #tpu.memory_space<vmem_shared>>) dst(%arg11 : memref<80x128xf32, #tpu.memory_space<vmem>>)
        %add3A_41 = arith.constant 80 : i32
        %add3A_42 = arith.addi %add3A, %add3A_41 : i32
        "tpu.region"() ({
          %run_scoped3A = tpu.sem_alloc : memref<!tpu.dma_semaphore, #tpu.memory_space<semaphore_mem>>
          %dma_start3A_43 = arith.constant 0 : i32
          %dma_start3A_44 = tpu.memref_slice %arg6[%add3A_42, %dma_start3A_43] : memref<64000x128xf32, #tpu.memory_space<hbm>> -> memref<80x128xf32, #tpu.memory_space<hbm>>
          %dma_start3A_45 = arith.constant 0 : i32
          %dma_start3A_46 = tpu.memref_slice %arg6[%add3A_42, %dma_start3A_45] : memref<64000x128xf32, #tpu.memory_space<hbm>> -> memref<80x128xf32, #tpu.memory_space<hbm>>
          tpu.enqueue_dma source(%arg11 : memref<80x128xf32, #tpu.memory_space<vmem>>) target(%dma_start3A_46 : memref<80x128xf32, #tpu.memory_space<hbm>>) target_semaphore(%run_scoped3A : memref<!tpu.dma_semaphore, #tpu.memory_space<semaphore_mem>>)
          %dma_wait3A_47 = arith.constant 0 : i32
          %dma_wait3A_48 = tpu.memref_slice %arg6[%add3A_42, %dma_wait3A_47] : memref<64000x128xf32, #tpu.memory_space<hbm>> -> memref<80x128xf32, #tpu.memory_space<hbm>>
          %dma_wait3A_49 = arith.constant 0 : i32
          %dma_wait3A_50 = tpu.memref_slice %arg6[%add3A_42, %dma_wait3A_49] : memref<64000x128xf32, #tpu.memory_space<hbm>> -> memref<80x128xf32, #tpu.memory_space<hbm>>
          tpu.wait_dma2 semaphore(%run_scoped3A : memref<!tpu.dma_semaphore, #tpu.memory_space<semaphore_mem>>) src(%arg11 : memref<80x128xf32, #tpu.memory_space<vmem>>) dst(%dma_wait3A_50 : memref<80x128xf32, #tpu.memory_space<hbm>>)
          tpu.yield
        }) : () -> ()
      }
      %scan3A_23 = arith.constant 25 : i32
    } else {
    }
    %eq3A_2 = arith.constant 1 : i32
    %eq3A_3 = arith.cmpi eq, %arg0, %eq3A_2 : i32
    %convert_element_type3A_4 = arith.extui %eq3A_3 : i1 to i32
    %cond3A_5 = arith.constant 0 : i32
    %cond3A_6 = arith.cmpi ne, %convert_element_type3A_4, %cond3A_5 : i32
    scf.if %cond3A_6 {
      %mul3A = arith.constant 640 : i32
      %mul3A_7 = arith.muli %arg1, %mul3A : i32
      %lt3A = arith.constant 15 : i32
      %lt3A_8 = arith.cmpi slt, %arg1, %lt3A : i32
      %convert_element_type3A_9 = arith.extui %lt3A_8 : i1 to i32
      %cond3A_10 = arith.constant 0 : i32
      %cond3A_11 = arith.cmpi ne, %convert_element_type3A_9, %cond3A_10 : i32
      scf.if %cond3A_11 {
        "tpu.region"() ({
          %run_scoped3A = tpu.sem_alloc : memref<!tpu.dma_semaphore, #tpu.memory_space<semaphore_mem>>
          %dma_start3A = arith.constant 0 : i32
          %dma_start3A_24 = tpu.memref_slice %arg12[%mul3A_7, %dma_start3A] : memref<10000x128xf32, #tpu.memory_space<vmem_shared>> -> memref<640x128xf32, #tpu.memory_space<vmem_shared>>
          %dma_start3A_25 = arith.constant 0 : i32
          %dma_start3A_26 = tpu.memref_slice %arg3[%mul3A_7, %dma_start3A_25] : memref<10000x128xf32, #tpu.memory_space<hbm>> -> memref<640x128xf32, #tpu.memory_space<hbm>>
          tpu.enqueue_dma source(%dma_start3A_26 : memref<640x128xf32, #tpu.memory_space<hbm>>) target(%dma_start3A_24 : memref<640x128xf32, #tpu.memory_space<vmem_shared>>) target_semaphore(%run_scoped3A : memref<!tpu.dma_semaphore, #tpu.memory_space<semaphore_mem>>)
          %dma_wait3A = arith.constant 0 : i32
          %dma_wait3A_27 = tpu.memref_slice %arg12[%mul3A_7, %dma_wait3A] : memref<10000x128xf32, #tpu.memory_space<vmem_shared>> -> memref<640x128xf32, #tpu.memory_space<vmem_shared>>
          %dma_wait3A_28 = arith.constant 0 : i32
          %dma_wait3A_29 = tpu.memref_slice %arg3[%mul3A_7, %dma_wait3A_28] : memref<10000x128xf32, #tpu.memory_space<hbm>> -> memref<640x128xf32, #tpu.memory_space<hbm>>
          tpu.wait_dma2 semaphore(%run_scoped3A : memref<!tpu.dma_semaphore, #tpu.memory_space<semaphore_mem>>) src(%dma_wait3A_29 : memref<640x128xf32, #tpu.memory_space<hbm>>) dst(%dma_wait3A_27 : memref<640x128xf32, #tpu.memory_space<vmem_shared>>)
          tpu.yield
        }) : () -> ()
      } else {
      }
      %eq3A_12 = arith.constant 15 : i32
      %eq3A_13 = arith.cmpi eq, %arg1, %eq3A_12 : i32
      %convert_element_type3A_14 = arith.extui %eq3A_13 : i1 to i32
      %cond3A_15 = arith.constant 0 : i32
      %cond3A_16 = arith.cmpi ne, %convert_element_type3A_14, %cond3A_15 : i32
      scf.if %cond3A_16 {
        "tpu.region"() ({
          %run_scoped3A = tpu.sem_alloc : memref<!tpu.dma_semaphore, #tpu.memory_space<semaphore_mem>>
          %dma_start3A = arith.constant 0 : i32
          %dma_start3A_24 = tpu.memref_slice %arg12[%mul3A_7, %dma_start3A] : memref<10000x128xf32, #tpu.memory_space<vmem_shared>> -> memref<400x128xf32, #tpu.memory_space<vmem_shared>>
          %dma_start3A_25 = arith.constant 0 : i32
          %dma_start3A_26 = tpu.memref_slice %arg3[%mul3A_7, %dma_start3A_25] : memref<10000x128xf32, #tpu.memory_space<hbm>> -> memref<400x128xf32, #tpu.memory_space<hbm>>
          tpu.enqueue_dma source(%dma_start3A_26 : memref<400x128xf32, #tpu.memory_space<hbm>>) target(%dma_start3A_24 : memref<400x128xf32, #tpu.memory_space<vmem_shared>>) target_semaphore(%run_scoped3A : memref<!tpu.dma_semaphore, #tpu.memory_space<semaphore_mem>>)
          %dma_wait3A = arith.constant 0 : i32
          %dma_wait3A_27 = tpu.memref_slice %arg12[%mul3A_7, %dma_wait3A] : memref<10000x128xf32, #tpu.memory_space<vmem_shared>> -> memref<400x128xf32, #tpu.memory_space<vmem_shared>>
          %dma_wait3A_28 = arith.constant 0 : i32
          %dma_wait3A_29 = tpu.memref_slice %arg3[%mul3A_7, %dma_wait3A_28] : memref<10000x128xf32, #tpu.memory_space<hbm>> -> memref<400x128xf32, #tpu.memory_space<hbm>>
          tpu.wait_dma2 semaphore(%run_scoped3A : memref<!tpu.dma_semaphore, #tpu.memory_space<semaphore_mem>>) src(%dma_wait3A_29 : memref<400x128xf32, #tpu.memory_space<hbm>>) dst(%dma_wait3A_27 : memref<400x128xf32, #tpu.memory_space<vmem_shared>>)
          tpu.yield
        }) : () -> ()
      } else {
      }
      %barrier3A = arith.constant 0 : index
      tpu.barrier barrier_id(%barrier3A)
      %mul3A_17 = arith.constant 4000 : i32
      %mul3A_18 = arith.muli %arg1, %mul3A_17 : i32
      %scan3A = arith.constant 0 : i32
      %scan3A_19 = arith.constant 0 : i32
      %scan3A_20 = arith.constant 25 : i32
      %scan3A_21 = arith.addi %scan3A_19, %scan3A_20 : i32
      %scan3A_22 = arith.constant 1 : i32
      scf.for %scan3A_24 = %scan3A_19 to %scan3A_21 step %scan3A_22  : i32 {
        %mul3A_25 = arith.constant 2 : i32
        %mul3A_26 = arith.muli %mul3A_25, %scan3A_24 : i32
        %mul3A_27 = arith.constant 80 : i32
        %mul3A_28 = arith.muli %mul3A_26, %mul3A_27 : i32
        %add3A = arith.addi %mul3A_18, %mul3A_28 : i32
        "tpu.region"() ({
          %run_scoped3A = tpu.sem_alloc : memref<!tpu.dma_semaphore, #tpu.memory_space<semaphore_mem>>
          %dma_start3A_43 = tpu.memref_slice %arg5[%add3A] : memref<64000xi32, #tpu.memory_space<hbm>> -> memref<80xi32, #tpu.memory_space<hbm>>
          %dma_start3A_44 = tpu.memref_slice %arg5[%add3A] : memref<64000xi32, #tpu.memory_space<hbm>> -> memref<80xi32, #tpu.memory_space<hbm>>
          tpu.enqueue_dma source(%dma_start3A_44 : memref<80xi32, #tpu.memory_space<hbm>>) target(%arg8 : memref<80xi32, #tpu.memory_space<vmem>>) target_semaphore(%run_scoped3A : memref<!tpu.dma_semaphore, #tpu.memory_space<semaphore_mem>>)
          %dma_wait3A_45 = tpu.memref_slice %arg5[%add3A] : memref<64000xi32, #tpu.memory_space<hbm>> -> memref<80xi32, #tpu.memory_space<hbm>>
          %dma_wait3A_46 = tpu.memref_slice %arg5[%add3A] : memref<64000xi32, #tpu.memory_space<hbm>> -> memref<80xi32, #tpu.memory_space<hbm>>
          tpu.wait_dma2 semaphore(%run_scoped3A : memref<!tpu.dma_semaphore, #tpu.memory_space<semaphore_mem>>) src(%dma_wait3A_46 : memref<80xi32, #tpu.memory_space<hbm>>) dst(%arg8 : memref<80xi32, #tpu.memory_space<vmem>>)
          tpu.yield
        }) : () -> ()
        %dma_start3A = arith.constant 0 : i32
        %dma_start3A_29 = arith.constant 0 : i32
        %dma_start3A_30 = tpu.memref_slice %arg12[%dma_start3A, %dma_start3A_29] : memref<10000x128xf32, #tpu.memory_space<vmem_shared>> -> memref<10000x128xf32, #tpu.memory_space<vmem_shared>>
        tpu.enqueue_indirect_dma source(%dma_start3A_30 : memref<10000x128xf32, #tpu.memory_space<vmem_shared>>) target(%arg10 : memref<80x128xf32, #tpu.memory_space<vmem>>) offsets(%arg8 : memref<80xi32, #tpu.memory_space<vmem>>) semaphore(%arg13 : memref<!tpu.dma_semaphore, #tpu.memory_space<semaphore_mem>>)
        %add3A_31 = arith.constant 80 : i32
        %add3A_32 = arith.addi %add3A, %add3A_31 : i32
        "tpu.region"() ({
          %run_scoped3A = tpu.sem_alloc : memref<!tpu.dma_semaphore, #tpu.memory_space<semaphore_mem>>
          %dma_start3A_43 = tpu.memref_slice %arg5[%add3A_32] : memref<64000xi32, #tpu.memory_space<hbm>> -> memref<80xi32, #tpu.memory_space<hbm>>
          %dma_start3A_44 = tpu.memref_slice %arg5[%add3A_32] : memref<64000xi32, #tpu.memory_space<hbm>> -> memref<80xi32, #tpu.memory_space<hbm>>
          tpu.enqueue_dma source(%dma_start3A_44 : memref<80xi32, #tpu.memory_space<hbm>>) target(%arg9 : memref<80xi32, #tpu.memory_space<vmem>>) target_semaphore(%run_scoped3A : memref<!tpu.dma_semaphore, #tpu.memory_space<semaphore_mem>>)
          %dma_wait3A_45 = tpu.memref_slice %arg5[%add3A_32] : memref<64000xi32, #tpu.memory_space<hbm>> -> memref<80xi32, #tpu.memory_space<hbm>>
          %dma_wait3A_46 = tpu.memref_slice %arg5[%add3A_32] : memref<64000xi32, #tpu.memory_space<hbm>> -> memref<80xi32, #tpu.memory_space<hbm>>
          tpu.wait_dma2 semaphore(%run_scoped3A : memref<!tpu.dma_semaphore, #tpu.memory_space<semaphore_mem>>) src(%dma_wait3A_46 : memref<80xi32, #tpu.memory_space<hbm>>) dst(%arg9 : memref<80xi32, #tpu.memory_space<vmem>>)
          tpu.yield
        }) : () -> ()
        %dma_start3A_33 = arith.constant 0 : i32
        %dma_start3A_34 = arith.constant 0 : i32
        %dma_start3A_35 = tpu.memref_slice %arg12[%dma_start3A_33, %dma_start3A_34] : memref<10000x128xf32, #tpu.memory_space<vmem_shared>> -> memref<10000x128xf32, #tpu.memory_space<vmem_shared>>
        tpu.enqueue_indirect_dma source(%dma_start3A_35 : memref<10000x128xf32, #tpu.memory_space<vmem_shared>>) target(%arg11 : memref<80x128xf32, #tpu.memory_space<vmem>>) offsets(%arg9 : memref<80xi32, #tpu.memory_space<vmem>>) semaphore(%arg14 : memref<!tpu.dma_semaphore, #tpu.memory_space<semaphore_mem>>)
        %dma_wait3A = arith.constant 0 : i32
        %dma_wait3A_36 = arith.constant 0 : i32
        %dma_wait3A_37 = tpu.memref_slice %arg12[%dma_wait3A, %dma_wait3A_36] : memref<10000x128xf32, #tpu.memory_space<vmem_shared>> -> memref<10000x128xf32, #tpu.memory_space<vmem_shared>>
        tpu.wait_indirect_dma semaphore(%arg13 : memref<!tpu.dma_semaphore, #tpu.memory_space<semaphore_mem>>) src(%dma_wait3A_37 : memref<10000x128xf32, #tpu.memory_space<vmem_shared>>) dst(%arg10 : memref<80x128xf32, #tpu.memory_space<vmem>>)
        "tpu.region"() ({
          %run_scoped3A = tpu.sem_alloc : memref<!tpu.dma_semaphore, #tpu.memory_space<semaphore_mem>>
          %dma_start3A_43 = arith.constant 0 : i32
          %dma_start3A_44 = tpu.memref_slice %arg7[%add3A, %dma_start3A_43] : memref<64000x128xf32, #tpu.memory_space<hbm>> -> memref<80x128xf32, #tpu.memory_space<hbm>>
          %dma_start3A_45 = arith.constant 0 : i32
          %dma_start3A_46 = tpu.memref_slice %arg7[%add3A, %dma_start3A_45] : memref<64000x128xf32, #tpu.memory_space<hbm>> -> memref<80x128xf32, #tpu.memory_space<hbm>>
          tpu.enqueue_dma source(%arg10 : memref<80x128xf32, #tpu.memory_space<vmem>>) target(%dma_start3A_46 : memref<80x128xf32, #tpu.memory_space<hbm>>) target_semaphore(%run_scoped3A : memref<!tpu.dma_semaphore, #tpu.memory_space<semaphore_mem>>)
          %dma_wait3A_47 = arith.constant 0 : i32
          %dma_wait3A_48 = tpu.memref_slice %arg7[%add3A, %dma_wait3A_47] : memref<64000x128xf32, #tpu.memory_space<hbm>> -> memref<80x128xf32, #tpu.memory_space<hbm>>
          %dma_wait3A_49 = arith.constant 0 : i32
          %dma_wait3A_50 = tpu.memref_slice %arg7[%add3A, %dma_wait3A_49] : memref<64000x128xf32, #tpu.memory_space<hbm>> -> memref<80x128xf32, #tpu.memory_space<hbm>>
          tpu.wait_dma2 semaphore(%run_scoped3A : memref<!tpu.dma_semaphore, #tpu.memory_space<semaphore_mem>>) src(%arg10 : memref<80x128xf32, #tpu.memory_space<vmem>>) dst(%dma_wait3A_50 : memref<80x128xf32, #tpu.memory_space<hbm>>)
          tpu.yield
        }) : () -> ()
        %dma_wait3A_38 = arith.constant 0 : i32
        %dma_wait3A_39 = arith.constant 0 : i32
        %dma_wait3A_40 = tpu.memref_slice %arg12[%dma_wait3A_38, %dma_wait3A_39] : memref<10000x128xf32, #tpu.memory_space<vmem_shared>> -> memref<10000x128xf32, #tpu.memory_space<vmem_shared>>
        tpu.wait_indirect_dma semaphore(%arg14 : memref<!tpu.dma_semaphore, #tpu.memory_space<semaphore_mem>>) src(%dma_wait3A_40 : memref<10000x128xf32, #tpu.memory_space<vmem_shared>>) dst(%arg11 : memref<80x128xf32, #tpu.memory_space<vmem>>)
        %add3A_41 = arith.constant 80 : i32
        %add3A_42 = arith.addi %add3A, %add3A_41 : i32
        "tpu.region"() ({
          %run_scoped3A = tpu.sem_alloc : memref<!tpu.dma_semaphore, #tpu.memory_space<semaphore_mem>>
          %dma_start3A_43 = arith.constant 0 : i32
          %dma_start3A_44 = tpu.memref_slice %arg7[%add3A_42, %dma_start3A_43] : memref<64000x128xf32, #tpu.memory_space<hbm>> -> memref<80x128xf32, #tpu.memory_space<hbm>>
          %dma_start3A_45 = arith.constant 0 : i32
          %dma_start3A_46 = tpu.memref_slice %arg7[%add3A_42, %dma_start3A_45] : memref<64000x128xf32, #tpu.memory_space<hbm>> -> memref<80x128xf32, #tpu.memory_space<hbm>>
          tpu.enqueue_dma source(%arg11 : memref<80x128xf32, #tpu.memory_space<vmem>>) target(%dma_start3A_46 : memref<80x128xf32, #tpu.memory_space<hbm>>) target_semaphore(%run_scoped3A : memref<!tpu.dma_semaphore, #tpu.memory_space<semaphore_mem>>)
          %dma_wait3A_47 = arith.constant 0 : i32
          %dma_wait3A_48 = tpu.memref_slice %arg7[%add3A_42, %dma_wait3A_47] : memref<64000x128xf32, #tpu.memory_space<hbm>> -> memref<80x128xf32, #tpu.memory_space<hbm>>
          %dma_wait3A_49 = arith.constant 0 : i32
          %dma_wait3A_50 = tpu.memref_slice %arg7[%add3A_42, %dma_wait3A_49] : memref<64000x128xf32, #tpu.memory_space<hbm>> -> memref<80x128xf32, #tpu.memory_space<hbm>>
          tpu.wait_dma2 semaphore(%run_scoped3A : memref<!tpu.dma_semaphore, #tpu.memory_space<semaphore_mem>>) src(%arg11 : memref<80x128xf32, #tpu.memory_space<vmem>>) dst(%dma_wait3A_50 : memref<80x128xf32, #tpu.memory_space<hbm>>)
          tpu.yield
        }) : () -> ()
      }
      %scan3A_23 = arith.constant 25 : i32
    } else {
    }
    return
  }
}

#map = affine_map<(d0, d1) -> (0, 0)>
#map1 = affine_map<(d0, d1) -> (0)>
#map2 = affine_map<(d0, d1) -> (0, 0, 0)>
module attributes {stable_mosaic.version = 14 : i64} {
  func.func @k(%arg0: i32, %arg1: i32, %arg2: memref<64000x128xf32, #tpu.memory_space<hbm>>, %arg3: memref<64000x128xf32, #tpu.memory_space<hbm>>, %arg4: memref<64000x128xf32, #tpu.memory_space<hbm>>, %arg5: memref<320000xi32, #tpu.memory_space<hbm>>, %arg6: memref<10000x128xf32, #tpu.memory_space<hbm>>, %arg7: memref<2x10000x128xf32, #tpu.memory_space<hbm>>, %arg8: memref<80xi32, #tpu.memory_space<vmem>>, %arg9: memref<80xi32, #tpu.memory_space<vmem>>, %arg10: memref<80x128xf32, #tpu.memory_space<vmem>>, %arg11: memref<80x128xf32, #tpu.memory_space<vmem>>, %arg12: memref<10000x128xf32, #tpu.memory_space<vmem_shared>>, %arg13: memref<!tpu.dma_semaphore, #tpu.memory_space<semaphore_mem>>, %arg14: memref<!tpu.dma_semaphore, #tpu.memory_space<semaphore_mem>>) attributes {dimension_semantics = [#tpu.dimension_semantics<core_parallel>, #tpu.dimension_semantics<subcore_parallel>], iteration_bounds = array<i64: 2, 16>, scalar_prefetch = 0 : i64, scratch_operands = 7 : i64, tpu.core_type = #tpu.core_type<sc_vector_subcore>, window_params = [{transform_indices = #map}, {transform_indices = #map}, {transform_indices = #map}, {transform_indices = #map1}, {transform_indices = #map}, {transform_indices = #map2}]} {
    %mul3A = arith.constant 640 : i32
    %mul3A_0 = arith.muli %arg1, %mul3A : i32
    %lt3A = arith.constant 15 : i32
    %lt3A_1 = arith.cmpi slt, %arg1, %lt3A : i32
    %convert_element_type3A = arith.extui %lt3A_1 : i1 to i32
    %cond3A = arith.constant 0 : i32
    %cond3A_2 = arith.cmpi ne, %convert_element_type3A, %cond3A : i32
    scf.if %cond3A_2 {
      "tpu.region"() ({
        %run_scoped3A = tpu.sem_alloc : memref<!tpu.dma_semaphore, #tpu.memory_space<semaphore_mem>>
        %dma_start3A = arith.constant 0 : i32
        %dma_start3A_57 = tpu.memref_slice %arg12[%mul3A_0, %dma_start3A] : memref<10000x128xf32, #tpu.memory_space<vmem_shared>> -> memref<640x128xf32, #tpu.memory_space<vmem_shared>>
        %dma_start3A_58 = arith.constant 0 : i32
        %dma_start3A_59 = tpu.memref_slice %arg6[%mul3A_0, %dma_start3A_58] : memref<10000x128xf32, #tpu.memory_space<hbm>> -> memref<640x128xf32, #tpu.memory_space<hbm>>
        tpu.enqueue_dma source(%dma_start3A_59 : memref<640x128xf32, #tpu.memory_space<hbm>>) target(%dma_start3A_57 : memref<640x128xf32, #tpu.memory_space<vmem_shared>>) target_semaphore(%run_scoped3A : memref<!tpu.dma_semaphore, #tpu.memory_space<semaphore_mem>>)
        %dma_wait3A = arith.constant 0 : i32
        %dma_wait3A_60 = tpu.memref_slice %arg12[%mul3A_0, %dma_wait3A] : memref<10000x128xf32, #tpu.memory_space<vmem_shared>> -> memref<640x128xf32, #tpu.memory_space<vmem_shared>>
        %dma_wait3A_61 = arith.constant 0 : i32
        %dma_wait3A_62 = tpu.memref_slice %arg6[%mul3A_0, %dma_wait3A_61] : memref<10000x128xf32, #tpu.memory_space<hbm>> -> memref<640x128xf32, #tpu.memory_space<hbm>>
        tpu.wait_dma2 semaphore(%run_scoped3A : memref<!tpu.dma_semaphore, #tpu.memory_space<semaphore_mem>>) src(%dma_wait3A_62 : memref<640x128xf32, #tpu.memory_space<hbm>>) dst(%dma_wait3A_60 : memref<640x128xf32, #tpu.memory_space<vmem_shared>>)
        tpu.yield
      }) : () -> ()
    } else {
    }
    %eq3A = arith.constant 15 : i32
    %eq3A_3 = arith.cmpi eq, %arg1, %eq3A : i32
    %convert_element_type3A_4 = arith.extui %eq3A_3 : i1 to i32
    %cond3A_5 = arith.constant 0 : i32
    %cond3A_6 = arith.cmpi ne, %convert_element_type3A_4, %cond3A_5 : i32
    scf.if %cond3A_6 {
      "tpu.region"() ({
        %run_scoped3A = tpu.sem_alloc : memref<!tpu.dma_semaphore, #tpu.memory_space<semaphore_mem>>
        %dma_start3A = arith.constant 0 : i32
        %dma_start3A_57 = tpu.memref_slice %arg12[%mul3A_0, %dma_start3A] : memref<10000x128xf32, #tpu.memory_space<vmem_shared>> -> memref<400x128xf32, #tpu.memory_space<vmem_shared>>
        %dma_start3A_58 = arith.constant 0 : i32
        %dma_start3A_59 = tpu.memref_slice %arg6[%mul3A_0, %dma_start3A_58] : memref<10000x128xf32, #tpu.memory_space<hbm>> -> memref<400x128xf32, #tpu.memory_space<hbm>>
        tpu.enqueue_dma source(%dma_start3A_59 : memref<400x128xf32, #tpu.memory_space<hbm>>) target(%dma_start3A_57 : memref<400x128xf32, #tpu.memory_space<vmem_shared>>) target_semaphore(%run_scoped3A : memref<!tpu.dma_semaphore, #tpu.memory_space<semaphore_mem>>)
        %dma_wait3A = arith.constant 0 : i32
        %dma_wait3A_60 = tpu.memref_slice %arg12[%mul3A_0, %dma_wait3A] : memref<10000x128xf32, #tpu.memory_space<vmem_shared>> -> memref<400x128xf32, #tpu.memory_space<vmem_shared>>
        %dma_wait3A_61 = arith.constant 0 : i32
        %dma_wait3A_62 = tpu.memref_slice %arg6[%mul3A_0, %dma_wait3A_61] : memref<10000x128xf32, #tpu.memory_space<hbm>> -> memref<400x128xf32, #tpu.memory_space<hbm>>
        tpu.wait_dma2 semaphore(%run_scoped3A : memref<!tpu.dma_semaphore, #tpu.memory_space<semaphore_mem>>) src(%dma_wait3A_62 : memref<400x128xf32, #tpu.memory_space<hbm>>) dst(%dma_wait3A_60 : memref<400x128xf32, #tpu.memory_space<vmem_shared>>)
        tpu.yield
      }) : () -> ()
    } else {
    }
    %barrier3A = arith.constant 0 : index
    tpu.barrier barrier_id(%barrier3A)
    %mul3A_7 = arith.constant 32000 : i32
    %mul3A_8 = arith.muli %arg0, %mul3A_7 : i32
    %mul3A_9 = arith.constant 2000 : i32
    %mul3A_10 = arith.muli %arg1, %mul3A_9 : i32
    %add3A = arith.addi %mul3A_8, %mul3A_10 : i32
    %add3A_11 = arith.constant 0 : i32
    %add3A_12 = arith.addi %add3A_11, %add3A : i32
    %scan3A = arith.constant 0 : i32
    %scan3A_13 = arith.constant 0 : i32
    %scan3A_14 = arith.constant 12 : i32
    %scan3A_15 = arith.addi %scan3A_13, %scan3A_14 : i32
    %scan3A_16 = arith.constant 1 : i32
    scf.for %scan3A_57 = %scan3A_13 to %scan3A_15 step %scan3A_16  : i32 {
      %mul3A_58 = arith.constant 2 : i32
      %mul3A_59 = arith.muli %mul3A_58, %scan3A_57 : i32
      %mul3A_60 = arith.constant 80 : i32
      %mul3A_61 = arith.muli %mul3A_59, %mul3A_60 : i32
      %add3A_62 = arith.addi %add3A, %mul3A_61 : i32
      %mul3A_63 = arith.constant 2 : i32
      %mul3A_64 = arith.muli %mul3A_63, %scan3A_57 : i32
      %mul3A_65 = arith.constant 80 : i32
      %mul3A_66 = arith.muli %mul3A_64, %mul3A_65 : i32
      %add3A_67 = arith.addi %add3A_12, %mul3A_66 : i32
      "tpu.region"() ({
        %run_scoped3A = tpu.sem_alloc : memref<!tpu.dma_semaphore, #tpu.memory_space<semaphore_mem>>
        %dma_start3A_86 = tpu.memref_slice %arg5[%add3A_67] : memref<320000xi32, #tpu.memory_space<hbm>> -> memref<80xi32, #tpu.memory_space<hbm>>
        %dma_start3A_87 = tpu.memref_slice %arg5[%add3A_67] : memref<320000xi32, #tpu.memory_space<hbm>> -> memref<80xi32, #tpu.memory_space<hbm>>
        tpu.enqueue_dma source(%dma_start3A_87 : memref<80xi32, #tpu.memory_space<hbm>>) target(%arg8 : memref<80xi32, #tpu.memory_space<vmem>>) target_semaphore(%run_scoped3A : memref<!tpu.dma_semaphore, #tpu.memory_space<semaphore_mem>>)
        %dma_wait3A_88 = tpu.memref_slice %arg5[%add3A_67] : memref<320000xi32, #tpu.memory_space<hbm>> -> memref<80xi32, #tpu.memory_space<hbm>>
        %dma_wait3A_89 = tpu.memref_slice %arg5[%add3A_67] : memref<320000xi32, #tpu.memory_space<hbm>> -> memref<80xi32, #tpu.memory_space<hbm>>
        tpu.wait_dma2 semaphore(%run_scoped3A : memref<!tpu.dma_semaphore, #tpu.memory_space<semaphore_mem>>) src(%dma_wait3A_89 : memref<80xi32, #tpu.memory_space<hbm>>) dst(%arg8 : memref<80xi32, #tpu.memory_space<vmem>>)
        tpu.yield
      }) : () -> ()
      %dma_start3A = arith.constant 0 : i32
      %dma_start3A_68 = tpu.memref_slice %arg2[%add3A_62, %dma_start3A] : memref<64000x128xf32, #tpu.memory_space<hbm>> -> memref<80x128xf32, #tpu.memory_space<hbm>>
      %dma_start3A_69 = arith.constant 0 : i32
      %dma_start3A_70 = tpu.memref_slice %arg2[%add3A_62, %dma_start3A_69] : memref<64000x128xf32, #tpu.memory_space<hbm>> -> memref<80x128xf32, #tpu.memory_space<hbm>>
      tpu.enqueue_dma source(%dma_start3A_70 : memref<80x128xf32, #tpu.memory_space<hbm>>) target(%arg10 : memref<80x128xf32, #tpu.memory_space<vmem>>) target_semaphore(%arg13 : memref<!tpu.dma_semaphore, #tpu.memory_space<semaphore_mem>>)
      %add3A_71 = arith.constant 80 : i32
      %add3A_72 = arith.addi %add3A_67, %add3A_71 : i32
      "tpu.region"() ({
        %run_scoped3A = tpu.sem_alloc : memref<!tpu.dma_semaphore, #tpu.memory_space<semaphore_mem>>
        %dma_start3A_86 = tpu.memref_slice %arg5[%add3A_72] : memref<320000xi32, #tpu.memory_space<hbm>> -> memref<80xi32, #tpu.memory_space<hbm>>
        %dma_start3A_87 = tpu.memref_slice %arg5[%add3A_72] : memref<320000xi32, #tpu.memory_space<hbm>> -> memref<80xi32, #tpu.memory_space<hbm>>
        tpu.enqueue_dma source(%dma_start3A_87 : memref<80xi32, #tpu.memory_space<hbm>>) target(%arg9 : memref<80xi32, #tpu.memory_space<vmem>>) target_semaphore(%run_scoped3A : memref<!tpu.dma_semaphore, #tpu.memory_space<semaphore_mem>>)
        %dma_wait3A_88 = tpu.memref_slice %arg5[%add3A_72] : memref<320000xi32, #tpu.memory_space<hbm>> -> memref<80xi32, #tpu.memory_space<hbm>>
        %dma_wait3A_89 = tpu.memref_slice %arg5[%add3A_72] : memref<320000xi32, #tpu.memory_space<hbm>> -> memref<80xi32, #tpu.memory_space<hbm>>
        tpu.wait_dma2 semaphore(%run_scoped3A : memref<!tpu.dma_semaphore, #tpu.memory_space<semaphore_mem>>) src(%dma_wait3A_89 : memref<80xi32, #tpu.memory_space<hbm>>) dst(%arg9 : memref<80xi32, #tpu.memory_space<vmem>>)
        tpu.yield
      }) : () -> ()
      %add3A_73 = arith.constant 80 : i32
      %add3A_74 = arith.addi %add3A_62, %add3A_73 : i32
      %dma_start3A_75 = arith.constant 0 : i32
      %dma_start3A_76 = tpu.memref_slice %arg2[%add3A_74, %dma_start3A_75] : memref<64000x128xf32, #tpu.memory_space<hbm>> -> memref<80x128xf32, #tpu.memory_space<hbm>>
      %dma_start3A_77 = arith.constant 0 : i32
      %dma_start3A_78 = tpu.memref_slice %arg2[%add3A_74, %dma_start3A_77] : memref<64000x128xf32, #tpu.memory_space<hbm>> -> memref<80x128xf32, #tpu.memory_space<hbm>>
      tpu.enqueue_dma source(%dma_start3A_78 : memref<80x128xf32, #tpu.memory_space<hbm>>) target(%arg11 : memref<80x128xf32, #tpu.memory_space<vmem>>) target_semaphore(%arg14 : memref<!tpu.dma_semaphore, #tpu.memory_space<semaphore_mem>>)
      %dma_wait3A = arith.constant 0 : i32
      %dma_wait3A_79 = tpu.memref_slice %arg2[%add3A_62, %dma_wait3A] : memref<64000x128xf32, #tpu.memory_space<hbm>> -> memref<80x128xf32, #tpu.memory_space<hbm>>
      %dma_wait3A_80 = arith.constant 0 : i32
      %dma_wait3A_81 = tpu.memref_slice %arg2[%add3A_62, %dma_wait3A_80] : memref<64000x128xf32, #tpu.memory_space<hbm>> -> memref<80x128xf32, #tpu.memory_space<hbm>>
      tpu.wait_dma2 semaphore(%arg13 : memref<!tpu.dma_semaphore, #tpu.memory_space<semaphore_mem>>) src(%dma_wait3A_81 : memref<80x128xf32, #tpu.memory_space<hbm>>) dst(%arg10 : memref<80x128xf32, #tpu.memory_space<vmem>>)
      "tpu.region"() ({
        %run_scoped3A = tpu.sem_alloc : memref<!tpu.dma_semaphore, #tpu.memory_space<semaphore_mem>>
        %dma_start3A_86 = arith.constant 0 : i32
        %dma_start3A_87 = arith.constant 0 : i32
        %dma_start3A_88 = tpu.memref_slice %arg12[%dma_start3A_86, %dma_start3A_87] : memref<10000x128xf32, #tpu.memory_space<vmem_shared>> -> memref<10000x128xf32, #tpu.memory_space<vmem_shared>>
        tpu.enqueue_indirect_dma source(%arg10 : memref<80x128xf32, #tpu.memory_space<vmem>>) target(%dma_start3A_88 : memref<10000x128xf32, #tpu.memory_space<vmem_shared>>) offsets(%arg8 : memref<80xi32, #tpu.memory_space<vmem>>) semaphore(%run_scoped3A : memref<!tpu.dma_semaphore, #tpu.memory_space<semaphore_mem>>) {add = true}
        %dma_wait3A_89 = arith.constant 0 : i32
        %dma_wait3A_90 = arith.constant 0 : i32
        %dma_wait3A_91 = tpu.memref_slice %arg12[%dma_wait3A_89, %dma_wait3A_90] : memref<10000x128xf32, #tpu.memory_space<vmem_shared>> -> memref<10000x128xf32, #tpu.memory_space<vmem_shared>>
        tpu.wait_indirect_dma semaphore(%run_scoped3A : memref<!tpu.dma_semaphore, #tpu.memory_space<semaphore_mem>>) src(%arg10 : memref<80x128xf32, #tpu.memory_space<vmem>>) dst(%dma_wait3A_91 : memref<10000x128xf32, #tpu.memory_space<vmem_shared>>)
        tpu.yield
      }) : () -> ()
      %dma_wait3A_82 = arith.constant 0 : i32
      %dma_wait3A_83 = tpu.memref_slice %arg2[%add3A_74, %dma_wait3A_82] : memref<64000x128xf32, #tpu.memory_space<hbm>> -> memref<80x128xf32, #tpu.memory_space<hbm>>
      %dma_wait3A_84 = arith.constant 0 : i32
      %dma_wait3A_85 = tpu.memref_slice %arg2[%add3A_74, %dma_wait3A_84] : memref<64000x128xf32, #tpu.memory_space<hbm>> -> memref<80x128xf32, #tpu.memory_space<hbm>>
      tpu.wait_dma2 semaphore(%arg14 : memref<!tpu.dma_semaphore, #tpu.memory_space<semaphore_mem>>) src(%dma_wait3A_85 : memref<80x128xf32, #tpu.memory_space<hbm>>) dst(%arg11 : memref<80x128xf32, #tpu.memory_space<vmem>>)
      "tpu.region"() ({
        %run_scoped3A = tpu.sem_alloc : memref<!tpu.dma_semaphore, #tpu.memory_space<semaphore_mem>>
        %dma_start3A_86 = arith.constant 0 : i32
        %dma_start3A_87 = arith.constant 0 : i32
        %dma_start3A_88 = tpu.memref_slice %arg12[%dma_start3A_86, %dma_start3A_87] : memref<10000x128xf32, #tpu.memory_space<vmem_shared>> -> memref<10000x128xf32, #tpu.memory_space<vmem_shared>>
        tpu.enqueue_indirect_dma source(%arg11 : memref<80x128xf32, #tpu.memory_space<vmem>>) target(%dma_start3A_88 : memref<10000x128xf32, #tpu.memory_space<vmem_shared>>) offsets(%arg9 : memref<80xi32, #tpu.memory_space<vmem>>) semaphore(%run_scoped3A : memref<!tpu.dma_semaphore, #tpu.memory_space<semaphore_mem>>) {add = true}
        %dma_wait3A_89 = arith.constant 0 : i32
        %dma_wait3A_90 = arith.constant 0 : i32
        %dma_wait3A_91 = tpu.memref_slice %arg12[%dma_wait3A_89, %dma_wait3A_90] : memref<10000x128xf32, #tpu.memory_space<vmem_shared>> -> memref<10000x128xf32, #tpu.memory_space<vmem_shared>>
        tpu.wait_indirect_dma semaphore(%run_scoped3A : memref<!tpu.dma_semaphore, #tpu.memory_space<semaphore_mem>>) src(%arg11 : memref<80x128xf32, #tpu.memory_space<vmem>>) dst(%dma_wait3A_91 : memref<10000x128xf32, #tpu.memory_space<vmem_shared>>)
        tpu.yield
      }) : () -> ()
    }
    %scan3A_17 = arith.constant 12 : i32
    %add3A_18 = arith.constant 1920 : i32
    %add3A_19 = arith.addi %add3A, %add3A_18 : i32
    %add3A_20 = arith.constant 1920 : i32
    %add3A_21 = arith.addi %add3A_12, %add3A_20 : i32
    "tpu.region"() ({
      %run_scoped3A = tpu.sem_alloc : memref<!tpu.dma_semaphore, #tpu.memory_space<semaphore_mem>>
      %dma_start3A = tpu.memref_slice %arg5[%add3A_21] : memref<320000xi32, #tpu.memory_space<hbm>> -> memref<80xi32, #tpu.memory_space<hbm>>
      %dma_start3A_57 = tpu.memref_slice %arg5[%add3A_21] : memref<320000xi32, #tpu.memory_space<hbm>> -> memref<80xi32, #tpu.memory_space<hbm>>
      tpu.enqueue_dma source(%dma_start3A_57 : memref<80xi32, #tpu.memory_space<hbm>>) target(%arg8 : memref<80xi32, #tpu.memory_space<vmem>>) target_semaphore(%run_scoped3A : memref<!tpu.dma_semaphore, #tpu.memory_space<semaphore_mem>>)
      %dma_wait3A = tpu.memref_slice %arg5[%add3A_21] : memref<320000xi32, #tpu.memory_space<hbm>> -> memref<80xi32, #tpu.memory_space<hbm>>
      %dma_wait3A_58 = tpu.memref_slice %arg5[%add3A_21] : memref<320000xi32, #tpu.memory_space<hbm>> -> memref<80xi32, #tpu.memory_space<hbm>>
      tpu.wait_dma2 semaphore(%run_scoped3A : memref<!tpu.dma_semaphore, #tpu.memory_space<semaphore_mem>>) src(%dma_wait3A_58 : memref<80xi32, #tpu.memory_space<hbm>>) dst(%arg8 : memref<80xi32, #tpu.memory_space<vmem>>)
      tpu.yield
    }) : () -> ()
    "tpu.region"() ({
      %run_scoped3A = tpu.sem_alloc : memref<!tpu.dma_semaphore, #tpu.memory_space<semaphore_mem>>
      %dma_start3A = arith.constant 0 : i32
      %dma_start3A_57 = tpu.memref_slice %arg2[%add3A_19, %dma_start3A] : memref<64000x128xf32, #tpu.memory_space<hbm>> -> memref<80x128xf32, #tpu.memory_space<hbm>>
      %dma_start3A_58 = arith.constant 0 : i32
      %dma_start3A_59 = tpu.memref_slice %arg2[%add3A_19, %dma_start3A_58] : memref<64000x128xf32, #tpu.memory_space<hbm>> -> memref<80x128xf32, #tpu.memory_space<hbm>>
      tpu.enqueue_dma source(%dma_start3A_59 : memref<80x128xf32, #tpu.memory_space<hbm>>) target(%arg10 : memref<80x128xf32, #tpu.memory_space<vmem>>) target_semaphore(%run_scoped3A : memref<!tpu.dma_semaphore, #tpu.memory_space<semaphore_mem>>)
      %dma_wait3A = arith.constant 0 : i32
      %dma_wait3A_60 = tpu.memref_slice %arg2[%add3A_19, %dma_wait3A] : memref<64000x128xf32, #tpu.memory_space<hbm>> -> memref<80x128xf32, #tpu.memory_space<hbm>>
      %dma_wait3A_61 = arith.constant 0 : i32
      %dma_wait3A_62 = tpu.memref_slice %arg2[%add3A_19, %dma_wait3A_61] : memref<64000x128xf32, #tpu.memory_space<hbm>> -> memref<80x128xf32, #tpu.memory_space<hbm>>
      tpu.wait_dma2 semaphore(%run_scoped3A : memref<!tpu.dma_semaphore, #tpu.memory_space<semaphore_mem>>) src(%dma_wait3A_62 : memref<80x128xf32, #tpu.memory_space<hbm>>) dst(%arg10 : memref<80x128xf32, #tpu.memory_space<vmem>>)
      tpu.yield
    }) : () -> ()
    "tpu.region"() ({
      %run_scoped3A = tpu.sem_alloc : memref<!tpu.dma_semaphore, #tpu.memory_space<semaphore_mem>>
      %dma_start3A = arith.constant 0 : i32
      %dma_start3A_57 = arith.constant 0 : i32
      %dma_start3A_58 = tpu.memref_slice %arg12[%dma_start3A, %dma_start3A_57] : memref<10000x128xf32, #tpu.memory_space<vmem_shared>> -> memref<10000x128xf32, #tpu.memory_space<vmem_shared>>
      tpu.enqueue_indirect_dma source(%arg10 : memref<80x128xf32, #tpu.memory_space<vmem>>) target(%dma_start3A_58 : memref<10000x128xf32, #tpu.memory_space<vmem_shared>>) offsets(%arg8 : memref<80xi32, #tpu.memory_space<vmem>>) semaphore(%run_scoped3A : memref<!tpu.dma_semaphore, #tpu.memory_space<semaphore_mem>>) {add = true}
      %dma_wait3A = arith.constant 0 : i32
      %dma_wait3A_59 = arith.constant 0 : i32
      %dma_wait3A_60 = tpu.memref_slice %arg12[%dma_wait3A, %dma_wait3A_59] : memref<10000x128xf32, #tpu.memory_space<vmem_shared>> -> memref<10000x128xf32, #tpu.memory_space<vmem_shared>>
      tpu.wait_indirect_dma semaphore(%run_scoped3A : memref<!tpu.dma_semaphore, #tpu.memory_space<semaphore_mem>>) src(%arg10 : memref<80x128xf32, #tpu.memory_space<vmem>>) dst(%dma_wait3A_60 : memref<10000x128xf32, #tpu.memory_space<vmem_shared>>)
      tpu.yield
    }) : () -> ()
    %add3A_22 = arith.constant 64000 : i32
    %add3A_23 = arith.addi %add3A_22, %add3A : i32
    %scan3A_24 = arith.constant 0 : i32
    %scan3A_25 = arith.constant 0 : i32
    %scan3A_26 = arith.constant 12 : i32
    %scan3A_27 = arith.addi %scan3A_25, %scan3A_26 : i32
    %scan3A_28 = arith.constant 1 : i32
    scf.for %scan3A_57 = %scan3A_25 to %scan3A_27 step %scan3A_28  : i32 {
      %mul3A_58 = arith.constant 2 : i32
      %mul3A_59 = arith.muli %mul3A_58, %scan3A_57 : i32
      %mul3A_60 = arith.constant 80 : i32
      %mul3A_61 = arith.muli %mul3A_59, %mul3A_60 : i32
      %add3A_62 = arith.addi %add3A, %mul3A_61 : i32
      %mul3A_63 = arith.constant 2 : i32
      %mul3A_64 = arith.muli %mul3A_63, %scan3A_57 : i32
      %mul3A_65 = arith.constant 80 : i32
      %mul3A_66 = arith.muli %mul3A_64, %mul3A_65 : i32
      %add3A_67 = arith.addi %add3A_23, %mul3A_66 : i32
      "tpu.region"() ({
        %run_scoped3A = tpu.sem_alloc : memref<!tpu.dma_semaphore, #tpu.memory_space<semaphore_mem>>
        %dma_start3A_86 = tpu.memref_slice %arg5[%add3A_67] : memref<320000xi32, #tpu.memory_space<hbm>> -> memref<80xi32, #tpu.memory_space<hbm>>
        %dma_start3A_87 = tpu.memref_slice %arg5[%add3A_67] : memref<320000xi32, #tpu.memory_space<hbm>> -> memref<80xi32, #tpu.memory_space<hbm>>
        tpu.enqueue_dma source(%dma_start3A_87 : memref<80xi32, #tpu.memory_space<hbm>>) target(%arg8 : memref<80xi32, #tpu.memory_space<vmem>>) target_semaphore(%run_scoped3A : memref<!tpu.dma_semaphore, #tpu.memory_space<semaphore_mem>>)
        %dma_wait3A_88 = tpu.memref_slice %arg5[%add3A_67] : memref<320000xi32, #tpu.memory_space<hbm>> -> memref<80xi32, #tpu.memory_space<hbm>>
        %dma_wait3A_89 = tpu.memref_slice %arg5[%add3A_67] : memref<320000xi32, #tpu.memory_space<hbm>> -> memref<80xi32, #tpu.memory_space<hbm>>
        tpu.wait_dma2 semaphore(%run_scoped3A : memref<!tpu.dma_semaphore, #tpu.memory_space<semaphore_mem>>) src(%dma_wait3A_89 : memref<80xi32, #tpu.memory_space<hbm>>) dst(%arg8 : memref<80xi32, #tpu.memory_space<vmem>>)
        tpu.yield
      }) : () -> ()
      %dma_start3A = arith.constant 0 : i32
      %dma_start3A_68 = tpu.memref_slice %arg3[%add3A_62, %dma_start3A] : memref<64000x128xf32, #tpu.memory_space<hbm>> -> memref<80x128xf32, #tpu.memory_space<hbm>>
      %dma_start3A_69 = arith.constant 0 : i32
      %dma_start3A_70 = tpu.memref_slice %arg3[%add3A_62, %dma_start3A_69] : memref<64000x128xf32, #tpu.memory_space<hbm>> -> memref<80x128xf32, #tpu.memory_space<hbm>>
      tpu.enqueue_dma source(%dma_start3A_70 : memref<80x128xf32, #tpu.memory_space<hbm>>) target(%arg10 : memref<80x128xf32, #tpu.memory_space<vmem>>) target_semaphore(%arg13 : memref<!tpu.dma_semaphore, #tpu.memory_space<semaphore_mem>>)
      %add3A_71 = arith.constant 80 : i32
      %add3A_72 = arith.addi %add3A_67, %add3A_71 : i32
      "tpu.region"() ({
        %run_scoped3A = tpu.sem_alloc : memref<!tpu.dma_semaphore, #tpu.memory_space<semaphore_mem>>
        %dma_start3A_86 = tpu.memref_slice %arg5[%add3A_72] : memref<320000xi32, #tpu.memory_space<hbm>> -> memref<80xi32, #tpu.memory_space<hbm>>
        %dma_start3A_87 = tpu.memref_slice %arg5[%add3A_72] : memref<320000xi32, #tpu.memory_space<hbm>> -> memref<80xi32, #tpu.memory_space<hbm>>
        tpu.enqueue_dma source(%dma_start3A_87 : memref<80xi32, #tpu.memory_space<hbm>>) target(%arg9 : memref<80xi32, #tpu.memory_space<vmem>>) target_semaphore(%run_scoped3A : memref<!tpu.dma_semaphore, #tpu.memory_space<semaphore_mem>>)
        %dma_wait3A_88 = tpu.memref_slice %arg5[%add3A_72] : memref<320000xi32, #tpu.memory_space<hbm>> -> memref<80xi32, #tpu.memory_space<hbm>>
        %dma_wait3A_89 = tpu.memref_slice %arg5[%add3A_72] : memref<320000xi32, #tpu.memory_space<hbm>> -> memref<80xi32, #tpu.memory_space<hbm>>
        tpu.wait_dma2 semaphore(%run_scoped3A : memref<!tpu.dma_semaphore, #tpu.memory_space<semaphore_mem>>) src(%dma_wait3A_89 : memref<80xi32, #tpu.memory_space<hbm>>) dst(%arg9 : memref<80xi32, #tpu.memory_space<vmem>>)
        tpu.yield
      }) : () -> ()
      %add3A_73 = arith.constant 80 : i32
      %add3A_74 = arith.addi %add3A_62, %add3A_73 : i32
      %dma_start3A_75 = arith.constant 0 : i32
      %dma_start3A_76 = tpu.memref_slice %arg3[%add3A_74, %dma_start3A_75] : memref<64000x128xf32, #tpu.memory_space<hbm>> -> memref<80x128xf32, #tpu.memory_space<hbm>>
      %dma_start3A_77 = arith.constant 0 : i32
      %dma_start3A_78 = tpu.memref_slice %arg3[%add3A_74, %dma_start3A_77] : memref<64000x128xf32, #tpu.memory_space<hbm>> -> memref<80x128xf32, #tpu.memory_space<hbm>>
      tpu.enqueue_dma source(%dma_start3A_78 : memref<80x128xf32, #tpu.memory_space<hbm>>) target(%arg11 : memref<80x128xf32, #tpu.memory_space<vmem>>) target_semaphore(%arg14 : memref<!tpu.dma_semaphore, #tpu.memory_space<semaphore_mem>>)
      %dma_wait3A = arith.constant 0 : i32
      %dma_wait3A_79 = tpu.memref_slice %arg3[%add3A_62, %dma_wait3A] : memref<64000x128xf32, #tpu.memory_space<hbm>> -> memref<80x128xf32, #tpu.memory_space<hbm>>
      %dma_wait3A_80 = arith.constant 0 : i32
      %dma_wait3A_81 = tpu.memref_slice %arg3[%add3A_62, %dma_wait3A_80] : memref<64000x128xf32, #tpu.memory_space<hbm>> -> memref<80x128xf32, #tpu.memory_space<hbm>>
      tpu.wait_dma2 semaphore(%arg13 : memref<!tpu.dma_semaphore, #tpu.memory_space<semaphore_mem>>) src(%dma_wait3A_81 : memref<80x128xf32, #tpu.memory_space<hbm>>) dst(%arg10 : memref<80x128xf32, #tpu.memory_space<vmem>>)
      "tpu.region"() ({
        %run_scoped3A = tpu.sem_alloc : memref<!tpu.dma_semaphore, #tpu.memory_space<semaphore_mem>>
        %dma_start3A_86 = arith.constant 0 : i32
        %dma_start3A_87 = arith.constant 0 : i32
        %dma_start3A_88 = tpu.memref_slice %arg12[%dma_start3A_86, %dma_start3A_87] : memref<10000x128xf32, #tpu.memory_space<vmem_shared>> -> memref<10000x128xf32, #tpu.memory_space<vmem_shared>>
        tpu.enqueue_indirect_dma source(%arg10 : memref<80x128xf32, #tpu.memory_space<vmem>>) target(%dma_start3A_88 : memref<10000x128xf32, #tpu.memory_space<vmem_shared>>) offsets(%arg8 : memref<80xi32, #tpu.memory_space<vmem>>) semaphore(%run_scoped3A : memref<!tpu.dma_semaphore, #tpu.memory_space<semaphore_mem>>) {add = true}
        %dma_wait3A_89 = arith.constant 0 : i32
        %dma_wait3A_90 = arith.constant 0 : i32
        %dma_wait3A_91 = tpu.memref_slice %arg12[%dma_wait3A_89, %dma_wait3A_90] : memref<10000x128xf32, #tpu.memory_space<vmem_shared>> -> memref<10000x128xf32, #tpu.memory_space<vmem_shared>>
        tpu.wait_indirect_dma semaphore(%run_scoped3A : memref<!tpu.dma_semaphore, #tpu.memory_space<semaphore_mem>>) src(%arg10 : memref<80x128xf32, #tpu.memory_space<vmem>>) dst(%dma_wait3A_91 : memref<10000x128xf32, #tpu.memory_space<vmem_shared>>)
        tpu.yield
      }) : () -> ()
      %dma_wait3A_82 = arith.constant 0 : i32
      %dma_wait3A_83 = tpu.memref_slice %arg3[%add3A_74, %dma_wait3A_82] : memref<64000x128xf32, #tpu.memory_space<hbm>> -> memref<80x128xf32, #tpu.memory_space<hbm>>
      %dma_wait3A_84 = arith.constant 0 : i32
      %dma_wait3A_85 = tpu.memref_slice %arg3[%add3A_74, %dma_wait3A_84] : memref<64000x128xf32, #tpu.memory_space<hbm>> -> memref<80x128xf32, #tpu.memory_space<hbm>>
      tpu.wait_dma2 semaphore(%arg14 : memref<!tpu.dma_semaphore, #tpu.memory_space<semaphore_mem>>) src(%dma_wait3A_85 : memref<80x128xf32, #tpu.memory_space<hbm>>) dst(%arg11 : memref<80x128xf32, #tpu.memory_space<vmem>>)
      "tpu.region"() ({
        %run_scoped3A = tpu.sem_alloc : memref<!tpu.dma_semaphore, #tpu.memory_space<semaphore_mem>>
        %dma_start3A_86 = arith.constant 0 : i32
        %dma_start3A_87 = arith.constant 0 : i32
        %dma_start3A_88 = tpu.memref_slice %arg12[%dma_start3A_86, %dma_start3A_87] : memref<10000x128xf32, #tpu.memory_space<vmem_shared>> -> memref<10000x128xf32, #tpu.memory_space<vmem_shared>>
        tpu.enqueue_indirect_dma source(%arg11 : memref<80x128xf32, #tpu.memory_space<vmem>>) target(%dma_start3A_88 : memref<10000x128xf32, #tpu.memory_space<vmem_shared>>) offsets(%arg9 : memref<80xi32, #tpu.memory_space<vmem>>) semaphore(%run_scoped3A : memref<!tpu.dma_semaphore, #tpu.memory_space<semaphore_mem>>) {add = true}
        %dma_wait3A_89 = arith.constant 0 : i32
        %dma_wait3A_90 = arith.constant 0 : i32
        %dma_wait3A_91 = tpu.memref_slice %arg12[%dma_wait3A_89, %dma_wait3A_90] : memref<10000x128xf32, #tpu.memory_space<vmem_shared>> -> memref<10000x128xf32, #tpu.memory_space<vmem_shared>>
        tpu.wait_indirect_dma semaphore(%run_scoped3A : memref<!tpu.dma_semaphore, #tpu.memory_space<semaphore_mem>>) src(%arg11 : memref<80x128xf32, #tpu.memory_space<vmem>>) dst(%dma_wait3A_91 : memref<10000x128xf32, #tpu.memory_space<vmem_shared>>)
        tpu.yield
      }) : () -> ()
    }
    %scan3A_29 = arith.constant 12 : i32
    %add3A_30 = arith.constant 1920 : i32
    %add3A_31 = arith.addi %add3A, %add3A_30 : i32
    %add3A_32 = arith.constant 1920 : i32
    %add3A_33 = arith.addi %add3A_23, %add3A_32 : i32
    "tpu.region"() ({
      %run_scoped3A = tpu.sem_alloc : memref<!tpu.dma_semaphore, #tpu.memory_space<semaphore_mem>>
      %dma_start3A = tpu.memref_slice %arg5[%add3A_33] : memref<320000xi32, #tpu.memory_space<hbm>> -> memref<80xi32, #tpu.memory_space<hbm>>
      %dma_start3A_57 = tpu.memref_slice %arg5[%add3A_33] : memref<320000xi32, #tpu.memory_space<hbm>> -> memref<80xi32, #tpu.memory_space<hbm>>
      tpu.enqueue_dma source(%dma_start3A_57 : memref<80xi32, #tpu.memory_space<hbm>>) target(%arg8 : memref<80xi32, #tpu.memory_space<vmem>>) target_semaphore(%run_scoped3A : memref<!tpu.dma_semaphore, #tpu.memory_space<semaphore_mem>>)
      %dma_wait3A = tpu.memref_slice %arg5[%add3A_33] : memref<320000xi32, #tpu.memory_space<hbm>> -> memref<80xi32, #tpu.memory_space<hbm>>
      %dma_wait3A_58 = tpu.memref_slice %arg5[%add3A_33] : memref<320000xi32, #tpu.memory_space<hbm>> -> memref<80xi32, #tpu.memory_space<hbm>>
      tpu.wait_dma2 semaphore(%run_scoped3A : memref<!tpu.dma_semaphore, #tpu.memory_space<semaphore_mem>>) src(%dma_wait3A_58 : memref<80xi32, #tpu.memory_space<hbm>>) dst(%arg8 : memref<80xi32, #tpu.memory_space<vmem>>)
      tpu.yield
    }) : () -> ()
    "tpu.region"() ({
      %run_scoped3A = tpu.sem_alloc : memref<!tpu.dma_semaphore, #tpu.memory_space<semaphore_mem>>
      %dma_start3A = arith.constant 0 : i32
      %dma_start3A_57 = tpu.memref_slice %arg3[%add3A_31, %dma_start3A] : memref<64000x128xf32, #tpu.memory_space<hbm>> -> memref<80x128xf32, #tpu.memory_space<hbm>>
      %dma_start3A_58 = arith.constant 0 : i32
      %dma_start3A_59 = tpu.memref_slice %arg3[%add3A_31, %dma_start3A_58] : memref<64000x128xf32, #tpu.memory_space<hbm>> -> memref<80x128xf32, #tpu.memory_space<hbm>>
      tpu.enqueue_dma source(%dma_start3A_59 : memref<80x128xf32, #tpu.memory_space<hbm>>) target(%arg10 : memref<80x128xf32, #tpu.memory_space<vmem>>) target_semaphore(%run_scoped3A : memref<!tpu.dma_semaphore, #tpu.memory_space<semaphore_mem>>)
      %dma_wait3A = arith.constant 0 : i32
      %dma_wait3A_60 = tpu.memref_slice %arg3[%add3A_31, %dma_wait3A] : memref<64000x128xf32, #tpu.memory_space<hbm>> -> memref<80x128xf32, #tpu.memory_space<hbm>>
      %dma_wait3A_61 = arith.constant 0 : i32
      %dma_wait3A_62 = tpu.memref_slice %arg3[%add3A_31, %dma_wait3A_61] : memref<64000x128xf32, #tpu.memory_space<hbm>> -> memref<80x128xf32, #tpu.memory_space<hbm>>
      tpu.wait_dma2 semaphore(%run_scoped3A : memref<!tpu.dma_semaphore, #tpu.memory_space<semaphore_mem>>) src(%dma_wait3A_62 : memref<80x128xf32, #tpu.memory_space<hbm>>) dst(%arg10 : memref<80x128xf32, #tpu.memory_space<vmem>>)
      tpu.yield
    }) : () -> ()
    "tpu.region"() ({
      %run_scoped3A = tpu.sem_alloc : memref<!tpu.dma_semaphore, #tpu.memory_space<semaphore_mem>>
      %dma_start3A = arith.constant 0 : i32
      %dma_start3A_57 = arith.constant 0 : i32
      %dma_start3A_58 = tpu.memref_slice %arg12[%dma_start3A, %dma_start3A_57] : memref<10000x128xf32, #tpu.memory_space<vmem_shared>> -> memref<10000x128xf32, #tpu.memory_space<vmem_shared>>
      tpu.enqueue_indirect_dma source(%arg10 : memref<80x128xf32, #tpu.memory_space<vmem>>) target(%dma_start3A_58 : memref<10000x128xf32, #tpu.memory_space<vmem_shared>>) offsets(%arg8 : memref<80xi32, #tpu.memory_space<vmem>>) semaphore(%run_scoped3A : memref<!tpu.dma_semaphore, #tpu.memory_space<semaphore_mem>>) {add = true}
      %dma_wait3A = arith.constant 0 : i32
      %dma_wait3A_59 = arith.constant 0 : i32
      %dma_wait3A_60 = tpu.memref_slice %arg12[%dma_wait3A, %dma_wait3A_59] : memref<10000x128xf32, #tpu.memory_space<vmem_shared>> -> memref<10000x128xf32, #tpu.memory_space<vmem_shared>>
      tpu.wait_indirect_dma semaphore(%run_scoped3A : memref<!tpu.dma_semaphore, #tpu.memory_space<semaphore_mem>>) src(%arg10 : memref<80x128xf32, #tpu.memory_space<vmem>>) dst(%dma_wait3A_60 : memref<10000x128xf32, #tpu.memory_space<vmem_shared>>)
      tpu.yield
    }) : () -> ()
    %add3A_34 = arith.constant 128000 : i32
    %add3A_35 = arith.addi %add3A_34, %add3A : i32
    %scan3A_36 = arith.constant 0 : i32
    %scan3A_37 = arith.constant 0 : i32
    %scan3A_38 = arith.constant 12 : i32
    %scan3A_39 = arith.addi %scan3A_37, %scan3A_38 : i32
    %scan3A_40 = arith.constant 1 : i32
    scf.for %scan3A_57 = %scan3A_37 to %scan3A_39 step %scan3A_40  : i32 {
      %mul3A_58 = arith.constant 2 : i32
      %mul3A_59 = arith.muli %mul3A_58, %scan3A_57 : i32
      %mul3A_60 = arith.constant 80 : i32
      %mul3A_61 = arith.muli %mul3A_59, %mul3A_60 : i32
      %add3A_62 = arith.addi %add3A, %mul3A_61 : i32
      %mul3A_63 = arith.constant 2 : i32
      %mul3A_64 = arith.muli %mul3A_63, %scan3A_57 : i32
      %mul3A_65 = arith.constant 80 : i32
      %mul3A_66 = arith.muli %mul3A_64, %mul3A_65 : i32
      %add3A_67 = arith.addi %add3A_35, %mul3A_66 : i32
      "tpu.region"() ({
        %run_scoped3A = tpu.sem_alloc : memref<!tpu.dma_semaphore, #tpu.memory_space<semaphore_mem>>
        %dma_start3A_86 = tpu.memref_slice %arg5[%add3A_67] : memref<320000xi32, #tpu.memory_space<hbm>> -> memref<80xi32, #tpu.memory_space<hbm>>
        %dma_start3A_87 = tpu.memref_slice %arg5[%add3A_67] : memref<320000xi32, #tpu.memory_space<hbm>> -> memref<80xi32, #tpu.memory_space<hbm>>
        tpu.enqueue_dma source(%dma_start3A_87 : memref<80xi32, #tpu.memory_space<hbm>>) target(%arg8 : memref<80xi32, #tpu.memory_space<vmem>>) target_semaphore(%run_scoped3A : memref<!tpu.dma_semaphore, #tpu.memory_space<semaphore_mem>>)
        %dma_wait3A_88 = tpu.memref_slice %arg5[%add3A_67] : memref<320000xi32, #tpu.memory_space<hbm>> -> memref<80xi32, #tpu.memory_space<hbm>>
        %dma_wait3A_89 = tpu.memref_slice %arg5[%add3A_67] : memref<320000xi32, #tpu.memory_space<hbm>> -> memref<80xi32, #tpu.memory_space<hbm>>
        tpu.wait_dma2 semaphore(%run_scoped3A : memref<!tpu.dma_semaphore, #tpu.memory_space<semaphore_mem>>) src(%dma_wait3A_89 : memref<80xi32, #tpu.memory_space<hbm>>) dst(%arg8 : memref<80xi32, #tpu.memory_space<vmem>>)
        tpu.yield
      }) : () -> ()
      %dma_start3A = arith.constant 0 : i32
      %dma_start3A_68 = tpu.memref_slice %arg4[%add3A_62, %dma_start3A] : memref<64000x128xf32, #tpu.memory_space<hbm>> -> memref<80x128xf32, #tpu.memory_space<hbm>>
      %dma_start3A_69 = arith.constant 0 : i32
      %dma_start3A_70 = tpu.memref_slice %arg4[%add3A_62, %dma_start3A_69] : memref<64000x128xf32, #tpu.memory_space<hbm>> -> memref<80x128xf32, #tpu.memory_space<hbm>>
      tpu.enqueue_dma source(%dma_start3A_70 : memref<80x128xf32, #tpu.memory_space<hbm>>) target(%arg10 : memref<80x128xf32, #tpu.memory_space<vmem>>) target_semaphore(%arg13 : memref<!tpu.dma_semaphore, #tpu.memory_space<semaphore_mem>>)
      %add3A_71 = arith.constant 80 : i32
      %add3A_72 = arith.addi %add3A_67, %add3A_71 : i32
      "tpu.region"() ({
        %run_scoped3A = tpu.sem_alloc : memref<!tpu.dma_semaphore, #tpu.memory_space<semaphore_mem>>
        %dma_start3A_86 = tpu.memref_slice %arg5[%add3A_72] : memref<320000xi32, #tpu.memory_space<hbm>> -> memref<80xi32, #tpu.memory_space<hbm>>
        %dma_start3A_87 = tpu.memref_slice %arg5[%add3A_72] : memref<320000xi32, #tpu.memory_space<hbm>> -> memref<80xi32, #tpu.memory_space<hbm>>
        tpu.enqueue_dma source(%dma_start3A_87 : memref<80xi32, #tpu.memory_space<hbm>>) target(%arg9 : memref<80xi32, #tpu.memory_space<vmem>>) target_semaphore(%run_scoped3A : memref<!tpu.dma_semaphore, #tpu.memory_space<semaphore_mem>>)
        %dma_wait3A_88 = tpu.memref_slice %arg5[%add3A_72] : memref<320000xi32, #tpu.memory_space<hbm>> -> memref<80xi32, #tpu.memory_space<hbm>>
        %dma_wait3A_89 = tpu.memref_slice %arg5[%add3A_72] : memref<320000xi32, #tpu.memory_space<hbm>> -> memref<80xi32, #tpu.memory_space<hbm>>
        tpu.wait_dma2 semaphore(%run_scoped3A : memref<!tpu.dma_semaphore, #tpu.memory_space<semaphore_mem>>) src(%dma_wait3A_89 : memref<80xi32, #tpu.memory_space<hbm>>) dst(%arg9 : memref<80xi32, #tpu.memory_space<vmem>>)
        tpu.yield
      }) : () -> ()
      %add3A_73 = arith.constant 80 : i32
      %add3A_74 = arith.addi %add3A_62, %add3A_73 : i32
      %dma_start3A_75 = arith.constant 0 : i32
      %dma_start3A_76 = tpu.memref_slice %arg4[%add3A_74, %dma_start3A_75] : memref<64000x128xf32, #tpu.memory_space<hbm>> -> memref<80x128xf32, #tpu.memory_space<hbm>>
      %dma_start3A_77 = arith.constant 0 : i32
      %dma_start3A_78 = tpu.memref_slice %arg4[%add3A_74, %dma_start3A_77] : memref<64000x128xf32, #tpu.memory_space<hbm>> -> memref<80x128xf32, #tpu.memory_space<hbm>>
      tpu.enqueue_dma source(%dma_start3A_78 : memref<80x128xf32, #tpu.memory_space<hbm>>) target(%arg11 : memref<80x128xf32, #tpu.memory_space<vmem>>) target_semaphore(%arg14 : memref<!tpu.dma_semaphore, #tpu.memory_space<semaphore_mem>>)
      %dma_wait3A = arith.constant 0 : i32
      %dma_wait3A_79 = tpu.memref_slice %arg4[%add3A_62, %dma_wait3A] : memref<64000x128xf32, #tpu.memory_space<hbm>> -> memref<80x128xf32, #tpu.memory_space<hbm>>
      %dma_wait3A_80 = arith.constant 0 : i32
      %dma_wait3A_81 = tpu.memref_slice %arg4[%add3A_62, %dma_wait3A_80] : memref<64000x128xf32, #tpu.memory_space<hbm>> -> memref<80x128xf32, #tpu.memory_space<hbm>>
      tpu.wait_dma2 semaphore(%arg13 : memref<!tpu.dma_semaphore, #tpu.memory_space<semaphore_mem>>) src(%dma_wait3A_81 : memref<80x128xf32, #tpu.memory_space<hbm>>) dst(%arg10 : memref<80x128xf32, #tpu.memory_space<vmem>>)
      "tpu.region"() ({
        %run_scoped3A = tpu.sem_alloc : memref<!tpu.dma_semaphore, #tpu.memory_space<semaphore_mem>>
        %dma_start3A_86 = arith.constant 0 : i32
        %dma_start3A_87 = arith.constant 0 : i32
        %dma_start3A_88 = tpu.memref_slice %arg12[%dma_start3A_86, %dma_start3A_87] : memref<10000x128xf32, #tpu.memory_space<vmem_shared>> -> memref<10000x128xf32, #tpu.memory_space<vmem_shared>>
        tpu.enqueue_indirect_dma source(%arg10 : memref<80x128xf32, #tpu.memory_space<vmem>>) target(%dma_start3A_88 : memref<10000x128xf32, #tpu.memory_space<vmem_shared>>) offsets(%arg8 : memref<80xi32, #tpu.memory_space<vmem>>) semaphore(%run_scoped3A : memref<!tpu.dma_semaphore, #tpu.memory_space<semaphore_mem>>) {add = true}
        %dma_wait3A_89 = arith.constant 0 : i32
        %dma_wait3A_90 = arith.constant 0 : i32
        %dma_wait3A_91 = tpu.memref_slice %arg12[%dma_wait3A_89, %dma_wait3A_90] : memref<10000x128xf32, #tpu.memory_space<vmem_shared>> -> memref<10000x128xf32, #tpu.memory_space<vmem_shared>>
        tpu.wait_indirect_dma semaphore(%run_scoped3A : memref<!tpu.dma_semaphore, #tpu.memory_space<semaphore_mem>>) src(%arg10 : memref<80x128xf32, #tpu.memory_space<vmem>>) dst(%dma_wait3A_91 : memref<10000x128xf32, #tpu.memory_space<vmem_shared>>)
        tpu.yield
      }) : () -> ()
      %dma_wait3A_82 = arith.constant 0 : i32
      %dma_wait3A_83 = tpu.memref_slice %arg4[%add3A_74, %dma_wait3A_82] : memref<64000x128xf32, #tpu.memory_space<hbm>> -> memref<80x128xf32, #tpu.memory_space<hbm>>
      %dma_wait3A_84 = arith.constant 0 : i32
      %dma_wait3A_85 = tpu.memref_slice %arg4[%add3A_74, %dma_wait3A_84] : memref<64000x128xf32, #tpu.memory_space<hbm>> -> memref<80x128xf32, #tpu.memory_space<hbm>>
      tpu.wait_dma2 semaphore(%arg14 : memref<!tpu.dma_semaphore, #tpu.memory_space<semaphore_mem>>) src(%dma_wait3A_85 : memref<80x128xf32, #tpu.memory_space<hbm>>) dst(%arg11 : memref<80x128xf32, #tpu.memory_space<vmem>>)
      "tpu.region"() ({
        %run_scoped3A = tpu.sem_alloc : memref<!tpu.dma_semaphore, #tpu.memory_space<semaphore_mem>>
        %dma_start3A_86 = arith.constant 0 : i32
        %dma_start3A_87 = arith.constant 0 : i32
        %dma_start3A_88 = tpu.memref_slice %arg12[%dma_start3A_86, %dma_start3A_87] : memref<10000x128xf32, #tpu.memory_space<vmem_shared>> -> memref<10000x128xf32, #tpu.memory_space<vmem_shared>>
        tpu.enqueue_indirect_dma source(%arg11 : memref<80x128xf32, #tpu.memory_space<vmem>>) target(%dma_start3A_88 : memref<10000x128xf32, #tpu.memory_space<vmem_shared>>) offsets(%arg9 : memref<80xi32, #tpu.memory_space<vmem>>) semaphore(%run_scoped3A : memref<!tpu.dma_semaphore, #tpu.memory_space<semaphore_mem>>) {add = true}
        %dma_wait3A_89 = arith.constant 0 : i32
        %dma_wait3A_90 = arith.constant 0 : i32
        %dma_wait3A_91 = tpu.memref_slice %arg12[%dma_wait3A_89, %dma_wait3A_90] : memref<10000x128xf32, #tpu.memory_space<vmem_shared>> -> memref<10000x128xf32, #tpu.memory_space<vmem_shared>>
        tpu.wait_indirect_dma semaphore(%run_scoped3A : memref<!tpu.dma_semaphore, #tpu.memory_space<semaphore_mem>>) src(%arg11 : memref<80x128xf32, #tpu.memory_space<vmem>>) dst(%dma_wait3A_91 : memref<10000x128xf32, #tpu.memory_space<vmem_shared>>)
        tpu.yield
      }) : () -> ()
    }
    %scan3A_41 = arith.constant 12 : i32
    %add3A_42 = arith.constant 1920 : i32
    %add3A_43 = arith.addi %add3A, %add3A_42 : i32
    %add3A_44 = arith.constant 1920 : i32
    %add3A_45 = arith.addi %add3A_35, %add3A_44 : i32
    "tpu.region"() ({
      %run_scoped3A = tpu.sem_alloc : memref<!tpu.dma_semaphore, #tpu.memory_space<semaphore_mem>>
      %dma_start3A = tpu.memref_slice %arg5[%add3A_45] : memref<320000xi32, #tpu.memory_space<hbm>> -> memref<80xi32, #tpu.memory_space<hbm>>
      %dma_start3A_57 = tpu.memref_slice %arg5[%add3A_45] : memref<320000xi32, #tpu.memory_space<hbm>> -> memref<80xi32, #tpu.memory_space<hbm>>
      tpu.enqueue_dma source(%dma_start3A_57 : memref<80xi32, #tpu.memory_space<hbm>>) target(%arg8 : memref<80xi32, #tpu.memory_space<vmem>>) target_semaphore(%run_scoped3A : memref<!tpu.dma_semaphore, #tpu.memory_space<semaphore_mem>>)
      %dma_wait3A = tpu.memref_slice %arg5[%add3A_45] : memref<320000xi32, #tpu.memory_space<hbm>> -> memref<80xi32, #tpu.memory_space<hbm>>
      %dma_wait3A_58 = tpu.memref_slice %arg5[%add3A_45] : memref<320000xi32, #tpu.memory_space<hbm>> -> memref<80xi32, #tpu.memory_space<hbm>>
      tpu.wait_dma2 semaphore(%run_scoped3A : memref<!tpu.dma_semaphore, #tpu.memory_space<semaphore_mem>>) src(%dma_wait3A_58 : memref<80xi32, #tpu.memory_space<hbm>>) dst(%arg8 : memref<80xi32, #tpu.memory_space<vmem>>)
      tpu.yield
    }) : () -> ()
    "tpu.region"() ({
      %run_scoped3A = tpu.sem_alloc : memref<!tpu.dma_semaphore, #tpu.memory_space<semaphore_mem>>
      %dma_start3A = arith.constant 0 : i32
      %dma_start3A_57 = tpu.memref_slice %arg4[%add3A_43, %dma_start3A] : memref<64000x128xf32, #tpu.memory_space<hbm>> -> memref<80x128xf32, #tpu.memory_space<hbm>>
      %dma_start3A_58 = arith.constant 0 : i32
      %dma_start3A_59 = tpu.memref_slice %arg4[%add3A_43, %dma_start3A_58] : memref<64000x128xf32, #tpu.memory_space<hbm>> -> memref<80x128xf32, #tpu.memory_space<hbm>>
      tpu.enqueue_dma source(%dma_start3A_59 : memref<80x128xf32, #tpu.memory_space<hbm>>) target(%arg10 : memref<80x128xf32, #tpu.memory_space<vmem>>) target_semaphore(%run_scoped3A : memref<!tpu.dma_semaphore, #tpu.memory_space<semaphore_mem>>)
      %dma_wait3A = arith.constant 0 : i32
      %dma_wait3A_60 = tpu.memref_slice %arg4[%add3A_43, %dma_wait3A] : memref<64000x128xf32, #tpu.memory_space<hbm>> -> memref<80x128xf32, #tpu.memory_space<hbm>>
      %dma_wait3A_61 = arith.constant 0 : i32
      %dma_wait3A_62 = tpu.memref_slice %arg4[%add3A_43, %dma_wait3A_61] : memref<64000x128xf32, #tpu.memory_space<hbm>> -> memref<80x128xf32, #tpu.memory_space<hbm>>
      tpu.wait_dma2 semaphore(%run_scoped3A : memref<!tpu.dma_semaphore, #tpu.memory_space<semaphore_mem>>) src(%dma_wait3A_62 : memref<80x128xf32, #tpu.memory_space<hbm>>) dst(%arg10 : memref<80x128xf32, #tpu.memory_space<vmem>>)
      tpu.yield
    }) : () -> ()
    "tpu.region"() ({
      %run_scoped3A = tpu.sem_alloc : memref<!tpu.dma_semaphore, #tpu.memory_space<semaphore_mem>>
      %dma_start3A = arith.constant 0 : i32
      %dma_start3A_57 = arith.constant 0 : i32
      %dma_start3A_58 = tpu.memref_slice %arg12[%dma_start3A, %dma_start3A_57] : memref<10000x128xf32, #tpu.memory_space<vmem_shared>> -> memref<10000x128xf32, #tpu.memory_space<vmem_shared>>
      tpu.enqueue_indirect_dma source(%arg10 : memref<80x128xf32, #tpu.memory_space<vmem>>) target(%dma_start3A_58 : memref<10000x128xf32, #tpu.memory_space<vmem_shared>>) offsets(%arg8 : memref<80xi32, #tpu.memory_space<vmem>>) semaphore(%run_scoped3A : memref<!tpu.dma_semaphore, #tpu.memory_space<semaphore_mem>>) {add = true}
      %dma_wait3A = arith.constant 0 : i32
      %dma_wait3A_59 = arith.constant 0 : i32
      %dma_wait3A_60 = tpu.memref_slice %arg12[%dma_wait3A, %dma_wait3A_59] : memref<10000x128xf32, #tpu.memory_space<vmem_shared>> -> memref<10000x128xf32, #tpu.memory_space<vmem_shared>>
      tpu.wait_indirect_dma semaphore(%run_scoped3A : memref<!tpu.dma_semaphore, #tpu.memory_space<semaphore_mem>>) src(%arg10 : memref<80x128xf32, #tpu.memory_space<vmem>>) dst(%dma_wait3A_60 : memref<10000x128xf32, #tpu.memory_space<vmem_shared>>)
      tpu.yield
    }) : () -> ()
    %barrier3A_46 = arith.constant 0 : index
    tpu.barrier barrier_id(%barrier3A_46)
    %lt3A_47 = arith.constant 15 : i32
    %lt3A_48 = arith.cmpi slt, %arg1, %lt3A_47 : i32
    %convert_element_type3A_49 = arith.extui %lt3A_48 : i1 to i32
    %cond3A_50 = arith.constant 0 : i32
    %cond3A_51 = arith.cmpi ne, %convert_element_type3A_49, %cond3A_50 : i32
    scf.if %cond3A_51 {
      "tpu.region"() ({
        %run_scoped3A = tpu.sem_alloc : memref<!tpu.dma_semaphore, #tpu.memory_space<semaphore_mem>>
        %dma_start3A = arith.constant 0 : i32
        %dma_start3A_57 = tpu.memref_slice %arg7[%arg0, %mul3A_0, %dma_start3A] : memref<2x10000x128xf32, #tpu.memory_space<hbm>> -> memref<1x640x128xf32, #tpu.memory_space<hbm>>
        %dma_start3A_58 = tpu.memref_squeeze %dma_start3A_57 : memref<1x640x128xf32, #tpu.memory_space<hbm>> -> memref<640x128xf32, #tpu.memory_space<hbm>>
        %dma_start3A_59 = arith.constant 0 : i32
        %dma_start3A_60 = tpu.memref_slice %arg12[%mul3A_0, %dma_start3A_59] : memref<10000x128xf32, #tpu.memory_space<vmem_shared>> -> memref<640x128xf32, #tpu.memory_space<vmem_shared>>
        tpu.enqueue_dma source(%dma_start3A_60 : memref<640x128xf32, #tpu.memory_space<vmem_shared>>) target(%dma_start3A_58 : memref<640x128xf32, #tpu.memory_space<hbm>>) target_semaphore(%run_scoped3A : memref<!tpu.dma_semaphore, #tpu.memory_space<semaphore_mem>>)
        %dma_wait3A = arith.constant 0 : i32
        %dma_wait3A_61 = tpu.memref_slice %arg7[%arg0, %mul3A_0, %dma_wait3A] : memref<2x10000x128xf32, #tpu.memory_space<hbm>> -> memref<1x640x128xf32, #tpu.memory_space<hbm>>
        %dma_wait3A_62 = tpu.memref_squeeze %dma_wait3A_61 : memref<1x640x128xf32, #tpu.memory_space<hbm>> -> memref<640x128xf32, #tpu.memory_space<hbm>>
        %dma_wait3A_63 = arith.constant 0 : i32
        %dma_wait3A_64 = tpu.memref_slice %arg12[%mul3A_0, %dma_wait3A_63] : memref<10000x128xf32, #tpu.memory_space<vmem_shared>> -> memref<640x128xf32, #tpu.memory_space<vmem_shared>>
        tpu.wait_dma2 semaphore(%run_scoped3A : memref<!tpu.dma_semaphore, #tpu.memory_space<semaphore_mem>>) src(%dma_wait3A_64 : memref<640x128xf32, #tpu.memory_space<vmem_shared>>) dst(%dma_wait3A_62 : memref<640x128xf32, #tpu.memory_space<hbm>>)
        tpu.yield
      }) : () -> ()
    } else {
    }
    %eq3A_52 = arith.constant 15 : i32
    %eq3A_53 = arith.cmpi eq, %arg1, %eq3A_52 : i32
    %convert_element_type3A_54 = arith.extui %eq3A_53 : i1 to i32
    %cond3A_55 = arith.constant 0 : i32
    %cond3A_56 = arith.cmpi ne, %convert_element_type3A_54, %cond3A_55 : i32
    scf.if %cond3A_56 {
      "tpu.region"() ({
        %run_scoped3A = tpu.sem_alloc : memref<!tpu.dma_semaphore, #tpu.memory_space<semaphore_mem>>
        %dma_start3A = arith.constant 0 : i32
        %dma_start3A_57 = tpu.memref_slice %arg7[%arg0, %mul3A_0, %dma_start3A] : memref<2x10000x128xf32, #tpu.memory_space<hbm>> -> memref<1x400x128xf32, #tpu.memory_space<hbm>>
        %dma_start3A_58 = tpu.memref_squeeze %dma_start3A_57 : memref<1x400x128xf32, #tpu.memory_space<hbm>> -> memref<400x128xf32, #tpu.memory_space<hbm>>
        %dma_start3A_59 = arith.constant 0 : i32
        %dma_start3A_60 = tpu.memref_slice %arg12[%mul3A_0, %dma_start3A_59] : memref<10000x128xf32, #tpu.memory_space<vmem_shared>> -> memref<400x128xf32, #tpu.memory_space<vmem_shared>>
        tpu.enqueue_dma source(%dma_start3A_60 : memref<400x128xf32, #tpu.memory_space<vmem_shared>>) target(%dma_start3A_58 : memref<400x128xf32, #tpu.memory_space<hbm>>) target_semaphore(%run_scoped3A : memref<!tpu.dma_semaphore, #tpu.memory_space<semaphore_mem>>)
        %dma_wait3A = arith.constant 0 : i32
        %dma_wait3A_61 = tpu.memref_slice %arg7[%arg0, %mul3A_0, %dma_wait3A] : memref<2x10000x128xf32, #tpu.memory_space<hbm>> -> memref<1x400x128xf32, #tpu.memory_space<hbm>>
        %dma_wait3A_62 = tpu.memref_squeeze %dma_wait3A_61 : memref<1x400x128xf32, #tpu.memory_space<hbm>> -> memref<400x128xf32, #tpu.memory_space<hbm>>
        %dma_wait3A_63 = arith.constant 0 : i32
        %dma_wait3A_64 = tpu.memref_slice %arg12[%mul3A_0, %dma_wait3A_63] : memref<10000x128xf32, #tpu.memory_space<vmem_shared>> -> memref<400x128xf32, #tpu.memory_space<vmem_shared>>
        tpu.wait_dma2 semaphore(%run_scoped3A : memref<!tpu.dma_semaphore, #tpu.memory_space<semaphore_mem>>) src(%dma_wait3A_64 : memref<400x128xf32, #tpu.memory_space<vmem_shared>>) dst(%dma_wait3A_62 : memref<400x128xf32, #tpu.memory_space<hbm>>)
        tpu.yield
      }) : () -> ()
    } else {
    }
    return
  }
}

#map = affine_map<(d0, d1) -> (0, 0)>
#map1 = affine_map<(d0, d1) -> (0)>
#map2 = affine_map<(d0, d1) -> (0, 0, 0)>
module attributes {stable_mosaic.version = 14 : i64} {
  func.func @k(%arg0: i32, %arg1: i32, %arg2: memref<64000x128xf32, #tpu.memory_space<hbm>>, %arg3: memref<64000x128xf32, #tpu.memory_space<hbm>>, %arg4: memref<320000xi32, #tpu.memory_space<hbm>>, %arg5: memref<10000x128xf32, #tpu.memory_space<hbm>>, %arg6: memref<2x10000x128xf32, #tpu.memory_space<hbm>>, %arg7: memref<80xi32, #tpu.memory_space<vmem>>, %arg8: memref<80xi32, #tpu.memory_space<vmem>>, %arg9: memref<80x128xf32, #tpu.memory_space<vmem>>, %arg10: memref<80x128xf32, #tpu.memory_space<vmem>>, %arg11: memref<10000x128xf32, #tpu.memory_space<vmem_shared>>, %arg12: memref<!tpu.dma_semaphore, #tpu.memory_space<semaphore_mem>>, %arg13: memref<!tpu.dma_semaphore, #tpu.memory_space<semaphore_mem>>) attributes {dimension_semantics = [#tpu.dimension_semantics<core_parallel>, #tpu.dimension_semantics<subcore_parallel>], iteration_bounds = array<i64: 2, 16>, scalar_prefetch = 0 : i64, scratch_operands = 7 : i64, tpu.core_type = #tpu.core_type<sc_vector_subcore>, window_params = [{transform_indices = #map}, {transform_indices = #map}, {transform_indices = #map1}, {transform_indices = #map}, {transform_indices = #map2}]} {
    %mul3A = arith.constant 640 : i32
    %mul3A_0 = arith.muli %arg1, %mul3A : i32
    %lt3A = arith.constant 15 : i32
    %lt3A_1 = arith.cmpi slt, %arg1, %lt3A : i32
    %convert_element_type3A = arith.extui %lt3A_1 : i1 to i32
    %cond3A = arith.constant 0 : i32
    %cond3A_2 = arith.cmpi ne, %convert_element_type3A, %cond3A : i32
    scf.if %cond3A_2 {
      "tpu.region"() ({
        %run_scoped3A = tpu.sem_alloc : memref<!tpu.dma_semaphore, #tpu.memory_space<semaphore_mem>>
        %dma_start3A = arith.constant 0 : i32
        %dma_start3A_45 = tpu.memref_slice %arg11[%mul3A_0, %dma_start3A] : memref<10000x128xf32, #tpu.memory_space<vmem_shared>> -> memref<640x128xf32, #tpu.memory_space<vmem_shared>>
        %dma_start3A_46 = arith.constant 0 : i32
        %dma_start3A_47 = tpu.memref_slice %arg5[%mul3A_0, %dma_start3A_46] : memref<10000x128xf32, #tpu.memory_space<hbm>> -> memref<640x128xf32, #tpu.memory_space<hbm>>
        tpu.enqueue_dma source(%dma_start3A_47 : memref<640x128xf32, #tpu.memory_space<hbm>>) target(%dma_start3A_45 : memref<640x128xf32, #tpu.memory_space<vmem_shared>>) target_semaphore(%run_scoped3A : memref<!tpu.dma_semaphore, #tpu.memory_space<semaphore_mem>>)
        %dma_wait3A = arith.constant 0 : i32
        %dma_wait3A_48 = tpu.memref_slice %arg11[%mul3A_0, %dma_wait3A] : memref<10000x128xf32, #tpu.memory_space<vmem_shared>> -> memref<640x128xf32, #tpu.memory_space<vmem_shared>>
        %dma_wait3A_49 = arith.constant 0 : i32
        %dma_wait3A_50 = tpu.memref_slice %arg5[%mul3A_0, %dma_wait3A_49] : memref<10000x128xf32, #tpu.memory_space<hbm>> -> memref<640x128xf32, #tpu.memory_space<hbm>>
        tpu.wait_dma2 semaphore(%run_scoped3A : memref<!tpu.dma_semaphore, #tpu.memory_space<semaphore_mem>>) src(%dma_wait3A_50 : memref<640x128xf32, #tpu.memory_space<hbm>>) dst(%dma_wait3A_48 : memref<640x128xf32, #tpu.memory_space<vmem_shared>>)
        tpu.yield
      }) : () -> ()
    } else {
    }
    %eq3A = arith.constant 15 : i32
    %eq3A_3 = arith.cmpi eq, %arg1, %eq3A : i32
    %convert_element_type3A_4 = arith.extui %eq3A_3 : i1 to i32
    %cond3A_5 = arith.constant 0 : i32
    %cond3A_6 = arith.cmpi ne, %convert_element_type3A_4, %cond3A_5 : i32
    scf.if %cond3A_6 {
      "tpu.region"() ({
        %run_scoped3A = tpu.sem_alloc : memref<!tpu.dma_semaphore, #tpu.memory_space<semaphore_mem>>
        %dma_start3A = arith.constant 0 : i32
        %dma_start3A_45 = tpu.memref_slice %arg11[%mul3A_0, %dma_start3A] : memref<10000x128xf32, #tpu.memory_space<vmem_shared>> -> memref<400x128xf32, #tpu.memory_space<vmem_shared>>
        %dma_start3A_46 = arith.constant 0 : i32
        %dma_start3A_47 = tpu.memref_slice %arg5[%mul3A_0, %dma_start3A_46] : memref<10000x128xf32, #tpu.memory_space<hbm>> -> memref<400x128xf32, #tpu.memory_space<hbm>>
        tpu.enqueue_dma source(%dma_start3A_47 : memref<400x128xf32, #tpu.memory_space<hbm>>) target(%dma_start3A_45 : memref<400x128xf32, #tpu.memory_space<vmem_shared>>) target_semaphore(%run_scoped3A : memref<!tpu.dma_semaphore, #tpu.memory_space<semaphore_mem>>)
        %dma_wait3A = arith.constant 0 : i32
        %dma_wait3A_48 = tpu.memref_slice %arg11[%mul3A_0, %dma_wait3A] : memref<10000x128xf32, #tpu.memory_space<vmem_shared>> -> memref<400x128xf32, #tpu.memory_space<vmem_shared>>
        %dma_wait3A_49 = arith.constant 0 : i32
        %dma_wait3A_50 = tpu.memref_slice %arg5[%mul3A_0, %dma_wait3A_49] : memref<10000x128xf32, #tpu.memory_space<hbm>> -> memref<400x128xf32, #tpu.memory_space<hbm>>
        tpu.wait_dma2 semaphore(%run_scoped3A : memref<!tpu.dma_semaphore, #tpu.memory_space<semaphore_mem>>) src(%dma_wait3A_50 : memref<400x128xf32, #tpu.memory_space<hbm>>) dst(%dma_wait3A_48 : memref<400x128xf32, #tpu.memory_space<vmem_shared>>)
        tpu.yield
      }) : () -> ()
    } else {
    }
    %barrier3A = arith.constant 0 : index
    tpu.barrier barrier_id(%barrier3A)
    %mul3A_7 = arith.constant 32000 : i32
    %mul3A_8 = arith.muli %arg0, %mul3A_7 : i32
    %mul3A_9 = arith.constant 2000 : i32
    %mul3A_10 = arith.muli %arg1, %mul3A_9 : i32
    %add3A = arith.addi %mul3A_8, %mul3A_10 : i32
    %add3A_11 = arith.constant 192000 : i32
    %add3A_12 = arith.addi %add3A_11, %add3A : i32
    %scan3A = arith.constant 0 : i32
    %scan3A_13 = arith.constant 0 : i32
    %scan3A_14 = arith.constant 12 : i32
    %scan3A_15 = arith.addi %scan3A_13, %scan3A_14 : i32
    %scan3A_16 = arith.constant 1 : i32
    scf.for %scan3A_45 = %scan3A_13 to %scan3A_15 step %scan3A_16  : i32 {
      %mul3A_46 = arith.constant 2 : i32
      %mul3A_47 = arith.muli %mul3A_46, %scan3A_45 : i32
      %mul3A_48 = arith.constant 80 : i32
      %mul3A_49 = arith.muli %mul3A_47, %mul3A_48 : i32
      %add3A_50 = arith.addi %add3A, %mul3A_49 : i32
      %mul3A_51 = arith.constant 2 : i32
      %mul3A_52 = arith.muli %mul3A_51, %scan3A_45 : i32
      %mul3A_53 = arith.constant 80 : i32
      %mul3A_54 = arith.muli %mul3A_52, %mul3A_53 : i32
      %add3A_55 = arith.addi %add3A_12, %mul3A_54 : i32
      "tpu.region"() ({
        %run_scoped3A = tpu.sem_alloc : memref<!tpu.dma_semaphore, #tpu.memory_space<semaphore_mem>>
        %dma_start3A_74 = tpu.memref_slice %arg4[%add3A_55] : memref<320000xi32, #tpu.memory_space<hbm>> -> memref<80xi32, #tpu.memory_space<hbm>>
        %dma_start3A_75 = tpu.memref_slice %arg4[%add3A_55] : memref<320000xi32, #tpu.memory_space<hbm>> -> memref<80xi32, #tpu.memory_space<hbm>>
        tpu.enqueue_dma source(%dma_start3A_75 : memref<80xi32, #tpu.memory_space<hbm>>) target(%arg7 : memref<80xi32, #tpu.memory_space<vmem>>) target_semaphore(%run_scoped3A : memref<!tpu.dma_semaphore, #tpu.memory_space<semaphore_mem>>)
        %dma_wait3A_76 = tpu.memref_slice %arg4[%add3A_55] : memref<320000xi32, #tpu.memory_space<hbm>> -> memref<80xi32, #tpu.memory_space<hbm>>
        %dma_wait3A_77 = tpu.memref_slice %arg4[%add3A_55] : memref<320000xi32, #tpu.memory_space<hbm>> -> memref<80xi32, #tpu.memory_space<hbm>>
        tpu.wait_dma2 semaphore(%run_scoped3A : memref<!tpu.dma_semaphore, #tpu.memory_space<semaphore_mem>>) src(%dma_wait3A_77 : memref<80xi32, #tpu.memory_space<hbm>>) dst(%arg7 : memref<80xi32, #tpu.memory_space<vmem>>)
        tpu.yield
      }) : () -> ()
      %dma_start3A = arith.constant 0 : i32
      %dma_start3A_56 = tpu.memref_slice %arg2[%add3A_50, %dma_start3A] : memref<64000x128xf32, #tpu.memory_space<hbm>> -> memref<80x128xf32, #tpu.memory_space<hbm>>
      %dma_start3A_57 = arith.constant 0 : i32
      %dma_start3A_58 = tpu.memref_slice %arg2[%add3A_50, %dma_start3A_57] : memref<64000x128xf32, #tpu.memory_space<hbm>> -> memref<80x128xf32, #tpu.memory_space<hbm>>
      tpu.enqueue_dma source(%dma_start3A_58 : memref<80x128xf32, #tpu.memory_space<hbm>>) target(%arg9 : memref<80x128xf32, #tpu.memory_space<vmem>>) target_semaphore(%arg12 : memref<!tpu.dma_semaphore, #tpu.memory_space<semaphore_mem>>)
      %add3A_59 = arith.constant 80 : i32
      %add3A_60 = arith.addi %add3A_55, %add3A_59 : i32
      "tpu.region"() ({
        %run_scoped3A = tpu.sem_alloc : memref<!tpu.dma_semaphore, #tpu.memory_space<semaphore_mem>>
        %dma_start3A_74 = tpu.memref_slice %arg4[%add3A_60] : memref<320000xi32, #tpu.memory_space<hbm>> -> memref<80xi32, #tpu.memory_space<hbm>>
        %dma_start3A_75 = tpu.memref_slice %arg4[%add3A_60] : memref<320000xi32, #tpu.memory_space<hbm>> -> memref<80xi32, #tpu.memory_space<hbm>>
        tpu.enqueue_dma source(%dma_start3A_75 : memref<80xi32, #tpu.memory_space<hbm>>) target(%arg8 : memref<80xi32, #tpu.memory_space<vmem>>) target_semaphore(%run_scoped3A : memref<!tpu.dma_semaphore, #tpu.memory_space<semaphore_mem>>)
        %dma_wait3A_76 = tpu.memref_slice %arg4[%add3A_60] : memref<320000xi32, #tpu.memory_space<hbm>> -> memref<80xi32, #tpu.memory_space<hbm>>
        %dma_wait3A_77 = tpu.memref_slice %arg4[%add3A_60] : memref<320000xi32, #tpu.memory_space<hbm>> -> memref<80xi32, #tpu.memory_space<hbm>>
        tpu.wait_dma2 semaphore(%run_scoped3A : memref<!tpu.dma_semaphore, #tpu.memory_space<semaphore_mem>>) src(%dma_wait3A_77 : memref<80xi32, #tpu.memory_space<hbm>>) dst(%arg8 : memref<80xi32, #tpu.memory_space<vmem>>)
        tpu.yield
      }) : () -> ()
      %add3A_61 = arith.constant 80 : i32
      %add3A_62 = arith.addi %add3A_50, %add3A_61 : i32
      %dma_start3A_63 = arith.constant 0 : i32
      %dma_start3A_64 = tpu.memref_slice %arg2[%add3A_62, %dma_start3A_63] : memref<64000x128xf32, #tpu.memory_space<hbm>> -> memref<80x128xf32, #tpu.memory_space<hbm>>
      %dma_start3A_65 = arith.constant 0 : i32
      %dma_start3A_66 = tpu.memref_slice %arg2[%add3A_62, %dma_start3A_65] : memref<64000x128xf32, #tpu.memory_space<hbm>> -> memref<80x128xf32, #tpu.memory_space<hbm>>
      tpu.enqueue_dma source(%dma_start3A_66 : memref<80x128xf32, #tpu.memory_space<hbm>>) target(%arg10 : memref<80x128xf32, #tpu.memory_space<vmem>>) target_semaphore(%arg13 : memref<!tpu.dma_semaphore, #tpu.memory_space<semaphore_mem>>)
      %dma_wait3A = arith.constant 0 : i32
      %dma_wait3A_67 = tpu.memref_slice %arg2[%add3A_50, %dma_wait3A] : memref<64000x128xf32, #tpu.memory_space<hbm>> -> memref<80x128xf32, #tpu.memory_space<hbm>>
      %dma_wait3A_68 = arith.constant 0 : i32
      %dma_wait3A_69 = tpu.memref_slice %arg2[%add3A_50, %dma_wait3A_68] : memref<64000x128xf32, #tpu.memory_space<hbm>> -> memref<80x128xf32, #tpu.memory_space<hbm>>
      tpu.wait_dma2 semaphore(%arg12 : memref<!tpu.dma_semaphore, #tpu.memory_space<semaphore_mem>>) src(%dma_wait3A_69 : memref<80x128xf32, #tpu.memory_space<hbm>>) dst(%arg9 : memref<80x128xf32, #tpu.memory_space<vmem>>)
      "tpu.region"() ({
        %run_scoped3A = tpu.sem_alloc : memref<!tpu.dma_semaphore, #tpu.memory_space<semaphore_mem>>
        %dma_start3A_74 = arith.constant 0 : i32
        %dma_start3A_75 = arith.constant 0 : i32
        %dma_start3A_76 = tpu.memref_slice %arg11[%dma_start3A_74, %dma_start3A_75] : memref<10000x128xf32, #tpu.memory_space<vmem_shared>> -> memref<10000x128xf32, #tpu.memory_space<vmem_shared>>
        tpu.enqueue_indirect_dma source(%arg9 : memref<80x128xf32, #tpu.memory_space<vmem>>) target(%dma_start3A_76 : memref<10000x128xf32, #tpu.memory_space<vmem_shared>>) offsets(%arg7 : memref<80xi32, #tpu.memory_space<vmem>>) semaphore(%run_scoped3A : memref<!tpu.dma_semaphore, #tpu.memory_space<semaphore_mem>>) {add = true}
        %dma_wait3A_77 = arith.constant 0 : i32
        %dma_wait3A_78 = arith.constant 0 : i32
        %dma_wait3A_79 = tpu.memref_slice %arg11[%dma_wait3A_77, %dma_wait3A_78] : memref<10000x128xf32, #tpu.memory_space<vmem_shared>> -> memref<10000x128xf32, #tpu.memory_space<vmem_shared>>
        tpu.wait_indirect_dma semaphore(%run_scoped3A : memref<!tpu.dma_semaphore, #tpu.memory_space<semaphore_mem>>) src(%arg9 : memref<80x128xf32, #tpu.memory_space<vmem>>) dst(%dma_wait3A_79 : memref<10000x128xf32, #tpu.memory_space<vmem_shared>>)
        tpu.yield
      }) : () -> ()
      %dma_wait3A_70 = arith.constant 0 : i32
      %dma_wait3A_71 = tpu.memref_slice %arg2[%add3A_62, %dma_wait3A_70] : memref<64000x128xf32, #tpu.memory_space<hbm>> -> memref<80x128xf32, #tpu.memory_space<hbm>>
      %dma_wait3A_72 = arith.constant 0 : i32
      %dma_wait3A_73 = tpu.memref_slice %arg2[%add3A_62, %dma_wait3A_72] : memref<64000x128xf32, #tpu.memory_space<hbm>> -> memref<80x128xf32, #tpu.memory_space<hbm>>
      tpu.wait_dma2 semaphore(%arg13 : memref<!tpu.dma_semaphore, #tpu.memory_space<semaphore_mem>>) src(%dma_wait3A_73 : memref<80x128xf32, #tpu.memory_space<hbm>>) dst(%arg10 : memref<80x128xf32, #tpu.memory_space<vmem>>)
      "tpu.region"() ({
        %run_scoped3A = tpu.sem_alloc : memref<!tpu.dma_semaphore, #tpu.memory_space<semaphore_mem>>
        %dma_start3A_74 = arith.constant 0 : i32
        %dma_start3A_75 = arith.constant 0 : i32
        %dma_start3A_76 = tpu.memref_slice %arg11[%dma_start3A_74, %dma_start3A_75] : memref<10000x128xf32, #tpu.memory_space<vmem_shared>> -> memref<10000x128xf32, #tpu.memory_space<vmem_shared>>
        tpu.enqueue_indirect_dma source(%arg10 : memref<80x128xf32, #tpu.memory_space<vmem>>) target(%dma_start3A_76 : memref<10000x128xf32, #tpu.memory_space<vmem_shared>>) offsets(%arg8 : memref<80xi32, #tpu.memory_space<vmem>>) semaphore(%run_scoped3A : memref<!tpu.dma_semaphore, #tpu.memory_space<semaphore_mem>>) {add = true}
        %dma_wait3A_77 = arith.constant 0 : i32
        %dma_wait3A_78 = arith.constant 0 : i32
        %dma_wait3A_79 = tpu.memref_slice %arg11[%dma_wait3A_77, %dma_wait3A_78] : memref<10000x128xf32, #tpu.memory_space<vmem_shared>> -> memref<10000x128xf32, #tpu.memory_space<vmem_shared>>
        tpu.wait_indirect_dma semaphore(%run_scoped3A : memref<!tpu.dma_semaphore, #tpu.memory_space<semaphore_mem>>) src(%arg10 : memref<80x128xf32, #tpu.memory_space<vmem>>) dst(%dma_wait3A_79 : memref<10000x128xf32, #tpu.memory_space<vmem_shared>>)
        tpu.yield
      }) : () -> ()
    }
    %scan3A_17 = arith.constant 12 : i32
    %add3A_18 = arith.constant 1920 : i32
    %add3A_19 = arith.addi %add3A, %add3A_18 : i32
    %add3A_20 = arith.constant 1920 : i32
    %add3A_21 = arith.addi %add3A_12, %add3A_20 : i32
    "tpu.region"() ({
      %run_scoped3A = tpu.sem_alloc : memref<!tpu.dma_semaphore, #tpu.memory_space<semaphore_mem>>
      %dma_start3A = tpu.memref_slice %arg4[%add3A_21] : memref<320000xi32, #tpu.memory_space<hbm>> -> memref<80xi32, #tpu.memory_space<hbm>>
      %dma_start3A_45 = tpu.memref_slice %arg4[%add3A_21] : memref<320000xi32, #tpu.memory_space<hbm>> -> memref<80xi32, #tpu.memory_space<hbm>>
      tpu.enqueue_dma source(%dma_start3A_45 : memref<80xi32, #tpu.memory_space<hbm>>) target(%arg7 : memref<80xi32, #tpu.memory_space<vmem>>) target_semaphore(%run_scoped3A : memref<!tpu.dma_semaphore, #tpu.memory_space<semaphore_mem>>)
      %dma_wait3A = tpu.memref_slice %arg4[%add3A_21] : memref<320000xi32, #tpu.memory_space<hbm>> -> memref<80xi32, #tpu.memory_space<hbm>>
      %dma_wait3A_46 = tpu.memref_slice %arg4[%add3A_21] : memref<320000xi32, #tpu.memory_space<hbm>> -> memref<80xi32, #tpu.memory_space<hbm>>
      tpu.wait_dma2 semaphore(%run_scoped3A : memref<!tpu.dma_semaphore, #tpu.memory_space<semaphore_mem>>) src(%dma_wait3A_46 : memref<80xi32, #tpu.memory_space<hbm>>) dst(%arg7 : memref<80xi32, #tpu.memory_space<vmem>>)
      tpu.yield
    }) : () -> ()
    "tpu.region"() ({
      %run_scoped3A = tpu.sem_alloc : memref<!tpu.dma_semaphore, #tpu.memory_space<semaphore_mem>>
      %dma_start3A = arith.constant 0 : i32
      %dma_start3A_45 = tpu.memref_slice %arg2[%add3A_19, %dma_start3A] : memref<64000x128xf32, #tpu.memory_space<hbm>> -> memref<80x128xf32, #tpu.memory_space<hbm>>
      %dma_start3A_46 = arith.constant 0 : i32
      %dma_start3A_47 = tpu.memref_slice %arg2[%add3A_19, %dma_start3A_46] : memref<64000x128xf32, #tpu.memory_space<hbm>> -> memref<80x128xf32, #tpu.memory_space<hbm>>
      tpu.enqueue_dma source(%dma_start3A_47 : memref<80x128xf32, #tpu.memory_space<hbm>>) target(%arg9 : memref<80x128xf32, #tpu.memory_space<vmem>>) target_semaphore(%run_scoped3A : memref<!tpu.dma_semaphore, #tpu.memory_space<semaphore_mem>>)
      %dma_wait3A = arith.constant 0 : i32
      %dma_wait3A_48 = tpu.memref_slice %arg2[%add3A_19, %dma_wait3A] : memref<64000x128xf32, #tpu.memory_space<hbm>> -> memref<80x128xf32, #tpu.memory_space<hbm>>
      %dma_wait3A_49 = arith.constant 0 : i32
      %dma_wait3A_50 = tpu.memref_slice %arg2[%add3A_19, %dma_wait3A_49] : memref<64000x128xf32, #tpu.memory_space<hbm>> -> memref<80x128xf32, #tpu.memory_space<hbm>>
      tpu.wait_dma2 semaphore(%run_scoped3A : memref<!tpu.dma_semaphore, #tpu.memory_space<semaphore_mem>>) src(%dma_wait3A_50 : memref<80x128xf32, #tpu.memory_space<hbm>>) dst(%arg9 : memref<80x128xf32, #tpu.memory_space<vmem>>)
      tpu.yield
    }) : () -> ()
    "tpu.region"() ({
      %run_scoped3A = tpu.sem_alloc : memref<!tpu.dma_semaphore, #tpu.memory_space<semaphore_mem>>
      %dma_start3A = arith.constant 0 : i32
      %dma_start3A_45 = arith.constant 0 : i32
      %dma_start3A_46 = tpu.memref_slice %arg11[%dma_start3A, %dma_start3A_45] : memref<10000x128xf32, #tpu.memory_space<vmem_shared>> -> memref<10000x128xf32, #tpu.memory_space<vmem_shared>>
      tpu.enqueue_indirect_dma source(%arg9 : memref<80x128xf32, #tpu.memory_space<vmem>>) target(%dma_start3A_46 : memref<10000x128xf32, #tpu.memory_space<vmem_shared>>) offsets(%arg7 : memref<80xi32, #tpu.memory_space<vmem>>) semaphore(%run_scoped3A : memref<!tpu.dma_semaphore, #tpu.memory_space<semaphore_mem>>) {add = true}
      %dma_wait3A = arith.constant 0 : i32
      %dma_wait3A_47 = arith.constant 0 : i32
      %dma_wait3A_48 = tpu.memref_slice %arg11[%dma_wait3A, %dma_wait3A_47] : memref<10000x128xf32, #tpu.memory_space<vmem_shared>> -> memref<10000x128xf32, #tpu.memory_space<vmem_shared>>
      tpu.wait_indirect_dma semaphore(%run_scoped3A : memref<!tpu.dma_semaphore, #tpu.memory_space<semaphore_mem>>) src(%arg9 : memref<80x128xf32, #tpu.memory_space<vmem>>) dst(%dma_wait3A_48 : memref<10000x128xf32, #tpu.memory_space<vmem_shared>>)
      tpu.yield
    }) : () -> ()
    %add3A_22 = arith.constant 256000 : i32
    %add3A_23 = arith.addi %add3A_22, %add3A : i32
    %scan3A_24 = arith.constant 0 : i32
    %scan3A_25 = arith.constant 0 : i32
    %scan3A_26 = arith.constant 12 : i32
    %scan3A_27 = arith.addi %scan3A_25, %scan3A_26 : i32
    %scan3A_28 = arith.constant 1 : i32
    scf.for %scan3A_45 = %scan3A_25 to %scan3A_27 step %scan3A_28  : i32 {
      %mul3A_46 = arith.constant 2 : i32
      %mul3A_47 = arith.muli %mul3A_46, %scan3A_45 : i32
      %mul3A_48 = arith.constant 80 : i32
      %mul3A_49 = arith.muli %mul3A_47, %mul3A_48 : i32
      %add3A_50 = arith.addi %add3A, %mul3A_49 : i32
      %mul3A_51 = arith.constant 2 : i32
      %mul3A_52 = arith.muli %mul3A_51, %scan3A_45 : i32
      %mul3A_53 = arith.constant 80 : i32
      %mul3A_54 = arith.muli %mul3A_52, %mul3A_53 : i32
      %add3A_55 = arith.addi %add3A_23, %mul3A_54 : i32
      "tpu.region"() ({
        %run_scoped3A = tpu.sem_alloc : memref<!tpu.dma_semaphore, #tpu.memory_space<semaphore_mem>>
        %dma_start3A_74 = tpu.memref_slice %arg4[%add3A_55] : memref<320000xi32, #tpu.memory_space<hbm>> -> memref<80xi32, #tpu.memory_space<hbm>>
        %dma_start3A_75 = tpu.memref_slice %arg4[%add3A_55] : memref<320000xi32, #tpu.memory_space<hbm>> -> memref<80xi32, #tpu.memory_space<hbm>>
        tpu.enqueue_dma source(%dma_start3A_75 : memref<80xi32, #tpu.memory_space<hbm>>) target(%arg7 : memref<80xi32, #tpu.memory_space<vmem>>) target_semaphore(%run_scoped3A : memref<!tpu.dma_semaphore, #tpu.memory_space<semaphore_mem>>)
        %dma_wait3A_76 = tpu.memref_slice %arg4[%add3A_55] : memref<320000xi32, #tpu.memory_space<hbm>> -> memref<80xi32, #tpu.memory_space<hbm>>
        %dma_wait3A_77 = tpu.memref_slice %arg4[%add3A_55] : memref<320000xi32, #tpu.memory_space<hbm>> -> memref<80xi32, #tpu.memory_space<hbm>>
        tpu.wait_dma2 semaphore(%run_scoped3A : memref<!tpu.dma_semaphore, #tpu.memory_space<semaphore_mem>>) src(%dma_wait3A_77 : memref<80xi32, #tpu.memory_space<hbm>>) dst(%arg7 : memref<80xi32, #tpu.memory_space<vmem>>)
        tpu.yield
      }) : () -> ()
      %dma_start3A = arith.constant 0 : i32
      %dma_start3A_56 = tpu.memref_slice %arg3[%add3A_50, %dma_start3A] : memref<64000x128xf32, #tpu.memory_space<hbm>> -> memref<80x128xf32, #tpu.memory_space<hbm>>
      %dma_start3A_57 = arith.constant 0 : i32
      %dma_start3A_58 = tpu.memref_slice %arg3[%add3A_50, %dma_start3A_57] : memref<64000x128xf32, #tpu.memory_space<hbm>> -> memref<80x128xf32, #tpu.memory_space<hbm>>
      tpu.enqueue_dma source(%dma_start3A_58 : memref<80x128xf32, #tpu.memory_space<hbm>>) target(%arg9 : memref<80x128xf32, #tpu.memory_space<vmem>>) target_semaphore(%arg12 : memref<!tpu.dma_semaphore, #tpu.memory_space<semaphore_mem>>)
      %add3A_59 = arith.constant 80 : i32
      %add3A_60 = arith.addi %add3A_55, %add3A_59 : i32
      "tpu.region"() ({
        %run_scoped3A = tpu.sem_alloc : memref<!tpu.dma_semaphore, #tpu.memory_space<semaphore_mem>>
        %dma_start3A_74 = tpu.memref_slice %arg4[%add3A_60] : memref<320000xi32, #tpu.memory_space<hbm>> -> memref<80xi32, #tpu.memory_space<hbm>>
        %dma_start3A_75 = tpu.memref_slice %arg4[%add3A_60] : memref<320000xi32, #tpu.memory_space<hbm>> -> memref<80xi32, #tpu.memory_space<hbm>>
        tpu.enqueue_dma source(%dma_start3A_75 : memref<80xi32, #tpu.memory_space<hbm>>) target(%arg8 : memref<80xi32, #tpu.memory_space<vmem>>) target_semaphore(%run_scoped3A : memref<!tpu.dma_semaphore, #tpu.memory_space<semaphore_mem>>)
        %dma_wait3A_76 = tpu.memref_slice %arg4[%add3A_60] : memref<320000xi32, #tpu.memory_space<hbm>> -> memref<80xi32, #tpu.memory_space<hbm>>
        %dma_wait3A_77 = tpu.memref_slice %arg4[%add3A_60] : memref<320000xi32, #tpu.memory_space<hbm>> -> memref<80xi32, #tpu.memory_space<hbm>>
        tpu.wait_dma2 semaphore(%run_scoped3A : memref<!tpu.dma_semaphore, #tpu.memory_space<semaphore_mem>>) src(%dma_wait3A_77 : memref<80xi32, #tpu.memory_space<hbm>>) dst(%arg8 : memref<80xi32, #tpu.memory_space<vmem>>)
        tpu.yield
      }) : () -> ()
      %add3A_61 = arith.constant 80 : i32
      %add3A_62 = arith.addi %add3A_50, %add3A_61 : i32
      %dma_start3A_63 = arith.constant 0 : i32
      %dma_start3A_64 = tpu.memref_slice %arg3[%add3A_62, %dma_start3A_63] : memref<64000x128xf32, #tpu.memory_space<hbm>> -> memref<80x128xf32, #tpu.memory_space<hbm>>
      %dma_start3A_65 = arith.constant 0 : i32
      %dma_start3A_66 = tpu.memref_slice %arg3[%add3A_62, %dma_start3A_65] : memref<64000x128xf32, #tpu.memory_space<hbm>> -> memref<80x128xf32, #tpu.memory_space<hbm>>
      tpu.enqueue_dma source(%dma_start3A_66 : memref<80x128xf32, #tpu.memory_space<hbm>>) target(%arg10 : memref<80x128xf32, #tpu.memory_space<vmem>>) target_semaphore(%arg13 : memref<!tpu.dma_semaphore, #tpu.memory_space<semaphore_mem>>)
      %dma_wait3A = arith.constant 0 : i32
      %dma_wait3A_67 = tpu.memref_slice %arg3[%add3A_50, %dma_wait3A] : memref<64000x128xf32, #tpu.memory_space<hbm>> -> memref<80x128xf32, #tpu.memory_space<hbm>>
      %dma_wait3A_68 = arith.constant 0 : i32
      %dma_wait3A_69 = tpu.memref_slice %arg3[%add3A_50, %dma_wait3A_68] : memref<64000x128xf32, #tpu.memory_space<hbm>> -> memref<80x128xf32, #tpu.memory_space<hbm>>
      tpu.wait_dma2 semaphore(%arg12 : memref<!tpu.dma_semaphore, #tpu.memory_space<semaphore_mem>>) src(%dma_wait3A_69 : memref<80x128xf32, #tpu.memory_space<hbm>>) dst(%arg9 : memref<80x128xf32, #tpu.memory_space<vmem>>)
      "tpu.region"() ({
        %run_scoped3A = tpu.sem_alloc : memref<!tpu.dma_semaphore, #tpu.memory_space<semaphore_mem>>
        %dma_start3A_74 = arith.constant 0 : i32
        %dma_start3A_75 = arith.constant 0 : i32
        %dma_start3A_76 = tpu.memref_slice %arg11[%dma_start3A_74, %dma_start3A_75] : memref<10000x128xf32, #tpu.memory_space<vmem_shared>> -> memref<10000x128xf32, #tpu.memory_space<vmem_shared>>
        tpu.enqueue_indirect_dma source(%arg9 : memref<80x128xf32, #tpu.memory_space<vmem>>) target(%dma_start3A_76 : memref<10000x128xf32, #tpu.memory_space<vmem_shared>>) offsets(%arg7 : memref<80xi32, #tpu.memory_space<vmem>>) semaphore(%run_scoped3A : memref<!tpu.dma_semaphore, #tpu.memory_space<semaphore_mem>>) {add = true}
        %dma_wait3A_77 = arith.constant 0 : i32
        %dma_wait3A_78 = arith.constant 0 : i32
        %dma_wait3A_79 = tpu.memref_slice %arg11[%dma_wait3A_77, %dma_wait3A_78] : memref<10000x128xf32, #tpu.memory_space<vmem_shared>> -> memref<10000x128xf32, #tpu.memory_space<vmem_shared>>
        tpu.wait_indirect_dma semaphore(%run_scoped3A : memref<!tpu.dma_semaphore, #tpu.memory_space<semaphore_mem>>) src(%arg9 : memref<80x128xf32, #tpu.memory_space<vmem>>) dst(%dma_wait3A_79 : memref<10000x128xf32, #tpu.memory_space<vmem_shared>>)
        tpu.yield
      }) : () -> ()
      %dma_wait3A_70 = arith.constant 0 : i32
      %dma_wait3A_71 = tpu.memref_slice %arg3[%add3A_62, %dma_wait3A_70] : memref<64000x128xf32, #tpu.memory_space<hbm>> -> memref<80x128xf32, #tpu.memory_space<hbm>>
      %dma_wait3A_72 = arith.constant 0 : i32
      %dma_wait3A_73 = tpu.memref_slice %arg3[%add3A_62, %dma_wait3A_72] : memref<64000x128xf32, #tpu.memory_space<hbm>> -> memref<80x128xf32, #tpu.memory_space<hbm>>
      tpu.wait_dma2 semaphore(%arg13 : memref<!tpu.dma_semaphore, #tpu.memory_space<semaphore_mem>>) src(%dma_wait3A_73 : memref<80x128xf32, #tpu.memory_space<hbm>>) dst(%arg10 : memref<80x128xf32, #tpu.memory_space<vmem>>)
      "tpu.region"() ({
        %run_scoped3A = tpu.sem_alloc : memref<!tpu.dma_semaphore, #tpu.memory_space<semaphore_mem>>
        %dma_start3A_74 = arith.constant 0 : i32
        %dma_start3A_75 = arith.constant 0 : i32
        %dma_start3A_76 = tpu.memref_slice %arg11[%dma_start3A_74, %dma_start3A_75] : memref<10000x128xf32, #tpu.memory_space<vmem_shared>> -> memref<10000x128xf32, #tpu.memory_space<vmem_shared>>
        tpu.enqueue_indirect_dma source(%arg10 : memref<80x128xf32, #tpu.memory_space<vmem>>) target(%dma_start3A_76 : memref<10000x128xf32, #tpu.memory_space<vmem_shared>>) offsets(%arg8 : memref<80xi32, #tpu.memory_space<vmem>>) semaphore(%run_scoped3A : memref<!tpu.dma_semaphore, #tpu.memory_space<semaphore_mem>>) {add = true}
        %dma_wait3A_77 = arith.constant 0 : i32
        %dma_wait3A_78 = arith.constant 0 : i32
        %dma_wait3A_79 = tpu.memref_slice %arg11[%dma_wait3A_77, %dma_wait3A_78] : memref<10000x128xf32, #tpu.memory_space<vmem_shared>> -> memref<10000x128xf32, #tpu.memory_space<vmem_shared>>
        tpu.wait_indirect_dma semaphore(%run_scoped3A : memref<!tpu.dma_semaphore, #tpu.memory_space<semaphore_mem>>) src(%arg10 : memref<80x128xf32, #tpu.memory_space<vmem>>) dst(%dma_wait3A_79 : memref<10000x128xf32, #tpu.memory_space<vmem_shared>>)
        tpu.yield
      }) : () -> ()
    }
    %scan3A_29 = arith.constant 12 : i32
    %add3A_30 = arith.constant 1920 : i32
    %add3A_31 = arith.addi %add3A, %add3A_30 : i32
    %add3A_32 = arith.constant 1920 : i32
    %add3A_33 = arith.addi %add3A_23, %add3A_32 : i32
    "tpu.region"() ({
      %run_scoped3A = tpu.sem_alloc : memref<!tpu.dma_semaphore, #tpu.memory_space<semaphore_mem>>
      %dma_start3A = tpu.memref_slice %arg4[%add3A_33] : memref<320000xi32, #tpu.memory_space<hbm>> -> memref<80xi32, #tpu.memory_space<hbm>>
      %dma_start3A_45 = tpu.memref_slice %arg4[%add3A_33] : memref<320000xi32, #tpu.memory_space<hbm>> -> memref<80xi32, #tpu.memory_space<hbm>>
      tpu.enqueue_dma source(%dma_start3A_45 : memref<80xi32, #tpu.memory_space<hbm>>) target(%arg7 : memref<80xi32, #tpu.memory_space<vmem>>) target_semaphore(%run_scoped3A : memref<!tpu.dma_semaphore, #tpu.memory_space<semaphore_mem>>)
      %dma_wait3A = tpu.memref_slice %arg4[%add3A_33] : memref<320000xi32, #tpu.memory_space<hbm>> -> memref<80xi32, #tpu.memory_space<hbm>>
      %dma_wait3A_46 = tpu.memref_slice %arg4[%add3A_33] : memref<320000xi32, #tpu.memory_space<hbm>> -> memref<80xi32, #tpu.memory_space<hbm>>
      tpu.wait_dma2 semaphore(%run_scoped3A : memref<!tpu.dma_semaphore, #tpu.memory_space<semaphore_mem>>) src(%dma_wait3A_46 : memref<80xi32, #tpu.memory_space<hbm>>) dst(%arg7 : memref<80xi32, #tpu.memory_space<vmem>>)
      tpu.yield
    }) : () -> ()
    "tpu.region"() ({
      %run_scoped3A = tpu.sem_alloc : memref<!tpu.dma_semaphore, #tpu.memory_space<semaphore_mem>>
      %dma_start3A = arith.constant 0 : i32
      %dma_start3A_45 = tpu.memref_slice %arg3[%add3A_31, %dma_start3A] : memref<64000x128xf32, #tpu.memory_space<hbm>> -> memref<80x128xf32, #tpu.memory_space<hbm>>
      %dma_start3A_46 = arith.constant 0 : i32
      %dma_start3A_47 = tpu.memref_slice %arg3[%add3A_31, %dma_start3A_46] : memref<64000x128xf32, #tpu.memory_space<hbm>> -> memref<80x128xf32, #tpu.memory_space<hbm>>
      tpu.enqueue_dma source(%dma_start3A_47 : memref<80x128xf32, #tpu.memory_space<hbm>>) target(%arg9 : memref<80x128xf32, #tpu.memory_space<vmem>>) target_semaphore(%run_scoped3A : memref<!tpu.dma_semaphore, #tpu.memory_space<semaphore_mem>>)
      %dma_wait3A = arith.constant 0 : i32
      %dma_wait3A_48 = tpu.memref_slice %arg3[%add3A_31, %dma_wait3A] : memref<64000x128xf32, #tpu.memory_space<hbm>> -> memref<80x128xf32, #tpu.memory_space<hbm>>
      %dma_wait3A_49 = arith.constant 0 : i32
      %dma_wait3A_50 = tpu.memref_slice %arg3[%add3A_31, %dma_wait3A_49] : memref<64000x128xf32, #tpu.memory_space<hbm>> -> memref<80x128xf32, #tpu.memory_space<hbm>>
      tpu.wait_dma2 semaphore(%run_scoped3A : memref<!tpu.dma_semaphore, #tpu.memory_space<semaphore_mem>>) src(%dma_wait3A_50 : memref<80x128xf32, #tpu.memory_space<hbm>>) dst(%arg9 : memref<80x128xf32, #tpu.memory_space<vmem>>)
      tpu.yield
    }) : () -> ()
    "tpu.region"() ({
      %run_scoped3A = tpu.sem_alloc : memref<!tpu.dma_semaphore, #tpu.memory_space<semaphore_mem>>
      %dma_start3A = arith.constant 0 : i32
      %dma_start3A_45 = arith.constant 0 : i32
      %dma_start3A_46 = tpu.memref_slice %arg11[%dma_start3A, %dma_start3A_45] : memref<10000x128xf32, #tpu.memory_space<vmem_shared>> -> memref<10000x128xf32, #tpu.memory_space<vmem_shared>>
      tpu.enqueue_indirect_dma source(%arg9 : memref<80x128xf32, #tpu.memory_space<vmem>>) target(%dma_start3A_46 : memref<10000x128xf32, #tpu.memory_space<vmem_shared>>) offsets(%arg7 : memref<80xi32, #tpu.memory_space<vmem>>) semaphore(%run_scoped3A : memref<!tpu.dma_semaphore, #tpu.memory_space<semaphore_mem>>) {add = true}
      %dma_wait3A = arith.constant 0 : i32
      %dma_wait3A_47 = arith.constant 0 : i32
      %dma_wait3A_48 = tpu.memref_slice %arg11[%dma_wait3A, %dma_wait3A_47] : memref<10000x128xf32, #tpu.memory_space<vmem_shared>> -> memref<10000x128xf32, #tpu.memory_space<vmem_shared>>
      tpu.wait_indirect_dma semaphore(%run_scoped3A : memref<!tpu.dma_semaphore, #tpu.memory_space<semaphore_mem>>) src(%arg9 : memref<80x128xf32, #tpu.memory_space<vmem>>) dst(%dma_wait3A_48 : memref<10000x128xf32, #tpu.memory_space<vmem_shared>>)
      tpu.yield
    }) : () -> ()
    %barrier3A_34 = arith.constant 0 : index
    tpu.barrier barrier_id(%barrier3A_34)
    %lt3A_35 = arith.constant 15 : i32
    %lt3A_36 = arith.cmpi slt, %arg1, %lt3A_35 : i32
    %convert_element_type3A_37 = arith.extui %lt3A_36 : i1 to i32
    %cond3A_38 = arith.constant 0 : i32
    %cond3A_39 = arith.cmpi ne, %convert_element_type3A_37, %cond3A_38 : i32
    scf.if %cond3A_39 {
      "tpu.region"() ({
        %run_scoped3A = tpu.sem_alloc : memref<!tpu.dma_semaphore, #tpu.memory_space<semaphore_mem>>
        %dma_start3A = arith.constant 0 : i32
        %dma_start3A_45 = tpu.memref_slice %arg6[%arg0, %mul3A_0, %dma_start3A] : memref<2x10000x128xf32, #tpu.memory_space<hbm>> -> memref<1x640x128xf32, #tpu.memory_space<hbm>>
        %dma_start3A_46 = tpu.memref_squeeze %dma_start3A_45 : memref<1x640x128xf32, #tpu.memory_space<hbm>> -> memref<640x128xf32, #tpu.memory_space<hbm>>
        %dma_start3A_47 = arith.constant 0 : i32
        %dma_start3A_48 = tpu.memref_slice %arg11[%mul3A_0, %dma_start3A_47] : memref<10000x128xf32, #tpu.memory_space<vmem_shared>> -> memref<640x128xf32, #tpu.memory_space<vmem_shared>>
        tpu.enqueue_dma source(%dma_start3A_48 : memref<640x128xf32, #tpu.memory_space<vmem_shared>>) target(%dma_start3A_46 : memref<640x128xf32, #tpu.memory_space<hbm>>) target_semaphore(%run_scoped3A : memref<!tpu.dma_semaphore, #tpu.memory_space<semaphore_mem>>)
        %dma_wait3A = arith.constant 0 : i32
        %dma_wait3A_49 = tpu.memref_slice %arg6[%arg0, %mul3A_0, %dma_wait3A] : memref<2x10000x128xf32, #tpu.memory_space<hbm>> -> memref<1x640x128xf32, #tpu.memory_space<hbm>>
        %dma_wait3A_50 = tpu.memref_squeeze %dma_wait3A_49 : memref<1x640x128xf32, #tpu.memory_space<hbm>> -> memref<640x128xf32, #tpu.memory_space<hbm>>
        %dma_wait3A_51 = arith.constant 0 : i32
        %dma_wait3A_52 = tpu.memref_slice %arg11[%mul3A_0, %dma_wait3A_51] : memref<10000x128xf32, #tpu.memory_space<vmem_shared>> -> memref<640x128xf32, #tpu.memory_space<vmem_shared>>
        tpu.wait_dma2 semaphore(%run_scoped3A : memref<!tpu.dma_semaphore, #tpu.memory_space<semaphore_mem>>) src(%dma_wait3A_52 : memref<640x128xf32, #tpu.memory_space<vmem_shared>>) dst(%dma_wait3A_50 : memref<640x128xf32, #tpu.memory_space<hbm>>)
        tpu.yield
      }) : () -> ()
    } else {
    }
    %eq3A_40 = arith.constant 15 : i32
    %eq3A_41 = arith.cmpi eq, %arg1, %eq3A_40 : i32
    %convert_element_type3A_42 = arith.extui %eq3A_41 : i1 to i32
    %cond3A_43 = arith.constant 0 : i32
    %cond3A_44 = arith.cmpi ne, %convert_element_type3A_42, %cond3A_43 : i32
    scf.if %cond3A_44 {
      "tpu.region"() ({
        %run_scoped3A = tpu.sem_alloc : memref<!tpu.dma_semaphore, #tpu.memory_space<semaphore_mem>>
        %dma_start3A = arith.constant 0 : i32
        %dma_start3A_45 = tpu.memref_slice %arg6[%arg0, %mul3A_0, %dma_start3A] : memref<2x10000x128xf32, #tpu.memory_space<hbm>> -> memref<1x400x128xf32, #tpu.memory_space<hbm>>
        %dma_start3A_46 = tpu.memref_squeeze %dma_start3A_45 : memref<1x400x128xf32, #tpu.memory_space<hbm>> -> memref<400x128xf32, #tpu.memory_space<hbm>>
        %dma_start3A_47 = arith.constant 0 : i32
        %dma_start3A_48 = tpu.memref_slice %arg11[%mul3A_0, %dma_start3A_47] : memref<10000x128xf32, #tpu.memory_space<vmem_shared>> -> memref<400x128xf32, #tpu.memory_space<vmem_shared>>
        tpu.enqueue_dma source(%dma_start3A_48 : memref<400x128xf32, #tpu.memory_space<vmem_shared>>) target(%dma_start3A_46 : memref<400x128xf32, #tpu.memory_space<hbm>>) target_semaphore(%run_scoped3A : memref<!tpu.dma_semaphore, #tpu.memory_space<semaphore_mem>>)
        %dma_wait3A = arith.constant 0 : i32
        %dma_wait3A_49 = tpu.memref_slice %arg6[%arg0, %mul3A_0, %dma_wait3A] : memref<2x10000x128xf32, #tpu.memory_space<hbm>> -> memref<1x400x128xf32, #tpu.memory_space<hbm>>
        %dma_wait3A_50 = tpu.memref_squeeze %dma_wait3A_49 : memref<1x400x128xf32, #tpu.memory_space<hbm>> -> memref<400x128xf32, #tpu.memory_space<hbm>>
        %dma_wait3A_51 = arith.constant 0 : i32
        %dma_wait3A_52 = tpu.memref_slice %arg11[%mul3A_0, %dma_wait3A_51] : memref<10000x128xf32, #tpu.memory_space<vmem_shared>> -> memref<400x128xf32, #tpu.memory_space<vmem_shared>>
        tpu.wait_dma2 semaphore(%run_scoped3A : memref<!tpu.dma_semaphore, #tpu.memory_space<semaphore_mem>>) src(%dma_wait3A_52 : memref<400x128xf32, #tpu.memory_space<vmem_shared>>) dst(%dma_wait3A_50 : memref<400x128xf32, #tpu.memory_space<hbm>>)
        tpu.yield
      }) : () -> ()
    } else {
    }
    return
  }
}

module attributes {stable_mosaic.version = 14 : i64} {
  func.func @_project_kernel(%arg0: i32, %arg1: memref<1000x128xf32, #tpu.memory_space<vmem>>, %arg2: memref<128x128xf32, #tpu.memory_space<vmem>>, %arg3: memref<128x128xf32, #tpu.memory_space<vmem>>, %arg4: memref<1000x128xf32, #tpu.memory_space<vmem>>, %arg5: memref<1000x128xf32, #tpu.memory_space<vmem>>) attributes {dimension_semantics = [#tpu.dimension_semantics<arbitrary>], iteration_bounds = array<i64: 10>, scalar_prefetch = 0 : i64, scratch_operands = 0 : i64, tpu.core_type = #tpu.core_type<tc>, window_params = [{transform_indices = @transform_0, window_bounds = array<i64: 1000, 128>}, {pipeline_mode = #tpu.pipeline_mode<synchronous>, transform_indices = @transform_1, window_bounds = array<i64: 128, 128>}, {pipeline_mode = #tpu.pipeline_mode<synchronous>, transform_indices = @transform_2, window_bounds = array<i64: 128, 128>}, {transform_indices = @transform_3, window_bounds = array<i64: 1000, 128>}, {transform_indices = @transform_4, window_bounds = array<i64: 1000, 128>}]} {
    %get3A = arith.constant 0 : index
    %get3A_0 = arith.constant 0 : index
    %get3A_1 = vector.load %arg1[%get3A, %get3A_0] : memref<1000x128xf32, #tpu.memory_space<vmem>>, vector<1000x128xf32>
    %get3A_2 = arith.constant 0 : index
    %get3A_3 = arith.constant 0 : index
    %get3A_4 = vector.load %arg2[%get3A_2, %get3A_3] : memref<128x128xf32, #tpu.memory_space<vmem>>, vector<128x128xf32>
    %dot_general3A = arith.constant dense<0.000000e+00> : vector<1000x128xf32>
    %dot_general3A_5 = tpu.matmul %get3A_1, %get3A_4, %dot_general3A {dimension_numbers = #tpu.dot_dimension_numbers<[1], [0], [0], [1], [0, 0, 1, 1], [], []>, transpose_lhs_hint = false} : vector<1000x128xf32>, vector<128x128xf32>, vector<1000x128xf32> -> vector<1000x128xf32>
    %swap3A = arith.constant 0 : index
    %swap3A_6 = arith.constant 0 : index
    %swap3A_7 = vector.load %arg4[%swap3A, %swap3A_6] : memref<1000x128xf32, #tpu.memory_space<vmem>>, vector<1000x128xf32>
    tpu.vector_store %arg4[%swap3A, %swap3A_6], %dot_general3A_5 {strides = array<i32>} : memref<1000x128xf32, #tpu.memory_space<vmem>>, vector<1000x128xf32>,
    %get3A_8 = arith.constant 0 : index
    %get3A_9 = arith.constant 0 : index
    %get3A_10 = vector.load %arg3[%get3A_8, %get3A_9] : memref<128x128xf32, #tpu.memory_space<vmem>>, vector<128x128xf32>
    %dot_general3A_11 = arith.constant dense<0.000000e+00> : vector<1000x128xf32>
    %dot_general3A_12 = tpu.matmul %get3A_1, %get3A_10, %dot_general3A_11 {dimension_numbers = #tpu.dot_dimension_numbers<[1], [0], [0], [1], [0, 0, 1, 1], [], []>, transpose_lhs_hint = false} : vector<1000x128xf32>, vector<128x128xf32>, vector<1000x128xf32> -> vector<1000x128xf32>
    %swap3A_13 = arith.constant 0 : index
    %swap3A_14 = arith.constant 0 : index
    %swap3A_15 = vector.load %arg5[%swap3A_13, %swap3A_14] : memref<1000x128xf32, #tpu.memory_space<vmem>>, vector<1000x128xf32>
    tpu.vector_store %arg5[%swap3A_13, %swap3A_14], %dot_general3A_12 {strides = array<i32>} : memref<1000x128xf32, #tpu.memory_space<vmem>>, vector<1000x128xf32>,
    return
  }
  func.func @transform_0(%arg0: i32) -> (i32, i32) {
    %c0_i32 = arith.constant 0 : i32
    %c0_i32_0 = arith.constant 0 : i32
    return %arg0, %c0_i32 : i32, i32
  }
  func.func @transform_1(%arg0: i32) -> (i32, i32) {
    %c0_i32 = arith.constant 0 : i32
    %c0_i32_0 = arith.constant 0 : i32
    %c0_i32_1 = arith.constant 0 : i32
    return %c0_i32, %c0_i32_0 : i32, i32
  }
  func.func @transform_2(%arg0: i32) -> (i32, i32) {
    %c0_i32 = arith.constant 0 : i32
    %c0_i32_0 = arith.constant 0 : i32
    %c0_i32_1 = arith.constant 0 : i32
    return %c0_i32, %c0_i32_0 : i32, i32
  }
  func.func @transform_3(%arg0: i32) -> (i32, i32) {
    %c0_i32 = arith.constant 0 : i32
    %c0_i32_0 = arith.constant 0 : i32
    return %arg0, %c0_i32 : i32, i32
  }
  func.func @transform_4(%arg0: i32) -> (i32, i32) {
    %c0_i32 = arith.constant 0 : i32
    %c0_i32_0 = arith.constant 0 : i32
    return %arg0, %c0_i32 : i32, i32
  }
}

module attributes {stable_mosaic.version = 14 : i64} {
  func.func @_edge_mlp_kernel(%arg0: i32, %arg1: memref<2000x128xf32, #tpu.memory_space<vmem>>, %arg2: memref<2000x128xf32, #tpu.memory_space<vmem>>, %arg3: memref<2000x128xf32, #tpu.memory_space<vmem>>, %arg4: memref<128x128xf32, #tpu.memory_space<vmem>>, %arg5: memref<1x128xf32, #tpu.memory_space<vmem>>, %arg6: memref<128x128xf32, #tpu.memory_space<vmem>>, %arg7: memref<1x128xf32, #tpu.memory_space<vmem>>, %arg8: memref<128x128xf32, #tpu.memory_space<vmem>>, %arg9: memref<1x128xf32, #tpu.memory_space<vmem>>, %arg10: memref<1x128xf32, #tpu.memory_space<vmem>>, %arg11: memref<1x128xf32, #tpu.memory_space<vmem>>, %arg12: memref<2000x128xf32, #tpu.memory_space<vmem>>, %arg13: memref<2000x128xf32, #tpu.memory_space<vmem>>) attributes {dimension_semantics = [#tpu.dimension_semantics<arbitrary>], iteration_bounds = array<i64: 32>, scalar_prefetch = 0 : i64, scratch_operands = 0 : i64, tpu.core_type = #tpu.core_type<tc>, window_params = [{transform_indices = @transform_0, window_bounds = array<i64: 2000, 128>}, {transform_indices = @transform_1, window_bounds = array<i64: 2000, 128>}, {transform_indices = @transform_2, window_bounds = array<i64: 2000, 128>}, {pipeline_mode = #tpu.pipeline_mode<synchronous>, transform_indices = @transform_3, window_bounds = array<i64: 128, 128>}, {pipeline_mode = #tpu.pipeline_mode<synchronous>, transform_indices = @transform_4, window_bounds = array<i64: 1, 128>}, {pipeline_mode = #tpu.pipeline_mode<synchronous>, transform_indices = @transform_5, window_bounds = array<i64: 128, 128>}, {pipeline_mode = #tpu.pipeline_mode<synchronous>, transform_indices = @transform_6, window_bounds = array<i64: 1, 128>}, {pipeline_mode = #tpu.pipeline_mode<synchronous>, transform_indices = @transform_7, window_bounds = array<i64: 128, 128>}, {pipeline_mode = #tpu.pipeline_mode<synchronous>, transform_indices = @transform_8, window_bounds = array<i64: 1, 128>}, {pipeline_mode = #tpu.pipeline_mode<synchronous>, transform_indices = @transform_9, window_bounds = array<i64: 1, 128>}, {pipeline_mode = #tpu.pipeline_mode<synchronous>, transform_indices = @transform_10, window_bounds = array<i64: 1, 128>}, {transform_indices = @transform_11, window_bounds = array<i64: 2000, 128>}, {transform_indices = @transform_12, window_bounds = array<i64: 2000, 128>}]} {
    %get3A = arith.constant 0 : index
    %get3A_0 = arith.constant 0 : index
    %get3A_1 = vector.load %arg3[%get3A, %get3A_0] : memref<2000x128xf32, #tpu.memory_space<vmem>>, vector<2000x128xf32>
    %get3A_2 = arith.constant 0 : index
    %get3A_3 = arith.constant 0 : index
    %get3A_4 = vector.load %arg1[%get3A_2, %get3A_3] : memref<2000x128xf32, #tpu.memory_space<vmem>>, vector<2000x128xf32>
    %get3A_5 = arith.constant 0 : index
    %get3A_6 = arith.constant 0 : index
    %get3A_7 = vector.load %arg2[%get3A_5, %get3A_6] : memref<2000x128xf32, #tpu.memory_space<vmem>>, vector<2000x128xf32>
    %add3A = arith.addf %get3A_4, %get3A_7 : vector<2000x128xf32>
    %get3A_8 = arith.constant 0 : index
    %get3A_9 = arith.constant 0 : index
    %get3A_10 = vector.load %arg5[%get3A_8, %get3A_9] : memref<1x128xf32, #tpu.memory_space<vmem>>, vector<1x128xf32>
    %add3A_11 = vector.broadcast %get3A_10 : vector<1x128xf32> to vector<2000x128xf32>
    %add3A_12 = arith.addf %add3A, %add3A_11 : vector<2000x128xf32>
    %get3A_13 = arith.constant 0 : index
    %get3A_14 = arith.constant 0 : index
    %get3A_15 = vector.load %arg4[%get3A_13, %get3A_14] : memref<128x128xf32, #tpu.memory_space<vmem>>, vector<128x128xf32>
    %dot_general3A = arith.constant dense<0.000000e+00> : vector<2000x128xf32>
    %dot_general3A_16 = tpu.matmul %get3A_1, %get3A_15, %dot_general3A {dimension_numbers = #tpu.dot_dimension_numbers<[1], [0], [0], [1], [0, 0, 1, 1], [], []>, transpose_lhs_hint = false} : vector<2000x128xf32>, vector<128x128xf32>, vector<2000x128xf32> -> vector<2000x128xf32>
    %add3A_17 = arith.addf %add3A_12, %dot_general3A_16 : vector<2000x128xf32>
    %max3A = arith.constant 0.000000e+00 : f32
    %max3A_18 = vector.broadcast %max3A : f32 to vector<2000x128xf32>
    %max3A_19 = arith.maximumf %add3A_17, %max3A_18 : vector<2000x128xf32>
    %get3A_20 = arith.constant 0 : index
    %get3A_21 = arith.constant 0 : index
    %get3A_22 = vector.load %arg6[%get3A_20, %get3A_21] : memref<128x128xf32, #tpu.memory_space<vmem>>, vector<128x128xf32>
    %dot_general3A_23 = arith.constant dense<0.000000e+00> : vector<2000x128xf32>
    %dot_general3A_24 = tpu.matmul %max3A_19, %get3A_22, %dot_general3A_23 {dimension_numbers = #tpu.dot_dimension_numbers<[1], [0], [0], [1], [0, 0, 1, 1], [], []>, transpose_lhs_hint = false} : vector<2000x128xf32>, vector<128x128xf32>, vector<2000x128xf32> -> vector<2000x128xf32>
    %get3A_25 = arith.constant 0 : index
    %get3A_26 = arith.constant 0 : index
    %get3A_27 = vector.load %arg7[%get3A_25, %get3A_26] : memref<1x128xf32, #tpu.memory_space<vmem>>, vector<1x128xf32>
    %add3A_28 = vector.broadcast %get3A_27 : vector<1x128xf32> to vector<2000x128xf32>
    %add3A_29 = arith.addf %dot_general3A_24, %add3A_28 : vector<2000x128xf32>
    %max3A_30 = arith.constant 0.000000e+00 : f32
    %max3A_31 = vector.broadcast %max3A_30 : f32 to vector<2000x128xf32>
    %max3A_32 = arith.maximumf %add3A_29, %max3A_31 : vector<2000x128xf32>
    %get3A_33 = arith.constant 0 : index
    %get3A_34 = arith.constant 0 : index
    %get3A_35 = vector.load %arg8[%get3A_33, %get3A_34] : memref<128x128xf32, #tpu.memory_space<vmem>>, vector<128x128xf32>
    %dot_general3A_36 = arith.constant dense<0.000000e+00> : vector<2000x128xf32>
    %dot_general3A_37 = tpu.matmul %max3A_32, %get3A_35, %dot_general3A_36 {dimension_numbers = #tpu.dot_dimension_numbers<[1], [0], [0], [1], [0, 0, 1, 1], [], []>, transpose_lhs_hint = false} : vector<2000x128xf32>, vector<128x128xf32>, vector<2000x128xf32> -> vector<2000x128xf32>
    %get3A_38 = arith.constant 0 : index
    %get3A_39 = arith.constant 0 : index
    %get3A_40 = vector.load %arg9[%get3A_38, %get3A_39] : memref<1x128xf32, #tpu.memory_space<vmem>>, vector<1x128xf32>
    %add3A_41 = vector.broadcast %get3A_40 : vector<1x128xf32> to vector<2000x128xf32>
    %add3A_42 = arith.addf %dot_general3A_37, %add3A_41 : vector<2000x128xf32>
    %reduce_sum3A = arith.constant dense<0.000000e+00> : vector<2000xf32>
    %reduce_sum3A_43 = vector.multi_reduction <add>, %add3A_42, %reduce_sum3A [1] : vector<2000x128xf32> to vector<2000xf32>
    %broadcast_in_dim3A = vector.shape_cast %reduce_sum3A_43 : vector<2000xf32> to vector<2000x1xf32>
    %div3A = arith.constant 1.280000e+02 : f32
    %div3A_44 = vector.broadcast %div3A : f32 to vector<2000x1xf32>
    %div3A_45 = arith.divf %broadcast_in_dim3A, %div3A_44 : vector<2000x1xf32>
    %sub3A = vector.broadcast %div3A_45 : vector<2000x1xf32> to vector<2000x128xf32>
    %sub3A_46 = arith.subf %add3A_42, %sub3A : vector<2000x128xf32>
    %mul3A = arith.mulf %sub3A_46, %sub3A_46 : vector<2000x128xf32>
    %reduce_sum3A_47 = arith.constant dense<0.000000e+00> : vector<2000xf32>
    %reduce_sum3A_48 = vector.multi_reduction <add>, %mul3A, %reduce_sum3A_47 [1] : vector<2000x128xf32> to vector<2000xf32>
    %broadcast_in_dim3A_49 = vector.shape_cast %reduce_sum3A_48 : vector<2000xf32> to vector<2000x1xf32>
    %div3A_50 = arith.constant 1.280000e+02 : f32
    %div3A_51 = vector.broadcast %div3A_50 : f32 to vector<2000x1xf32>
    %div3A_52 = arith.divf %broadcast_in_dim3A_49, %div3A_51 : vector<2000x1xf32>
    %add3A_53 = arith.constant 9.99999974E-6 : f32
    %add3A_54 = vector.broadcast %add3A_53 : f32 to vector<2000x1xf32>
    %add3A_55 = arith.addf %div3A_52, %add3A_54 : vector<2000x1xf32>
    %rsqrt3A = math.rsqrt %add3A_55 : vector<2000x1xf32>
    %mul3A_56 = vector.broadcast %rsqrt3A : vector<2000x1xf32> to vector<2000x128xf32>
    %mul3A_57 = arith.mulf %sub3A_46, %mul3A_56 : vector<2000x128xf32>
    %get3A_58 = arith.constant 0 : index
    %get3A_59 = arith.constant 0 : index
    %get3A_60 = vector.load %arg10[%get3A_58, %get3A_59] : memref<1x128xf32, #tpu.memory_space<vmem>>, vector<1x128xf32>
    %mul3A_61 = vector.broadcast %get3A_60 : vector<1x128xf32> to vector<2000x128xf32>
    %mul3A_62 = arith.mulf %mul3A_57, %mul3A_61 : vector<2000x128xf32>
    %get3A_63 = arith.constant 0 : index
    %get3A_64 = arith.constant 0 : index
    %get3A_65 = vector.load %arg11[%get3A_63, %get3A_64] : memref<1x128xf32, #tpu.memory_space<vmem>>, vector<1x128xf32>
    %add3A_66 = vector.broadcast %get3A_65 : vector<1x128xf32> to vector<2000x128xf32>
    %add3A_67 = arith.addf %mul3A_62, %add3A_66 : vector<2000x128xf32>
    %swap3A = arith.constant 0 : index
    %swap3A_68 = arith.constant 0 : index
    %swap3A_69 = vector.load %arg12[%swap3A, %swap3A_68] : memref<2000x128xf32, #tpu.memory_space<vmem>>, vector<2000x128xf32>
    tpu.vector_store %arg12[%swap3A, %swap3A_68], %add3A_67 {strides = array<i32>} : memref<2000x128xf32, #tpu.memory_space<vmem>>, vector<2000x128xf32>,
    %add3A_70 = arith.addf %add3A_67, %get3A_1 : vector<2000x128xf32>
    %swap3A_71 = arith.constant 0 : index
    %swap3A_72 = arith.constant 0 : index
    %swap3A_73 = vector.load %arg13[%swap3A_71, %swap3A_72] : memref<2000x128xf32, #tpu.memory_space<vmem>>, vector<2000x128xf32>
    tpu.vector_store %arg13[%swap3A_71, %swap3A_72], %add3A_70 {strides = array<i32>} : memref<2000x128xf32, #tpu.memory_space<vmem>>, vector<2000x128xf32>,
    return
  }
  func.func @transform_0(%arg0: i32) -> (i32, i32) {
    %c0_i32 = arith.constant 0 : i32
    %c0_i32_0 = arith.constant 0 : i32
    return %arg0, %c0_i32 : i32, i32
  }
  func.func @transform_1(%arg0: i32) -> (i32, i32) {
    %c0_i32 = arith.constant 0 : i32
    %c0_i32_0 = arith.constant 0 : i32
    return %arg0, %c0_i32 : i32, i32
  }
  func.func @transform_2(%arg0: i32) -> (i32, i32) {
    %add3A = arith.constant 0 : i32
    %add3A_0 = arith.addi %arg0, %add3A : i32
    %c0_i32 = arith.constant 0 : i32
    %c0_i32_1 = arith.constant 0 : i32
    return %add3A_0, %c0_i32 : i32, i32
  }
  func.func @transform_3(%arg0: i32) -> (i32, i32) {
    %c0_i32 = arith.constant 0 : i32
    %c0_i32_0 = arith.constant 0 : i32
    %c0_i32_1 = arith.constant 0 : i32
    return %c0_i32, %c0_i32_0 : i32, i32
  }
  func.func @transform_4(%arg0: i32) -> (i32, i32) {
    %c0_i32 = arith.constant 0 : i32
    %c0_i32_0 = arith.constant 0 : i32
    %c0_i32_1 = arith.constant 0 : i32
    return %c0_i32, %c0_i32_0 : i32, i32
  }
  func.func @transform_5(%arg0: i32) -> (i32, i32) {
    %c0_i32 = arith.constant 0 : i32
    %c0_i32_0 = arith.constant 0 : i32
    %c0_i32_1 = arith.constant 0 : i32
    return %c0_i32, %c0_i32_0 : i32, i32
  }
  func.func @transform_6(%arg0: i32) -> (i32, i32) {
    %c0_i32 = arith.constant 0 : i32
    %c0_i32_0 = arith.constant 0 : i32
    %c0_i32_1 = arith.constant 0 : i32
    return %c0_i32, %c0_i32_0 : i32, i32
  }
  func.func @transform_7(%arg0: i32) -> (i32, i32) {
    %c0_i32 = arith.constant 0 : i32
    %c0_i32_0 = arith.constant 0 : i32
    %c0_i32_1 = arith.constant 0 : i32
    return %c0_i32, %c0_i32_0 : i32, i32
  }
  func.func @transform_8(%arg0: i32) -> (i32, i32) {
    %c0_i32 = arith.constant 0 : i32
    %c0_i32_0 = arith.constant 0 : i32
    %c0_i32_1 = arith.constant 0 : i32
    return %c0_i32, %c0_i32_0 : i32, i32
  }
  func.func @transform_9(%arg0: i32) -> (i32, i32) {
    %c0_i32 = arith.constant 0 : i32
    %c0_i32_0 = arith.constant 0 : i32
    %c0_i32_1 = arith.constant 0 : i32
    return %c0_i32, %c0_i32_0 : i32, i32
  }
  func.func @transform_10(%arg0: i32) -> (i32, i32) {
    %c0_i32 = arith.constant 0 : i32
    %c0_i32_0 = arith.constant 0 : i32
    %c0_i32_1 = arith.constant 0 : i32
    return %c0_i32, %c0_i32_0 : i32, i32
  }
  func.func @transform_11(%arg0: i32) -> (i32, i32) {
    %c0_i32 = arith.constant 0 : i32
    %c0_i32_0 = arith.constant 0 : i32
    return %arg0, %c0_i32 : i32, i32
  }
  func.func @transform_12(%arg0: i32) -> (i32, i32) {
    %add3A = arith.constant 0 : i32
    %add3A_0 = arith.addi %arg0, %add3A : i32
    %c0_i32 = arith.constant 0 : i32
    %c0_i32_1 = arith.constant 0 : i32
    return %add3A_0, %c0_i32 : i32, i32
  }
}

module attributes {stable_mosaic.version = 14 : i64} {
  func.func @_lambda_(%arg0: i32, %arg1: memref<2000x128xf32, #tpu.memory_space<vmem>>, %arg2: memref<2000x128xf32, #tpu.memory_space<vmem>>, %arg3: memref<2000x128xf32, #tpu.memory_space<vmem>>, %arg4: memref<128x128xf32, #tpu.memory_space<vmem>>, %arg5: memref<1x128xf32, #tpu.memory_space<vmem>>, %arg6: memref<128x128xf32, #tpu.memory_space<vmem>>, %arg7: memref<1x128xf32, #tpu.memory_space<vmem>>, %arg8: memref<128x128xf32, #tpu.memory_space<vmem>>, %arg9: memref<1x128xf32, #tpu.memory_space<vmem>>, %arg10: memref<1x128xf32, #tpu.memory_space<vmem>>, %arg11: memref<1x128xf32, #tpu.memory_space<vmem>>, %arg12: memref<320000x128xf32, #tpu.memory_space<any>>, %arg13: memref<2000x128xf32, #tpu.memory_space<vmem>>, %arg14: memref<2000x128xf32, #tpu.memory_space<vmem>>) attributes {dimension_semantics = [#tpu.dimension_semantics<arbitrary>], iteration_bounds = array<i64: 32>, scalar_prefetch = 0 : i64, scratch_operands = 0 : i64, tpu.core_type = #tpu.core_type<tc>, window_params = [{transform_indices = @transform_0, window_bounds = array<i64: 2000, 128>}, {transform_indices = @transform_1, window_bounds = array<i64: 2000, 128>}, {transform_indices = @transform_2, window_bounds = array<i64: 2000, 128>}, {pipeline_mode = #tpu.pipeline_mode<synchronous>, transform_indices = @transform_3, window_bounds = array<i64: 128, 128>}, {pipeline_mode = #tpu.pipeline_mode<synchronous>, transform_indices = @transform_4, window_bounds = array<i64: 1, 128>}, {pipeline_mode = #tpu.pipeline_mode<synchronous>, transform_indices = @transform_5, window_bounds = array<i64: 128, 128>}, {pipeline_mode = #tpu.pipeline_mode<synchronous>, transform_indices = @transform_6, window_bounds = array<i64: 1, 128>}, {pipeline_mode = #tpu.pipeline_mode<synchronous>, transform_indices = @transform_7, window_bounds = array<i64: 128, 128>}, {pipeline_mode = #tpu.pipeline_mode<synchronous>, transform_indices = @transform_8, window_bounds = array<i64: 1, 128>}, {pipeline_mode = #tpu.pipeline_mode<synchronous>, transform_indices = @transform_9, window_bounds = array<i64: 1, 128>}, {pipeline_mode = #tpu.pipeline_mode<synchronous>, transform_indices = @transform_10, window_bounds = array<i64: 1, 128>}, {}, {transform_indices = @transform_12, window_bounds = array<i64: 2000, 128>}, {transform_indices = @transform_13, window_bounds = array<i64: 2000, 128>}]} {
    %get3A = arith.constant 0 : index
    %get3A_0 = arith.constant 0 : index
    %get3A_1 = vector.load %arg3[%get3A, %get3A_0] : memref<2000x128xf32, #tpu.memory_space<vmem>>, vector<2000x128xf32>
    %get3A_2 = arith.constant 0 : index
    %get3A_3 = arith.constant 0 : index
    %get3A_4 = vector.load %arg1[%get3A_2, %get3A_3] : memref<2000x128xf32, #tpu.memory_space<vmem>>, vector<2000x128xf32>
    %get3A_5 = arith.constant 0 : index
    %get3A_6 = arith.constant 0 : index
    %get3A_7 = vector.load %arg2[%get3A_5, %get3A_6] : memref<2000x128xf32, #tpu.memory_space<vmem>>, vector<2000x128xf32>
    %add3A = arith.addf %get3A_4, %get3A_7 : vector<2000x128xf32>
    %get3A_8 = arith.constant 0 : index
    %get3A_9 = arith.constant 0 : index
    %get3A_10 = vector.load %arg5[%get3A_8, %get3A_9] : memref<1x128xf32, #tpu.memory_space<vmem>>, vector<1x128xf32>
    %add3A_11 = vector.broadcast %get3A_10 : vector<1x128xf32> to vector<2000x128xf32>
    %add3A_12 = arith.addf %add3A, %add3A_11 : vector<2000x128xf32>
    %get3A_13 = arith.constant 0 : index
    %get3A_14 = arith.constant 0 : index
    %get3A_15 = vector.load %arg4[%get3A_13, %get3A_14] : memref<128x128xf32, #tpu.memory_space<vmem>>, vector<128x128xf32>
    %dot_general3A = arith.constant dense<0.000000e+00> : vector<2000x128xf32>
    %dot_general3A_16 = tpu.matmul %get3A_1, %get3A_15, %dot_general3A {dimension_numbers = #tpu.dot_dimension_numbers<[1], [0], [0], [1], [0, 0, 1, 1], [], []>, transpose_lhs_hint = false} : vector<2000x128xf32>, vector<128x128xf32>, vector<2000x128xf32> -> vector<2000x128xf32>
    %add3A_17 = arith.addf %add3A_12, %dot_general3A_16 : vector<2000x128xf32>
    %max3A = arith.constant 0.000000e+00 : f32
    %max3A_18 = vector.broadcast %max3A : f32 to vector<2000x128xf32>
    %max3A_19 = arith.maximumf %add3A_17, %max3A_18 : vector<2000x128xf32>
    %get3A_20 = arith.constant 0 : index
    %get3A_21 = arith.constant 0 : index
    %get3A_22 = vector.load %arg6[%get3A_20, %get3A_21] : memref<128x128xf32, #tpu.memory_space<vmem>>, vector<128x128xf32>
    %dot_general3A_23 = arith.constant dense<0.000000e+00> : vector<2000x128xf32>
    %dot_general3A_24 = tpu.matmul %max3A_19, %get3A_22, %dot_general3A_23 {dimension_numbers = #tpu.dot_dimension_numbers<[1], [0], [0], [1], [0, 0, 1, 1], [], []>, transpose_lhs_hint = false} : vector<2000x128xf32>, vector<128x128xf32>, vector<2000x128xf32> -> vector<2000x128xf32>
    %get3A_25 = arith.constant 0 : index
    %get3A_26 = arith.constant 0 : index
    %get3A_27 = vector.load %arg7[%get3A_25, %get3A_26] : memref<1x128xf32, #tpu.memory_space<vmem>>, vector<1x128xf32>
    %add3A_28 = vector.broadcast %get3A_27 : vector<1x128xf32> to vector<2000x128xf32>
    %add3A_29 = arith.addf %dot_general3A_24, %add3A_28 : vector<2000x128xf32>
    %max3A_30 = arith.constant 0.000000e+00 : f32
    %max3A_31 = vector.broadcast %max3A_30 : f32 to vector<2000x128xf32>
    %max3A_32 = arith.maximumf %add3A_29, %max3A_31 : vector<2000x128xf32>
    %get3A_33 = arith.constant 0 : index
    %get3A_34 = arith.constant 0 : index
    %get3A_35 = vector.load %arg8[%get3A_33, %get3A_34] : memref<128x128xf32, #tpu.memory_space<vmem>>, vector<128x128xf32>
    %dot_general3A_36 = arith.constant dense<0.000000e+00> : vector<2000x128xf32>
    %dot_general3A_37 = tpu.matmul %max3A_32, %get3A_35, %dot_general3A_36 {dimension_numbers = #tpu.dot_dimension_numbers<[1], [0], [0], [1], [0, 0, 1, 1], [], []>, transpose_lhs_hint = false} : vector<2000x128xf32>, vector<128x128xf32>, vector<2000x128xf32> -> vector<2000x128xf32>
    %get3A_38 = arith.constant 0 : index
    %get3A_39 = arith.constant 0 : index
    %get3A_40 = vector.load %arg9[%get3A_38, %get3A_39] : memref<1x128xf32, #tpu.memory_space<vmem>>, vector<1x128xf32>
    %add3A_41 = vector.broadcast %get3A_40 : vector<1x128xf32> to vector<2000x128xf32>
    %add3A_42 = arith.addf %dot_general3A_37, %add3A_41 : vector<2000x128xf32>
    %reduce_sum3A = arith.constant dense<0.000000e+00> : vector<2000xf32>
    %reduce_sum3A_43 = vector.multi_reduction <add>, %add3A_42, %reduce_sum3A [1] : vector<2000x128xf32> to vector<2000xf32>
    %broadcast_in_dim3A = vector.shape_cast %reduce_sum3A_43 : vector<2000xf32> to vector<2000x1xf32>
    %div3A = arith.constant 1.280000e+02 : f32
    %div3A_44 = vector.broadcast %div3A : f32 to vector<2000x1xf32>
    %div3A_45 = arith.divf %broadcast_in_dim3A, %div3A_44 : vector<2000x1xf32>
    %sub3A = vector.broadcast %div3A_45 : vector<2000x1xf32> to vector<2000x128xf32>
    %sub3A_46 = arith.subf %add3A_42, %sub3A : vector<2000x128xf32>
    %mul3A = arith.mulf %sub3A_46, %sub3A_46 : vector<2000x128xf32>
    %reduce_sum3A_47 = arith.constant dense<0.000000e+00> : vector<2000xf32>
    %reduce_sum3A_48 = vector.multi_reduction <add>, %mul3A, %reduce_sum3A_47 [1] : vector<2000x128xf32> to vector<2000xf32>
    %broadcast_in_dim3A_49 = vector.shape_cast %reduce_sum3A_48 : vector<2000xf32> to vector<2000x1xf32>
    %div3A_50 = arith.constant 1.280000e+02 : f32
    %div3A_51 = vector.broadcast %div3A_50 : f32 to vector<2000x1xf32>
    %div3A_52 = arith.divf %broadcast_in_dim3A_49, %div3A_51 : vector<2000x1xf32>
    %add3A_53 = arith.constant 9.99999974E-6 : f32
    %add3A_54 = vector.broadcast %add3A_53 : f32 to vector<2000x1xf32>
    %add3A_55 = arith.addf %div3A_52, %add3A_54 : vector<2000x1xf32>
    %rsqrt3A = math.rsqrt %add3A_55 : vector<2000x1xf32>
    %mul3A_56 = vector.broadcast %rsqrt3A : vector<2000x1xf32> to vector<2000x128xf32>
    %mul3A_57 = arith.mulf %sub3A_46, %mul3A_56 : vector<2000x128xf32>
    %get3A_58 = arith.constant 0 : index
    %get3A_59 = arith.constant 0 : index
    %get3A_60 = vector.load %arg10[%get3A_58, %get3A_59] : memref<1x128xf32, #tpu.memory_space<vmem>>, vector<1x128xf32>
    %mul3A_61 = vector.broadcast %get3A_60 : vector<1x128xf32> to vector<2000x128xf32>
    %mul3A_62 = arith.mulf %mul3A_57, %mul3A_61 : vector<2000x128xf32>
    %get3A_63 = arith.constant 0 : index
    %get3A_64 = arith.constant 0 : index
    %get3A_65 = vector.load %arg11[%get3A_63, %get3A_64] : memref<1x128xf32, #tpu.memory_space<vmem>>, vector<1x128xf32>
    %add3A_66 = vector.broadcast %get3A_65 : vector<1x128xf32> to vector<2000x128xf32>
    %add3A_67 = arith.addf %mul3A_62, %add3A_66 : vector<2000x128xf32>
    %swap3A = arith.constant 0 : index
    %swap3A_68 = arith.constant 0 : index
    %swap3A_69 = vector.load %arg13[%swap3A, %swap3A_68] : memref<2000x128xf32, #tpu.memory_space<vmem>>, vector<2000x128xf32>
    tpu.vector_store %arg13[%swap3A, %swap3A_68], %add3A_67 {strides = array<i32>} : memref<2000x128xf32, #tpu.memory_space<vmem>>, vector<2000x128xf32>,
    %add3A_70 = arith.addf %add3A_67, %get3A_1 : vector<2000x128xf32>
    %swap3A_71 = arith.constant 0 : index
    %swap3A_72 = arith.constant 0 : index
    %swap3A_73 = vector.load %arg14[%swap3A_71, %swap3A_72] : memref<2000x128xf32, #tpu.memory_space<vmem>>, vector<2000x128xf32>
    tpu.vector_store %arg14[%swap3A_71, %swap3A_72], %add3A_70 {strides = array<i32>} : memref<2000x128xf32, #tpu.memory_space<vmem>>, vector<2000x128xf32>,
    return
  }
  func.func @transform_0(%arg0: i32) -> (i32, i32) {
    %c0_i32 = arith.constant 0 : i32
    %c0_i32_0 = arith.constant 0 : i32
    return %arg0, %c0_i32 : i32, i32
  }
  func.func @transform_1(%arg0: i32) -> (i32, i32) {
    %c0_i32 = arith.constant 0 : i32
    %c0_i32_0 = arith.constant 0 : i32
    return %arg0, %c0_i32 : i32, i32
  }
  func.func @transform_2(%arg0: i32) -> (i32, i32) {
    %add3A = arith.constant 32 : i32
    %add3A_0 = arith.addi %arg0, %add3A : i32
    %c0_i32 = arith.constant 0 : i32
    %c0_i32_1 = arith.constant 0 : i32
    return %add3A_0, %c0_i32 : i32, i32
  }
  func.func @transform_3(%arg0: i32) -> (i32, i32) {
    %c0_i32 = arith.constant 0 : i32
    %c0_i32_0 = arith.constant 0 : i32
    %c0_i32_1 = arith.constant 0 : i32
    return %c0_i32, %c0_i32_0 : i32, i32
  }
  func.func @transform_4(%arg0: i32) -> (i32, i32) {
    %c0_i32 = arith.constant 0 : i32
    %c0_i32_0 = arith.constant 0 : i32
    %c0_i32_1 = arith.constant 0 : i32
    return %c0_i32, %c0_i32_0 : i32, i32
  }
  func.func @transform_5(%arg0: i32) -> (i32, i32) {
    %c0_i32 = arith.constant 0 : i32
    %c0_i32_0 = arith.constant 0 : i32
    %c0_i32_1 = arith.constant 0 : i32
    return %c0_i32, %c0_i32_0 : i32, i32
  }
  func.func @transform_6(%arg0: i32) -> (i32, i32) {
    %c0_i32 = arith.constant 0 : i32
    %c0_i32_0 = arith.constant 0 : i32
    %c0_i32_1 = arith.constant 0 : i32
    return %c0_i32, %c0_i32_0 : i32, i32
  }
  func.func @transform_7(%arg0: i32) -> (i32, i32) {
    %c0_i32 = arith.constant 0 : i32
    %c0_i32_0 = arith.constant 0 : i32
    %c0_i32_1 = arith.constant 0 : i32
    return %c0_i32, %c0_i32_0 : i32, i32
  }
  func.func @transform_8(%arg0: i32) -> (i32, i32) {
    %c0_i32 = arith.constant 0 : i32
    %c0_i32_0 = arith.constant 0 : i32
    %c0_i32_1 = arith.constant 0 : i32
    return %c0_i32, %c0_i32_0 : i32, i32
  }
  func.func @transform_9(%arg0: i32) -> (i32, i32) {
    %c0_i32 = arith.constant 0 : i32
    %c0_i32_0 = arith.constant 0 : i32
    %c0_i32_1 = arith.constant 0 : i32
    return %c0_i32, %c0_i32_0 : i32, i32
  }
  func.func @transform_10(%arg0: i32) -> (i32, i32) {
    %c0_i32 = arith.constant 0 : i32
    %c0_i32_0 = arith.constant 0 : i32
    %c0_i32_1 = arith.constant 0 : i32
    return %c0_i32, %c0_i32_0 : i32, i32
  }
  func.func @transform_12(%arg0: i32) -> (i32, i32) {
    %c0_i32 = arith.constant 0 : i32
    %c0_i32_0 = arith.constant 0 : i32
    return %arg0, %c0_i32 : i32, i32
  }
  func.func @transform_13(%arg0: i32) -> (i32, i32) {
    %add3A = arith.constant 32 : i32
    %add3A_0 = arith.addi %arg0, %add3A : i32
    %c0_i32 = arith.constant 0 : i32
    %c0_i32_1 = arith.constant 0 : i32
    return %add3A_0, %c0_i32 : i32, i32
  }
}

module attributes {stable_mosaic.version = 14 : i64} {
  func.func @_lambda_(%arg0: i32, %arg1: memref<2000x128xf32, #tpu.memory_space<vmem>>, %arg2: memref<2000x128xf32, #tpu.memory_space<vmem>>, %arg3: memref<2000x128xf32, #tpu.memory_space<vmem>>, %arg4: memref<128x128xf32, #tpu.memory_space<vmem>>, %arg5: memref<1x128xf32, #tpu.memory_space<vmem>>, %arg6: memref<128x128xf32, #tpu.memory_space<vmem>>, %arg7: memref<1x128xf32, #tpu.memory_space<vmem>>, %arg8: memref<128x128xf32, #tpu.memory_space<vmem>>, %arg9: memref<1x128xf32, #tpu.memory_space<vmem>>, %arg10: memref<1x128xf32, #tpu.memory_space<vmem>>, %arg11: memref<1x128xf32, #tpu.memory_space<vmem>>, %arg12: memref<320000x128xf32, #tpu.memory_space<any>>, %arg13: memref<2000x128xf32, #tpu.memory_space<vmem>>, %arg14: memref<2000x128xf32, #tpu.memory_space<vmem>>) attributes {dimension_semantics = [#tpu.dimension_semantics<arbitrary>], iteration_bounds = array<i64: 32>, scalar_prefetch = 0 : i64, scratch_operands = 0 : i64, tpu.core_type = #tpu.core_type<tc>, window_params = [{transform_indices = @transform_0, window_bounds = array<i64: 2000, 128>}, {transform_indices = @transform_1, window_bounds = array<i64: 2000, 128>}, {transform_indices = @transform_2, window_bounds = array<i64: 2000, 128>}, {pipeline_mode = #tpu.pipeline_mode<synchronous>, transform_indices = @transform_3, window_bounds = array<i64: 128, 128>}, {pipeline_mode = #tpu.pipeline_mode<synchronous>, transform_indices = @transform_4, window_bounds = array<i64: 1, 128>}, {pipeline_mode = #tpu.pipeline_mode<synchronous>, transform_indices = @transform_5, window_bounds = array<i64: 128, 128>}, {pipeline_mode = #tpu.pipeline_mode<synchronous>, transform_indices = @transform_6, window_bounds = array<i64: 1, 128>}, {pipeline_mode = #tpu.pipeline_mode<synchronous>, transform_indices = @transform_7, window_bounds = array<i64: 128, 128>}, {pipeline_mode = #tpu.pipeline_mode<synchronous>, transform_indices = @transform_8, window_bounds = array<i64: 1, 128>}, {pipeline_mode = #tpu.pipeline_mode<synchronous>, transform_indices = @transform_9, window_bounds = array<i64: 1, 128>}, {pipeline_mode = #tpu.pipeline_mode<synchronous>, transform_indices = @transform_10, window_bounds = array<i64: 1, 128>}, {}, {transform_indices = @transform_12, window_bounds = array<i64: 2000, 128>}, {transform_indices = @transform_13, window_bounds = array<i64: 2000, 128>}]} {
    %get3A = arith.constant 0 : index
    %get3A_0 = arith.constant 0 : index
    %get3A_1 = vector.load %arg3[%get3A, %get3A_0] : memref<2000x128xf32, #tpu.memory_space<vmem>>, vector<2000x128xf32>
    %get3A_2 = arith.constant 0 : index
    %get3A_3 = arith.constant 0 : index
    %get3A_4 = vector.load %arg1[%get3A_2, %get3A_3] : memref<2000x128xf32, #tpu.memory_space<vmem>>, vector<2000x128xf32>
    %get3A_5 = arith.constant 0 : index
    %get3A_6 = arith.constant 0 : index
    %get3A_7 = vector.load %arg2[%get3A_5, %get3A_6] : memref<2000x128xf32, #tpu.memory_space<vmem>>, vector<2000x128xf32>
    %add3A = arith.addf %get3A_4, %get3A_7 : vector<2000x128xf32>
    %get3A_8 = arith.constant 0 : index
    %get3A_9 = arith.constant 0 : index
    %get3A_10 = vector.load %arg5[%get3A_8, %get3A_9] : memref<1x128xf32, #tpu.memory_space<vmem>>, vector<1x128xf32>
    %add3A_11 = vector.broadcast %get3A_10 : vector<1x128xf32> to vector<2000x128xf32>
    %add3A_12 = arith.addf %add3A, %add3A_11 : vector<2000x128xf32>
    %get3A_13 = arith.constant 0 : index
    %get3A_14 = arith.constant 0 : index
    %get3A_15 = vector.load %arg4[%get3A_13, %get3A_14] : memref<128x128xf32, #tpu.memory_space<vmem>>, vector<128x128xf32>
    %dot_general3A = arith.constant dense<0.000000e+00> : vector<2000x128xf32>
    %dot_general3A_16 = tpu.matmul %get3A_1, %get3A_15, %dot_general3A {dimension_numbers = #tpu.dot_dimension_numbers<[1], [0], [0], [1], [0, 0, 1, 1], [], []>, transpose_lhs_hint = false} : vector<2000x128xf32>, vector<128x128xf32>, vector<2000x128xf32> -> vector<2000x128xf32>
    %add3A_17 = arith.addf %add3A_12, %dot_general3A_16 : vector<2000x128xf32>
    %max3A = arith.constant 0.000000e+00 : f32
    %max3A_18 = vector.broadcast %max3A : f32 to vector<2000x128xf32>
    %max3A_19 = arith.maximumf %add3A_17, %max3A_18 : vector<2000x128xf32>
    %get3A_20 = arith.constant 0 : index
    %get3A_21 = arith.constant 0 : index
    %get3A_22 = vector.load %arg6[%get3A_20, %get3A_21] : memref<128x128xf32, #tpu.memory_space<vmem>>, vector<128x128xf32>
    %dot_general3A_23 = arith.constant dense<0.000000e+00> : vector<2000x128xf32>
    %dot_general3A_24 = tpu.matmul %max3A_19, %get3A_22, %dot_general3A_23 {dimension_numbers = #tpu.dot_dimension_numbers<[1], [0], [0], [1], [0, 0, 1, 1], [], []>, transpose_lhs_hint = false} : vector<2000x128xf32>, vector<128x128xf32>, vector<2000x128xf32> -> vector<2000x128xf32>
    %get3A_25 = arith.constant 0 : index
    %get3A_26 = arith.constant 0 : index
    %get3A_27 = vector.load %arg7[%get3A_25, %get3A_26] : memref<1x128xf32, #tpu.memory_space<vmem>>, vector<1x128xf32>
    %add3A_28 = vector.broadcast %get3A_27 : vector<1x128xf32> to vector<2000x128xf32>
    %add3A_29 = arith.addf %dot_general3A_24, %add3A_28 : vector<2000x128xf32>
    %max3A_30 = arith.constant 0.000000e+00 : f32
    %max3A_31 = vector.broadcast %max3A_30 : f32 to vector<2000x128xf32>
    %max3A_32 = arith.maximumf %add3A_29, %max3A_31 : vector<2000x128xf32>
    %get3A_33 = arith.constant 0 : index
    %get3A_34 = arith.constant 0 : index
    %get3A_35 = vector.load %arg8[%get3A_33, %get3A_34] : memref<128x128xf32, #tpu.memory_space<vmem>>, vector<128x128xf32>
    %dot_general3A_36 = arith.constant dense<0.000000e+00> : vector<2000x128xf32>
    %dot_general3A_37 = tpu.matmul %max3A_32, %get3A_35, %dot_general3A_36 {dimension_numbers = #tpu.dot_dimension_numbers<[1], [0], [0], [1], [0, 0, 1, 1], [], []>, transpose_lhs_hint = false} : vector<2000x128xf32>, vector<128x128xf32>, vector<2000x128xf32> -> vector<2000x128xf32>
    %get3A_38 = arith.constant 0 : index
    %get3A_39 = arith.constant 0 : index
    %get3A_40 = vector.load %arg9[%get3A_38, %get3A_39] : memref<1x128xf32, #tpu.memory_space<vmem>>, vector<1x128xf32>
    %add3A_41 = vector.broadcast %get3A_40 : vector<1x128xf32> to vector<2000x128xf32>
    %add3A_42 = arith.addf %dot_general3A_37, %add3A_41 : vector<2000x128xf32>
    %reduce_sum3A = arith.constant dense<0.000000e+00> : vector<2000xf32>
    %reduce_sum3A_43 = vector.multi_reduction <add>, %add3A_42, %reduce_sum3A [1] : vector<2000x128xf32> to vector<2000xf32>
    %broadcast_in_dim3A = vector.shape_cast %reduce_sum3A_43 : vector<2000xf32> to vector<2000x1xf32>
    %div3A = arith.constant 1.280000e+02 : f32
    %div3A_44 = vector.broadcast %div3A : f32 to vector<2000x1xf32>
    %div3A_45 = arith.divf %broadcast_in_dim3A, %div3A_44 : vector<2000x1xf32>
    %sub3A = vector.broadcast %div3A_45 : vector<2000x1xf32> to vector<2000x128xf32>
    %sub3A_46 = arith.subf %add3A_42, %sub3A : vector<2000x128xf32>
    %mul3A = arith.mulf %sub3A_46, %sub3A_46 : vector<2000x128xf32>
    %reduce_sum3A_47 = arith.constant dense<0.000000e+00> : vector<2000xf32>
    %reduce_sum3A_48 = vector.multi_reduction <add>, %mul3A, %reduce_sum3A_47 [1] : vector<2000x128xf32> to vector<2000xf32>
    %broadcast_in_dim3A_49 = vector.shape_cast %reduce_sum3A_48 : vector<2000xf32> to vector<2000x1xf32>
    %div3A_50 = arith.constant 1.280000e+02 : f32
    %div3A_51 = vector.broadcast %div3A_50 : f32 to vector<2000x1xf32>
    %div3A_52 = arith.divf %broadcast_in_dim3A_49, %div3A_51 : vector<2000x1xf32>
    %add3A_53 = arith.constant 9.99999974E-6 : f32
    %add3A_54 = vector.broadcast %add3A_53 : f32 to vector<2000x1xf32>
    %add3A_55 = arith.addf %div3A_52, %add3A_54 : vector<2000x1xf32>
    %rsqrt3A = math.rsqrt %add3A_55 : vector<2000x1xf32>
    %mul3A_56 = vector.broadcast %rsqrt3A : vector<2000x1xf32> to vector<2000x128xf32>
    %mul3A_57 = arith.mulf %sub3A_46, %mul3A_56 : vector<2000x128xf32>
    %get3A_58 = arith.constant 0 : index
    %get3A_59 = arith.constant 0 : index
    %get3A_60 = vector.load %arg10[%get3A_58, %get3A_59] : memref<1x128xf32, #tpu.memory_space<vmem>>, vector<1x128xf32>
    %mul3A_61 = vector.broadcast %get3A_60 : vector<1x128xf32> to vector<2000x128xf32>
    %mul3A_62 = arith.mulf %mul3A_57, %mul3A_61 : vector<2000x128xf32>
    %get3A_63 = arith.constant 0 : index
    %get3A_64 = arith.constant 0 : index
    %get3A_65 = vector.load %arg11[%get3A_63, %get3A_64] : memref<1x128xf32, #tpu.memory_space<vmem>>, vector<1x128xf32>
    %add3A_66 = vector.broadcast %get3A_65 : vector<1x128xf32> to vector<2000x128xf32>
    %add3A_67 = arith.addf %mul3A_62, %add3A_66 : vector<2000x128xf32>
    %swap3A = arith.constant 0 : index
    %swap3A_68 = arith.constant 0 : index
    %swap3A_69 = vector.load %arg13[%swap3A, %swap3A_68] : memref<2000x128xf32, #tpu.memory_space<vmem>>, vector<2000x128xf32>
    tpu.vector_store %arg13[%swap3A, %swap3A_68], %add3A_67 {strides = array<i32>} : memref<2000x128xf32, #tpu.memory_space<vmem>>, vector<2000x128xf32>,
    %add3A_70 = arith.addf %add3A_67, %get3A_1 : vector<2000x128xf32>
    %swap3A_71 = arith.constant 0 : index
    %swap3A_72 = arith.constant 0 : index
    %swap3A_73 = vector.load %arg14[%swap3A_71, %swap3A_72] : memref<2000x128xf32, #tpu.memory_space<vmem>>, vector<2000x128xf32>
    tpu.vector_store %arg14[%swap3A_71, %swap3A_72], %add3A_70 {strides = array<i32>} : memref<2000x128xf32, #tpu.memory_space<vmem>>, vector<2000x128xf32>,
    return
  }
  func.func @transform_0(%arg0: i32) -> (i32, i32) {
    %c0_i32 = arith.constant 0 : i32
    %c0_i32_0 = arith.constant 0 : i32
    return %arg0, %c0_i32 : i32, i32
  }
  func.func @transform_1(%arg0: i32) -> (i32, i32) {
    %c0_i32 = arith.constant 0 : i32
    %c0_i32_0 = arith.constant 0 : i32
    return %arg0, %c0_i32 : i32, i32
  }
  func.func @transform_2(%arg0: i32) -> (i32, i32) {
    %add3A = arith.constant 64 : i32
    %add3A_0 = arith.addi %arg0, %add3A : i32
    %c0_i32 = arith.constant 0 : i32
    %c0_i32_1 = arith.constant 0 : i32
    return %add3A_0, %c0_i32 : i32, i32
  }
  func.func @transform_3(%arg0: i32) -> (i32, i32) {
    %c0_i32 = arith.constant 0 : i32
    %c0_i32_0 = arith.constant 0 : i32
    %c0_i32_1 = arith.constant 0 : i32
    return %c0_i32, %c0_i32_0 : i32, i32
  }
  func.func @transform_4(%arg0: i32) -> (i32, i32) {
    %c0_i32 = arith.constant 0 : i32
    %c0_i32_0 = arith.constant 0 : i32
    %c0_i32_1 = arith.constant 0 : i32
    return %c0_i32, %c0_i32_0 : i32, i32
  }
  func.func @transform_5(%arg0: i32) -> (i32, i32) {
    %c0_i32 = arith.constant 0 : i32
    %c0_i32_0 = arith.constant 0 : i32
    %c0_i32_1 = arith.constant 0 : i32
    return %c0_i32, %c0_i32_0 : i32, i32
  }
  func.func @transform_6(%arg0: i32) -> (i32, i32) {
    %c0_i32 = arith.constant 0 : i32
    %c0_i32_0 = arith.constant 0 : i32
    %c0_i32_1 = arith.constant 0 : i32
    return %c0_i32, %c0_i32_0 : i32, i32
  }
  func.func @transform_7(%arg0: i32) -> (i32, i32) {
    %c0_i32 = arith.constant 0 : i32
    %c0_i32_0 = arith.constant 0 : i32
    %c0_i32_1 = arith.constant 0 : i32
    return %c0_i32, %c0_i32_0 : i32, i32
  }
  func.func @transform_8(%arg0: i32) -> (i32, i32) {
    %c0_i32 = arith.constant 0 : i32
    %c0_i32_0 = arith.constant 0 : i32
    %c0_i32_1 = arith.constant 0 : i32
    return %c0_i32, %c0_i32_0 : i32, i32
  }
  func.func @transform_9(%arg0: i32) -> (i32, i32) {
    %c0_i32 = arith.constant 0 : i32
    %c0_i32_0 = arith.constant 0 : i32
    %c0_i32_1 = arith.constant 0 : i32
    return %c0_i32, %c0_i32_0 : i32, i32
  }
  func.func @transform_10(%arg0: i32) -> (i32, i32) {
    %c0_i32 = arith.constant 0 : i32
    %c0_i32_0 = arith.constant 0 : i32
    %c0_i32_1 = arith.constant 0 : i32
    return %c0_i32, %c0_i32_0 : i32, i32
  }
  func.func @transform_12(%arg0: i32) -> (i32, i32) {
    %c0_i32 = arith.constant 0 : i32
    %c0_i32_0 = arith.constant 0 : i32
    return %arg0, %c0_i32 : i32, i32
  }
  func.func @transform_13(%arg0: i32) -> (i32, i32) {
    %add3A = arith.constant 64 : i32
    %add3A_0 = arith.addi %arg0, %add3A : i32
    %c0_i32 = arith.constant 0 : i32
    %c0_i32_1 = arith.constant 0 : i32
    return %add3A_0, %c0_i32 : i32, i32
  }
}

module attributes {stable_mosaic.version = 14 : i64} {
  func.func @_lambda_(%arg0: i32, %arg1: memref<2000x128xf32, #tpu.memory_space<vmem>>, %arg2: memref<2000x128xf32, #tpu.memory_space<vmem>>, %arg3: memref<2000x128xf32, #tpu.memory_space<vmem>>, %arg4: memref<128x128xf32, #tpu.memory_space<vmem>>, %arg5: memref<1x128xf32, #tpu.memory_space<vmem>>, %arg6: memref<128x128xf32, #tpu.memory_space<vmem>>, %arg7: memref<1x128xf32, #tpu.memory_space<vmem>>, %arg8: memref<128x128xf32, #tpu.memory_space<vmem>>, %arg9: memref<1x128xf32, #tpu.memory_space<vmem>>, %arg10: memref<1x128xf32, #tpu.memory_space<vmem>>, %arg11: memref<1x128xf32, #tpu.memory_space<vmem>>, %arg12: memref<320000x128xf32, #tpu.memory_space<any>>, %arg13: memref<2000x128xf32, #tpu.memory_space<vmem>>, %arg14: memref<2000x128xf32, #tpu.memory_space<vmem>>) attributes {dimension_semantics = [#tpu.dimension_semantics<arbitrary>], iteration_bounds = array<i64: 32>, scalar_prefetch = 0 : i64, scratch_operands = 0 : i64, tpu.core_type = #tpu.core_type<tc>, window_params = [{transform_indices = @transform_0, window_bounds = array<i64: 2000, 128>}, {transform_indices = @transform_1, window_bounds = array<i64: 2000, 128>}, {transform_indices = @transform_2, window_bounds = array<i64: 2000, 128>}, {pipeline_mode = #tpu.pipeline_mode<synchronous>, transform_indices = @transform_3, window_bounds = array<i64: 128, 128>}, {pipeline_mode = #tpu.pipeline_mode<synchronous>, transform_indices = @transform_4, window_bounds = array<i64: 1, 128>}, {pipeline_mode = #tpu.pipeline_mode<synchronous>, transform_indices = @transform_5, window_bounds = array<i64: 128, 128>}, {pipeline_mode = #tpu.pipeline_mode<synchronous>, transform_indices = @transform_6, window_bounds = array<i64: 1, 128>}, {pipeline_mode = #tpu.pipeline_mode<synchronous>, transform_indices = @transform_7, window_bounds = array<i64: 128, 128>}, {pipeline_mode = #tpu.pipeline_mode<synchronous>, transform_indices = @transform_8, window_bounds = array<i64: 1, 128>}, {pipeline_mode = #tpu.pipeline_mode<synchronous>, transform_indices = @transform_9, window_bounds = array<i64: 1, 128>}, {pipeline_mode = #tpu.pipeline_mode<synchronous>, transform_indices = @transform_10, window_bounds = array<i64: 1, 128>}, {}, {transform_indices = @transform_12, window_bounds = array<i64: 2000, 128>}, {transform_indices = @transform_13, window_bounds = array<i64: 2000, 128>}]} {
    %get3A = arith.constant 0 : index
    %get3A_0 = arith.constant 0 : index
    %get3A_1 = vector.load %arg3[%get3A, %get3A_0] : memref<2000x128xf32, #tpu.memory_space<vmem>>, vector<2000x128xf32>
    %get3A_2 = arith.constant 0 : index
    %get3A_3 = arith.constant 0 : index
    %get3A_4 = vector.load %arg1[%get3A_2, %get3A_3] : memref<2000x128xf32, #tpu.memory_space<vmem>>, vector<2000x128xf32>
    %get3A_5 = arith.constant 0 : index
    %get3A_6 = arith.constant 0 : index
    %get3A_7 = vector.load %arg2[%get3A_5, %get3A_6] : memref<2000x128xf32, #tpu.memory_space<vmem>>, vector<2000x128xf32>
    %add3A = arith.addf %get3A_4, %get3A_7 : vector<2000x128xf32>
    %get3A_8 = arith.constant 0 : index
    %get3A_9 = arith.constant 0 : index
    %get3A_10 = vector.load %arg5[%get3A_8, %get3A_9] : memref<1x128xf32, #tpu.memory_space<vmem>>, vector<1x128xf32>
    %add3A_11 = vector.broadcast %get3A_10 : vector<1x128xf32> to vector<2000x128xf32>
    %add3A_12 = arith.addf %add3A, %add3A_11 : vector<2000x128xf32>
    %get3A_13 = arith.constant 0 : index
    %get3A_14 = arith.constant 0 : index
    %get3A_15 = vector.load %arg4[%get3A_13, %get3A_14] : memref<128x128xf32, #tpu.memory_space<vmem>>, vector<128x128xf32>
    %dot_general3A = arith.constant dense<0.000000e+00> : vector<2000x128xf32>
    %dot_general3A_16 = tpu.matmul %get3A_1, %get3A_15, %dot_general3A {dimension_numbers = #tpu.dot_dimension_numbers<[1], [0], [0], [1], [0, 0, 1, 1], [], []>, transpose_lhs_hint = false} : vector<2000x128xf32>, vector<128x128xf32>, vector<2000x128xf32> -> vector<2000x128xf32>
    %add3A_17 = arith.addf %add3A_12, %dot_general3A_16 : vector<2000x128xf32>
    %max3A = arith.constant 0.000000e+00 : f32
    %max3A_18 = vector.broadcast %max3A : f32 to vector<2000x128xf32>
    %max3A_19 = arith.maximumf %add3A_17, %max3A_18 : vector<2000x128xf32>
    %get3A_20 = arith.constant 0 : index
    %get3A_21 = arith.constant 0 : index
    %get3A_22 = vector.load %arg6[%get3A_20, %get3A_21] : memref<128x128xf32, #tpu.memory_space<vmem>>, vector<128x128xf32>
    %dot_general3A_23 = arith.constant dense<0.000000e+00> : vector<2000x128xf32>
    %dot_general3A_24 = tpu.matmul %max3A_19, %get3A_22, %dot_general3A_23 {dimension_numbers = #tpu.dot_dimension_numbers<[1], [0], [0], [1], [0, 0, 1, 1], [], []>, transpose_lhs_hint = false} : vector<2000x128xf32>, vector<128x128xf32>, vector<2000x128xf32> -> vector<2000x128xf32>
    %get3A_25 = arith.constant 0 : index
    %get3A_26 = arith.constant 0 : index
    %get3A_27 = vector.load %arg7[%get3A_25, %get3A_26] : memref<1x128xf32, #tpu.memory_space<vmem>>, vector<1x128xf32>
    %add3A_28 = vector.broadcast %get3A_27 : vector<1x128xf32> to vector<2000x128xf32>
    %add3A_29 = arith.addf %dot_general3A_24, %add3A_28 : vector<2000x128xf32>
    %max3A_30 = arith.constant 0.000000e+00 : f32
    %max3A_31 = vector.broadcast %max3A_30 : f32 to vector<2000x128xf32>
    %max3A_32 = arith.maximumf %add3A_29, %max3A_31 : vector<2000x128xf32>
    %get3A_33 = arith.constant 0 : index
    %get3A_34 = arith.constant 0 : index
    %get3A_35 = vector.load %arg8[%get3A_33, %get3A_34] : memref<128x128xf32, #tpu.memory_space<vmem>>, vector<128x128xf32>
    %dot_general3A_36 = arith.constant dense<0.000000e+00> : vector<2000x128xf32>
    %dot_general3A_37 = tpu.matmul %max3A_32, %get3A_35, %dot_general3A_36 {dimension_numbers = #tpu.dot_dimension_numbers<[1], [0], [0], [1], [0, 0, 1, 1], [], []>, transpose_lhs_hint = false} : vector<2000x128xf32>, vector<128x128xf32>, vector<2000x128xf32> -> vector<2000x128xf32>
    %get3A_38 = arith.constant 0 : index
    %get3A_39 = arith.constant 0 : index
    %get3A_40 = vector.load %arg9[%get3A_38, %get3A_39] : memref<1x128xf32, #tpu.memory_space<vmem>>, vector<1x128xf32>
    %add3A_41 = vector.broadcast %get3A_40 : vector<1x128xf32> to vector<2000x128xf32>
    %add3A_42 = arith.addf %dot_general3A_37, %add3A_41 : vector<2000x128xf32>
    %reduce_sum3A = arith.constant dense<0.000000e+00> : vector<2000xf32>
    %reduce_sum3A_43 = vector.multi_reduction <add>, %add3A_42, %reduce_sum3A [1] : vector<2000x128xf32> to vector<2000xf32>
    %broadcast_in_dim3A = vector.shape_cast %reduce_sum3A_43 : vector<2000xf32> to vector<2000x1xf32>
    %div3A = arith.constant 1.280000e+02 : f32
    %div3A_44 = vector.broadcast %div3A : f32 to vector<2000x1xf32>
    %div3A_45 = arith.divf %broadcast_in_dim3A, %div3A_44 : vector<2000x1xf32>
    %sub3A = vector.broadcast %div3A_45 : vector<2000x1xf32> to vector<2000x128xf32>
    %sub3A_46 = arith.subf %add3A_42, %sub3A : vector<2000x128xf32>
    %mul3A = arith.mulf %sub3A_46, %sub3A_46 : vector<2000x128xf32>
    %reduce_sum3A_47 = arith.constant dense<0.000000e+00> : vector<2000xf32>
    %reduce_sum3A_48 = vector.multi_reduction <add>, %mul3A, %reduce_sum3A_47 [1] : vector<2000x128xf32> to vector<2000xf32>
    %broadcast_in_dim3A_49 = vector.shape_cast %reduce_sum3A_48 : vector<2000xf32> to vector<2000x1xf32>
    %div3A_50 = arith.constant 1.280000e+02 : f32
    %div3A_51 = vector.broadcast %div3A_50 : f32 to vector<2000x1xf32>
    %div3A_52 = arith.divf %broadcast_in_dim3A_49, %div3A_51 : vector<2000x1xf32>
    %add3A_53 = arith.constant 9.99999974E-6 : f32
    %add3A_54 = vector.broadcast %add3A_53 : f32 to vector<2000x1xf32>
    %add3A_55 = arith.addf %div3A_52, %add3A_54 : vector<2000x1xf32>
    %rsqrt3A = math.rsqrt %add3A_55 : vector<2000x1xf32>
    %mul3A_56 = vector.broadcast %rsqrt3A : vector<2000x1xf32> to vector<2000x128xf32>
    %mul3A_57 = arith.mulf %sub3A_46, %mul3A_56 : vector<2000x128xf32>
    %get3A_58 = arith.constant 0 : index
    %get3A_59 = arith.constant 0 : index
    %get3A_60 = vector.load %arg10[%get3A_58, %get3A_59] : memref<1x128xf32, #tpu.memory_space<vmem>>, vector<1x128xf32>
    %mul3A_61 = vector.broadcast %get3A_60 : vector<1x128xf32> to vector<2000x128xf32>
    %mul3A_62 = arith.mulf %mul3A_57, %mul3A_61 : vector<2000x128xf32>
    %get3A_63 = arith.constant 0 : index
    %get3A_64 = arith.constant 0 : index
    %get3A_65 = vector.load %arg11[%get3A_63, %get3A_64] : memref<1x128xf32, #tpu.memory_space<vmem>>, vector<1x128xf32>
    %add3A_66 = vector.broadcast %get3A_65 : vector<1x128xf32> to vector<2000x128xf32>
    %add3A_67 = arith.addf %mul3A_62, %add3A_66 : vector<2000x128xf32>
    %swap3A = arith.constant 0 : index
    %swap3A_68 = arith.constant 0 : index
    %swap3A_69 = vector.load %arg13[%swap3A, %swap3A_68] : memref<2000x128xf32, #tpu.memory_space<vmem>>, vector<2000x128xf32>
    tpu.vector_store %arg13[%swap3A, %swap3A_68], %add3A_67 {strides = array<i32>} : memref<2000x128xf32, #tpu.memory_space<vmem>>, vector<2000x128xf32>,
    %add3A_70 = arith.addf %add3A_67, %get3A_1 : vector<2000x128xf32>
    %swap3A_71 = arith.constant 0 : index
    %swap3A_72 = arith.constant 0 : index
    %swap3A_73 = vector.load %arg14[%swap3A_71, %swap3A_72] : memref<2000x128xf32, #tpu.memory_space<vmem>>, vector<2000x128xf32>
    tpu.vector_store %arg14[%swap3A_71, %swap3A_72], %add3A_70 {strides = array<i32>} : memref<2000x128xf32, #tpu.memory_space<vmem>>, vector<2000x128xf32>,
    return
  }
  func.func @transform_0(%arg0: i32) -> (i32, i32) {
    %c0_i32 = arith.constant 0 : i32
    %c0_i32_0 = arith.constant 0 : i32
    return %arg0, %c0_i32 : i32, i32
  }
  func.func @transform_1(%arg0: i32) -> (i32, i32) {
    %c0_i32 = arith.constant 0 : i32
    %c0_i32_0 = arith.constant 0 : i32
    return %arg0, %c0_i32 : i32, i32
  }
  func.func @transform_2(%arg0: i32) -> (i32, i32) {
    %add3A = arith.constant 96 : i32
    %add3A_0 = arith.addi %arg0, %add3A : i32
    %c0_i32 = arith.constant 0 : i32
    %c0_i32_1 = arith.constant 0 : i32
    return %add3A_0, %c0_i32 : i32, i32
  }
  func.func @transform_3(%arg0: i32) -> (i32, i32) {
    %c0_i32 = arith.constant 0 : i32
    %c0_i32_0 = arith.constant 0 : i32
    %c0_i32_1 = arith.constant 0 : i32
    return %c0_i32, %c0_i32_0 : i32, i32
  }
  func.func @transform_4(%arg0: i32) -> (i32, i32) {
    %c0_i32 = arith.constant 0 : i32
    %c0_i32_0 = arith.constant 0 : i32
    %c0_i32_1 = arith.constant 0 : i32
    return %c0_i32, %c0_i32_0 : i32, i32
  }
  func.func @transform_5(%arg0: i32) -> (i32, i32) {
    %c0_i32 = arith.constant 0 : i32
    %c0_i32_0 = arith.constant 0 : i32
    %c0_i32_1 = arith.constant 0 : i32
    return %c0_i32, %c0_i32_0 : i32, i32
  }
  func.func @transform_6(%arg0: i32) -> (i32, i32) {
    %c0_i32 = arith.constant 0 : i32
    %c0_i32_0 = arith.constant 0 : i32
    %c0_i32_1 = arith.constant 0 : i32
    return %c0_i32, %c0_i32_0 : i32, i32
  }
  func.func @transform_7(%arg0: i32) -> (i32, i32) {
    %c0_i32 = arith.constant 0 : i32
    %c0_i32_0 = arith.constant 0 : i32
    %c0_i32_1 = arith.constant 0 : i32
    return %c0_i32, %c0_i32_0 : i32, i32
  }
  func.func @transform_8(%arg0: i32) -> (i32, i32) {
    %c0_i32 = arith.constant 0 : i32
    %c0_i32_0 = arith.constant 0 : i32
    %c0_i32_1 = arith.constant 0 : i32
    return %c0_i32, %c0_i32_0 : i32, i32
  }
  func.func @transform_9(%arg0: i32) -> (i32, i32) {
    %c0_i32 = arith.constant 0 : i32
    %c0_i32_0 = arith.constant 0 : i32
    %c0_i32_1 = arith.constant 0 : i32
    return %c0_i32, %c0_i32_0 : i32, i32
  }
  func.func @transform_10(%arg0: i32) -> (i32, i32) {
    %c0_i32 = arith.constant 0 : i32
    %c0_i32_0 = arith.constant 0 : i32
    %c0_i32_1 = arith.constant 0 : i32
    return %c0_i32, %c0_i32_0 : i32, i32
  }
  func.func @transform_12(%arg0: i32) -> (i32, i32) {
    %c0_i32 = arith.constant 0 : i32
    %c0_i32_0 = arith.constant 0 : i32
    return %arg0, %c0_i32 : i32, i32
  }
  func.func @transform_13(%arg0: i32) -> (i32, i32) {
    %add3A = arith.constant 96 : i32
    %add3A_0 = arith.addi %arg0, %add3A : i32
    %c0_i32 = arith.constant 0 : i32
    %c0_i32_1 = arith.constant 0 : i32
    return %add3A_0, %c0_i32 : i32, i32
  }
}

module attributes {stable_mosaic.version = 14 : i64} {
  func.func @_lambda_(%arg0: i32, %arg1: memref<2000x128xf32, #tpu.memory_space<vmem>>, %arg2: memref<2000x128xf32, #tpu.memory_space<vmem>>, %arg3: memref<2000x128xf32, #tpu.memory_space<vmem>>, %arg4: memref<128x128xf32, #tpu.memory_space<vmem>>, %arg5: memref<1x128xf32, #tpu.memory_space<vmem>>, %arg6: memref<128x128xf32, #tpu.memory_space<vmem>>, %arg7: memref<1x128xf32, #tpu.memory_space<vmem>>, %arg8: memref<128x128xf32, #tpu.memory_space<vmem>>, %arg9: memref<1x128xf32, #tpu.memory_space<vmem>>, %arg10: memref<1x128xf32, #tpu.memory_space<vmem>>, %arg11: memref<1x128xf32, #tpu.memory_space<vmem>>, %arg12: memref<320000x128xf32, #tpu.memory_space<any>>, %arg13: memref<2000x128xf32, #tpu.memory_space<vmem>>, %arg14: memref<2000x128xf32, #tpu.memory_space<vmem>>) attributes {dimension_semantics = [#tpu.dimension_semantics<arbitrary>], iteration_bounds = array<i64: 32>, scalar_prefetch = 0 : i64, scratch_operands = 0 : i64, tpu.core_type = #tpu.core_type<tc>, window_params = [{transform_indices = @transform_0, window_bounds = array<i64: 2000, 128>}, {transform_indices = @transform_1, window_bounds = array<i64: 2000, 128>}, {transform_indices = @transform_2, window_bounds = array<i64: 2000, 128>}, {pipeline_mode = #tpu.pipeline_mode<synchronous>, transform_indices = @transform_3, window_bounds = array<i64: 128, 128>}, {pipeline_mode = #tpu.pipeline_mode<synchronous>, transform_indices = @transform_4, window_bounds = array<i64: 1, 128>}, {pipeline_mode = #tpu.pipeline_mode<synchronous>, transform_indices = @transform_5, window_bounds = array<i64: 128, 128>}, {pipeline_mode = #tpu.pipeline_mode<synchronous>, transform_indices = @transform_6, window_bounds = array<i64: 1, 128>}, {pipeline_mode = #tpu.pipeline_mode<synchronous>, transform_indices = @transform_7, window_bounds = array<i64: 128, 128>}, {pipeline_mode = #tpu.pipeline_mode<synchronous>, transform_indices = @transform_8, window_bounds = array<i64: 1, 128>}, {pipeline_mode = #tpu.pipeline_mode<synchronous>, transform_indices = @transform_9, window_bounds = array<i64: 1, 128>}, {pipeline_mode = #tpu.pipeline_mode<synchronous>, transform_indices = @transform_10, window_bounds = array<i64: 1, 128>}, {}, {transform_indices = @transform_12, window_bounds = array<i64: 2000, 128>}, {transform_indices = @transform_13, window_bounds = array<i64: 2000, 128>}]} {
    %get3A = arith.constant 0 : index
    %get3A_0 = arith.constant 0 : index
    %get3A_1 = vector.load %arg3[%get3A, %get3A_0] : memref<2000x128xf32, #tpu.memory_space<vmem>>, vector<2000x128xf32>
    %get3A_2 = arith.constant 0 : index
    %get3A_3 = arith.constant 0 : index
    %get3A_4 = vector.load %arg1[%get3A_2, %get3A_3] : memref<2000x128xf32, #tpu.memory_space<vmem>>, vector<2000x128xf32>
    %get3A_5 = arith.constant 0 : index
    %get3A_6 = arith.constant 0 : index
    %get3A_7 = vector.load %arg2[%get3A_5, %get3A_6] : memref<2000x128xf32, #tpu.memory_space<vmem>>, vector<2000x128xf32>
    %add3A = arith.addf %get3A_4, %get3A_7 : vector<2000x128xf32>
    %get3A_8 = arith.constant 0 : index
    %get3A_9 = arith.constant 0 : index
    %get3A_10 = vector.load %arg5[%get3A_8, %get3A_9] : memref<1x128xf32, #tpu.memory_space<vmem>>, vector<1x128xf32>
    %add3A_11 = vector.broadcast %get3A_10 : vector<1x128xf32> to vector<2000x128xf32>
    %add3A_12 = arith.addf %add3A, %add3A_11 : vector<2000x128xf32>
    %get3A_13 = arith.constant 0 : index
    %get3A_14 = arith.constant 0 : index
    %get3A_15 = vector.load %arg4[%get3A_13, %get3A_14] : memref<128x128xf32, #tpu.memory_space<vmem>>, vector<128x128xf32>
    %dot_general3A = arith.constant dense<0.000000e+00> : vector<2000x128xf32>
    %dot_general3A_16 = tpu.matmul %get3A_1, %get3A_15, %dot_general3A {dimension_numbers = #tpu.dot_dimension_numbers<[1], [0], [0], [1], [0, 0, 1, 1], [], []>, transpose_lhs_hint = false} : vector<2000x128xf32>, vector<128x128xf32>, vector<2000x128xf32> -> vector<2000x128xf32>
    %add3A_17 = arith.addf %add3A_12, %dot_general3A_16 : vector<2000x128xf32>
    %max3A = arith.constant 0.000000e+00 : f32
    %max3A_18 = vector.broadcast %max3A : f32 to vector<2000x128xf32>
    %max3A_19 = arith.maximumf %add3A_17, %max3A_18 : vector<2000x128xf32>
    %get3A_20 = arith.constant 0 : index
    %get3A_21 = arith.constant 0 : index
    %get3A_22 = vector.load %arg6[%get3A_20, %get3A_21] : memref<128x128xf32, #tpu.memory_space<vmem>>, vector<128x128xf32>
    %dot_general3A_23 = arith.constant dense<0.000000e+00> : vector<2000x128xf32>
    %dot_general3A_24 = tpu.matmul %max3A_19, %get3A_22, %dot_general3A_23 {dimension_numbers = #tpu.dot_dimension_numbers<[1], [0], [0], [1], [0, 0, 1, 1], [], []>, transpose_lhs_hint = false} : vector<2000x128xf32>, vector<128x128xf32>, vector<2000x128xf32> -> vector<2000x128xf32>
    %get3A_25 = arith.constant 0 : index
    %get3A_26 = arith.constant 0 : index
    %get3A_27 = vector.load %arg7[%get3A_25, %get3A_26] : memref<1x128xf32, #tpu.memory_space<vmem>>, vector<1x128xf32>
    %add3A_28 = vector.broadcast %get3A_27 : vector<1x128xf32> to vector<2000x128xf32>
    %add3A_29 = arith.addf %dot_general3A_24, %add3A_28 : vector<2000x128xf32>
    %max3A_30 = arith.constant 0.000000e+00 : f32
    %max3A_31 = vector.broadcast %max3A_30 : f32 to vector<2000x128xf32>
    %max3A_32 = arith.maximumf %add3A_29, %max3A_31 : vector<2000x128xf32>
    %get3A_33 = arith.constant 0 : index
    %get3A_34 = arith.constant 0 : index
    %get3A_35 = vector.load %arg8[%get3A_33, %get3A_34] : memref<128x128xf32, #tpu.memory_space<vmem>>, vector<128x128xf32>
    %dot_general3A_36 = arith.constant dense<0.000000e+00> : vector<2000x128xf32>
    %dot_general3A_37 = tpu.matmul %max3A_32, %get3A_35, %dot_general3A_36 {dimension_numbers = #tpu.dot_dimension_numbers<[1], [0], [0], [1], [0, 0, 1, 1], [], []>, transpose_lhs_hint = false} : vector<2000x128xf32>, vector<128x128xf32>, vector<2000x128xf32> -> vector<2000x128xf32>
    %get3A_38 = arith.constant 0 : index
    %get3A_39 = arith.constant 0 : index
    %get3A_40 = vector.load %arg9[%get3A_38, %get3A_39] : memref<1x128xf32, #tpu.memory_space<vmem>>, vector<1x128xf32>
    %add3A_41 = vector.broadcast %get3A_40 : vector<1x128xf32> to vector<2000x128xf32>
    %add3A_42 = arith.addf %dot_general3A_37, %add3A_41 : vector<2000x128xf32>
    %reduce_sum3A = arith.constant dense<0.000000e+00> : vector<2000xf32>
    %reduce_sum3A_43 = vector.multi_reduction <add>, %add3A_42, %reduce_sum3A [1] : vector<2000x128xf32> to vector<2000xf32>
    %broadcast_in_dim3A = vector.shape_cast %reduce_sum3A_43 : vector<2000xf32> to vector<2000x1xf32>
    %div3A = arith.constant 1.280000e+02 : f32
    %div3A_44 = vector.broadcast %div3A : f32 to vector<2000x1xf32>
    %div3A_45 = arith.divf %broadcast_in_dim3A, %div3A_44 : vector<2000x1xf32>
    %sub3A = vector.broadcast %div3A_45 : vector<2000x1xf32> to vector<2000x128xf32>
    %sub3A_46 = arith.subf %add3A_42, %sub3A : vector<2000x128xf32>
    %mul3A = arith.mulf %sub3A_46, %sub3A_46 : vector<2000x128xf32>
    %reduce_sum3A_47 = arith.constant dense<0.000000e+00> : vector<2000xf32>
    %reduce_sum3A_48 = vector.multi_reduction <add>, %mul3A, %reduce_sum3A_47 [1] : vector<2000x128xf32> to vector<2000xf32>
    %broadcast_in_dim3A_49 = vector.shape_cast %reduce_sum3A_48 : vector<2000xf32> to vector<2000x1xf32>
    %div3A_50 = arith.constant 1.280000e+02 : f32
    %div3A_51 = vector.broadcast %div3A_50 : f32 to vector<2000x1xf32>
    %div3A_52 = arith.divf %broadcast_in_dim3A_49, %div3A_51 : vector<2000x1xf32>
    %add3A_53 = arith.constant 9.99999974E-6 : f32
    %add3A_54 = vector.broadcast %add3A_53 : f32 to vector<2000x1xf32>
    %add3A_55 = arith.addf %div3A_52, %add3A_54 : vector<2000x1xf32>
    %rsqrt3A = math.rsqrt %add3A_55 : vector<2000x1xf32>
    %mul3A_56 = vector.broadcast %rsqrt3A : vector<2000x1xf32> to vector<2000x128xf32>
    %mul3A_57 = arith.mulf %sub3A_46, %mul3A_56 : vector<2000x128xf32>
    %get3A_58 = arith.constant 0 : index
    %get3A_59 = arith.constant 0 : index
    %get3A_60 = vector.load %arg10[%get3A_58, %get3A_59] : memref<1x128xf32, #tpu.memory_space<vmem>>, vector<1x128xf32>
    %mul3A_61 = vector.broadcast %get3A_60 : vector<1x128xf32> to vector<2000x128xf32>
    %mul3A_62 = arith.mulf %mul3A_57, %mul3A_61 : vector<2000x128xf32>
    %get3A_63 = arith.constant 0 : index
    %get3A_64 = arith.constant 0 : index
    %get3A_65 = vector.load %arg11[%get3A_63, %get3A_64] : memref<1x128xf32, #tpu.memory_space<vmem>>, vector<1x128xf32>
    %add3A_66 = vector.broadcast %get3A_65 : vector<1x128xf32> to vector<2000x128xf32>
    %add3A_67 = arith.addf %mul3A_62, %add3A_66 : vector<2000x128xf32>
    %swap3A = arith.constant 0 : index
    %swap3A_68 = arith.constant 0 : index
    %swap3A_69 = vector.load %arg13[%swap3A, %swap3A_68] : memref<2000x128xf32, #tpu.memory_space<vmem>>, vector<2000x128xf32>
    tpu.vector_store %arg13[%swap3A, %swap3A_68], %add3A_67 {strides = array<i32>} : memref<2000x128xf32, #tpu.memory_space<vmem>>, vector<2000x128xf32>,
    %add3A_70 = arith.addf %add3A_67, %get3A_1 : vector<2000x128xf32>
    %swap3A_71 = arith.constant 0 : index
    %swap3A_72 = arith.constant 0 : index
    %swap3A_73 = vector.load %arg14[%swap3A_71, %swap3A_72] : memref<2000x128xf32, #tpu.memory_space<vmem>>, vector<2000x128xf32>
    tpu.vector_store %arg14[%swap3A_71, %swap3A_72], %add3A_70 {strides = array<i32>} : memref<2000x128xf32, #tpu.memory_space<vmem>>, vector<2000x128xf32>,
    return
  }
  func.func @transform_0(%arg0: i32) -> (i32, i32) {
    %c0_i32 = arith.constant 0 : i32
    %c0_i32_0 = arith.constant 0 : i32
    return %arg0, %c0_i32 : i32, i32
  }
  func.func @transform_1(%arg0: i32) -> (i32, i32) {
    %c0_i32 = arith.constant 0 : i32
    %c0_i32_0 = arith.constant 0 : i32
    return %arg0, %c0_i32 : i32, i32
  }
  func.func @transform_2(%arg0: i32) -> (i32, i32) {
    %add3A = arith.constant 128 : i32
    %add3A_0 = arith.addi %arg0, %add3A : i32
    %c0_i32 = arith.constant 0 : i32
    %c0_i32_1 = arith.constant 0 : i32
    return %add3A_0, %c0_i32 : i32, i32
  }
  func.func @transform_3(%arg0: i32) -> (i32, i32) {
    %c0_i32 = arith.constant 0 : i32
    %c0_i32_0 = arith.constant 0 : i32
    %c0_i32_1 = arith.constant 0 : i32
    return %c0_i32, %c0_i32_0 : i32, i32
  }
  func.func @transform_4(%arg0: i32) -> (i32, i32) {
    %c0_i32 = arith.constant 0 : i32
    %c0_i32_0 = arith.constant 0 : i32
    %c0_i32_1 = arith.constant 0 : i32
    return %c0_i32, %c0_i32_0 : i32, i32
  }
  func.func @transform_5(%arg0: i32) -> (i32, i32) {
    %c0_i32 = arith.constant 0 : i32
    %c0_i32_0 = arith.constant 0 : i32
    %c0_i32_1 = arith.constant 0 : i32
    return %c0_i32, %c0_i32_0 : i32, i32
  }
  func.func @transform_6(%arg0: i32) -> (i32, i32) {
    %c0_i32 = arith.constant 0 : i32
    %c0_i32_0 = arith.constant 0 : i32
    %c0_i32_1 = arith.constant 0 : i32
    return %c0_i32, %c0_i32_0 : i32, i32
  }
  func.func @transform_7(%arg0: i32) -> (i32, i32) {
    %c0_i32 = arith.constant 0 : i32
    %c0_i32_0 = arith.constant 0 : i32
    %c0_i32_1 = arith.constant 0 : i32
    return %c0_i32, %c0_i32_0 : i32, i32
  }
  func.func @transform_8(%arg0: i32) -> (i32, i32) {
    %c0_i32 = arith.constant 0 : i32
    %c0_i32_0 = arith.constant 0 : i32
    %c0_i32_1 = arith.constant 0 : i32
    return %c0_i32, %c0_i32_0 : i32, i32
  }
  func.func @transform_9(%arg0: i32) -> (i32, i32) {
    %c0_i32 = arith.constant 0 : i32
    %c0_i32_0 = arith.constant 0 : i32
    %c0_i32_1 = arith.constant 0 : i32
    return %c0_i32, %c0_i32_0 : i32, i32
  }
  func.func @transform_10(%arg0: i32) -> (i32, i32) {
    %c0_i32 = arith.constant 0 : i32
    %c0_i32_0 = arith.constant 0 : i32
    %c0_i32_1 = arith.constant 0 : i32
    return %c0_i32, %c0_i32_0 : i32, i32
  }
  func.func @transform_12(%arg0: i32) -> (i32, i32) {
    %c0_i32 = arith.constant 0 : i32
    %c0_i32_0 = arith.constant 0 : i32
    return %arg0, %c0_i32 : i32, i32
  }
  func.func @transform_13(%arg0: i32) -> (i32, i32) {
    %add3A = arith.constant 128 : i32
    %add3A_0 = arith.addi %arg0, %add3A : i32
    %c0_i32 = arith.constant 0 : i32
    %c0_i32_1 = arith.constant 0 : i32
    return %add3A_0, %c0_i32 : i32, i32
  }
}

module attributes {stable_mosaic.version = 14 : i64} {
  func.func @_node_mlp_kernel(%arg0: i32, %arg1: memref<1000x128xf32, #tpu.memory_space<vmem>>, %arg2: memref<2x1000x128xf32, #tpu.memory_space<vmem>>, %arg3: memref<2x1000x128xf32, #tpu.memory_space<vmem>>, %arg4: memref<128x128xf32, #tpu.memory_space<vmem>>, %arg5: memref<128x128xf32, #tpu.memory_space<vmem>>, %arg6: memref<1x128xf32, #tpu.memory_space<vmem>>, %arg7: memref<128x128xf32, #tpu.memory_space<vmem>>, %arg8: memref<1x128xf32, #tpu.memory_space<vmem>>, %arg9: memref<128x128xf32, #tpu.memory_space<vmem>>, %arg10: memref<1x128xf32, #tpu.memory_space<vmem>>, %arg11: memref<1x128xf32, #tpu.memory_space<vmem>>, %arg12: memref<1x128xf32, #tpu.memory_space<vmem>>, %arg13: memref<1000x128xf32, #tpu.memory_space<vmem>>) attributes {dimension_semantics = [#tpu.dimension_semantics<arbitrary>], iteration_bounds = array<i64: 10>, scalar_prefetch = 0 : i64, scratch_operands = 0 : i64, tpu.core_type = #tpu.core_type<tc>, window_params = [{transform_indices = @transform_0, window_bounds = array<i64: 1000, 128>}, {transform_indices = @transform_1, window_bounds = array<i64: 2, 1000, 128>}, {transform_indices = @transform_2, window_bounds = array<i64: 2, 1000, 128>}, {pipeline_mode = #tpu.pipeline_mode<synchronous>, transform_indices = @transform_3, window_bounds = array<i64: 128, 128>}, {pipeline_mode = #tpu.pipeline_mode<synchronous>, transform_indices = @transform_4, window_bounds = array<i64: 128, 128>}, {pipeline_mode = #tpu.pipeline_mode<synchronous>, transform_indices = @transform_5, window_bounds = array<i64: 1, 128>}, {pipeline_mode = #tpu.pipeline_mode<synchronous>, transform_indices = @transform_6, window_bounds = array<i64: 128, 128>}, {pipeline_mode = #tpu.pipeline_mode<synchronous>, transform_indices = @transform_7, window_bounds = array<i64: 1, 128>}, {pipeline_mode = #tpu.pipeline_mode<synchronous>, transform_indices = @transform_8, window_bounds = array<i64: 128, 128>}, {pipeline_mode = #tpu.pipeline_mode<synchronous>, transform_indices = @transform_9, window_bounds = array<i64: 1, 128>}, {pipeline_mode = #tpu.pipeline_mode<synchronous>, transform_indices = @transform_10, window_bounds = array<i64: 1, 128>}, {pipeline_mode = #tpu.pipeline_mode<synchronous>, transform_indices = @transform_11, window_bounds = array<i64: 1, 128>}, {transform_indices = @transform_12, window_bounds = array<i64: 1000, 128>}]} {
    %get3A = arith.constant 0 : index
    %get3A_0 = arith.constant 0 : index
    %get3A_1 = vector.load %arg1[%get3A, %get3A_0] : memref<1000x128xf32, #tpu.memory_space<vmem>>, vector<1000x128xf32>
    %get3A_2 = arith.constant 0 : index
    %get3A_3 = arith.constant 0 : index
    %get3A_4 = arith.constant 0 : index
    %get3A_5 = vector.load %arg2[%get3A_2, %get3A_3, %get3A_4] : memref<2x1000x128xf32, #tpu.memory_space<vmem>>, vector<1x1000x128xf32>
    %get3A_6 = vector.shape_cast %get3A_5 : vector<1x1000x128xf32> to vector<1000x128xf32>
    %get3A_7 = arith.constant 1 : index
    %get3A_8 = arith.constant 0 : index
    %get3A_9 = arith.constant 0 : index
    %get3A_10 = vector.load %arg2[%get3A_7, %get3A_8, %get3A_9] : memref<2x1000x128xf32, #tpu.memory_space<vmem>>, vector<1x1000x128xf32>
    %get3A_11 = vector.shape_cast %get3A_10 : vector<1x1000x128xf32> to vector<1000x128xf32>
    %add3A = arith.addf %get3A_6, %get3A_11 : vector<1000x128xf32>
    %get3A_12 = arith.constant 0 : index
    %get3A_13 = arith.constant 0 : index
    %get3A_14 = arith.constant 0 : index
    %get3A_15 = vector.load %arg3[%get3A_12, %get3A_13, %get3A_14] : memref<2x1000x128xf32, #tpu.memory_space<vmem>>, vector<1x1000x128xf32>
    %get3A_16 = vector.shape_cast %get3A_15 : vector<1x1000x128xf32> to vector<1000x128xf32>
    %add3A_17 = arith.addf %add3A, %get3A_16 : vector<1000x128xf32>
    %get3A_18 = arith.constant 1 : index
    %get3A_19 = arith.constant 0 : index
    %get3A_20 = arith.constant 0 : index
    %get3A_21 = vector.load %arg3[%get3A_18, %get3A_19, %get3A_20] : memref<2x1000x128xf32, #tpu.memory_space<vmem>>, vector<1x1000x128xf32>
    %get3A_22 = vector.shape_cast %get3A_21 : vector<1x1000x128xf32> to vector<1000x128xf32>
    %add3A_23 = arith.addf %add3A_17, %get3A_22 : vector<1000x128xf32>
    %get3A_24 = arith.constant 0 : index
    %get3A_25 = arith.constant 0 : index
    %get3A_26 = vector.load %arg4[%get3A_24, %get3A_25] : memref<128x128xf32, #tpu.memory_space<vmem>>, vector<128x128xf32>
    %dot_general3A = arith.constant dense<0.000000e+00> : vector<1000x128xf32>
    %dot_general3A_27 = tpu.matmul %get3A_1, %get3A_26, %dot_general3A {dimension_numbers = #tpu.dot_dimension_numbers<[1], [0], [0], [1], [0, 0, 1, 1], [], []>, transpose_lhs_hint = false} : vector<1000x128xf32>, vector<128x128xf32>, vector<1000x128xf32> -> vector<1000x128xf32>
    %get3A_28 = arith.constant 0 : index
    %get3A_29 = arith.constant 0 : index
    %get3A_30 = vector.load %arg5[%get3A_28, %get3A_29] : memref<128x128xf32, #tpu.memory_space<vmem>>, vector<128x128xf32>
    %dot_general3A_31 = arith.constant dense<0.000000e+00> : vector<1000x128xf32>
    %dot_general3A_32 = tpu.matmul %add3A_23, %get3A_30, %dot_general3A_31 {dimension_numbers = #tpu.dot_dimension_numbers<[1], [0], [0], [1], [0, 0, 1, 1], [], []>, transpose_lhs_hint = false} : vector<1000x128xf32>, vector<128x128xf32>, vector<1000x128xf32> -> vector<1000x128xf32>
    %add3A_33 = arith.addf %dot_general3A_27, %dot_general3A_32 : vector<1000x128xf32>
    %get3A_34 = arith.constant 0 : index
    %get3A_35 = arith.constant 0 : index
    %get3A_36 = vector.load %arg6[%get3A_34, %get3A_35] : memref<1x128xf32, #tpu.memory_space<vmem>>, vector<1x128xf32>
    %add3A_37 = vector.broadcast %get3A_36 : vector<1x128xf32> to vector<1000x128xf32>
    %add3A_38 = arith.addf %add3A_33, %add3A_37 : vector<1000x128xf32>
    %max3A = arith.constant 0.000000e+00 : f32
    %max3A_39 = vector.broadcast %max3A : f32 to vector<1000x128xf32>
    %max3A_40 = arith.maximumf %add3A_38, %max3A_39 : vector<1000x128xf32>
    %get3A_41 = arith.constant 0 : index
    %get3A_42 = arith.constant 0 : index
    %get3A_43 = vector.load %arg7[%get3A_41, %get3A_42] : memref<128x128xf32, #tpu.memory_space<vmem>>, vector<128x128xf32>
    %dot_general3A_44 = arith.constant dense<0.000000e+00> : vector<1000x128xf32>
    %dot_general3A_45 = tpu.matmul %max3A_40, %get3A_43, %dot_general3A_44 {dimension_numbers = #tpu.dot_dimension_numbers<[1], [0], [0], [1], [0, 0, 1, 1], [], []>, transpose_lhs_hint = false} : vector<1000x128xf32>, vector<128x128xf32>, vector<1000x128xf32> -> vector<1000x128xf32>
    %get3A_46 = arith.constant 0 : index
    %get3A_47 = arith.constant 0 : index
    %get3A_48 = vector.load %arg8[%get3A_46, %get3A_47] : memref<1x128xf32, #tpu.memory_space<vmem>>, vector<1x128xf32>
    %add3A_49 = vector.broadcast %get3A_48 : vector<1x128xf32> to vector<1000x128xf32>
    %add3A_50 = arith.addf %dot_general3A_45, %add3A_49 : vector<1000x128xf32>
    %max3A_51 = arith.constant 0.000000e+00 : f32
    %max3A_52 = vector.broadcast %max3A_51 : f32 to vector<1000x128xf32>
    %max3A_53 = arith.maximumf %add3A_50, %max3A_52 : vector<1000x128xf32>
    %get3A_54 = arith.constant 0 : index
    %get3A_55 = arith.constant 0 : index
    %get3A_56 = vector.load %arg9[%get3A_54, %get3A_55] : memref<128x128xf32, #tpu.memory_space<vmem>>, vector<128x128xf32>
    %dot_general3A_57 = arith.constant dense<0.000000e+00> : vector<1000x128xf32>
    %dot_general3A_58 = tpu.matmul %max3A_53, %get3A_56, %dot_general3A_57 {dimension_numbers = #tpu.dot_dimension_numbers<[1], [0], [0], [1], [0, 0, 1, 1], [], []>, transpose_lhs_hint = false} : vector<1000x128xf32>, vector<128x128xf32>, vector<1000x128xf32> -> vector<1000x128xf32>
    %get3A_59 = arith.constant 0 : index
    %get3A_60 = arith.constant 0 : index
    %get3A_61 = vector.load %arg10[%get3A_59, %get3A_60] : memref<1x128xf32, #tpu.memory_space<vmem>>, vector<1x128xf32>
    %add3A_62 = vector.broadcast %get3A_61 : vector<1x128xf32> to vector<1000x128xf32>
    %add3A_63 = arith.addf %dot_general3A_58, %add3A_62 : vector<1000x128xf32>
    %reduce_sum3A = arith.constant dense<0.000000e+00> : vector<1000xf32>
    %reduce_sum3A_64 = vector.multi_reduction <add>, %add3A_63, %reduce_sum3A [1] : vector<1000x128xf32> to vector<1000xf32>
    %broadcast_in_dim3A = vector.shape_cast %reduce_sum3A_64 : vector<1000xf32> to vector<1000x1xf32>
    %div3A = arith.constant 1.280000e+02 : f32
    %div3A_65 = vector.broadcast %div3A : f32 to vector<1000x1xf32>
    %div3A_66 = arith.divf %broadcast_in_dim3A, %div3A_65 : vector<1000x1xf32>
    %sub3A = vector.broadcast %div3A_66 : vector<1000x1xf32> to vector<1000x128xf32>
    %sub3A_67 = arith.subf %add3A_63, %sub3A : vector<1000x128xf32>
    %mul3A = arith.mulf %sub3A_67, %sub3A_67 : vector<1000x128xf32>
    %reduce_sum3A_68 = arith.constant dense<0.000000e+00> : vector<1000xf32>
    %reduce_sum3A_69 = vector.multi_reduction <add>, %mul3A, %reduce_sum3A_68 [1] : vector<1000x128xf32> to vector<1000xf32>
    %broadcast_in_dim3A_70 = vector.shape_cast %reduce_sum3A_69 : vector<1000xf32> to vector<1000x1xf32>
    %div3A_71 = arith.constant 1.280000e+02 : f32
    %div3A_72 = vector.broadcast %div3A_71 : f32 to vector<1000x1xf32>
    %div3A_73 = arith.divf %broadcast_in_dim3A_70, %div3A_72 : vector<1000x1xf32>
    %add3A_74 = arith.constant 9.99999974E-6 : f32
    %add3A_75 = vector.broadcast %add3A_74 : f32 to vector<1000x1xf32>
    %add3A_76 = arith.addf %div3A_73, %add3A_75 : vector<1000x1xf32>
    %rsqrt3A = math.rsqrt %add3A_76 : vector<1000x1xf32>
    %mul3A_77 = vector.broadcast %rsqrt3A : vector<1000x1xf32> to vector<1000x128xf32>
    %mul3A_78 = arith.mulf %sub3A_67, %mul3A_77 : vector<1000x128xf32>
    %get3A_79 = arith.constant 0 : index
    %get3A_80 = arith.constant 0 : index
    %get3A_81 = vector.load %arg11[%get3A_79, %get3A_80] : memref<1x128xf32, #tpu.memory_space<vmem>>, vector<1x128xf32>
    %mul3A_82 = vector.broadcast %get3A_81 : vector<1x128xf32> to vector<1000x128xf32>
    %mul3A_83 = arith.mulf %mul3A_78, %mul3A_82 : vector<1000x128xf32>
    %get3A_84 = arith.constant 0 : index
    %get3A_85 = arith.constant 0 : index
    %get3A_86 = vector.load %arg12[%get3A_84, %get3A_85] : memref<1x128xf32, #tpu.memory_space<vmem>>, vector<1x128xf32>
    %add3A_87 = vector.broadcast %get3A_86 : vector<1x128xf32> to vector<1000x128xf32>
    %add3A_88 = arith.addf %mul3A_83, %add3A_87 : vector<1000x128xf32>
    %add3A_89 = arith.addf %add3A_88, %get3A_1 : vector<1000x128xf32>
    %swap3A = arith.constant 0 : index
    %swap3A_90 = arith.constant 0 : index
    %swap3A_91 = vector.load %arg13[%swap3A, %swap3A_90] : memref<1000x128xf32, #tpu.memory_space<vmem>>, vector<1000x128xf32>
    tpu.vector_store %arg13[%swap3A, %swap3A_90], %add3A_89 {strides = array<i32>} : memref<1000x128xf32, #tpu.memory_space<vmem>>, vector<1000x128xf32>,
    return
  }
  func.func @transform_0(%arg0: i32) -> (i32, i32) {
    %c0_i32 = arith.constant 0 : i32
    %c0_i32_0 = arith.constant 0 : i32
    return %arg0, %c0_i32 : i32, i32
  }
  func.func @transform_1(%arg0: i32) -> (i32, i32, i32) {
    %c0_i32 = arith.constant 0 : i32
    %c0_i32_0 = arith.constant 0 : i32
    %c0_i32_1 = arith.constant 0 : i32
    return %c0_i32, %arg0, %c0_i32_0 : i32, i32, i32
  }
  func.func @transform_2(%arg0: i32) -> (i32, i32, i32) {
    %c0_i32 = arith.constant 0 : i32
    %c0_i32_0 = arith.constant 0 : i32
    %c0_i32_1 = arith.constant 0 : i32
    return %c0_i32, %arg0, %c0_i32_0 : i32, i32, i32
  }
  func.func @transform_3(%arg0: i32) -> (i32, i32) {
    %c0_i32 = arith.constant 0 : i32
    %c0_i32_0 = arith.constant 0 : i32
    %c0_i32_1 = arith.constant 0 : i32
    return %c0_i32, %c0_i32_0 : i32, i32
  }
  func.func @transform_4(%arg0: i32) -> (i32, i32) {
    %c0_i32 = arith.constant 0 : i32
    %c0_i32_0 = arith.constant 0 : i32
    %c0_i32_1 = arith.constant 0 : i32
    return %c0_i32, %c0_i32_0 : i32, i32
  }
  func.func @transform_5(%arg0: i32) -> (i32, i32) {
    %c0_i32 = arith.constant 0 : i32
    %c0_i32_0 = arith.constant 0 : i32
    %c0_i32_1 = arith.constant 0 : i32
    return %c0_i32, %c0_i32_0 : i32, i32
  }
  func.func @transform_6(%arg0: i32) -> (i32, i32) {
    %c0_i32 = arith.constant 0 : i32
    %c0_i32_0 = arith.constant 0 : i32
    %c0_i32_1 = arith.constant 0 : i32
    return %c0_i32, %c0_i32_0 : i32, i32
  }
  func.func @transform_7(%arg0: i32) -> (i32, i32) {
    %c0_i32 = arith.constant 0 : i32
    %c0_i32_0 = arith.constant 0 : i32
    %c0_i32_1 = arith.constant 0 : i32
    return %c0_i32, %c0_i32_0 : i32, i32
  }
  func.func @transform_8(%arg0: i32) -> (i32, i32) {
    %c0_i32 = arith.constant 0 : i32
    %c0_i32_0 = arith.constant 0 : i32
    %c0_i32_1 = arith.constant 0 : i32
    return %c0_i32, %c0_i32_0 : i32, i32
  }
  func.func @transform_9(%arg0: i32) -> (i32, i32) {
    %c0_i32 = arith.constant 0 : i32
    %c0_i32_0 = arith.constant 0 : i32
    %c0_i32_1 = arith.constant 0 : i32
    return %c0_i32, %c0_i32_0 : i32, i32
  }
  func.func @transform_10(%arg0: i32) -> (i32, i32) {
    %c0_i32 = arith.constant 0 : i32
    %c0_i32_0 = arith.constant 0 : i32
    %c0_i32_1 = arith.constant 0 : i32
    return %c0_i32, %c0_i32_0 : i32, i32
  }
  func.func @transform_11(%arg0: i32) -> (i32, i32) {
    %c0_i32 = arith.constant 0 : i32
    %c0_i32_0 = arith.constant 0 : i32
    %c0_i32_1 = arith.constant 0 : i32
    return %c0_i32, %c0_i32_0 : i32, i32
  }
  func.func @transform_12(%arg0: i32) -> (i32, i32) {
    %c0_i32 = arith.constant 0 : i32
    %c0_i32_0 = arith.constant 0 : i32
    return %arg0, %c0_i32 : i32, i32
  }
}

</mosaic_0001>

<sc_bundles>
// kernel: kernel.16.cloned.1.call-start
scs
__scs_entry_jumppad:
0x0: {  	(pc) =	sbr.rel $0x88, $3  }
0x1: {  	(tag) =	ssettag $0x0;
	lr =	simm.s32 $0x1  }
0x2: {  	[smem:$0x3F8D] =	sst lr;
	_ =	strace $0xD0000000  }
0x3: {  	_ = 	snop  }
0x4: {  	_ = 	snop  }
0x5: {  	_ = 	snop  }
0x6: {  	_ = 	snop  }
0x7: {  	_ = 	snop  }
__scs_overlays_trampoline_lowered:
0x8: {  	[smem:$0x3F9C] =	sst s0  }
0x9: {  	[smem:$0x3F9D] =	sst s1  }
0xa: {  	[smem:$0x3F9E] =	sst s2  }
0xb: {  	[smem:$0x3F9F] =	sst s3  }
0xc: {  	[smem:$0x3FA0] =	sst s4  }
0xd: {  	[smem:$0x3FA1] =	sst s5  }
0xe: {  	[smem:$0x3FA2] =	sst s6  }
0xf: {  	[smem:$0x3FA3] =	sst s7  }
0x10: {  	[smem:$0x3FA4] =	sst s8  }
0x11: {  	[smem:$0x3FA5] =	sst s9;
	s0 =	simm.s32 @!p0 $0x0  }
0x12: {  	s1 =	sld [smem:$0x3F8B];
	s0 =	simm.s32 @p0 $0x1  }
0x13: {  	[smem:$0x3FA6] =	sst s0;
	s0 =	simm.s32 @!p1 $0x0  }
0x14: {  	s2 =	sld [smem:$0x3F8A];
	s0 =	simm.s32 @p1 $0x1  }
0x15: {  	[smem:$0x3FA7] =	sst s0;
	s0 =	simm.s32 @!p2 $0x0  }
0x16: {  	s3 =	sld [smem:$0x3FDB];
	s0 =	simm.s32 @p2 $0x1  }
0x17: {  	s4 =	simm.s32 $0x1BF5;
	[smem:$0x3FA9] =	sst s0  }
0x18: {  	s0 =	sld [smem:$0x3F8C];
	_ =	swait.ge [sflag:s4], $0x0  }
0x19: {  	s7 =	sld [smem:$0x3F8D]  }
0x1a: {  	s8 =	sadd.s32 $0xFFFFE003, lr  }
0x1b: {  	s9 =	sadd.s32 $0xFFFFFEF7, lr;
	s5 =	simm.s32 $0xFFFFFFFF;
	p2 =	slt.u32 s8, $0xFFFFF086  }
0x1c: {  	p1 =	slt.u32 s9, $0xF7A;
	s5 =	simm.s32 @!p2 $0x0  }
0x1d: {  	s5 =	simm.s32 @p1 $0x1;
	p0 =	seq.s32 s7, s2  }
0x1e: {  	s7 =	smul.u32 @!p0 $0xF7A, s2;
	p2 =	seq.s32 @!p0 s5, $0x0  }
0x1f: {  	s9 =	smul.u32 $0xF7A, s1;
	s8 =	simm.s32 @!p0 $0x1BF5;
	p2 =	por !p2, p0  }
0x20: {  	[sflag:s8] =	ssyncset.s32 @!p0 $0xFFFFF086;
	s6 =	sadd.s32 @!p0 s3, s7;
	s7 =	simm.s32 @!p0 $0x108  }
0x21: {  	s3 =	sadd.s32 s3, s9;
	s6 =	sadd.s32 @!p0 $0x88, s6;
	s7 =	simm.s32 @p2 $0x1082  }
0x22: {  	[simem:s7], [sflag:s8] =	dma.local @!p0 [hbm:s6], $0xF7A  }
0x23: {  	s9 =	sor.u32 $0xD0000000, s2;
	s6 =	simm.s32 $0x108;
	_ =	swait.ge @!p0 [sflag:s8], $0x0  }
0x24: {  	s3 =	sadd.s32 $0x88, s3;
	s6 =	simm.s32 @!p1 $0x1082;
	[sflag:s4] =	ssyncset.s32 $0xFFFFF086  }
0x25: {  	[simem:s6], [sflag:s4] =	dma.local [hbm:s3], $0xF7A  }
0x26: {  	[smem:$0x3F8D] =	sst s1;
	(tag) =	ssettag s2;
	_ =	strace s9  }
0x27: {  	s1 =	sld [smem:$0x3F9D]  }
0x28: {  	s2 =	sld [smem:$0x3F9E]  }
0x29: {  	s4 =	sld [smem:$0x3FA0]  }
0x2a: {  	p0 =	seq.s32 s5, $0x0;
	s5 =	sld [smem:$0x3FA1]  }
0x2b: {  	s6 =	sld [smem:$0x3FA2]  }
0x2c: {  	s7 =	sld [smem:$0x3FA3]  }
0x2d: {  	s3 =	simm.s32 $0x108;
	s8 =	sld [smem:$0x3FA4]  }
0x2e: {  	s3 =	simm.s32 @!p0 $0x1082;
	s9 =	sld [smem:$0x3FA5]  }
0x2f: {  	lr =	sadd.s32 s0, s3;
	s0 =	sld [smem:$0x3F9C]  }
0x30: {  	s3 =	sld [smem:$0x3F9F]  }
0x31: {  	[smem:$0x3FA8] =	sst s10  }
0x32: {  	s10 =	sld [smem:$0x3FA6];
	_ =	sdelay $0x3  }
0x33: {  	p0 =	seq.s32 s10, $0x1;
	s10 =	sld [smem:$0x3FA8];
	_ =	sdelay $0x3  }
0x34: {  	[smem:$0x3FA8] =	sst s10  }
0x35: {  	s10 =	sld [smem:$0x3FA7];
	_ =	sdelay $0x3  }
0x36: {  	p1 =	seq.s32 s10, $0x1;
	s10 =	sld [smem:$0x3FA8];
	_ =	sdelay $0x3  }
0x37: {  	[smem:$0x3FA8] =	sst s10  }
0x38: {  	s10 =	sld [smem:$0x3FA9]  }
0x39: {  	_ = 	snop;
	(pc) =	sbr.ind lr, $3  }
0x3a: {  	_ = 	snop  }
0x3b: {  	_ = 	snop  }
0x3c: {  	p2 =	seq.s32 s10, $0x1;
	s10 =	sld [smem:$0x3FA8]  }
0x3d: {  	_ =	shalt  }
0x3e: {  	_ =	shalt  }
0x3f: {  	_ =	shalt  }
0x40: {  	_ =	shalt  }
0x41: {  	_ =	shalt  }
0x42: {  	_ =	shalt  }
0x43: {  	_ =	shalt  }
0x44: {  	_ =	shalt  }
0x45: {  	_ =	shalt  }
0x46: {  	_ =	shalt  }
0x47: {  	_ =	shalt  }
0x48: {  	_ =	shalt  }
0x49: {  	_ =	shalt  }
0x4a: {  	_ =	shalt  }
0x4b: {  	_ =	shalt  }
0x4c: {  	_ =	shalt  }
0x4d: {  	_ =	shalt  }
0x4e: {  	_ =	shalt  }
0x4f: {  	_ =	shalt  }
0x50: {  	_ =	shalt  }
0x51: {  	_ =	shalt  }
0x52: {  	_ =	shalt  }
0x53: {  	_ =	shalt  }
0x54: {  	_ =	shalt  }
0x55: {  	_ =	shalt  }
0x56: {  	_ =	shalt  }
0x57: {  	_ =	shalt  }
0x58: {  	_ =	shalt  }
0x59: {  	_ =	shalt  }
0x5a: {  	_ =	shalt  }
0x5b: {  	_ =	shalt  }
0x5c: {  	_ =	shalt  }
0x5d: {  	_ =	shalt  }
0x5e: {  	_ =	shalt  }
0x5f: {  	_ =	shalt  }
0x60: {  	_ =	shalt  }
0x61: {  	_ =	shalt  }
0x62: {  	_ =	shalt  }
0x63: {  	_ =	shalt  }
0x64: {  	_ =	shalt  }
0x65: {  	_ =	shalt  }
0x66: {  	_ =	shalt  }
0x67: {  	_ =	shalt  }
0x68: {  	_ =	shalt  }
0x69: {  	_ =	shalt  }
0x6a: {  	_ =	shalt  }
0x6b: {  	_ =	shalt  }
0x6c: {  	_ =	shalt  }
0x6d: {  	_ =	shalt  }
0x6e: {  	_ =	shalt  }
0x6f: {  	_ =	shalt  }
0x70: {  	_ =	shalt  }
0x71: {  	_ =	shalt  }
0x72: {  	_ =	shalt  }
0x73: {  	_ =	shalt  }
0x74: {  	_ =	shalt  }
0x75: {  	_ =	shalt  }
0x76: {  	_ =	shalt  }
0x77: {  	_ =	shalt  }
0x78: {  	_ =	shalt  }
0x79: {  	_ =	shalt  }
0x7a: {  	_ =	shalt  }
0x7b: {  	_ =	shalt  }
0x7c: {  	_ =	shalt  }
0x7d: {  	_ =	shalt  }
0x7e: {  	_ =	shalt  }
0x7f: {  	_ =	shalt  }
0x80: {  	_ =	shalt  }
0x81: {  	_ =	shalt  }
0x82: {  	_ =	shalt  }
0x83: {  	_ =	shalt  }
0x84: {  	_ =	shalt  }
0x85: {  	_ =	shalt  }
0x86: {  	_ =	shalt  }
0x87: {  	_ =	shalt  }
.Lfunc_end0:
.L_simem_size_0:
called_computation_lowered:
.L_overlay_start_0:
0x88: {  	s2 =	sld [smem:$0x3FD9]  }
0x89: {  	s3 =	sld [smem:$0x3FFE];
	_ =	sdelay $0x1  }
0x8a: {  	s1 =	srdreg.scid  }
0x8b: {  	s0 =	sand.u32 $0x1, s1  }
0x8c: {  	s14 =	sshll.u32 s0, $0xA;
	s2 =	sadd.s32 s3, s2  }
0x8d: {  	s2 =	sadd.s32 s2, s14  }
0x8e: {  	[smem:$0x3FB4] =	sst s2  }
0x8f: {  	_ = 	snop  }
0x90: {  	s2 =	sld [smem:$0x3FD0];
	_ =	sdelay $0x2  }
0x91: {  	s15 =	simm.s32 $0xE;
	s4 =	simm.s32 $0x10  }
0x92: {  	[smem:s4], [sflag:s15] =	dma.local [hbm:s2], $0x1  }
0x93: {  	_ =	swait.eq [sflag:s15], $0x1  }
0x94: {  	[sflag:s15] =	ssyncset.done $0x0  }
0x95: {  	s16 =	sld [smem:$0x10];
	[sflag:s15] =	ssyncadd.s32 $0xFFFFFFFF  }
0x96: {  	s17 =	sld [smem:$0x11];
	(tm) =	ssettm $0x1  }
0x97: {  	s18 =	sld [smem:$0x3FFB];
	_ =	sdelay $0x3  }
0x98: {  	_ =	strace s18  }
0x99: {  	s4 =	sld [smem:$0x3FFC];
	_ =	sdelay $0x3  }
0x9a: {  	_ =	strace s4  }
0x9b: {  	s4 =	sld [smem:$0x3FFD];
	_ =	sdelay $0x3  }
0x9c: {  	_ =	strace s4  }
0x9d: {  	_ =	strace $0x8FFFFFFF  }
0x9e: {  	s19 =	sld [smem:$0x3FDB];
	_ =	sdelay $0x1  }
0x9f: {  	s5 =	simm.s32 $_scs_section_size  }
0xa0: {  	s6 =	simm.s32 $_size__tile_overlayer_lowered;
	s7 =	simm.s32 $_tile_overlayer_lowered  }
0xa1: {  	s22 =	simm.s32 $0x1BFF;
	s21 =	sshll.u32 s7, $0x1;
	s4 =	sadd.s32 s5, s19  }
0xa2: {  	s8 =	simm.s32 $0x0;
	s20 =	sshll.u32 s6, $0x1;
	s6 =	sadd.s32 s21, s4  }
0xa3: {  	[timem:s8], [sflag:s22] =	dma.local [hbm:s6], s20  }
0xa4: {  	_ =	swait.ge [sflag:s22], s20  }
0xa5: {  	s5 =	ssub.s32 $0x0, s20;
	[sflag:s22] =	ssyncset.done $0x0  }
0xa6: {  	[sflag:s22] =	ssyncadd.s32 s5;
	_ =	sdelay $0x1  }
0xa7: {  	s23 =	simm.s32 $0x1B8B  }
0xa8: {  	_ =	swait.ge [sflag:s23], $0x1  }
0xa9: {  	[sflag:s23] =	ssyncset.done $0x0  }
0xaa: {  	s25 =	simm.s32 $0x1B8E;
	s24 =	sld [smem:$0x3FFE];
	[sflag:s23] =	ssyncadd.s32 $0xFFFFFFFF  }
0xab: {  	s26 =	simm.s32 $execute0_lowered;
	[smem:$0x3FD2] =	sst s25  }
0xac: {  	s6 =	sshll.u32 s26, $0x1;
	_ =	strace $0x80000046;
	[dreg:$0x1] =	wrdreg $0xFFFFFFFF  }
0xad: {  	s28 =	simm.s32 $_size_execute0_lowered;
	s4 =	sadd.s32 s4, s6;
	[dreg:$0x0] =	wrdreg $0x0  }
0xae: {  	s6 =	sshll.u32 s28, $0x1;
	[dreg:$0x2] =	wrdreg s4  }
0xaf: {  	[dreg:$0x3] =	wrdreg s6  }
0xb0: {  	[dreg:$0x4] =	wrdreg $0xC0  }
0xb1: {  	_ =	task [dreg:s8], $0x5FFFF  }
0xb2: {  	[dreg:$0x1] =	wrdreg $0xFFFFFFFF  }
0xb3: {  	[dreg:$0x0] =	wrdreg $0x60  }
0xb4: {  	[dreg:$0x2] =	wrdreg s16  }
0xb5: {  	[dreg:$0x3] =	wrdreg s24  }
0xb6: {  	[dreg:$0x4] =	wrdreg s17  }
0xb7: {  	[dreg:$0x5] =	wrdreg $0x51000  }
0xb8: {  	[dreg:$0x6] =	wrdreg $0xB  }
0xb9: {  	_ =	task.clear_ibuf [dreg:s8], $0x7FFFF;
	_ =	strace $0x90000046  }
0xba: {  	s29 =	simm.s32 $0xB;
	_ =	strace $0x80000048  }
0xbb: {  	_ =	swait.ge [sflag:s29], $0x1  }
0xbc: {  	[sflag:s29] =	ssyncadd.s32 $0xFFFFFFFF  }
0xbd: {  	_ =	strace $0x90000048  }
0xbe: {  	_ =	sfence  }
0xbf: {  	s30 =	sld [smem:$0x0];
	_ =	sdelay $0x2  }
0xc0: {  	s31 =	sshll.u32 s1, $0xD;
	s1 =	sshrl.u32 s1, $0x2  }
0xc1: {  	s3 =	sand.u32 $0x4000, s31;
	s1 =	sadd.s32 s1, s30  }
0xc2: {  	s0 =	sor.u32 s3, s0;
	s1 =	sshll.u32 s1, $0x11  }
0xc3: {  	s0 =	sor.u32 s1, s0  }
0xc4: {  	s0 =	sadd.s32 $0x8F2B, s0  }
0xc5: {  	[sflag:s0] =	ssyncadd.remote.s32 $0x1  }
0xc6: {  	_ =	sfence.sel $0xFFFF  }
0xc7: {  	[dreg:$0x0] =	wrdreg $0xFFFFFFFF;
	(pc) =	sbr.abs _section_cstart, $3  }
0xc8: {  	[dreg:$0x1] =	wrdreg $0xFFFFFFFF  }
0xc9: {  	_ =	task.clear_ibuf [dreg:s8], $0x2FFFF;
	_ =	strace $0x9FFFFFFF  }
0xca: {  	(tm) =	ssettm $0x7FFFFFFF  }
0xcb: {  	_ =	shalt  }
tec
execute0_lowered:
.L_overlay_start_1:
0x0: {  	(tag) =	ssettag $0x1  }
0x1: {  	s5 =	rddreg [dreg:$0x0]  }
0x2: {  	s7 =	rddreg [dreg:$0x1]  }
0x3: {  	s12 =	rddreg [dreg:$0x2]  }
0x4: {  	s2 =	rddreg [dreg:$0x3]  }
0x5: {  	s0 =	rddreg [dreg:$0x4];
	s3 =	simm.s32 $0x0  }
0x6: {  	s1 =	stileid.u32;
	s6 =	srdreg.scid;
	s18 =	simm.s32 $0x100  }
0x7: {  	s19 =	simm.s32 $0x80;
	s20 =	simm.s32 $0x2900;
	s4 =	smul.u32 $0x2800, s1  }
0x8: {  	s21 =	simm.s32 $0x1;
	s22 =	simm.s32 $0x2;
	s13 =	smul.u32 $0x1F4, s1  }
0x9: {  	s23 =	simm.s32 $0x0;
	[smem:$0x7FF] =	sst s3;
	s8 =	smul.u32 $0xFA00, s1  }
0xa: {  	s6 =	sand.u32 $0x1, s6;
	s11 =	smul.u32 $0x50000, s1;
	s17 =	sadd.s32 $0x12C000, s2  }
0xb: {  	p1 =	seq.s32 s1, $0xF;
	_ =	strace $0x80000047;
	s10 =	ssub.s32 $0x2, s6  }
0xc: {  	p0 =	seq.s32 s6, $0x1;
	s9 =	sadd.s32 s4, s7;
	s14 =	sadd.s32 s13, s7  }
0xd: {  	s15 =	sadd.s32 s8, s7;
	s30 =	sshrl.u32 s10, $0x1;
	s31 =	sshrl.u32 s11, $0x2  }
0xe: {  	s4 =	sadd.s32 s5, s4;
	s5 =	sadd.s32 $0x25800, s5;
	s7 =	sadd.s32 $0x3E200, s7  }
.Ltmp0:
0xf: {  	s12 =	sadd.s32 s13, s12;
	s13 =	sshrl.u32 @p1 s17, $0x3;
	(pc) =	sbr.rel .LBB2_1-.Ltmp0, $4  }
0x10: {  	s17 =	simm.s32 $0x50;
	s8 =	ssub.s32 s10, s30;
	s16 =	sadd.s32 s31, s2  }
0x11: {  	s6 =	sadd.s32 $0x18A00, s9;
	s9 =	sadd.s32 $0x3FC00, s15;
	s10 =	sadd.s32 $0x6A00, s14  }
0x12: {  	s11 =	sadd.s32 $0x139C00, s15;
	s14 =	sshll.u32 @!p1 s1, $0x6;
	s8 =	smax.u32 s8, $0x1  }
0x13: {  	s14 =	sor.u32 @!p1 $0x1C03, s14;
	s15 =	sshrl.u32 @!p1 s16, $0x3;
	s16 =	simm.s32 $0x3  }
.LBB2_7:
0x14: {  	s25 =	sadd.s32 s25, s12;
	[sflag:s16] =	ssyncadd.s32 $0xFFFFD800  }
0x15: {  	[tilespmem:s3], [sflag:$0x3] =	stream.linear.gather [hbm4b:s25+s3], $0x50, $0x38;
	[tilespmem:$0x18980] =	vst v63  }
0x16: {  	_ =	swait.ge [sflag:s16], $0x50  }
0x17: {  	[sflag:s16] =	ssyncset.done $0x0  }
0x18: {  	[sflag:s16] =	ssyncadd.s32 $0xFFFFFFB0  }
0x19: {  	[tilespmem:s18], [sflag:$0x1] =	stream.indirect.gather [spmem:s2], $0x80, s3, s17, $0xb8;
	[tilespmem:$0x18980] =	vst v63  }
0x1a: {  	s25 =	sadd.s32 $0xA, s25  }
0x1b: {  	[tilespmem:s19], [sflag:$0x3] =	stream.linear.gather [hbm4b:s25+s3], $0x50, $0x38;
	[tilespmem:$0x18980] =	vst v63  }
0x1c: {  	_ =	swait.ge [sflag:s16], $0x50  }
0x1d: {  	[sflag:s16] =	ssyncset.done $0x0  }
0x1e: {  	[sflag:s16] =	ssyncadd.s32 $0xFFFFFFB0  }
0x1f: {  	[tilespmem:s20], [sflag:$0x2] =	stream.indirect.gather [spmem:s2], $0x80, s19, s17, $0xb8;
	[tilespmem:$0x18980] =	vst v63  }
0x20: {  	_ =	swait.ge [sflag:s21], $0x2800  }
0x21: {  	[sflag:s21] =	ssyncset.done $0x0  }
0x22: {  	[sflag:s21] =	ssyncadd.s32 $0xFFFFD800  }
0x23: {  	[hbm4b:s24+s3] =	stream.linear.scatter [tilespmem:s18], [sflag:$0x3], $0x2800, $0x38;
	[tilespmem:$0x18980] =	vst v63  }
0x24: {  	_ =	swait.ge [sflag:s16], $0x2800  }
0x25: {  	[sflag:s16] =	ssyncset.done $0x0  }
0x26: {  	[sflag:s16] =	ssyncadd.s32 $0xFFFFD800  }
0x27: {  	_ =	swait.ge [sflag:s22], $0x2800  }
0x28: {  	[sflag:s22] =	ssyncset.done $0x0  }
0x29: {  	s31 =	sadd.s32 $0x500, s24;
	[sflag:s22] =	ssyncadd.s32 $0xFFFFD800  }
0x2a: {  	[hbm4b:s31+s3] =	stream.linear.scatter [tilespmem:s20], [sflag:$0x3], $0x2800, $0x38;
	[tilespmem:$0x18980] =	vst v63  }
0x2b: {  	_ =	swait.ge [sflag:s16], $0x2800  }
0x2c: {  	[sflag:s16] =	ssyncset.done $0x0  }
0x2d: {  	[sflag:s16] =	ssyncadd.s32 $0xFFFFD800  }
.LBB2_8:
0x2e: {  	s23 =	sadd.s32 $0x1, s23  }
0x2f: {  	p2 =	sne.s32 s23, s8  }
.Ltmp1:
0x30: {  	_ = 	snop;
	(pc) =	sbr.rel @!p2 .LBB2_9-.Ltmp1, $1  }
0x31: {  	_ =	sdelay $0x3  }
.LBB2_1:
.Ltmp2:
0x32: {  	(pc) =	sbr.rel @!p0 .LBB2_2-.Ltmp2, $1  }
0x33: {  	_ =	sdelay $0x3  }
0x34: {  	s24 =	simm.s32 @p1 $0x1FC3  }
0x35: {  	[spmem:s13], [sflag:s24] =	dma.local @p1 [hbm:s7], $0x1900  }
0x36: {  	s24 =	simm.s32 @p1 $0x3  }
0x37: {  	_ =	swait.ge @p1 [sflag:s24], $0x1900  }
0x38: {  	[sflag:s24] =	ssyncset.done @p1 $0x0  }
0x39: {  	[sflag:s24] =	ssyncadd.s32 @p1 $0xFFFFE700;
	s24 =	simm.s32 @!p1 $0x3  }
0x3a: {  	[spmem:s15], [sflag:s14] =	dma.local @!p1 [hbm:s6], $0x2800  }
0x3b: {  	_ =	swait.ge @!p1 [sflag:s24], $0x2800  }
0x3c: {  	[sflag:s24] =	ssyncset.done @!p1 $0x0  }
0x3d: {  	[sflag:s24] =	ssyncadd.s32 @!p1 $0xFFFFD800  }
0x3e: {  	s30 =	sadd.s32 $0x0, s12;
	[bflag:$0x0] =	sbarrier.arrive $0xFFFF  }
0x3f: {  	[tilespmem:s3], [sflag:$0x3] =	stream.linear.gather [hbm4b:s30+s3], $0x50, $0x38;
	[tilespmem:$0x18980] =	vst v63  }
0x40: {  	_ =	swait.ge [sflag:s16], $0x50  }
0x41: {  	[sflag:s16] =	ssyncset.done $0x0  }
0x42: {  	[sflag:s16] =	ssyncadd.s32 $0xFFFFFFB0  }
0x43: {  	[tilespmem:s18], [sflag:$0x1] =	stream.indirect.gather [spmem:s2], $0x80, s3, s17, $0xb8;
	[tilespmem:$0x18980] =	vst v63  }
0x44: {  	s24 =	sadd.s32 $0xA, s30  }
0x45: {  	[tilespmem:s19], [sflag:$0x3] =	stream.linear.gather [hbm4b:s24+s3], $0x50, $0x38;
	[tilespmem:$0x18980] =	vst v63  }
0x46: {  	_ =	swait.ge [sflag:s16], $0x50  }
0x47: {  	[sflag:s16] =	ssyncset.done $0x0  }
0x48: {  	[sflag:s16] =	ssyncadd.s32 $0xFFFFFFB0  }
0x49: {  	[tilespmem:s20], [sflag:$0x2] =	stream.indirect.gather [spmem:s2], $0x80, s19, s17, $0xb8;
	[tilespmem:$0x18980] =	vst v63  }
0x4a: {  	_ =	swait.ge [sflag:s21], $0x2800  }
0x4b: {  	[sflag:s21] =	ssyncset.done $0x0  }
0x4c: {  	[sflag:s21] =	ssyncadd.s32 $0xFFFFD800  }
0x4d: {  	[hbm4b:s11+s3] =	stream.linear.scatter [tilespmem:s18], [sflag:$0x3], $0x2800, $0x38;
	[tilespmem:$0x18980] =	vst v63  }
0x4e: {  	_ =	swait.ge [sflag:s16], $0x2800  }
0x4f: {  	[sflag:s16] =	ssyncset.done $0x0  }
0x50: {  	[sflag:s16] =	ssyncadd.s32 $0xFFFFD800  }
0x51: {  	_ =	swait.ge [sflag:s22], $0x2800  }
0x52: {  	[sflag:s22] =	ssyncset.done $0x0  }
0x53: {  	s31 =	sadd.s32 $0x500, s11;
	[sflag:s22] =	ssyncadd.s32 $0xFFFFD800  }
0x54: {  	[hbm4b:s31+s3] =	stream.linear.scatter [tilespmem:s20], [sflag:$0x3], $0x2800, $0x38;
	[tilespmem:$0x18980] =	vst v63  }
0x55: {  	s25 =	simm.s32 $0x14;
	_ =	swait.ge [sflag:s16], $0x2800  }
0x56: {  	s26 =	simm.s32 $0x28;
	s24 =	sadd.s32 $0xA00, s11;
	[sflag:s16] =	ssyncset.done $0x0  }
.LBB2_6:
0x57: {  	s28 =	sadd.s32 s25, s12  }
0x58: {  	[sflag:s16] =	ssyncadd.s32 $0xFFFFD800;
	s25 =	smov.u32 s26;
	s29 =	sadd.s32 $0x14, s26  }
0x59: {  	[tilespmem:s3], [sflag:$0x3] =	stream.linear.gather [hbm4b:s28+s3], $0x50, $0x38;
	[tilespmem:$0x18980] =	vst v63  }
0x5a: {  	p2 =	sne.s32 s26, $0x1E0;
	_ =	swait.ge [sflag:s16], $0x50  }
0x5b: {  	[sflag:s16] =	ssyncset.done $0x0  }
0x5c: {  	[sflag:s16] =	ssyncadd.s32 $0xFFFFFFB0  }
0x5d: {  	[tilespmem:s18], [sflag:$0x1] =	stream.indirect.gather [spmem:s2], $0x80, s3, s17, $0xb8;
	[tilespmem:$0x18980] =	vst v63  }
0x5e: {  	s26 =	sadd.s32 $0xA, s28  }
0x5f: {  	[tilespmem:s19], [sflag:$0x3] =	stream.linear.gather [hbm4b:s26+s3], $0x50, $0x38;
	[tilespmem:$0x18980] =	vst v63  }
0x60: {  	_ =	swait.ge [sflag:s16], $0x50  }
0x61: {  	[sflag:s16] =	ssyncset.done $0x0  }
0x62: {  	[sflag:s16] =	ssyncadd.s32 $0xFFFFFFB0  }
0x63: {  	[tilespmem:s20], [sflag:$0x2] =	stream.indirect.gather [spmem:s2], $0x80, s19, s17, $0xb8;
	[tilespmem:$0x18980] =	vst v63  }
0x64: {  	_ =	swait.ge [sflag:s21], $0x2800  }
0x65: {  	[sflag:s21] =	ssyncset.done $0x0  }
0x66: {  	[sflag:s21] =	ssyncadd.s32 $0xFFFFD800  }
0x67: {  	[hbm4b:s24+s3] =	stream.linear.scatter [tilespmem:s18], [sflag:$0x3], $0x2800, $0x38;
	[tilespmem:$0x18980] =	vst v63  }
0x68: {  	_ =	swait.ge [sflag:s16], $0x2800  }
0x69: {  	[sflag:s16] =	ssyncset.done $0x0  }
0x6a: {  	[sflag:s16] =	ssyncadd.s32 $0xFFFFD800  }
0x6b: {  	_ =	swait.ge [sflag:s22], $0x2800  }
.Ltmp3:
0x6c: {  	[sflag:s22] =	ssyncset.done $0x0;
	(pc) =	sbr.rel @p2 .LBB2_6-.Ltmp3, $4  }
0x6d: {  	s26 =	sadd.s32 $0x500, s24;
	[sflag:s22] =	ssyncadd.s32 $0xFFFFD800  }
0x6e: {  	[hbm4b:s26+s3] =	stream.linear.scatter [tilespmem:s20], [sflag:$0x3], $0x2800, $0x38;
	[tilespmem:$0x18980] =	vst v63  }
0x6f: {  	_ =	swait.ge [sflag:s16], $0x2800  }
0x70: {  	s24 =	sadd.s32 $0xA00, s24;
	s26 =	smov.u32 s29;
	[sflag:s16] =	ssyncset.done $0x0  }
.Ltmp4:
0x71: {  	_ = 	snop;
	(pc) =	sbr.rel .LBB2_7-.Ltmp4, $1  }
0x72: {  	_ =	sdelay $0x3  }
.LBB2_2:
0x73: {  	s24 =	simm.s32 @p1 $0x1FC3  }
0x74: {  	[spmem:s13], [sflag:s24] =	dma.local @p1 [hbm:s5], $0x1900  }
0x75: {  	s24 =	simm.s32 @p1 $0x3  }
0x76: {  	_ =	swait.ge @p1 [sflag:s24], $0x1900  }
0x77: {  	[sflag:s24] =	ssyncset.done @p1 $0x0  }
0x78: {  	[sflag:s24] =	ssyncadd.s32 @p1 $0xFFFFE700;
	s24 =	simm.s32 @!p1 $0x3  }
0x79: {  	[spmem:s15], [sflag:s14] =	dma.local @!p1 [hbm:s4], $0x2800  }
0x7a: {  	_ =	swait.ge @!p1 [sflag:s24], $0x2800  }
0x7b: {  	[sflag:s24] =	ssyncset.done @!p1 $0x0  }
0x7c: {  	[sflag:s24] =	ssyncadd.s32 @!p1 $0xFFFFD800  }
0x7d: {  	s30 =	sadd.s32 $0x0, s10;
	[bflag:$0x0] =	sbarrier.arrive $0xFFFF  }
0x7e: {  	[tilespmem:s3], [sflag:$0x3] =	stream.linear.gather [hbm4b:s30+s3], $0x50, $0x38;
	[tilespmem:$0x18980] =	vst v63  }
0x7f: {  	_ =	swait.ge [sflag:s16], $0x50  }
0x80: {  	[sflag:s16] =	ssyncset.done $0x0  }
0x81: {  	[sflag:s16] =	ssyncadd.s32 $0xFFFFFFB0  }
0x82: {  	[tilespmem:s18], [sflag:$0x1] =	stream.indirect.gather [spmem:s2], $0x80, s3, s17, $0xb8;
	[tilespmem:$0x18980] =	vst v63  }
0x83: {  	s24 =	sadd.s32 $0xA, s30  }
0x84: {  	[tilespmem:s19], [sflag:$0x3] =	stream.linear.gather [hbm4b:s24+s3], $0x50, $0x38;
	[tilespmem:$0x18980] =	vst v63  }
0x85: {  	_ =	swait.ge [sflag:s16], $0x50  }
0x86: {  	[sflag:s16] =	ssyncset.done $0x0  }
0x87: {  	[sflag:s16] =	ssyncadd.s32 $0xFFFFFFB0  }
0x88: {  	[tilespmem:s20], [sflag:$0x2] =	stream.indirect.gather [spmem:s2], $0x80, s19, s17, $0xb8;
	[tilespmem:$0x18980] =	vst v63  }
0x89: {  	_ =	swait.ge [sflag:s21], $0x2800  }
0x8a: {  	[sflag:s21] =	ssyncset.done $0x0  }
0x8b: {  	[sflag:s21] =	ssyncadd.s32 $0xFFFFD800  }
0x8c: {  	[hbm4b:s9+s3] =	stream.linear.scatter [tilespmem:s18], [sflag:$0x3], $0x2800, $0x38;
	[tilespmem:$0x18980] =	vst v63  }
0x8d: {  	_ =	swait.ge [sflag:s16], $0x2800  }
0x8e: {  	[sflag:s16] =	ssyncset.done $0x0  }
0x8f: {  	[sflag:s16] =	ssyncadd.s32 $0xFFFFD800  }
0x90: {  	_ =	swait.ge [sflag:s22], $0x2800  }
0x91: {  	[sflag:s22] =	ssyncset.done $0x0  }
0x92: {  	s31 =	sadd.s32 $0x500, s9;
	[sflag:s22] =	ssyncadd.s32 $0xFFFFD800  }
0x93: {  	[hbm4b:s31+s3] =	stream.linear.scatter [tilespmem:s20], [sflag:$0x3], $0x2800, $0x38;
	[tilespmem:$0x18980] =	vst v63  }
0x94: {  	s25 =	simm.s32 $0x14;
	_ =	swait.ge [sflag:s16], $0x2800  }
0x95: {  	s26 =	simm.s32 $0x28;
	s24 =	sadd.s32 $0xA00, s9;
	[sflag:s16] =	ssyncset.done $0x0  }
.LBB2_3:
0x96: {  	s28 =	sadd.s32 s25, s10  }
0x97: {  	[sflag:s16] =	ssyncadd.s32 $0xFFFFD800;
	s25 =	smov.u32 s26;
	s29 =	sadd.s32 $0x14, s26  }
0x98: {  	[tilespmem:s3], [sflag:$0x3] =	stream.linear.gather [hbm4b:s28+s3], $0x50, $0x38;
	[tilespmem:$0x18980] =	vst v63  }
0x99: {  	p2 =	seq.s32 s26, $0x1E0;
	_ =	swait.ge [sflag:s16], $0x50  }
0x9a: {  	[sflag:s16] =	ssyncset.done $0x0  }
0x9b: {  	[sflag:s16] =	ssyncadd.s32 $0xFFFFFFB0  }
0x9c: {  	[tilespmem:s18], [sflag:$0x1] =	stream.indirect.gather [spmem:s2], $0x80, s3, s17, $0xb8;
	[tilespmem:$0x18980] =	vst v63  }
0x9d: {  	s26 =	sadd.s32 $0xA, s28  }
0x9e: {  	[tilespmem:s19], [sflag:$0x3] =	stream.linear.gather [hbm4b:s26+s3], $0x50, $0x38;
	[tilespmem:$0x18980] =	vst v63  }
0x9f: {  	_ =	swait.ge [sflag:s16], $0x50  }
0xa0: {  	[sflag:s16] =	ssyncset.done $0x0  }
0xa1: {  	[sflag:s16] =	ssyncadd.s32 $0xFFFFFFB0  }
0xa2: {  	[tilespmem:s20], [sflag:$0x2] =	stream.indirect.gather [spmem:s2], $0x80, s19, s17, $0xb8;
	[tilespmem:$0x18980] =	vst v63  }
0xa3: {  	_ =	swait.ge [sflag:s21], $0x2800  }
0xa4: {  	[sflag:s21] =	ssyncset.done $0x0  }
0xa5: {  	[sflag:s21] =	ssyncadd.s32 $0xFFFFD800  }
0xa6: {  	[hbm4b:s24+s3] =	stream.linear.scatter [tilespmem:s18], [sflag:$0x3], $0x2800, $0x38;
	[tilespmem:$0x18980] =	vst v63  }
0xa7: {  	_ =	swait.ge [sflag:s16], $0x2800  }
0xa8: {  	[sflag:s16] =	ssyncset.done $0x0  }
0xa9: {  	[sflag:s16] =	ssyncadd.s32 $0xFFFFD800  }
0xaa: {  	_ =	swait.ge [sflag:s22], $0x2800  }
.Ltmp5:
0xab: {  	[sflag:s22] =	ssyncset.done $0x0;
	(pc) =	sbr.rel @!p2 .LBB2_3-.Ltmp5, $4  }
0xac: {  	s26 =	sadd.s32 $0x500, s24;
	[sflag:s22] =	ssyncadd.s32 $0xFFFFD800  }
0xad: {  	[hbm4b:s26+s3] =	stream.linear.scatter [tilespmem:s20], [sflag:$0x3], $0x2800, $0x38;
	[tilespmem:$0x18980] =	vst v63  }
0xae: {  	_ =	swait.ge [sflag:s16], $0x2800  }
0xaf: {  	s24 =	sadd.s32 $0xA00, s24;
	s26 =	smov.u32 s29;
	[sflag:s16] =	ssyncset.done $0x0  }
0xb0: {  	s25 =	sadd.s32 s25, s10;
	[sflag:s16] =	ssyncadd.s32 $0xFFFFD800  }
0xb1: {  	[tilespmem:s3], [sflag:$0x3] =	stream.linear.gather [hbm4b:s25+s3], $0x50, $0x38;
	[tilespmem:$0x18980] =	vst v63  }
0xb2: {  	_ =	swait.ge [sflag:s16], $0x50  }
0xb3: {  	[sflag:s16] =	ssyncset.done $0x0  }
0xb4: {  	[sflag:s16] =	ssyncadd.s32 $0xFFFFFFB0  }
0xb5: {  	[tilespmem:s18], [sflag:$0x1] =	stream.indirect.gather [spmem:s2], $0x80, s3, s17, $0xb8;
	[tilespmem:$0x18980] =	vst v63  }
0xb6: {  	s25 =	sadd.s32 $0xA, s25  }
0xb7: {  	[tilespmem:s19], [sflag:$0x3] =	stream.linear.gather [hbm4b:s25+s3], $0x50, $0x38;
	[tilespmem:$0x18980] =	vst v63  }
0xb8: {  	_ =	swait.ge [sflag:s16], $0x50  }
0xb9: {  	[sflag:s16] =	ssyncset.done $0x0  }
0xba: {  	[sflag:s16] =	ssyncadd.s32 $0xFFFFFFB0  }
0xbb: {  	[tilespmem:s20], [sflag:$0x2] =	stream.indirect.gather [spmem:s2], $0x80, s19, s17, $0xb8;
	[tilespmem:$0x18980] =	vst v63  }
0xbc: {  	_ =	swait.ge [sflag:s21], $0x2800  }
0xbd: {  	[sflag:s21] =	ssyncset.done $0x0  }
0xbe: {  	[sflag:s21] =	ssyncadd.s32 $0xFFFFD800  }
0xbf: {  	[hbm4b:s24+s3] =	stream.linear.scatter [tilespmem:s18], [sflag:$0x3], $0x2800, $0x38;
	[tilespmem:$0x18980] =	vst v63  }
0xc0: {  	_ =	swait.ge [sflag:s16], $0x2800  }
0xc1: {  	[sflag:s16] =	ssyncset.done $0x0  }
0xc2: {  	[sflag:s16] =	ssyncadd.s32 $0xFFFFD800  }
0xc3: {  	_ =	swait.ge [sflag:s22], $0x2800  }
0xc4: {  	[sflag:s22] =	ssyncset.done $0x0  }
.Ltmp6:
0xc5: {  	s31 =	sadd.s32 $0x500, s24;
	[sflag:s22] =	ssyncadd.s32 $0xFFFFD800;
	(pc) =	sbr.rel .LBB2_8-.Ltmp6, $4  }
0xc6: {  	[hbm4b:s31+s3] =	stream.linear.scatter [tilespmem:s20], [sflag:$0x3], $0x2800, $0x38;
	[tilespmem:$0x18980] =	vst v63  }
0xc7: {  	_ =	swait.ge [sflag:s16], $0x2800  }
0xc8: {  	[sflag:s16] =	ssyncset.done $0x0  }
0xc9: {  	[sflag:s16] =	ssyncadd.s32 $0xFFFFD800  }
.LBB2_9:
0xca: {  	_ =	sfence.sel $0x180000  }
0xcb: {  	[bflag:$0x0] =	sbarrier.arrive $0xFFFF  }
0xcc: {  	p0 =	sne.s32 s1, $0x0;
	_ =	strace $0x90000047  }
0xcd: {  	s0 =	sadd.s32 @!p0 $0x100000, s0;
	[bflag:$0x2] =	sbarrier.arrive $0xFFFF  }
0xce: {  	[sflag:s0] =	ssyncadd.tile.s32 @!p0 $0x1;
	_ =	shalt  }
.Lfunc_end2:
_tile_overlayer_lowered:
.L_overlay_start_2:
0xcf: {  	(tag) =	ssettag $0x2  }
0xd0: {  	s0 =	rddreg [dreg:$0x0];
	s2 =	stileid.u32  }
0xd1: {  	s1 =	rddreg [dreg:$0x1];
	p0 =	sne.s32 s2, $0x0  }
0xd2: {  	s3 =	rddreg [dreg:$0x2];
	[bflag:$0x3] =	sbarrier.arrive $0xFFFF;
	s2 =	simm.s32 @!p0 $0x1C03  }
0xd3: {  	[timem:s3], [sflag:s2] =	dma.local @!p0 [hbm:s0], s1  }
0xd4: {  	s0 =	simm.s32 @!p0 $0x3  }
0xd5: {  	_ =	swait.ge @!p0 [sflag:s0], s1  }
0xd6: {  	s1 =	ssub.s32 @!p0 $0x0, s1;
	[sflag:s0] =	ssyncset.done @!p0 $0x0  }
0xd7: {  	[sflag:s0] =	ssyncadd.s32 @!p0 s1  }
0xd8: {  	[bflag:$0x3] =	sbarrier.arrive $0xFFFF  }
0xd9: {  	_ =	shalt  }

// kernel: kernel.19.cloned.1.call-start
scs
__scs_entry_jumppad:
0x0: {  	(pc) =	sbr.rel $0x88, $3  }
0x1: {  	(tag) =	ssettag $0x0;
	lr =	simm.s32 $0x1  }
0x2: {  	[smem:$0x3F8D] =	sst lr;
	_ =	strace $0xD0000000  }
0x3: {  	_ = 	snop  }
0x4: {  	_ = 	snop  }
0x5: {  	_ = 	snop  }
0x6: {  	_ = 	snop  }
0x7: {  	_ = 	snop  }
__scs_overlays_trampoline_lowered:
0x8: {  	[smem:$0x3F9C] =	sst s0  }
0x9: {  	[smem:$0x3F9D] =	sst s1  }
0xa: {  	[smem:$0x3F9E] =	sst s2  }
0xb: {  	[smem:$0x3F9F] =	sst s3  }
0xc: {  	[smem:$0x3FA0] =	sst s4  }
0xd: {  	[smem:$0x3FA1] =	sst s5  }
0xe: {  	[smem:$0x3FA2] =	sst s6  }
0xf: {  	[smem:$0x3FA3] =	sst s7  }
0x10: {  	[smem:$0x3FA4] =	sst s8  }
0x11: {  	[smem:$0x3FA5] =	sst s9;
	s0 =	simm.s32 @!p0 $0x0  }
0x12: {  	s1 =	sld [smem:$0x3F8B];
	s0 =	simm.s32 @p0 $0x1  }
0x13: {  	[smem:$0x3FA6] =	sst s0;
	s0 =	simm.s32 @!p1 $0x0  }
0x14: {  	s2 =	sld [smem:$0x3F8A];
	s0 =	simm.s32 @p1 $0x1  }
0x15: {  	[smem:$0x3FA7] =	sst s0;
	s0 =	simm.s32 @!p2 $0x0  }
0x16: {  	s3 =	sld [smem:$0x3FDB];
	s0 =	simm.s32 @p2 $0x1  }
0x17: {  	s4 =	simm.s32 $0x1BF5;
	[smem:$0x3FA9] =	sst s0  }
0x18: {  	s0 =	sld [smem:$0x3F8C];
	_ =	swait.ge [sflag:s4], $0x0  }
0x19: {  	s7 =	sld [smem:$0x3F8D]  }
0x1a: {  	s8 =	sadd.s32 $0xFFFFE003, lr  }
0x1b: {  	s9 =	sadd.s32 $0xFFFFFEF7, lr;
	s5 =	simm.s32 $0xFFFFFFFF;
	p2 =	slt.u32 s8, $0xFFFFF086  }
0x1c: {  	p1 =	slt.u32 s9, $0xF7A;
	s5 =	simm.s32 @!p2 $0x0  }
0x1d: {  	s5 =	simm.s32 @p1 $0x1;
	p0 =	seq.s32 s7, s2  }
0x1e: {  	s7 =	smul.u32 @!p0 $0xF7A, s2;
	p2 =	seq.s32 @!p0 s5, $0x0  }
0x1f: {  	s9 =	smul.u32 $0xF7A, s1;
	s8 =	simm.s32 @!p0 $0x1BF5;
	p2 =	por !p2, p0  }
0x20: {  	[sflag:s8] =	ssyncset.s32 @!p0 $0xFFFFF086;
	s6 =	sadd.s32 @!p0 s3, s7;
	s7 =	simm.s32 @!p0 $0x108  }
0x21: {  	s3 =	sadd.s32 s3, s9;
	s6 =	sadd.s32 @!p0 $0x88, s6;
	s7 =	simm.s32 @p2 $0x1082  }
0x22: {  	[simem:s7], [sflag:s8] =	dma.local @!p0 [hbm:s6], $0xF7A  }
0x23: {  	s9 =	sor.u32 $0xD0000000, s2;
	s6 =	simm.s32 $0x108;
	_ =	swait.ge @!p0 [sflag:s8], $0x0  }
0x24: {  	s3 =	sadd.s32 $0x88, s3;
	s6 =	simm.s32 @!p1 $0x1082;
	[sflag:s4] =	ssyncset.s32 $0xFFFFF086  }
0x25: {  	[simem:s6], [sflag:s4] =	dma.local [hbm:s3], $0xF7A  }
0x26: {  	[smem:$0x3F8D] =	sst s1;
	(tag) =	ssettag s2;
	_ =	strace s9  }
0x27: {  	s1 =	sld [smem:$0x3F9D]  }
0x28: {  	s2 =	sld [smem:$0x3F9E]  }
0x29: {  	s4 =	sld [smem:$0x3FA0]  }
0x2a: {  	p0 =	seq.s32 s5, $0x0;
	s5 =	sld [smem:$0x3FA1]  }
0x2b: {  	s6 =	sld [smem:$0x3FA2]  }
0x2c: {  	s7 =	sld [smem:$0x3FA3]  }
0x2d: {  	s3 =	simm.s32 $0x108;
	s8 =	sld [smem:$0x3FA4]  }
0x2e: {  	s3 =	simm.s32 @!p0 $0x1082;
	s9 =	sld [smem:$0x3FA5]  }
0x2f: {  	lr =	sadd.s32 s0, s3;
	s0 =	sld [smem:$0x3F9C]  }
0x30: {  	s3 =	sld [smem:$0x3F9F]  }
0x31: {  	[smem:$0x3FA8] =	sst s10  }
0x32: {  	s10 =	sld [smem:$0x3FA6];
	_ =	sdelay $0x3  }
0x33: {  	p0 =	seq.s32 s10, $0x1;
	s10 =	sld [smem:$0x3FA8];
	_ =	sdelay $0x3  }
0x34: {  	[smem:$0x3FA8] =	sst s10  }
0x35: {  	s10 =	sld [smem:$0x3FA7];
	_ =	sdelay $0x3  }
0x36: {  	p1 =	seq.s32 s10, $0x1;
	s10 =	sld [smem:$0x3FA8];
	_ =	sdelay $0x3  }
0x37: {  	[smem:$0x3FA8] =	sst s10  }
0x38: {  	s10 =	sld [smem:$0x3FA9]  }
0x39: {  	_ = 	snop;
	(pc) =	sbr.ind lr, $3  }
0x3a: {  	_ = 	snop  }
0x3b: {  	_ = 	snop  }
0x3c: {  	p2 =	seq.s32 s10, $0x1;
	s10 =	sld [smem:$0x3FA8]  }
0x3d: {  	_ =	shalt  }
0x3e: {  	_ =	shalt  }
0x3f: {  	_ =	shalt  }
0x40: {  	_ =	shalt  }
0x41: {  	_ =	shalt  }
0x42: {  	_ =	shalt  }
0x43: {  	_ =	shalt  }
0x44: {  	_ =	shalt  }
0x45: {  	_ =	shalt  }
0x46: {  	_ =	shalt  }
0x47: {  	_ =	shalt  }
0x48: {  	_ =	shalt  }
0x49: {  	_ =	shalt  }
0x4a: {  	_ =	shalt  }
0x4b: {  	_ =	shalt  }
0x4c: {  	_ =	shalt  }
0x4d: {  	_ =	shalt  }
0x4e: {  	_ =	shalt  }
0x4f: {  	_ =	shalt  }
0x50: {  	_ =	shalt  }
0x51: {  	_ =	shalt  }
0x52: {  	_ =	shalt  }
0x53: {  	_ =	shalt  }
0x54: {  	_ =	shalt  }
0x55: {  	_ =	shalt  }
0x56: {  	_ =	shalt  }
0x57: {  	_ =	shalt  }
0x58: {  	_ =	shalt  }
0x59: {  	_ =	shalt  }
0x5a: {  	_ =	shalt  }
0x5b: {  	_ =	shalt  }
0x5c: {  	_ =	shalt  }
0x5d: {  	_ =	shalt  }
0x5e: {  	_ =	shalt  }
0x5f: {  	_ =	shalt  }
0x60: {  	_ =	shalt  }
0x61: {  	_ =	shalt  }
0x62: {  	_ =	shalt  }
0x63: {  	_ =	shalt  }
0x64: {  	_ =	shalt  }
0x65: {  	_ =	shalt  }
0x66: {  	_ =	shalt  }
0x67: {  	_ =	shalt  }
0x68: {  	_ =	shalt  }
0x69: {  	_ =	shalt  }
0x6a: {  	_ =	shalt  }
0x6b: {  	_ =	shalt  }
0x6c: {  	_ =	shalt  }
0x6d: {  	_ =	shalt  }
0x6e: {  	_ =	shalt  }
0x6f: {  	_ =	shalt  }
0x70: {  	_ =	shalt  }
0x71: {  	_ =	shalt  }
0x72: {  	_ =	shalt  }
0x73: {  	_ =	shalt  }
0x74: {  	_ =	shalt  }
0x75: {  	_ =	shalt  }
0x76: {  	_ =	shalt  }
0x77: {  	_ =	shalt  }
0x78: {  	_ =	shalt  }
0x79: {  	_ =	shalt  }
0x7a: {  	_ =	shalt  }
0x7b: {  	_ =	shalt  }
0x7c: {  	_ =	shalt  }
0x7d: {  	_ =	shalt  }
0x7e: {  	_ =	shalt  }
0x7f: {  	_ =	shalt  }
0x80: {  	_ =	shalt  }
0x81: {  	_ =	shalt  }
0x82: {  	_ =	shalt  }
0x83: {  	_ =	shalt  }
0x84: {  	_ =	shalt  }
0x85: {  	_ =	shalt  }
0x86: {  	_ =	shalt  }
0x87: {  	_ =	shalt  }
.Lfunc_end0:
.L_simem_size_0:
called_computation.1_lowered:
.L_overlay_start_0:
0x88: {  	s2 =	sld [smem:$0x3FD9]  }
0x89: {  	s3 =	sld [smem:$0x3FFE];
	_ =	sdelay $0x1  }
0x8a: {  	s1 =	srdreg.scid  }
0x8b: {  	s0 =	sand.u32 $0x1, s1  }
0x8c: {  	s15 =	sshll.u32 s0, $0xA;
	s2 =	sadd.s32 s3, s2  }
0x8d: {  	s2 =	sadd.s32 s2, s15  }
0x8e: {  	[smem:$0x3FB4] =	sst s2  }
0x8f: {  	_ = 	snop  }
0x90: {  	s2 =	sld [smem:$0x3FD0];
	_ =	sdelay $0x2  }
0x91: {  	s16 =	simm.s32 $0xE;
	s4 =	simm.s32 $0x10  }
0x92: {  	[smem:s4], [sflag:s16] =	dma.local [hbm:s2], $0x1  }
0x93: {  	_ =	swait.eq [sflag:s16], $0x1  }
0x94: {  	[sflag:s16] =	ssyncset.done $0x0  }
0x95: {  	[sflag:s16] =	ssyncadd.s32 $0xFFFFFFFF  }
0x96: {  	s17 =	sld [smem:$0x10];
	(tm) =	ssettm $0x1  }
0x97: {  	s18 =	sld [smem:$0x3FFB];
	_ =	sdelay $0x3  }
0x98: {  	_ =	strace s18  }
0x99: {  	s2 =	sld [smem:$0x3FFC];
	_ =	sdelay $0x3  }
0x9a: {  	_ =	strace s2  }
0x9b: {  	s2 =	sld [smem:$0x3FFD];
	_ =	sdelay $0x3  }
0x9c: {  	_ =	strace s2  }
0x9d: {  	_ =	strace $0x8FFFFFFF  }
0x9e: {  	s19 =	sld [smem:$0x3FDB];
	_ =	sdelay $0x1  }
0x9f: {  	s20 =	simm.s32 $_scs_section_size  }
0xa0: {  	s5 =	simm.s32 $_size__tile_overlayer_lowered;
	s6 =	simm.s32 $_tile_overlayer_lowered  }
0xa1: {  	s7 =	simm.s32 $0x1BFF;
	s21 =	sshll.u32 s6, $0x1;
	s4 =	sadd.s32 s20, s19  }
0xa2: {  	s22 =	simm.s32 $0x0;
	s5 =	sshll.u32 s5, $0x1;
	s6 =	sadd.s32 s21, s4  }
0xa3: {  	[timem:s22], [sflag:s7] =	dma.local [hbm:s6], s5  }
0xa4: {  	_ =	swait.ge [sflag:s7], s5  }
0xa5: {  	s5 =	ssub.s32 $0x0, s5;
	[sflag:s7] =	ssyncset.done $0x0  }
0xa6: {  	[sflag:s7] =	ssyncadd.s32 s5;
	_ =	sdelay $0x1  }
0xa7: {  	s23 =	simm.s32 $0x1B8B  }
0xa8: {  	_ =	swait.ge [sflag:s23], $0x1  }
0xa9: {  	[sflag:s23] =	ssyncset.done $0x0  }
0xaa: {  	[sflag:s23] =	ssyncadd.s32 $0xFFFFFFFF  }
0xab: {  	s5 =	sld [smem:$0x0]  }
0xac: {  	s6 =	sand.u32 $0xFFFFFFFE, s1  }
0xad: {  	p0 =	sne.s32 s1, s6  }
0xae: {  	s6 =	sshll.u32 @p0 s6, $0xE  }
0xaf: {  	s6 =	sadd.s32 @p0 $0x11B8D, s6;
	s7 =	sshll.u32 @p0 s5, $0x11  }
0xb0: {  	s6 =	sor.u32 @p0 s7, s6  }
0xb1: {  	[sflag:s6] =	ssyncadd.remote.s32 @p0 $0x1;
	_ =	sdelay $0x1  }
0xb2: {  	s6 =	simm.s32 @p0 $0x1B8D  }
0xb3: {  	_ =	swait.eq @p0 [sflag:s6], $0x1  }
0xb4: {  	[sflag:s6] =	ssyncadd.s32 @p0 $0xFFFFFFFF  }
0xb5: {  	s7 =	sshll.u32 @!p0 s1, $0xE  }
0xb6: {  	s7 =	sor.u32 @!p0 $0x4000, s7;
	s6 =	simm.s32 @!p0 $0x1B8D  }
0xb7: {  	s5 =	sshll.u32 @!p0 s5, $0x11;
	s7 =	sadd.s32 @!p0 $0x11B8D, s7;
	_ =	swait.eq @!p0 [sflag:s6], $0x1  }
0xb8: {  	s5 =	sor.u32 @!p0 s5, s7;
	[sflag:s6] =	ssyncadd.s32 @!p0 $0xFFFFFFFF  }
0xb9: {  	s25 =	simm.s32 $0x1B8E;
	s24 =	sld [smem:$0x3FFE];
	[sflag:s5] =	ssyncadd.remote.s32 @!p0 $0x1  }
0xba: {  	s26 =	simm.s32 $execute0_lowered;
	[smem:$0x3FD2] =	sst s25  }
0xbb: {  	s6 =	sshll.u32 s26, $0x1;
	_ =	strace $0x80000049;
	[dreg:$0x1] =	wrdreg $0xFFFFFFFF  }
0xbc: {  	s28 =	simm.s32 $_size_execute0_lowered;
	s4 =	sadd.s32 s4, s6;
	[dreg:$0x0] =	wrdreg $0x0  }
0xbd: {  	s6 =	sshll.u32 s28, $0x1;
	[dreg:$0x2] =	wrdreg s4  }
0xbe: {  	[dreg:$0x3] =	wrdreg s6  }
0xbf: {  	[dreg:$0x4] =	wrdreg $0xC0  }
0xc0: {  	_ =	task [dreg:s22], $0x5FFFF  }
0xc1: {  	[dreg:$0x1] =	wrdreg $0xFFFFFFFF  }
0xc2: {  	[dreg:$0x0] =	wrdreg $0x60  }
0xc3: {  	[dreg:$0x2] =	wrdreg s17  }
0xc4: {  	[dreg:$0x3] =	wrdreg s24  }
0xc5: {  	[dreg:$0x4] =	wrdreg $0x51000  }
0xc6: {  	[dreg:$0x5] =	wrdreg $0xC  }
0xc7: {  	_ =	task.clear_ibuf [dreg:s22], $0x6FFFF;
	_ =	strace $0x90000049  }
0xc8: {  	s29 =	simm.s32 $0xC;
	_ =	strace $0x8000004B  }
0xc9: {  	_ =	swait.ge [sflag:s29], $0x1  }
0xca: {  	[sflag:s29] =	ssyncadd.s32 $0xFFFFFFFF  }
0xcb: {  	_ =	strace $0x9000004B  }
0xcc: {  	_ =	sfence  }
0xcd: {  	s30 =	sld [smem:$0x0];
	_ =	sdelay $0x2  }
0xce: {  	s31 =	sshll.u32 s1, $0xD;
	s1 =	sshrl.u32 s1, $0x2  }
0xcf: {  	s4 =	sand.u32 $0x4000, s31;
	s1 =	sadd.s32 s1, s30  }
0xd0: {  	s0 =	sor.u32 s4, s0;
	s1 =	sshll.u32 s1, $0x11  }
0xd1: {  	s0 =	sor.u32 s1, s0  }
0xd2: {  	s0 =	sadd.s32 $0x8F2B, s0  }
0xd3: {  	[sflag:s0] =	ssyncadd.remote.s32 $0x1  }
0xd4: {  	_ =	sfence.sel $0xFFFF  }
0xd5: {  	[dreg:$0x0] =	wrdreg $0xFFFFFFFF;
	(pc) =	sbr.abs _section_cstart, $3  }
0xd6: {  	[dreg:$0x1] =	wrdreg $0xFFFFFFFF  }
0xd7: {  	_ =	task.clear_ibuf [dreg:s22], $0x2FFFF;
	_ =	strace $0x9FFFFFFF  }
0xd8: {  	(tm) =	ssettm $0x7FFFFFFF  }
0xd9: {  	_ =	shalt  }
tec
execute0_lowered:
.L_overlay_start_1:
0x0: {  	(tag) =	ssettag $0x1  }
0x1: {  	s5 =	rddreg [dreg:$0x0]  }
0x2: {  	s7 =	rddreg [dreg:$0x1]  }
0x3: {  	s2 =	rddreg [dreg:$0x2]  }
0x4: {  	s0 =	rddreg [dreg:$0x3];
	s3 =	simm.s32 $0x0  }
0x5: {  	s1 =	stileid.u32;
	s8 =	srdreg.scid;
	s17 =	simm.s32 $0x50  }
0x6: {  	s18 =	simm.s32 $0x100;
	s19 =	simm.s32 $0x80;
	s4 =	smul.u32 $0x2800, s1  }
0x7: {  	s20 =	simm.s32 $0x2900;
	s21 =	simm.s32 $0x1;
	s6 =	smul.u32 $0x1F4, s1  }
0x8: {  	s22 =	simm.s32 $0x2;
	s23 =	simm.s32 $0x0;
	s9 =	smul.u32 $0xFA00, s1  }
0x9: {  	[smem:$0x7FF] =	sst s3;
	s8 =	sand.u32 $0x1, s8;
	s12 =	smul.u32 $0x50000, s1  }
0xa: {  	s16 =	sadd.s32 $0x12C000, s2;
	p1 =	seq.s32 s1, $0xF;
	_ =	strace $0x8000004A  }
0xb: {  	s11 =	ssub.s32 $0x2, s8;
	p0 =	seq.s32 s8, $0x1;
	s10 =	sadd.s32 s4, s7  }
0xc: {  	s13 =	sadd.s32 s6, s7;
	s14 =	sadd.s32 s9, s7;
	s29 =	sshrl.u32 s11, $0x1  }
0xd: {  	s31 =	sshrl.u32 s12, $0x2;
	s4 =	sadd.s32 s5, s4;
	s5 =	sadd.s32 $0x25800, s5  }
.Ltmp0:
0xe: {  	s7 =	sadd.s32 $0x3E200, s7;
	s30 =	ssub.s32 s11, s29;
	(pc) =	sbr.rel .LBB2_1-.Ltmp0, $4  }
0xf: {  	s15 =	sadd.s32 s31, s2;
	s6 =	sadd.s32 $0x18A00, s10;
	s9 =	sadd.s32 $0x233C00, s14  }
0x10: {  	s10 =	sadd.s32 $0xAA00, s13;
	s11 =	sadd.s32 $0x32DC00, s14;
	s14 =	sshll.u32 @!p1 s1, $0x6  }
0x11: {  	s12 =	sadd.s32 $0x8A00, s13;
	s13 =	sshrl.u32 @p1 s16, $0x3;
	s16 =	simm.s32 $0x3  }
0x12: {  	s8 =	smax.u32 s30, $0x1;
	s14 =	sor.u32 @!p1 $0x1C03, s14;
	s15 =	sshrl.u32 @!p1 s15, $0x3  }
.LBB2_7:
0x13: {  	s25 =	sadd.s32 s25, s12;
	[sflag:s16] =	ssyncadd.s32 $0xFFFFD800  }
0x14: {  	[tilespmem:s3], [sflag:$0x3] =	stream.linear.gather [hbm4b:s25+s3], $0x50, $0x38;
	[tilespmem:$0x18980] =	vst v63  }
0x15: {  	_ =	swait.ge [sflag:s16], $0x50  }
0x16: {  	[sflag:s16] =	ssyncset.done $0x0  }
0x17: {  	[sflag:s16] =	ssyncadd.s32 $0xFFFFFFB0  }
0x18: {  	[tilespmem:s18], [sflag:$0x1] =	stream.indirect.gather [spmem:s2], $0x80, s3, s17, $0xb8;
	[tilespmem:$0x18980] =	vst v63  }
0x19: {  	s25 =	sadd.s32 $0xA, s25  }
0x1a: {  	[tilespmem:s19], [sflag:$0x3] =	stream.linear.gather [hbm4b:s25+s3], $0x50, $0x38;
	[tilespmem:$0x18980] =	vst v63  }
0x1b: {  	_ =	swait.ge [sflag:s16], $0x50  }
0x1c: {  	[sflag:s16] =	ssyncset.done $0x0  }
0x1d: {  	[sflag:s16] =	ssyncadd.s32 $0xFFFFFFB0  }
0x1e: {  	[tilespmem:s20], [sflag:$0x2] =	stream.indirect.gather [spmem:s2], $0x80, s19, s17, $0xb8;
	[tilespmem:$0x18980] =	vst v63  }
0x1f: {  	_ =	swait.ge [sflag:s21], $0x2800  }
0x20: {  	[sflag:s21] =	ssyncset.done $0x0  }
0x21: {  	[sflag:s21] =	ssyncadd.s32 $0xFFFFD800  }
0x22: {  	[hbm4b:s24+s3] =	stream.linear.scatter [tilespmem:s18], [sflag:$0x3], $0x2800, $0x38;
	[tilespmem:$0x18980] =	vst v63  }
0x23: {  	_ =	swait.ge [sflag:s16], $0x2800  }
0x24: {  	[sflag:s16] =	ssyncset.done $0x0  }
0x25: {  	[sflag:s16] =	ssyncadd.s32 $0xFFFFD800  }
0x26: {  	_ =	swait.ge [sflag:s22], $0x2800  }
0x27: {  	[sflag:s22] =	ssyncset.done $0x0  }
0x28: {  	s31 =	sadd.s32 $0x500, s24;
	[sflag:s22] =	ssyncadd.s32 $0xFFFFD800  }
0x29: {  	[hbm4b:s31+s3] =	stream.linear.scatter [tilespmem:s20], [sflag:$0x3], $0x2800, $0x38;
	[tilespmem:$0x18980] =	vst v63  }
0x2a: {  	_ =	swait.ge [sflag:s16], $0x2800  }
0x2b: {  	[sflag:s16] =	ssyncset.done $0x0  }
0x2c: {  	[sflag:s16] =	ssyncadd.s32 $0xFFFFD800  }
.LBB2_8:
0x2d: {  	s23 =	sadd.s32 $0x1, s23  }
0x2e: {  	p2 =	sne.s32 s23, s8  }
.Ltmp1:
0x2f: {  	_ = 	snop;
	(pc) =	sbr.rel @!p2 .LBB2_9-.Ltmp1, $1  }
0x30: {  	_ =	sdelay $0x3  }
.LBB2_1:
.Ltmp2:
0x31: {  	(pc) =	sbr.rel @!p0 .LBB2_2-.Ltmp2, $1  }
0x32: {  	_ =	sdelay $0x3  }
0x33: {  	s24 =	simm.s32 @p1 $0x1FC3  }
0x34: {  	[spmem:s13], [sflag:s24] =	dma.local @p1 [hbm:s7], $0x1900  }
0x35: {  	s24 =	simm.s32 @p1 $0x3  }
0x36: {  	_ =	swait.ge @p1 [sflag:s24], $0x1900  }
0x37: {  	[sflag:s24] =	ssyncset.done @p1 $0x0  }
0x38: {  	[sflag:s24] =	ssyncadd.s32 @p1 $0xFFFFE700;
	s24 =	simm.s32 @!p1 $0x3  }
0x39: {  	[spmem:s15], [sflag:s14] =	dma.local @!p1 [hbm:s6], $0x2800  }
0x3a: {  	_ =	swait.ge @!p1 [sflag:s24], $0x2800  }
0x3b: {  	[sflag:s24] =	ssyncset.done @!p1 $0x0  }
0x3c: {  	[sflag:s24] =	ssyncadd.s32 @!p1 $0xFFFFD800  }
0x3d: {  	s30 =	sadd.s32 $0x0, s12;
	[bflag:$0x0] =	sbarrier.arrive $0xFFFF  }
0x3e: {  	[tilespmem:s3], [sflag:$0x3] =	stream.linear.gather [hbm4b:s30+s3], $0x50, $0x38;
	[tilespmem:$0x18980] =	vst v63  }
0x3f: {  	_ =	swait.ge [sflag:s16], $0x50  }
0x40: {  	[sflag:s16] =	ssyncset.done $0x0  }
0x41: {  	[sflag:s16] =	ssyncadd.s32 $0xFFFFFFB0  }
0x42: {  	[tilespmem:s18], [sflag:$0x1] =	stream.indirect.gather [spmem:s2], $0x80, s3, s17, $0xb8;
	[tilespmem:$0x18980] =	vst v63  }
0x43: {  	s24 =	sadd.s32 $0xA, s30  }
0x44: {  	[tilespmem:s19], [sflag:$0x3] =	stream.linear.gather [hbm4b:s24+s3], $0x50, $0x38;
	[tilespmem:$0x18980] =	vst v63  }
0x45: {  	_ =	swait.ge [sflag:s16], $0x50  }
0x46: {  	[sflag:s16] =	ssyncset.done $0x0  }
0x47: {  	[sflag:s16] =	ssyncadd.s32 $0xFFFFFFB0  }
0x48: {  	[tilespmem:s20], [sflag:$0x2] =	stream.indirect.gather [spmem:s2], $0x80, s19, s17, $0xb8;
	[tilespmem:$0x18980] =	vst v63  }
0x49: {  	_ =	swait.ge [sflag:s21], $0x2800  }
0x4a: {  	[sflag:s21] =	ssyncset.done $0x0  }
0x4b: {  	[sflag:s21] =	ssyncadd.s32 $0xFFFFD800  }
0x4c: {  	[hbm4b:s11+s3] =	stream.linear.scatter [tilespmem:s18], [sflag:$0x3], $0x2800, $0x38;
	[tilespmem:$0x18980] =	vst v63  }
0x4d: {  	_ =	swait.ge [sflag:s16], $0x2800  }
0x4e: {  	[sflag:s16] =	ssyncset.done $0x0  }
0x4f: {  	[sflag:s16] =	ssyncadd.s32 $0xFFFFD800  }
0x50: {  	_ =	swait.ge [sflag:s22], $0x2800  }
0x51: {  	[sflag:s22] =	ssyncset.done $0x0  }
0x52: {  	s31 =	sadd.s32 $0x500, s11;
	[sflag:s22] =	ssyncadd.s32 $0xFFFFD800  }
0x53: {  	[hbm4b:s31+s3] =	stream.linear.scatter [tilespmem:s20], [sflag:$0x3], $0x2800, $0x38;
	[tilespmem:$0x18980] =	vst v63  }
0x54: {  	s25 =	simm.s32 $0x14;
	_ =	swait.ge [sflag:s16], $0x2800  }
0x55: {  	s26 =	simm.s32 $0x28;
	s24 =	sadd.s32 $0xA00, s11;
	[sflag:s16] =	ssyncset.done $0x0  }
.LBB2_6:
0x56: {  	s28 =	sadd.s32 s25, s12  }
0x57: {  	[sflag:s16] =	ssyncadd.s32 $0xFFFFD800;
	s25 =	smov.u32 s26;
	s29 =	sadd.s32 $0x14, s26  }
0x58: {  	[tilespmem:s3], [sflag:$0x3] =	stream.linear.gather [hbm4b:s28+s3], $0x50, $0x38;
	[tilespmem:$0x18980] =	vst v63  }
0x59: {  	p2 =	sne.s32 s26, $0x1E0;
	_ =	swait.ge [sflag:s16], $0x50  }
0x5a: {  	[sflag:s16] =	ssyncset.done $0x0  }
0x5b: {  	[sflag:s16] =	ssyncadd.s32 $0xFFFFFFB0  }
0x5c: {  	[tilespmem:s18], [sflag:$0x1] =	stream.indirect.gather [spmem:s2], $0x80, s3, s17, $0xb8;
	[tilespmem:$0x18980] =	vst v63  }
0x5d: {  	s26 =	sadd.s32 $0xA, s28  }
0x5e: {  	[tilespmem:s19], [sflag:$0x3] =	stream.linear.gather [hbm4b:s26+s3], $0x50, $0x38;
	[tilespmem:$0x18980] =	vst v63  }
0x5f: {  	_ =	swait.ge [sflag:s16], $0x50  }
0x60: {  	[sflag:s16] =	ssyncset.done $0x0  }
0x61: {  	[sflag:s16] =	ssyncadd.s32 $0xFFFFFFB0  }
0x62: {  	[tilespmem:s20], [sflag:$0x2] =	stream.indirect.gather [spmem:s2], $0x80, s19, s17, $0xb8;
	[tilespmem:$0x18980] =	vst v63  }
0x63: {  	_ =	swait.ge [sflag:s21], $0x2800  }
0x64: {  	[sflag:s21] =	ssyncset.done $0x0  }
0x65: {  	[sflag:s21] =	ssyncadd.s32 $0xFFFFD800  }
0x66: {  	[hbm4b:s24+s3] =	stream.linear.scatter [tilespmem:s18], [sflag:$0x3], $0x2800, $0x38;
	[tilespmem:$0x18980] =	vst v63  }
0x67: {  	_ =	swait.ge [sflag:s16], $0x2800  }
0x68: {  	[sflag:s16] =	ssyncset.done $0x0  }
0x69: {  	[sflag:s16] =	ssyncadd.s32 $0xFFFFD800  }
0x6a: {  	_ =	swait.ge [sflag:s22], $0x2800  }
.Ltmp3:
0x6b: {  	[sflag:s22] =	ssyncset.done $0x0;
	(pc) =	sbr.rel @p2 .LBB2_6-.Ltmp3, $4  }
0x6c: {  	s26 =	sadd.s32 $0x500, s24;
	[sflag:s22] =	ssyncadd.s32 $0xFFFFD800  }
0x6d: {  	[hbm4b:s26+s3] =	stream.linear.scatter [tilespmem:s20], [sflag:$0x3], $0x2800, $0x38;
	[tilespmem:$0x18980] =	vst v63  }
0x6e: {  	_ =	swait.ge [sflag:s16], $0x2800  }
0x6f: {  	s24 =	sadd.s32 $0xA00, s24;
	s26 =	smov.u32 s29;
	[sflag:s16] =	ssyncset.done $0x0  }
.Ltmp4:
0x70: {  	_ = 	snop;
	(pc) =	sbr.rel .LBB2_7-.Ltmp4, $1  }
0x71: {  	_ =	sdelay $0x3  }
.LBB2_2:
0x72: {  	s24 =	simm.s32 @p1 $0x1FC3  }
0x73: {  	[spmem:s13], [sflag:s24] =	dma.local @p1 [hbm:s5], $0x1900  }
0x74: {  	s24 =	simm.s32 @p1 $0x3  }
0x75: {  	_ =	swait.ge @p1 [sflag:s24], $0x1900  }
0x76: {  	[sflag:s24] =	ssyncset.done @p1 $0x0  }
0x77: {  	[sflag:s24] =	ssyncadd.s32 @p1 $0xFFFFE700;
	s24 =	simm.s32 @!p1 $0x3  }
0x78: {  	[spmem:s15], [sflag:s14] =	dma.local @!p1 [hbm:s4], $0x2800  }
0x79: {  	_ =	swait.ge @!p1 [sflag:s24], $0x2800  }
0x7a: {  	[sflag:s24] =	ssyncset.done @!p1 $0x0  }
0x7b: {  	[sflag:s24] =	ssyncadd.s32 @!p1 $0xFFFFD800  }
0x7c: {  	s30 =	sadd.s32 $0x0, s10;
	[bflag:$0x0] =	sbarrier.arrive $0xFFFF  }
0x7d: {  	[tilespmem:s3], [sflag:$0x3] =	stream.linear.gather [hbm4b:s30+s3], $0x50, $0x38;
	[tilespmem:$0x18980] =	vst v63  }
0x7e: {  	_ =	swait.ge [sflag:s16], $0x50  }
0x7f: {  	[sflag:s16] =	ssyncset.done $0x0  }
0x80: {  	[sflag:s16] =	ssyncadd.s32 $0xFFFFFFB0  }
0x81: {  	[tilespmem:s18], [sflag:$0x1] =	stream.indirect.gather [spmem:s2], $0x80, s3, s17, $0xb8;
	[tilespmem:$0x18980] =	vst v63  }
0x82: {  	s24 =	sadd.s32 $0xA, s30  }
0x83: {  	[tilespmem:s19], [sflag:$0x3] =	stream.linear.gather [hbm4b:s24+s3], $0x50, $0x38;
	[tilespmem:$0x18980] =	vst v63  }
0x84: {  	_ =	swait.ge [sflag:s16], $0x50  }
0x85: {  	[sflag:s16] =	ssyncset.done $0x0  }
0x86: {  	[sflag:s16] =	ssyncadd.s32 $0xFFFFFFB0  }
0x87: {  	[tilespmem:s20], [sflag:$0x2] =	stream.indirect.gather [spmem:s2], $0x80, s19, s17, $0xb8;
	[tilespmem:$0x18980] =	vst v63  }
0x88: {  	_ =	swait.ge [sflag:s21], $0x2800  }
0x89: {  	[sflag:s21] =	ssyncset.done $0x0  }
0x8a: {  	[sflag:s21] =	ssyncadd.s32 $0xFFFFD800  }
0x8b: {  	[hbm4b:s9+s3] =	stream.linear.scatter [tilespmem:s18], [sflag:$0x3], $0x2800, $0x38;
	[tilespmem:$0x18980] =	vst v63  }
0x8c: {  	_ =	swait.ge [sflag:s16], $0x2800  }
0x8d: {  	[sflag:s16] =	ssyncset.done $0x0  }
0x8e: {  	[sflag:s16] =	ssyncadd.s32 $0xFFFFD800  }
0x8f: {  	_ =	swait.ge [sflag:s22], $0x2800  }
0x90: {  	[sflag:s22] =	ssyncset.done $0x0  }
0x91: {  	s31 =	sadd.s32 $0x500, s9;
	[sflag:s22] =	ssyncadd.s32 $0xFFFFD800  }
0x92: {  	[hbm4b:s31+s3] =	stream.linear.scatter [tilespmem:s20], [sflag:$0x3], $0x2800, $0x38;
	[tilespmem:$0x18980] =	vst v63  }
0x93: {  	s25 =	simm.s32 $0x14;
	_ =	swait.ge [sflag:s16], $0x2800  }
0x94: {  	s26 =	simm.s32 $0x28;
	s24 =	sadd.s32 $0xA00, s9;
	[sflag:s16] =	ssyncset.done $0x0  }
.LBB2_3:
0x95: {  	s28 =	sadd.s32 s25, s10  }
0x96: {  	[sflag:s16] =	ssyncadd.s32 $0xFFFFD800;
	s25 =	smov.u32 s26;
	s29 =	sadd.s32 $0x14, s26  }
0x97: {  	[tilespmem:s3], [sflag:$0x3] =	stream.linear.gather [hbm4b:s28+s3], $0x50, $0x38;
	[tilespmem:$0x18980] =	vst v63  }
0x98: {  	p2 =	seq.s32 s26, $0x1E0;
	_ =	swait.ge [sflag:s16], $0x50  }
0x99: {  	[sflag:s16] =	ssyncset.done $0x0  }
0x9a: {  	[sflag:s16] =	ssyncadd.s32 $0xFFFFFFB0  }
0x9b: {  	[tilespmem:s18], [sflag:$0x1] =	stream.indirect.gather [spmem:s2], $0x80, s3, s17, $0xb8;
	[tilespmem:$0x18980] =	vst v63  }
0x9c: {  	s26 =	sadd.s32 $0xA, s28  }
0x9d: {  	[tilespmem:s19], [sflag:$0x3] =	stream.linear.gather [hbm4b:s26+s3], $0x50, $0x38;
	[tilespmem:$0x18980] =	vst v63  }
0x9e: {  	_ =	swait.ge [sflag:s16], $0x50  }
0x9f: {  	[sflag:s16] =	ssyncset.done $0x0  }
0xa0: {  	[sflag:s16] =	ssyncadd.s32 $0xFFFFFFB0  }
0xa1: {  	[tilespmem:s20], [sflag:$0x2] =	stream.indirect.gather [spmem:s2], $0x80, s19, s17, $0xb8;
	[tilespmem:$0x18980] =	vst v63  }
0xa2: {  	_ =	swait.ge [sflag:s21], $0x2800  }
0xa3: {  	[sflag:s21] =	ssyncset.done $0x0  }
0xa4: {  	[sflag:s21] =	ssyncadd.s32 $0xFFFFD800  }
0xa5: {  	[hbm4b:s24+s3] =	stream.linear.scatter [tilespmem:s18], [sflag:$0x3], $0x2800, $0x38;
	[tilespmem:$0x18980] =	vst v63  }
0xa6: {  	_ =	swait.ge [sflag:s16], $0x2800  }
0xa7: {  	[sflag:s16] =	ssyncset.done $0x0  }
0xa8: {  	[sflag:s16] =	ssyncadd.s32 $0xFFFFD800  }
0xa9: {  	_ =	swait.ge [sflag:s22], $0x2800  }
.Ltmp5:
0xaa: {  	[sflag:s22] =	ssyncset.done $0x0;
	(pc) =	sbr.rel @!p2 .LBB2_3-.Ltmp5, $4  }
0xab: {  	s26 =	sadd.s32 $0x500, s24;
	[sflag:s22] =	ssyncadd.s32 $0xFFFFD800  }
0xac: {  	[hbm4b:s26+s3] =	stream.linear.scatter [tilespmem:s20], [sflag:$0x3], $0x2800, $0x38;
	[tilespmem:$0x18980] =	vst v63  }
0xad: {  	_ =	swait.ge [sflag:s16], $0x2800  }
0xae: {  	s24 =	sadd.s32 $0xA00, s24;
	s26 =	smov.u32 s29;
	[sflag:s16] =	ssyncset.done $0x0  }
0xaf: {  	s25 =	sadd.s32 s25, s10;
	[sflag:s16] =	ssyncadd.s32 $0xFFFFD800  }
0xb0: {  	[tilespmem:s3], [sflag:$0x3] =	stream.linear.gather [hbm4b:s25+s3], $0x50, $0x38;
	[tilespmem:$0x18980] =	vst v63  }
0xb1: {  	_ =	swait.ge [sflag:s16], $0x50  }
0xb2: {  	[sflag:s16] =	ssyncset.done $0x0  }
0xb3: {  	[sflag:s16] =	ssyncadd.s32 $0xFFFFFFB0  }
0xb4: {  	[tilespmem:s18], [sflag:$0x1] =	stream.indirect.gather [spmem:s2], $0x80, s3, s17, $0xb8;
	[tilespmem:$0x18980] =	vst v63  }
0xb5: {  	s25 =	sadd.s32 $0xA, s25  }
0xb6: {  	[tilespmem:s19], [sflag:$0x3] =	stream.linear.gather [hbm4b:s25+s3], $0x50, $0x38;
	[tilespmem:$0x18980] =	vst v63  }
0xb7: {  	_ =	swait.ge [sflag:s16], $0x50  }
0xb8: {  	[sflag:s16] =	ssyncset.done $0x0  }
0xb9: {  	[sflag:s16] =	ssyncadd.s32 $0xFFFFFFB0  }
0xba: {  	[tilespmem:s20], [sflag:$0x2] =	stream.indirect.gather [spmem:s2], $0x80, s19, s17, $0xb8;
	[tilespmem:$0x18980] =	vst v63  }
0xbb: {  	_ =	swait.ge [sflag:s21], $0x2800  }
0xbc: {  	[sflag:s21] =	ssyncset.done $0x0  }
0xbd: {  	[sflag:s21] =	ssyncadd.s32 $0xFFFFD800  }
0xbe: {  	[hbm4b:s24+s3] =	stream.linear.scatter [tilespmem:s18], [sflag:$0x3], $0x2800, $0x38;
	[tilespmem:$0x18980] =	vst v63  }
0xbf: {  	_ =	swait.ge [sflag:s16], $0x2800  }
0xc0: {  	[sflag:s16] =	ssyncset.done $0x0  }
0xc1: {  	[sflag:s16] =	ssyncadd.s32 $0xFFFFD800  }
0xc2: {  	_ =	swait.ge [sflag:s22], $0x2800  }
0xc3: {  	[sflag:s22] =	ssyncset.done $0x0  }
.Ltmp6:
0xc4: {  	s31 =	sadd.s32 $0x500, s24;
	[sflag:s22] =	ssyncadd.s32 $0xFFFFD800;
	(pc) =	sbr.rel .LBB2_8-.Ltmp6, $4  }
0xc5: {  	[hbm4b:s31+s3] =	stream.linear.scatter [tilespmem:s20], [sflag:$0x3], $0x2800, $0x38;
	[tilespmem:$0x18980] =	vst v63  }
0xc6: {  	_ =	swait.ge [sflag:s16], $0x2800  }
0xc7: {  	[sflag:s16] =	ssyncset.done $0x0  }
0xc8: {  	[sflag:s16] =	ssyncadd.s32 $0xFFFFD800  }
.LBB2_9:
0xc9: {  	_ =	sfence.sel $0x180000  }
0xca: {  	[bflag:$0x0] =	sbarrier.arrive $0xFFFF  }
0xcb: {  	p0 =	sne.s32 s1, $0x0;
	_ =	strace $0x9000004A  }
0xcc: {  	s0 =	sadd.s32 @!p0 $0x100000, s0;
	[bflag:$0x2] =	sbarrier.arrive $0xFFFF  }
0xcd: {  	[sflag:s0] =	ssyncadd.tile.s32 @!p0 $0x1;
	_ =	shalt  }
.Lfunc_end2:
_tile_overlayer_lowered:
.L_overlay_start_2:
0xce: {  	(tag) =	ssettag $0x2  }
0xcf: {  	s0 =	rddreg [dreg:$0x0];
	s2 =	stileid.u32  }
0xd0: {  	s1 =	rddreg [dreg:$0x1];
	p0 =	sne.s32 s2, $0x0  }
0xd1: {  	s3 =	rddreg [dreg:$0x2];
	[bflag:$0x3] =	sbarrier.arrive $0xFFFF;
	s2 =	simm.s32 @!p0 $0x1C03  }
0xd2: {  	[timem:s3], [sflag:s2] =	dma.local @!p0 [hbm:s0], s1  }
0xd3: {  	s0 =	simm.s32 @!p0 $0x3  }
0xd4: {  	_ =	swait.ge @!p0 [sflag:s0], s1  }
0xd5: {  	s1 =	ssub.s32 @!p0 $0x0, s1;
	[sflag:s0] =	ssyncset.done @!p0 $0x0  }
0xd6: {  	[sflag:s0] =	ssyncadd.s32 @!p0 s1  }
0xd7: {  	[bflag:$0x3] =	sbarrier.arrive $0xFFFF  }
0xd8: {  	_ =	shalt  }

// kernel: kernel.22.cloned.1.call-start
scs
__scs_entry_jumppad:
0x0: {  	(pc) =	sbr.rel $0x88, $3  }
0x1: {  	(tag) =	ssettag $0x0;
	lr =	simm.s32 $0x1  }
0x2: {  	[smem:$0x3F8D] =	sst lr;
	_ =	strace $0xD0000000  }
0x3: {  	_ = 	snop  }
0x4: {  	_ = 	snop  }
0x5: {  	_ = 	snop  }
0x6: {  	_ = 	snop  }
0x7: {  	_ = 	snop  }
__scs_overlays_trampoline_lowered:
0x8: {  	[smem:$0x3F9C] =	sst s0  }
0x9: {  	[smem:$0x3F9D] =	sst s1  }
0xa: {  	[smem:$0x3F9E] =	sst s2  }
0xb: {  	[smem:$0x3F9F] =	sst s3  }
0xc: {  	[smem:$0x3FA0] =	sst s4  }
0xd: {  	[smem:$0x3FA1] =	sst s5  }
0xe: {  	[smem:$0x3FA2] =	sst s6  }
0xf: {  	[smem:$0x3FA3] =	sst s7  }
0x10: {  	[smem:$0x3FA4] =	sst s8  }
0x11: {  	[smem:$0x3FA5] =	sst s9;
	s0 =	simm.s32 @!p0 $0x0  }
0x12: {  	s1 =	sld [smem:$0x3F8B];
	s0 =	simm.s32 @p0 $0x1  }
0x13: {  	[smem:$0x3FA6] =	sst s0;
	s0 =	simm.s32 @!p1 $0x0  }
0x14: {  	s2 =	sld [smem:$0x3F8A];
	s0 =	simm.s32 @p1 $0x1  }
0x15: {  	[smem:$0x3FA7] =	sst s0;
	s0 =	simm.s32 @!p2 $0x0  }
0x16: {  	s3 =	sld [smem:$0x3FDB];
	s0 =	simm.s32 @p2 $0x1  }
0x17: {  	s4 =	simm.s32 $0x1BF5;
	[smem:$0x3FA9] =	sst s0  }
0x18: {  	s0 =	sld [smem:$0x3F8C];
	_ =	swait.ge [sflag:s4], $0x0  }
0x19: {  	s7 =	sld [smem:$0x3F8D]  }
0x1a: {  	s8 =	sadd.s32 $0xFFFFE003, lr  }
0x1b: {  	s9 =	sadd.s32 $0xFFFFFEF7, lr;
	s5 =	simm.s32 $0xFFFFFFFF;
	p2 =	slt.u32 s8, $0xFFFFF086  }
0x1c: {  	p1 =	slt.u32 s9, $0xF7A;
	s5 =	simm.s32 @!p2 $0x0  }
0x1d: {  	s5 =	simm.s32 @p1 $0x1;
	p0 =	seq.s32 s7, s2  }
0x1e: {  	s7 =	smul.u32 @!p0 $0xF7A, s2;
	p2 =	seq.s32 @!p0 s5, $0x0  }
0x1f: {  	s9 =	smul.u32 $0xF7A, s1;
	s8 =	simm.s32 @!p0 $0x1BF5;
	p2 =	por !p2, p0  }
0x20: {  	[sflag:s8] =	ssyncset.s32 @!p0 $0xFFFFF086;
	s6 =	sadd.s32 @!p0 s3, s7;
	s7 =	simm.s32 @!p0 $0x108  }
0x21: {  	s3 =	sadd.s32 s3, s9;
	s6 =	sadd.s32 @!p0 $0x88, s6;
	s7 =	simm.s32 @p2 $0x1082  }
0x22: {  	[simem:s7], [sflag:s8] =	dma.local @!p0 [hbm:s6], $0xF7A  }
0x23: {  	s9 =	sor.u32 $0xD0000000, s2;
	s6 =	simm.s32 $0x108;
	_ =	swait.ge @!p0 [sflag:s8], $0x0  }
0x24: {  	s3 =	sadd.s32 $0x88, s3;
	s6 =	simm.s32 @!p1 $0x1082;
	[sflag:s4] =	ssyncset.s32 $0xFFFFF086  }
0x25: {  	[simem:s6], [sflag:s4] =	dma.local [hbm:s3], $0xF7A  }
0x26: {  	[smem:$0x3F8D] =	sst s1;
	(tag) =	ssettag s2;
	_ =	strace s9  }
0x27: {  	s1 =	sld [smem:$0x3F9D]  }
0x28: {  	s2 =	sld [smem:$0x3F9E]  }
0x29: {  	s4 =	sld [smem:$0x3FA0]  }
0x2a: {  	p0 =	seq.s32 s5, $0x0;
	s5 =	sld [smem:$0x3FA1]  }
0x2b: {  	s6 =	sld [smem:$0x3FA2]  }
0x2c: {  	s7 =	sld [smem:$0x3FA3]  }
0x2d: {  	s3 =	simm.s32 $0x108;
	s8 =	sld [smem:$0x3FA4]  }
0x2e: {  	s3 =	simm.s32 @!p0 $0x1082;
	s9 =	sld [smem:$0x3FA5]  }
0x2f: {  	lr =	sadd.s32 s0, s3;
	s0 =	sld [smem:$0x3F9C]  }
0x30: {  	s3 =	sld [smem:$0x3F9F]  }
0x31: {  	[smem:$0x3FA8] =	sst s10  }
0x32: {  	s10 =	sld [smem:$0x3FA6];
	_ =	sdelay $0x3  }
0x33: {  	p0 =	seq.s32 s10, $0x1;
	s10 =	sld [smem:$0x3FA8];
	_ =	sdelay $0x3  }
0x34: {  	[smem:$0x3FA8] =	sst s10  }
0x35: {  	s10 =	sld [smem:$0x3FA7];
	_ =	sdelay $0x3  }
0x36: {  	p1 =	seq.s32 s10, $0x1;
	s10 =	sld [smem:$0x3FA8];
	_ =	sdelay $0x3  }
0x37: {  	[smem:$0x3FA8] =	sst s10  }
0x38: {  	s10 =	sld [smem:$0x3FA9]  }
0x39: {  	_ = 	snop;
	(pc) =	sbr.ind lr, $3  }
0x3a: {  	_ = 	snop  }
0x3b: {  	_ = 	snop  }
0x3c: {  	p2 =	seq.s32 s10, $0x1;
	s10 =	sld [smem:$0x3FA8]  }
0x3d: {  	_ =	shalt  }
0x3e: {  	_ =	shalt  }
0x3f: {  	_ =	shalt  }
0x40: {  	_ =	shalt  }
0x41: {  	_ =	shalt  }
0x42: {  	_ =	shalt  }
0x43: {  	_ =	shalt  }
0x44: {  	_ =	shalt  }
0x45: {  	_ =	shalt  }
0x46: {  	_ =	shalt  }
0x47: {  	_ =	shalt  }
0x48: {  	_ =	shalt  }
0x49: {  	_ =	shalt  }
0x4a: {  	_ =	shalt  }
0x4b: {  	_ =	shalt  }
0x4c: {  	_ =	shalt  }
0x4d: {  	_ =	shalt  }
0x4e: {  	_ =	shalt  }
0x4f: {  	_ =	shalt  }
0x50: {  	_ =	shalt  }
0x51: {  	_ =	shalt  }
0x52: {  	_ =	shalt  }
0x53: {  	_ =	shalt  }
0x54: {  	_ =	shalt  }
0x55: {  	_ =	shalt  }
0x56: {  	_ =	shalt  }
0x57: {  	_ =	shalt  }
0x58: {  	_ =	shalt  }
0x59: {  	_ =	shalt  }
0x5a: {  	_ =	shalt  }
0x5b: {  	_ =	shalt  }
0x5c: {  	_ =	shalt  }
0x5d: {  	_ =	shalt  }
0x5e: {  	_ =	shalt  }
0x5f: {  	_ =	shalt  }
0x60: {  	_ =	shalt  }
0x61: {  	_ =	shalt  }
0x62: {  	_ =	shalt  }
0x63: {  	_ =	shalt  }
0x64: {  	_ =	shalt  }
0x65: {  	_ =	shalt  }
0x66: {  	_ =	shalt  }
0x67: {  	_ =	shalt  }
0x68: {  	_ =	shalt  }
0x69: {  	_ =	shalt  }
0x6a: {  	_ =	shalt  }
0x6b: {  	_ =	shalt  }
0x6c: {  	_ =	shalt  }
0x6d: {  	_ =	shalt  }
0x6e: {  	_ =	shalt  }
0x6f: {  	_ =	shalt  }
0x70: {  	_ =	shalt  }
0x71: {  	_ =	shalt  }
0x72: {  	_ =	shalt  }
0x73: {  	_ =	shalt  }
0x74: {  	_ =	shalt  }
0x75: {  	_ =	shalt  }
0x76: {  	_ =	shalt  }
0x77: {  	_ =	shalt  }
0x78: {  	_ =	shalt  }
0x79: {  	_ =	shalt  }
0x7a: {  	_ =	shalt  }
0x7b: {  	_ =	shalt  }
0x7c: {  	_ =	shalt  }
0x7d: {  	_ =	shalt  }
0x7e: {  	_ =	shalt  }
0x7f: {  	_ =	shalt  }
0x80: {  	_ =	shalt  }
0x81: {  	_ =	shalt  }
0x82: {  	_ =	shalt  }
0x83: {  	_ =	shalt  }
0x84: {  	_ =	shalt  }
0x85: {  	_ =	shalt  }
0x86: {  	_ =	shalt  }
0x87: {  	_ =	shalt  }
.Lfunc_end0:
.L_simem_size_0:
called_computation.2_lowered:
.L_overlay_start_0:
0x88: {  	s2 =	sld [smem:$0x3FD9]  }
0x89: {  	s3 =	sld [smem:$0x3FFE];
	_ =	sdelay $0x1  }
0x8a: {  	s1 =	srdreg.scid  }
0x8b: {  	s0 =	sand.u32 $0x1, s1  }
0x8c: {  	s15 =	sshll.u32 s0, $0xA;
	s2 =	sadd.s32 s3, s2  }
0x8d: {  	s2 =	sadd.s32 s2, s15  }
0x8e: {  	[smem:$0x3FB4] =	sst s2  }
0x8f: {  	_ = 	snop  }
0x90: {  	s2 =	sld [smem:$0x3FD0];
	_ =	sdelay $0x2  }
0x91: {  	s16 =	simm.s32 $0xE;
	s4 =	simm.s32 $0x10  }
0x92: {  	[smem:s4], [sflag:s16] =	dma.local [hbm:s2], $0x1  }
0x93: {  	_ =	swait.eq [sflag:s16], $0x1  }
0x94: {  	[sflag:s16] =	ssyncset.done $0x0  }
0x95: {  	[sflag:s16] =	ssyncadd.s32 $0xFFFFFFFF  }
0x96: {  	s17 =	sld [smem:$0x10];
	(tm) =	ssettm $0x1  }
0x97: {  	s18 =	sld [smem:$0x3FFB];
	_ =	sdelay $0x3  }
0x98: {  	_ =	strace s18  }
0x99: {  	s2 =	sld [smem:$0x3FFC];
	_ =	sdelay $0x3  }
0x9a: {  	_ =	strace s2  }
0x9b: {  	s2 =	sld [smem:$0x3FFD];
	_ =	sdelay $0x3  }
0x9c: {  	_ =	strace s2  }
0x9d: {  	_ =	strace $0x8FFFFFFF  }
0x9e: {  	s19 =	sld [smem:$0x3FDB];
	_ =	sdelay $0x1  }
0x9f: {  	s20 =	simm.s32 $_scs_section_size  }
0xa0: {  	s5 =	simm.s32 $_size__tile_overlayer_lowered;
	s6 =	simm.s32 $_tile_overlayer_lowered  }
0xa1: {  	s7 =	simm.s32 $0x1BFF;
	s21 =	sshll.u32 s6, $0x1;
	s4 =	sadd.s32 s20, s19  }
0xa2: {  	s22 =	simm.s32 $0x0;
	s5 =	sshll.u32 s5, $0x1;
	s6 =	sadd.s32 s21, s4  }
0xa3: {  	[timem:s22], [sflag:s7] =	dma.local [hbm:s6], s5  }
0xa4: {  	_ =	swait.ge [sflag:s7], s5  }
0xa5: {  	s5 =	ssub.s32 $0x0, s5;
	[sflag:s7] =	ssyncset.done $0x0  }
0xa6: {  	[sflag:s7] =	ssyncadd.s32 s5;
	_ =	sdelay $0x1  }
0xa7: {  	s23 =	simm.s32 $0x1B8B  }
0xa8: {  	_ =	swait.ge [sflag:s23], $0x1  }
0xa9: {  	[sflag:s23] =	ssyncset.done $0x0  }
0xaa: {  	[sflag:s23] =	ssyncadd.s32 $0xFFFFFFFF  }
0xab: {  	s5 =	sld [smem:$0x0]  }
0xac: {  	s6 =	sand.u32 $0xFFFFFFFE, s1  }
0xad: {  	p0 =	sne.s32 s1, s6  }
0xae: {  	s6 =	sshll.u32 @p0 s6, $0xE  }
0xaf: {  	s6 =	sadd.s32 @p0 $0x11B8D, s6;
	s7 =	sshll.u32 @p0 s5, $0x11  }
0xb0: {  	s6 =	sor.u32 @p0 s7, s6  }
0xb1: {  	[sflag:s6] =	ssyncadd.remote.s32 @p0 $0x1;
	_ =	sdelay $0x1  }
0xb2: {  	s6 =	simm.s32 @p0 $0x1B8D  }
0xb3: {  	_ =	swait.eq @p0 [sflag:s6], $0x1  }
0xb4: {  	[sflag:s6] =	ssyncadd.s32 @p0 $0xFFFFFFFF  }
0xb5: {  	s7 =	sshll.u32 @!p0 s1, $0xE  }
0xb6: {  	s7 =	sor.u32 @!p0 $0x4000, s7;
	s6 =	simm.s32 @!p0 $0x1B8D  }
0xb7: {  	s5 =	sshll.u32 @!p0 s5, $0x11;
	s7 =	sadd.s32 @!p0 $0x11B8D, s7;
	_ =	swait.eq @!p0 [sflag:s6], $0x1  }
0xb8: {  	s5 =	sor.u32 @!p0 s5, s7;
	[sflag:s6] =	ssyncadd.s32 @!p0 $0xFFFFFFFF  }
0xb9: {  	s25 =	simm.s32 $0x1B8E;
	s24 =	sld [smem:$0x3FFE];
	[sflag:s5] =	ssyncadd.remote.s32 @!p0 $0x1  }
0xba: {  	s26 =	simm.s32 $execute0_lowered;
	[smem:$0x3FD2] =	sst s25  }
0xbb: {  	s6 =	sshll.u32 s26, $0x1;
	_ =	strace $0x8000004C;
	[dreg:$0x1] =	wrdreg $0xFFFFFFFF  }
0xbc: {  	s28 =	simm.s32 $_size_execute0_lowered;
	s4 =	sadd.s32 s4, s6;
	[dreg:$0x0] =	wrdreg $0x0  }
0xbd: {  	s6 =	sshll.u32 s28, $0x1;
	[dreg:$0x2] =	wrdreg s4  }
0xbe: {  	[dreg:$0x3] =	wrdreg s6  }
0xbf: {  	[dreg:$0x4] =	wrdreg $0xC0  }
0xc0: {  	_ =	task [dreg:s22], $0x5FFFF  }
0xc1: {  	[dreg:$0x1] =	wrdreg $0xFFFFFFFF  }
0xc2: {  	[dreg:$0x0] =	wrdreg $0x60  }
0xc3: {  	[dreg:$0x2] =	wrdreg s17  }
0xc4: {  	[dreg:$0x3] =	wrdreg s24  }
0xc5: {  	[dreg:$0x4] =	wrdreg $0x51000  }
0xc6: {  	[dreg:$0x5] =	wrdreg $0xD  }
0xc7: {  	_ =	task.clear_ibuf [dreg:s22], $0x6FFFF;
	_ =	strace $0x9000004C  }
0xc8: {  	s29 =	simm.s32 $0xD;
	_ =	strace $0x8000004E  }
0xc9: {  	_ =	swait.ge [sflag:s29], $0x1  }
0xca: {  	[sflag:s29] =	ssyncadd.s32 $0xFFFFFFFF  }
0xcb: {  	_ =	strace $0x9000004E  }
0xcc: {  	_ =	sfence  }
0xcd: {  	s30 =	sld [smem:$0x0];
	_ =	sdelay $0x2  }
0xce: {  	s31 =	sshll.u32 s1, $0xD;
	s1 =	sshrl.u32 s1, $0x2  }
0xcf: {  	s4 =	sand.u32 $0x4000, s31;
	s1 =	sadd.s32 s1, s30  }
0xd0: {  	s0 =	sor.u32 s4, s0;
	s1 =	sshll.u32 s1, $0x11  }
0xd1: {  	s0 =	sor.u32 s1, s0  }
0xd2: {  	s0 =	sadd.s32 $0x8F2B, s0  }
0xd3: {  	[sflag:s0] =	ssyncadd.remote.s32 $0x1  }
0xd4: {  	_ =	sfence.sel $0xFFFF  }
0xd5: {  	[dreg:$0x0] =	wrdreg $0xFFFFFFFF;
	(pc) =	sbr.abs _section_cstart, $3  }
0xd6: {  	[dreg:$0x1] =	wrdreg $0xFFFFFFFF  }
0xd7: {  	_ =	task.clear_ibuf [dreg:s22], $0x2FFFF;
	_ =	strace $0x9FFFFFFF  }
0xd8: {  	(tm) =	ssettm $0x7FFFFFFF  }
0xd9: {  	_ =	shalt  }
tec
execute0_lowered:
.L_overlay_start_1:
0x0: {  	(tag) =	ssettag $0x1  }
0x1: {  	s5 =	rddreg [dreg:$0x0]  }
0x2: {  	s7 =	rddreg [dreg:$0x1]  }
0x3: {  	s2 =	rddreg [dreg:$0x2]  }
0x4: {  	s0 =	rddreg [dreg:$0x3];
	s3 =	simm.s32 $0x0  }
0x5: {  	s1 =	stileid.u32;
	s8 =	srdreg.scid;
	s17 =	simm.s32 $0x50  }
0x6: {  	s18 =	simm.s32 $0x100;
	s19 =	simm.s32 $0x80;
	s4 =	smul.u32 $0x2800, s1  }
0x7: {  	s20 =	simm.s32 $0x2900;
	s21 =	simm.s32 $0x1;
	s6 =	smul.u32 $0x1F4, s1  }
0x8: {  	s22 =	simm.s32 $0x2;
	s23 =	simm.s32 $0x0;
	s9 =	smul.u32 $0xFA00, s1  }
0x9: {  	[smem:$0x7FF] =	sst s3;
	s8 =	sand.u32 $0x1, s8;
	s12 =	smul.u32 $0x50000, s1  }
0xa: {  	s16 =	sadd.s32 $0x12C000, s2;
	p1 =	seq.s32 s1, $0xF;
	_ =	strace $0x8000004D  }
0xb: {  	s11 =	ssub.s32 $0x2, s8;
	p0 =	seq.s32 s8, $0x1;
	s10 =	sadd.s32 s4, s7  }
0xc: {  	s13 =	sadd.s32 s6, s7;
	s14 =	sadd.s32 s9, s7;
	s29 =	sshrl.u32 s11, $0x1  }
0xd: {  	s31 =	sshrl.u32 s12, $0x2;
	s4 =	sadd.s32 s5, s4;
	s5 =	sadd.s32 $0x25800, s5  }
.Ltmp0:
0xe: {  	s7 =	sadd.s32 $0x3E200, s7;
	s30 =	ssub.s32 s11, s29;
	(pc) =	sbr.rel .LBB2_1-.Ltmp0, $4  }
0xf: {  	s15 =	sadd.s32 s31, s2;
	s6 =	sadd.s32 $0x18A00, s10;
	s9 =	sadd.s32 $0x427C00, s14  }
0x10: {  	s10 =	sadd.s32 $0xEA00, s13;
	s11 =	sadd.s32 $0x521C00, s14;
	s14 =	sshll.u32 @!p1 s1, $0x6  }
0x11: {  	s12 =	sadd.s32 $0xCA00, s13;
	s13 =	sshrl.u32 @p1 s16, $0x3;
	s16 =	simm.s32 $0x3  }
0x12: {  	s8 =	smax.u32 s30, $0x1;
	s14 =	sor.u32 @!p1 $0x1C03, s14;
	s15 =	sshrl.u32 @!p1 s15, $0x3  }
.LBB2_7:
0x13: {  	s25 =	sadd.s32 s25, s12;
	[sflag:s16] =	ssyncadd.s32 $0xFFFFD800  }
0x14: {  	[tilespmem:s3], [sflag:$0x3] =	stream.linear.gather [hbm4b:s25+s3], $0x50, $0x38;
	[tilespmem:$0x18980] =	vst v63  }
0x15: {  	_ =	swait.ge [sflag:s16], $0x50  }
0x16: {  	[sflag:s16] =	ssyncset.done $0x0  }
0x17: {  	[sflag:s16] =	ssyncadd.s32 $0xFFFFFFB0  }
0x18: {  	[tilespmem:s18], [sflag:$0x1] =	stream.indirect.gather [spmem:s2], $0x80, s3, s17, $0xb8;
	[tilespmem:$0x18980] =	vst v63  }
0x19: {  	s25 =	sadd.s32 $0xA, s25  }
0x1a: {  	[tilespmem:s19], [sflag:$0x3] =	stream.linear.gather [hbm4b:s25+s3], $0x50, $0x38;
	[tilespmem:$0x18980] =	vst v63  }
0x1b: {  	_ =	swait.ge [sflag:s16], $0x50  }
0x1c: {  	[sflag:s16] =	ssyncset.done $0x0  }
0x1d: {  	[sflag:s16] =	ssyncadd.s32 $0xFFFFFFB0  }
0x1e: {  	[tilespmem:s20], [sflag:$0x2] =	stream.indirect.gather [spmem:s2], $0x80, s19, s17, $0xb8;
	[tilespmem:$0x18980] =	vst v63  }
0x1f: {  	_ =	swait.ge [sflag:s21], $0x2800  }
0x20: {  	[sflag:s21] =	ssyncset.done $0x0  }
0x21: {  	[sflag:s21] =	ssyncadd.s32 $0xFFFFD800  }
0x22: {  	[hbm4b:s24+s3] =	stream.linear.scatter [tilespmem:s18], [sflag:$0x3], $0x2800, $0x38;
	[tilespmem:$0x18980] =	vst v63  }
0x23: {  	_ =	swait.ge [sflag:s16], $0x2800  }
0x24: {  	[sflag:s16] =	ssyncset.done $0x0  }
0x25: {  	[sflag:s16] =	ssyncadd.s32 $0xFFFFD800  }
0x26: {  	_ =	swait.ge [sflag:s22], $0x2800  }
0x27: {  	[sflag:s22] =	ssyncset.done $0x0  }
0x28: {  	s31 =	sadd.s32 $0x500, s24;
	[sflag:s22] =	ssyncadd.s32 $0xFFFFD800  }
0x29: {  	[hbm4b:s31+s3] =	stream.linear.scatter [tilespmem:s20], [sflag:$0x3], $0x2800, $0x38;
	[tilespmem:$0x18980] =	vst v63  }
0x2a: {  	_ =	swait.ge [sflag:s16], $0x2800  }
0x2b: {  	[sflag:s16] =	ssyncset.done $0x0  }
0x2c: {  	[sflag:s16] =	ssyncadd.s32 $0xFFFFD800  }
.LBB2_8:
0x2d: {  	s23 =	sadd.s32 $0x1, s23  }
0x2e: {  	p2 =	sne.s32 s23, s8  }
.Ltmp1:
0x2f: {  	_ = 	snop;
	(pc) =	sbr.rel @!p2 .LBB2_9-.Ltmp1, $1  }
0x30: {  	_ =	sdelay $0x3  }
.LBB2_1:
.Ltmp2:
0x31: {  	(pc) =	sbr.rel @!p0 .LBB2_2-.Ltmp2, $1  }
0x32: {  	_ =	sdelay $0x3  }
0x33: {  	s24 =	simm.s32 @p1 $0x1FC3  }
0x34: {  	[spmem:s13], [sflag:s24] =	dma.local @p1 [hbm:s7], $0x1900  }
0x35: {  	s24 =	simm.s32 @p1 $0x3  }
0x36: {  	_ =	swait.ge @p1 [sflag:s24], $0x1900  }
0x37: {  	[sflag:s24] =	ssyncset.done @p1 $0x0  }
0x38: {  	[sflag:s24] =	ssyncadd.s32 @p1 $0xFFFFE700;
	s24 =	simm.s32 @!p1 $0x3  }
0x39: {  	[spmem:s15], [sflag:s14] =	dma.local @!p1 [hbm:s6], $0x2800  }
0x3a: {  	_ =	swait.ge @!p1 [sflag:s24], $0x2800  }
0x3b: {  	[sflag:s24] =	ssyncset.done @!p1 $0x0  }
0x3c: {  	[sflag:s24] =	ssyncadd.s32 @!p1 $0xFFFFD800  }
0x3d: {  	s30 =	sadd.s32 $0x0, s12;
	[bflag:$0x0] =	sbarrier.arrive $0xFFFF  }
0x3e: {  	[tilespmem:s3], [sflag:$0x3] =	stream.linear.gather [hbm4b:s30+s3], $0x50, $0x38;
	[tilespmem:$0x18980] =	vst v63  }
0x3f: {  	_ =	swait.ge [sflag:s16], $0x50  }
0x40: {  	[sflag:s16] =	ssyncset.done $0x0  }
0x41: {  	[sflag:s16] =	ssyncadd.s32 $0xFFFFFFB0  }
0x42: {  	[tilespmem:s18], [sflag:$0x1] =	stream.indirect.gather [spmem:s2], $0x80, s3, s17, $0xb8;
	[tilespmem:$0x18980] =	vst v63  }
0x43: {  	s24 =	sadd.s32 $0xA, s30  }
0x44: {  	[tilespmem:s19], [sflag:$0x3] =	stream.linear.gather [hbm4b:s24+s3], $0x50, $0x38;
	[tilespmem:$0x18980] =	vst v63  }
0x45: {  	_ =	swait.ge [sflag:s16], $0x50  }
0x46: {  	[sflag:s16] =	ssyncset.done $0x0  }
0x47: {  	[sflag:s16] =	ssyncadd.s32 $0xFFFFFFB0  }
0x48: {  	[tilespmem:s20], [sflag:$0x2] =	stream.indirect.gather [spmem:s2], $0x80, s19, s17, $0xb8;
	[tilespmem:$0x18980] =	vst v63  }
0x49: {  	_ =	swait.ge [sflag:s21], $0x2800  }
0x4a: {  	[sflag:s21] =	ssyncset.done $0x0  }
0x4b: {  	[sflag:s21] =	ssyncadd.s32 $0xFFFFD800  }
0x4c: {  	[hbm4b:s11+s3] =	stream.linear.scatter [tilespmem:s18], [sflag:$0x3], $0x2800, $0x38;
	[tilespmem:$0x18980] =	vst v63  }
0x4d: {  	_ =	swait.ge [sflag:s16], $0x2800  }
0x4e: {  	[sflag:s16] =	ssyncset.done $0x0  }
0x4f: {  	[sflag:s16] =	ssyncadd.s32 $0xFFFFD800  }
0x50: {  	_ =	swait.ge [sflag:s22], $0x2800  }
0x51: {  	[sflag:s22] =	ssyncset.done $0x0  }
0x52: {  	s31 =	sadd.s32 $0x500, s11;
	[sflag:s22] =	ssyncadd.s32 $0xFFFFD800  }
0x53: {  	[hbm4b:s31+s3] =	stream.linear.scatter [tilespmem:s20], [sflag:$0x3], $0x2800, $0x38;
	[tilespmem:$0x18980] =	vst v63  }
0x54: {  	s25 =	simm.s32 $0x14;
	_ =	swait.ge [sflag:s16], $0x2800  }
0x55: {  	s26 =	simm.s32 $0x28;
	s24 =	sadd.s32 $0xA00, s11;
	[sflag:s16] =	ssyncset.done $0x0  }
.LBB2_6:
0x56: {  	s28 =	sadd.s32 s25, s12  }
0x57: {  	[sflag:s16] =	ssyncadd.s32 $0xFFFFD800;
	s25 =	smov.u32 s26;
	s29 =	sadd.s32 $0x14, s26  }
0x58: {  	[tilespmem:s3], [sflag:$0x3] =	stream.linear.gather [hbm4b:s28+s3], $0x50, $0x38;
	[tilespmem:$0x18980] =	vst v63  }
0x59: {  	p2 =	sne.s32 s26, $0x1E0;
	_ =	swait.ge [sflag:s16], $0x50  }
0x5a: {  	[sflag:s16] =	ssyncset.done $0x0  }
0x5b: {  	[sflag:s16] =	ssyncadd.s32 $0xFFFFFFB0  }
0x5c: {  	[tilespmem:s18], [sflag:$0x1] =	stream.indirect.gather [spmem:s2], $0x80, s3, s17, $0xb8;
	[tilespmem:$0x18980] =	vst v63  }
0x5d: {  	s26 =	sadd.s32 $0xA, s28  }
0x5e: {  	[tilespmem:s19], [sflag:$0x3] =	stream.linear.gather [hbm4b:s26+s3], $0x50, $0x38;
	[tilespmem:$0x18980] =	vst v63  }
0x5f: {  	_ =	swait.ge [sflag:s16], $0x50  }
0x60: {  	[sflag:s16] =	ssyncset.done $0x0  }
0x61: {  	[sflag:s16] =	ssyncadd.s32 $0xFFFFFFB0  }
0x62: {  	[tilespmem:s20], [sflag:$0x2] =	stream.indirect.gather [spmem:s2], $0x80, s19, s17, $0xb8;
	[tilespmem:$0x18980] =	vst v63  }
0x63: {  	_ =	swait.ge [sflag:s21], $0x2800  }
0x64: {  	[sflag:s21] =	ssyncset.done $0x0  }
0x65: {  	[sflag:s21] =	ssyncadd.s32 $0xFFFFD800  }
0x66: {  	[hbm4b:s24+s3] =	stream.linear.scatter [tilespmem:s18], [sflag:$0x3], $0x2800, $0x38;
	[tilespmem:$0x18980] =	vst v63  }
0x67: {  	_ =	swait.ge [sflag:s16], $0x2800  }
0x68: {  	[sflag:s16] =	ssyncset.done $0x0  }
0x69: {  	[sflag:s16] =	ssyncadd.s32 $0xFFFFD800  }
0x6a: {  	_ =	swait.ge [sflag:s22], $0x2800  }
.Ltmp3:
0x6b: {  	[sflag:s22] =	ssyncset.done $0x0;
	(pc) =	sbr.rel @p2 .LBB2_6-.Ltmp3, $4  }
0x6c: {  	s26 =	sadd.s32 $0x500, s24;
	[sflag:s22] =	ssyncadd.s32 $0xFFFFD800  }
0x6d: {  	[hbm4b:s26+s3] =	stream.linear.scatter [tilespmem:s20], [sflag:$0x3], $0x2800, $0x38;
	[tilespmem:$0x18980] =	vst v63  }
0x6e: {  	_ =	swait.ge [sflag:s16], $0x2800  }
0x6f: {  	s24 =	sadd.s32 $0xA00, s24;
	s26 =	smov.u32 s29;
	[sflag:s16] =	ssyncset.done $0x0  }
.Ltmp4:
0x70: {  	_ = 	snop;
	(pc) =	sbr.rel .LBB2_7-.Ltmp4, $1  }
0x71: {  	_ =	sdelay $0x3  }
.LBB2_2:
0x72: {  	s24 =	simm.s32 @p1 $0x1FC3  }
0x73: {  	[spmem:s13], [sflag:s24] =	dma.local @p1 [hbm:s5], $0x1900  }
0x74: {  	s24 =	simm.s32 @p1 $0x3  }
0x75: {  	_ =	swait.ge @p1 [sflag:s24], $0x1900  }
0x76: {  	[sflag:s24] =	ssyncset.done @p1 $0x0  }
0x77: {  	[sflag:s24] =	ssyncadd.s32 @p1 $0xFFFFE700;
	s24 =	simm.s32 @!p1 $0x3  }
0x78: {  	[spmem:s15], [sflag:s14] =	dma.local @!p1 [hbm:s4], $0x2800  }
0x79: {  	_ =	swait.ge @!p1 [sflag:s24], $0x2800  }
0x7a: {  	[sflag:s24] =	ssyncset.done @!p1 $0x0  }
0x7b: {  	[sflag:s24] =	ssyncadd.s32 @!p1 $0xFFFFD800  }
0x7c: {  	s30 =	sadd.s32 $0x0, s10;
	[bflag:$0x0] =	sbarrier.arrive $0xFFFF  }
0x7d: {  	[tilespmem:s3], [sflag:$0x3] =	stream.linear.gather [hbm4b:s30+s3], $0x50, $0x38;
	[tilespmem:$0x18980] =	vst v63  }
0x7e: {  	_ =	swait.ge [sflag:s16], $0x50  }
0x7f: {  	[sflag:s16] =	ssyncset.done $0x0  }
0x80: {  	[sflag:s16] =	ssyncadd.s32 $0xFFFFFFB0  }
0x81: {  	[tilespmem:s18], [sflag:$0x1] =	stream.indirect.gather [spmem:s2], $0x80, s3, s17, $0xb8;
	[tilespmem:$0x18980] =	vst v63  }
0x82: {  	s24 =	sadd.s32 $0xA, s30  }
0x83: {  	[tilespmem:s19], [sflag:$0x3] =	stream.linear.gather [hbm4b:s24+s3], $0x50, $0x38;
	[tilespmem:$0x18980] =	vst v63  }
0x84: {  	_ =	swait.ge [sflag:s16], $0x50  }
0x85: {  	[sflag:s16] =	ssyncset.done $0x0  }
0x86: {  	[sflag:s16] =	ssyncadd.s32 $0xFFFFFFB0  }
0x87: {  	[tilespmem:s20], [sflag:$0x2] =	stream.indirect.gather [spmem:s2], $0x80, s19, s17, $0xb8;
	[tilespmem:$0x18980] =	vst v63  }
0x88: {  	_ =	swait.ge [sflag:s21], $0x2800  }
0x89: {  	[sflag:s21] =	ssyncset.done $0x0  }
0x8a: {  	[sflag:s21] =	ssyncadd.s32 $0xFFFFD800  }
0x8b: {  	[hbm4b:s9+s3] =	stream.linear.scatter [tilespmem:s18], [sflag:$0x3], $0x2800, $0x38;
	[tilespmem:$0x18980] =	vst v63  }
0x8c: {  	_ =	swait.ge [sflag:s16], $0x2800  }
0x8d: {  	[sflag:s16] =	ssyncset.done $0x0  }
0x8e: {  	[sflag:s16] =	ssyncadd.s32 $0xFFFFD800  }
0x8f: {  	_ =	swait.ge [sflag:s22], $0x2800  }
0x90: {  	[sflag:s22] =	ssyncset.done $0x0  }
0x91: {  	s31 =	sadd.s32 $0x500, s9;
	[sflag:s22] =	ssyncadd.s32 $0xFFFFD800  }
0x92: {  	[hbm4b:s31+s3] =	stream.linear.scatter [tilespmem:s20], [sflag:$0x3], $0x2800, $0x38;
	[tilespmem:$0x18980] =	vst v63  }
0x93: {  	s25 =	simm.s32 $0x14;
	_ =	swait.ge [sflag:s16], $0x2800  }
0x94: {  	s26 =	simm.s32 $0x28;
	s24 =	sadd.s32 $0xA00, s9;
	[sflag:s16] =	ssyncset.done $0x0  }
.LBB2_3:
0x95: {  	s28 =	sadd.s32 s25, s10  }
0x96: {  	[sflag:s16] =	ssyncadd.s32 $0xFFFFD800;
	s25 =	smov.u32 s26;
	s29 =	sadd.s32 $0x14, s26  }
0x97: {  	[tilespmem:s3], [sflag:$0x3] =	stream.linear.gather [hbm4b:s28+s3], $0x50, $0x38;
	[tilespmem:$0x18980] =	vst v63  }
0x98: {  	p2 =	seq.s32 s26, $0x1E0;
	_ =	swait.ge [sflag:s16], $0x50  }
0x99: {  	[sflag:s16] =	ssyncset.done $0x0  }
0x9a: {  	[sflag:s16] =	ssyncadd.s32 $0xFFFFFFB0  }
0x9b: {  	[tilespmem:s18], [sflag:$0x1] =	stream.indirect.gather [spmem:s2], $0x80, s3, s17, $0xb8;
	[tilespmem:$0x18980] =	vst v63  }
0x9c: {  	s26 =	sadd.s32 $0xA, s28  }
0x9d: {  	[tilespmem:s19], [sflag:$0x3] =	stream.linear.gather [hbm4b:s26+s3], $0x50, $0x38;
	[tilespmem:$0x18980] =	vst v63  }
0x9e: {  	_ =	swait.ge [sflag:s16], $0x50  }
0x9f: {  	[sflag:s16] =	ssyncset.done $0x0  }
0xa0: {  	[sflag:s16] =	ssyncadd.s32 $0xFFFFFFB0  }
0xa1: {  	[tilespmem:s20], [sflag:$0x2] =	stream.indirect.gather [spmem:s2], $0x80, s19, s17, $0xb8;
	[tilespmem:$0x18980] =	vst v63  }
0xa2: {  	_ =	swait.ge [sflag:s21], $0x2800  }
0xa3: {  	[sflag:s21] =	ssyncset.done $0x0  }
0xa4: {  	[sflag:s21] =	ssyncadd.s32 $0xFFFFD800  }
0xa5: {  	[hbm4b:s24+s3] =	stream.linear.scatter [tilespmem:s18], [sflag:$0x3], $0x2800, $0x38;
	[tilespmem:$0x18980] =	vst v63  }
0xa6: {  	_ =	swait.ge [sflag:s16], $0x2800  }
0xa7: {  	[sflag:s16] =	ssyncset.done $0x0  }
0xa8: {  	[sflag:s16] =	ssyncadd.s32 $0xFFFFD800  }
0xa9: {  	_ =	swait.ge [sflag:s22], $0x2800  }
.Ltmp5:
0xaa: {  	[sflag:s22] =	ssyncset.done $0x0;
	(pc) =	sbr.rel @!p2 .LBB2_3-.Ltmp5, $4  }
0xab: {  	s26 =	sadd.s32 $0x500, s24;
	[sflag:s22] =	ssyncadd.s32 $0xFFFFD800  }
0xac: {  	[hbm4b:s26+s3] =	stream.linear.scatter [tilespmem:s20], [sflag:$0x3], $0x2800, $0x38;
	[tilespmem:$0x18980] =	vst v63  }
0xad: {  	_ =	swait.ge [sflag:s16], $0x2800  }
0xae: {  	s24 =	sadd.s32 $0xA00, s24;
	s26 =	smov.u32 s29;
	[sflag:s16] =	ssyncset.done $0x0  }
0xaf: {  	s25 =	sadd.s32 s25, s10;
	[sflag:s16] =	ssyncadd.s32 $0xFFFFD800  }
0xb0: {  	[tilespmem:s3], [sflag:$0x3] =	stream.linear.gather [hbm4b:s25+s3], $0x50, $0x38;
	[tilespmem:$0x18980] =	vst v63  }
0xb1: {  	_ =	swait.ge [sflag:s16], $0x50  }
0xb2: {  	[sflag:s16] =	ssyncset.done $0x0  }
0xb3: {  	[sflag:s16] =	ssyncadd.s32 $0xFFFFFFB0  }
0xb4: {  	[tilespmem:s18], [sflag:$0x1] =	stream.indirect.gather [spmem:s2], $0x80, s3, s17, $0xb8;
	[tilespmem:$0x18980] =	vst v63  }
0xb5: {  	s25 =	sadd.s32 $0xA, s25  }
0xb6: {  	[tilespmem:s19], [sflag:$0x3] =	stream.linear.gather [hbm4b:s25+s3], $0x50, $0x38;
	[tilespmem:$0x18980] =	vst v63  }
0xb7: {  	_ =	swait.ge [sflag:s16], $0x50  }
0xb8: {  	[sflag:s16] =	ssyncset.done $0x0  }
0xb9: {  	[sflag:s16] =	ssyncadd.s32 $0xFFFFFFB0  }
0xba: {  	[tilespmem:s20], [sflag:$0x2] =	stream.indirect.gather [spmem:s2], $0x80, s19, s17, $0xb8;
	[tilespmem:$0x18980] =	vst v63  }
0xbb: {  	_ =	swait.ge [sflag:s21], $0x2800  }
0xbc: {  	[sflag:s21] =	ssyncset.done $0x0  }
0xbd: {  	[sflag:s21] =	ssyncadd.s32 $0xFFFFD800  }
0xbe: {  	[hbm4b:s24+s3] =	stream.linear.scatter [tilespmem:s18], [sflag:$0x3], $0x2800, $0x38;
	[tilespmem:$0x18980] =	vst v63  }
0xbf: {  	_ =	swait.ge [sflag:s16], $0x2800  }
0xc0: {  	[sflag:s16] =	ssyncset.done $0x0  }
0xc1: {  	[sflag:s16] =	ssyncadd.s32 $0xFFFFD800  }
0xc2: {  	_ =	swait.ge [sflag:s22], $0x2800  }
0xc3: {  	[sflag:s22] =	ssyncset.done $0x0  }
.Ltmp6:
0xc4: {  	s31 =	sadd.s32 $0x500, s24;
	[sflag:s22] =	ssyncadd.s32 $0xFFFFD800;
	(pc) =	sbr.rel .LBB2_8-.Ltmp6, $4  }
0xc5: {  	[hbm4b:s31+s3] =	stream.linear.scatter [tilespmem:s20], [sflag:$0x3], $0x2800, $0x38;
	[tilespmem:$0x18980] =	vst v63  }
0xc6: {  	_ =	swait.ge [sflag:s16], $0x2800  }
0xc7: {  	[sflag:s16] =	ssyncset.done $0x0  }
0xc8: {  	[sflag:s16] =	ssyncadd.s32 $0xFFFFD800  }
.LBB2_9:
0xc9: {  	_ =	sfence.sel $0x180000  }
0xca: {  	[bflag:$0x0] =	sbarrier.arrive $0xFFFF  }
0xcb: {  	p0 =	sne.s32 s1, $0x0;
	_ =	strace $0x9000004D  }
0xcc: {  	s0 =	sadd.s32 @!p0 $0x100000, s0;
	[bflag:$0x2] =	sbarrier.arrive $0xFFFF  }
0xcd: {  	[sflag:s0] =	ssyncadd.tile.s32 @!p0 $0x1;
	_ =	shalt  }
.Lfunc_end2:
_tile_overlayer_lowered:
.L_overlay_start_2:
0xce: {  	(tag) =	ssettag $0x2  }
0xcf: {  	s0 =	rddreg [dreg:$0x0];
	s2 =	stileid.u32  }
0xd0: {  	s1 =	rddreg [dreg:$0x1];
	p0 =	sne.s32 s2, $0x0  }
0xd1: {  	s3 =	rddreg [dreg:$0x2];
	[bflag:$0x3] =	sbarrier.arrive $0xFFFF;
	s2 =	simm.s32 @!p0 $0x1C03  }
0xd2: {  	[timem:s3], [sflag:s2] =	dma.local @!p0 [hbm:s0], s1  }
0xd3: {  	s0 =	simm.s32 @!p0 $0x3  }
0xd4: {  	_ =	swait.ge @!p0 [sflag:s0], s1  }
0xd5: {  	s1 =	ssub.s32 @!p0 $0x0, s1;
	[sflag:s0] =	ssyncset.done @!p0 $0x0  }
0xd6: {  	[sflag:s0] =	ssyncadd.s32 @!p0 s1  }
0xd7: {  	[bflag:$0x3] =	sbarrier.arrive $0xFFFF  }
0xd8: {  	_ =	shalt  }

// kernel: kernel.25.cloned.1.call-start
scs
__scs_entry_jumppad:
0x0: {  	(pc) =	sbr.rel $0x88, $3  }
0x1: {  	(tag) =	ssettag $0x0;
	lr =	simm.s32 $0x1  }
0x2: {  	[smem:$0x3F8D] =	sst lr;
	_ =	strace $0xD0000000  }
0x3: {  	_ = 	snop  }
0x4: {  	_ = 	snop  }
0x5: {  	_ = 	snop  }
0x6: {  	_ = 	snop  }
0x7: {  	_ = 	snop  }
__scs_overlays_trampoline_lowered:
0x8: {  	[smem:$0x3F9C] =	sst s0  }
0x9: {  	[smem:$0x3F9D] =	sst s1  }
0xa: {  	[smem:$0x3F9E] =	sst s2  }
0xb: {  	[smem:$0x3F9F] =	sst s3  }
0xc: {  	[smem:$0x3FA0] =	sst s4  }
0xd: {  	[smem:$0x3FA1] =	sst s5  }
0xe: {  	[smem:$0x3FA2] =	sst s6  }
0xf: {  	[smem:$0x3FA3] =	sst s7  }
0x10: {  	[smem:$0x3FA4] =	sst s8  }
0x11: {  	[smem:$0x3FA5] =	sst s9;
	s0 =	simm.s32 @!p0 $0x0  }
0x12: {  	s1 =	sld [smem:$0x3F8B];
	s0 =	simm.s32 @p0 $0x1  }
0x13: {  	[smem:$0x3FA6] =	sst s0;
	s0 =	simm.s32 @!p1 $0x0  }
0x14: {  	s2 =	sld [smem:$0x3F8A];
	s0 =	simm.s32 @p1 $0x1  }
0x15: {  	[smem:$0x3FA7] =	sst s0;
	s0 =	simm.s32 @!p2 $0x0  }
0x16: {  	s3 =	sld [smem:$0x3FDB];
	s0 =	simm.s32 @p2 $0x1  }
0x17: {  	s4 =	simm.s32 $0x1BF5;
	[smem:$0x3FA9] =	sst s0  }
0x18: {  	s0 =	sld [smem:$0x3F8C];
	_ =	swait.ge [sflag:s4], $0x0  }
0x19: {  	s7 =	sld [smem:$0x3F8D]  }
0x1a: {  	s8 =	sadd.s32 $0xFFFFE003, lr  }
0x1b: {  	s9 =	sadd.s32 $0xFFFFFEF7, lr;
	s5 =	simm.s32 $0xFFFFFFFF;
	p2 =	slt.u32 s8, $0xFFFFF086  }
0x1c: {  	p1 =	slt.u32 s9, $0xF7A;
	s5 =	simm.s32 @!p2 $0x0  }
0x1d: {  	s5 =	simm.s32 @p1 $0x1;
	p0 =	seq.s32 s7, s2  }
0x1e: {  	s7 =	smul.u32 @!p0 $0xF7A, s2;
	p2 =	seq.s32 @!p0 s5, $0x0  }
0x1f: {  	s9 =	smul.u32 $0xF7A, s1;
	s8 =	simm.s32 @!p0 $0x1BF5;
	p2 =	por !p2, p0  }
0x20: {  	[sflag:s8] =	ssyncset.s32 @!p0 $0xFFFFF086;
	s6 =	sadd.s32 @!p0 s3, s7;
	s7 =	simm.s32 @!p0 $0x108  }
0x21: {  	s3 =	sadd.s32 s3, s9;
	s6 =	sadd.s32 @!p0 $0x88, s6;
	s7 =	simm.s32 @p2 $0x1082  }
0x22: {  	[simem:s7], [sflag:s8] =	dma.local @!p0 [hbm:s6], $0xF7A  }
0x23: {  	s9 =	sor.u32 $0xD0000000, s2;
	s6 =	simm.s32 $0x108;
	_ =	swait.ge @!p0 [sflag:s8], $0x0  }
0x24: {  	s3 =	sadd.s32 $0x88, s3;
	s6 =	simm.s32 @!p1 $0x1082;
	[sflag:s4] =	ssyncset.s32 $0xFFFFF086  }
0x25: {  	[simem:s6], [sflag:s4] =	dma.local [hbm:s3], $0xF7A  }
0x26: {  	[smem:$0x3F8D] =	sst s1;
	(tag) =	ssettag s2;
	_ =	strace s9  }
0x27: {  	s1 =	sld [smem:$0x3F9D]  }
0x28: {  	s2 =	sld [smem:$0x3F9E]  }
0x29: {  	s4 =	sld [smem:$0x3FA0]  }
0x2a: {  	p0 =	seq.s32 s5, $0x0;
	s5 =	sld [smem:$0x3FA1]  }
0x2b: {  	s6 =	sld [smem:$0x3FA2]  }
0x2c: {  	s7 =	sld [smem:$0x3FA3]  }
0x2d: {  	s3 =	simm.s32 $0x108;
	s8 =	sld [smem:$0x3FA4]  }
0x2e: {  	s3 =	simm.s32 @!p0 $0x1082;
	s9 =	sld [smem:$0x3FA5]  }
0x2f: {  	lr =	sadd.s32 s0, s3;
	s0 =	sld [smem:$0x3F9C]  }
0x30: {  	s3 =	sld [smem:$0x3F9F]  }
0x31: {  	[smem:$0x3FA8] =	sst s10  }
0x32: {  	s10 =	sld [smem:$0x3FA6];
	_ =	sdelay $0x3  }
0x33: {  	p0 =	seq.s32 s10, $0x1;
	s10 =	sld [smem:$0x3FA8];
	_ =	sdelay $0x3  }
0x34: {  	[smem:$0x3FA8] =	sst s10  }
0x35: {  	s10 =	sld [smem:$0x3FA7];
	_ =	sdelay $0x3  }
0x36: {  	p1 =	seq.s32 s10, $0x1;
	s10 =	sld [smem:$0x3FA8];
	_ =	sdelay $0x3  }
0x37: {  	[smem:$0x3FA8] =	sst s10  }
0x38: {  	s10 =	sld [smem:$0x3FA9]  }
0x39: {  	_ = 	snop;
	(pc) =	sbr.ind lr, $3  }
0x3a: {  	_ = 	snop  }
0x3b: {  	_ = 	snop  }
0x3c: {  	p2 =	seq.s32 s10, $0x1;
	s10 =	sld [smem:$0x3FA8]  }
0x3d: {  	_ =	shalt  }
0x3e: {  	_ =	shalt  }
0x3f: {  	_ =	shalt  }
0x40: {  	_ =	shalt  }
0x41: {  	_ =	shalt  }
0x42: {  	_ =	shalt  }
0x43: {  	_ =	shalt  }
0x44: {  	_ =	shalt  }
0x45: {  	_ =	shalt  }
0x46: {  	_ =	shalt  }
0x47: {  	_ =	shalt  }
0x48: {  	_ =	shalt  }
0x49: {  	_ =	shalt  }
0x4a: {  	_ =	shalt  }
0x4b: {  	_ =	shalt  }
0x4c: {  	_ =	shalt  }
0x4d: {  	_ =	shalt  }
0x4e: {  	_ =	shalt  }
0x4f: {  	_ =	shalt  }
0x50: {  	_ =	shalt  }
0x51: {  	_ =	shalt  }
0x52: {  	_ =	shalt  }
0x53: {  	_ =	shalt  }
0x54: {  	_ =	shalt  }
0x55: {  	_ =	shalt  }
0x56: {  	_ =	shalt  }
0x57: {  	_ =	shalt  }
0x58: {  	_ =	shalt  }
0x59: {  	_ =	shalt  }
0x5a: {  	_ =	shalt  }
0x5b: {  	_ =	shalt  }
0x5c: {  	_ =	shalt  }
0x5d: {  	_ =	shalt  }
0x5e: {  	_ =	shalt  }
0x5f: {  	_ =	shalt  }
0x60: {  	_ =	shalt  }
0x61: {  	_ =	shalt  }
0x62: {  	_ =	shalt  }
0x63: {  	_ =	shalt  }
0x64: {  	_ =	shalt  }
0x65: {  	_ =	shalt  }
0x66: {  	_ =	shalt  }
0x67: {  	_ =	shalt  }
0x68: {  	_ =	shalt  }
0x69: {  	_ =	shalt  }
0x6a: {  	_ =	shalt  }
0x6b: {  	_ =	shalt  }
0x6c: {  	_ =	shalt  }
0x6d: {  	_ =	shalt  }
0x6e: {  	_ =	shalt  }
0x6f: {  	_ =	shalt  }
0x70: {  	_ =	shalt  }
0x71: {  	_ =	shalt  }
0x72: {  	_ =	shalt  }
0x73: {  	_ =	shalt  }
0x74: {  	_ =	shalt  }
0x75: {  	_ =	shalt  }
0x76: {  	_ =	shalt  }
0x77: {  	_ =	shalt  }
0x78: {  	_ =	shalt  }
0x79: {  	_ =	shalt  }
0x7a: {  	_ =	shalt  }
0x7b: {  	_ =	shalt  }
0x7c: {  	_ =	shalt  }
0x7d: {  	_ =	shalt  }
0x7e: {  	_ =	shalt  }
0x7f: {  	_ =	shalt  }
0x80: {  	_ =	shalt  }
0x81: {  	_ =	shalt  }
0x82: {  	_ =	shalt  }
0x83: {  	_ =	shalt  }
0x84: {  	_ =	shalt  }
0x85: {  	_ =	shalt  }
0x86: {  	_ =	shalt  }
0x87: {  	_ =	shalt  }
.Lfunc_end0:
.L_simem_size_0:
called_computation.3_lowered:
.L_overlay_start_0:
0x88: {  	s2 =	sld [smem:$0x3FD9]  }
0x89: {  	s3 =	sld [smem:$0x3FFE];
	_ =	sdelay $0x1  }
0x8a: {  	s1 =	srdreg.scid  }
0x8b: {  	s0 =	sand.u32 $0x1, s1  }
0x8c: {  	s15 =	sshll.u32 s0, $0xA;
	s2 =	sadd.s32 s3, s2  }
0x8d: {  	s2 =	sadd.s32 s2, s15  }
0x8e: {  	[smem:$0x3FB4] =	sst s2  }
0x8f: {  	_ = 	snop  }
0x90: {  	s2 =	sld [smem:$0x3FD0];
	_ =	sdelay $0x2  }
0x91: {  	s16 =	simm.s32 $0xE;
	s4 =	simm.s32 $0x10  }
0x92: {  	[smem:s4], [sflag:s16] =	dma.local [hbm:s2], $0x1  }
0x93: {  	_ =	swait.eq [sflag:s16], $0x1  }
0x94: {  	[sflag:s16] =	ssyncset.done $0x0  }
0x95: {  	[sflag:s16] =	ssyncadd.s32 $0xFFFFFFFF  }
0x96: {  	s17 =	sld [smem:$0x10];
	(tm) =	ssettm $0x1  }
0x97: {  	s18 =	sld [smem:$0x3FFB];
	_ =	sdelay $0x3  }
0x98: {  	_ =	strace s18  }
0x99: {  	s2 =	sld [smem:$0x3FFC];
	_ =	sdelay $0x3  }
0x9a: {  	_ =	strace s2  }
0x9b: {  	s2 =	sld [smem:$0x3FFD];
	_ =	sdelay $0x3  }
0x9c: {  	_ =	strace s2  }
0x9d: {  	_ =	strace $0x8FFFFFFF  }
0x9e: {  	s19 =	sld [smem:$0x3FDB];
	_ =	sdelay $0x1  }
0x9f: {  	s20 =	simm.s32 $_scs_section_size  }
0xa0: {  	s5 =	simm.s32 $_size__tile_overlayer_lowered;
	s6 =	simm.s32 $_tile_overlayer_lowered  }
0xa1: {  	s7 =	simm.s32 $0x1BFF;
	s21 =	sshll.u32 s6, $0x1;
	s4 =	sadd.s32 s20, s19  }
0xa2: {  	s22 =	simm.s32 $0x0;
	s5 =	sshll.u32 s5, $0x1;
	s6 =	sadd.s32 s21, s4  }
0xa3: {  	[timem:s22], [sflag:s7] =	dma.local [hbm:s6], s5  }
0xa4: {  	_ =	swait.ge [sflag:s7], s5  }
0xa5: {  	s5 =	ssub.s32 $0x0, s5;
	[sflag:s7] =	ssyncset.done $0x0  }
0xa6: {  	[sflag:s7] =	ssyncadd.s32 s5;
	_ =	sdelay $0x1  }
0xa7: {  	s23 =	simm.s32 $0x1B8B  }
0xa8: {  	_ =	swait.ge [sflag:s23], $0x1  }
0xa9: {  	[sflag:s23] =	ssyncset.done $0x0  }
0xaa: {  	[sflag:s23] =	ssyncadd.s32 $0xFFFFFFFF  }
0xab: {  	s5 =	sld [smem:$0x0]  }
0xac: {  	s6 =	sand.u32 $0xFFFFFFFE, s1  }
0xad: {  	p0 =	sne.s32 s1, s6  }
0xae: {  	s6 =	sshll.u32 @p0 s6, $0xE  }
0xaf: {  	s6 =	sadd.s32 @p0 $0x11B8D, s6;
	s7 =	sshll.u32 @p0 s5, $0x11  }
0xb0: {  	s6 =	sor.u32 @p0 s7, s6  }
0xb1: {  	[sflag:s6] =	ssyncadd.remote.s32 @p0 $0x1;
	_ =	sdelay $0x1  }
0xb2: {  	s6 =	simm.s32 @p0 $0x1B8D  }
0xb3: {  	_ =	swait.eq @p0 [sflag:s6], $0x1  }
0xb4: {  	[sflag:s6] =	ssyncadd.s32 @p0 $0xFFFFFFFF  }
0xb5: {  	s7 =	sshll.u32 @!p0 s1, $0xE  }
0xb6: {  	s7 =	sor.u32 @!p0 $0x4000, s7;
	s6 =	simm.s32 @!p0 $0x1B8D  }
0xb7: {  	s5 =	sshll.u32 @!p0 s5, $0x11;
	s7 =	sadd.s32 @!p0 $0x11B8D, s7;
	_ =	swait.eq @!p0 [sflag:s6], $0x1  }
0xb8: {  	s5 =	sor.u32 @!p0 s5, s7;
	[sflag:s6] =	ssyncadd.s32 @!p0 $0xFFFFFFFF  }
0xb9: {  	s25 =	simm.s32 $0x1B8E;
	s24 =	sld [smem:$0x3FFE];
	[sflag:s5] =	ssyncadd.remote.s32 @!p0 $0x1  }
0xba: {  	s26 =	simm.s32 $execute0_lowered;
	[smem:$0x3FD2] =	sst s25  }
0xbb: {  	s6 =	sshll.u32 s26, $0x1;
	_ =	strace $0x8000004F;
	[dreg:$0x1] =	wrdreg $0xFFFFFFFF  }
0xbc: {  	s28 =	simm.s32 $_size_execute0_lowered;
	s4 =	sadd.s32 s4, s6;
	[dreg:$0x0] =	wrdreg $0x0  }
0xbd: {  	s6 =	sshll.u32 s28, $0x1;
	[dreg:$0x2] =	wrdreg s4  }
0xbe: {  	[dreg:$0x3] =	wrdreg s6  }
0xbf: {  	[dreg:$0x4] =	wrdreg $0xC0  }
0xc0: {  	_ =	task [dreg:s22], $0x5FFFF  }
0xc1: {  	[dreg:$0x1] =	wrdreg $0xFFFFFFFF  }
0xc2: {  	[dreg:$0x0] =	wrdreg $0x60  }
0xc3: {  	[dreg:$0x2] =	wrdreg s17  }
0xc4: {  	[dreg:$0x3] =	wrdreg s24  }
0xc5: {  	[dreg:$0x4] =	wrdreg $0x51000  }
0xc6: {  	[dreg:$0x5] =	wrdreg $0x9  }
0xc7: {  	_ =	task.clear_ibuf [dreg:s22], $0x6FFFF;
	_ =	strace $0x9000004F  }
0xc8: {  	s29 =	simm.s32 $0x9;
	_ =	strace $0x80000051  }
0xc9: {  	_ =	swait.ge [sflag:s29], $0x1  }
0xca: {  	[sflag:s29] =	ssyncadd.s32 $0xFFFFFFFF  }
0xcb: {  	_ =	strace $0x90000051  }
0xcc: {  	_ =	sfence  }
0xcd: {  	s30 =	sld [smem:$0x0];
	_ =	sdelay $0x2  }
0xce: {  	s31 =	sshll.u32 s1, $0xD;
	s1 =	sshrl.u32 s1, $0x2  }
0xcf: {  	s4 =	sand.u32 $0x4000, s31;
	s1 =	sadd.s32 s1, s30  }
0xd0: {  	s0 =	sor.u32 s4, s0;
	s1 =	sshll.u32 s1, $0x11  }
0xd1: {  	s0 =	sor.u32 s1, s0  }
0xd2: {  	s0 =	sadd.s32 $0x8F2B, s0  }
0xd3: {  	[sflag:s0] =	ssyncadd.remote.s32 $0x1  }
0xd4: {  	_ =	sfence.sel $0xFFFF  }
0xd5: {  	[dreg:$0x0] =	wrdreg $0xFFFFFFFF;
	(pc) =	sbr.abs _section_cstart, $3  }
0xd6: {  	[dreg:$0x1] =	wrdreg $0xFFFFFFFF  }
0xd7: {  	_ =	task.clear_ibuf [dreg:s22], $0x2FFFF;
	_ =	strace $0x9FFFFFFF  }
0xd8: {  	(tm) =	ssettm $0x7FFFFFFF  }
0xd9: {  	_ =	shalt  }
tec
execute0_lowered:
.L_overlay_start_1:
0x0: {  	(tag) =	ssettag $0x1  }
0x1: {  	s5 =	rddreg [dreg:$0x0]  }
0x2: {  	s7 =	rddreg [dreg:$0x1]  }
0x3: {  	s2 =	rddreg [dreg:$0x2]  }
0x4: {  	s0 =	rddreg [dreg:$0x3];
	s3 =	simm.s32 $0x0  }
0x5: {  	s1 =	stileid.u32;
	s8 =	srdreg.scid;
	s17 =	simm.s32 $0x50  }
0x6: {  	s18 =	simm.s32 $0x100;
	s19 =	simm.s32 $0x80;
	s4 =	smul.u32 $0x2800, s1  }
0x7: {  	s20 =	simm.s32 $0x2900;
	s21 =	simm.s32 $0x1;
	s6 =	smul.u32 $0x1F4, s1  }
0x8: {  	s22 =	simm.s32 $0x2;
	s23 =	simm.s32 $0x0;
	s9 =	smul.u32 $0xFA00, s1  }
0x9: {  	[smem:$0x7FF] =	sst s3;
	s8 =	sand.u32 $0x1, s8;
	s12 =	smul.u32 $0x50000, s1  }
0xa: {  	s16 =	sadd.s32 $0x12C000, s2;
	p1 =	seq.s32 s1, $0xF;
	_ =	strace $0x80000050  }
0xb: {  	s11 =	ssub.s32 $0x2, s8;
	p0 =	seq.s32 s8, $0x1;
	s10 =	sadd.s32 s4, s7  }
0xc: {  	s13 =	sadd.s32 s6, s7;
	s14 =	sadd.s32 s9, s7;
	s29 =	sshrl.u32 s11, $0x1  }
0xd: {  	s31 =	sshrl.u32 s12, $0x2;
	s4 =	sadd.s32 s5, s4;
	s5 =	sadd.s32 $0x25800, s5  }
.Ltmp0:
0xe: {  	s7 =	sadd.s32 $0x3E200, s7;
	s30 =	ssub.s32 s11, s29;
	(pc) =	sbr.rel .LBB2_1-.Ltmp0, $4  }
0xf: {  	s15 =	sadd.s32 s31, s2;
	s6 =	sadd.s32 $0x18A00, s10;
	s9 =	sadd.s32 $0x61BC00, s14  }
0x10: {  	s10 =	sadd.s32 $0x12A00, s13;
	s11 =	sadd.s32 $0x715C00, s14;
	s14 =	sshll.u32 @!p1 s1, $0x6  }
0x11: {  	s12 =	sadd.s32 $0x10A00, s13;
	s13 =	sshrl.u32 @p1 s16, $0x3;
	s16 =	simm.s32 $0x3  }
0x12: {  	s8 =	smax.u32 s30, $0x1;
	s14 =	sor.u32 @!p1 $0x1C03, s14;
	s15 =	sshrl.u32 @!p1 s15, $0x3  }
.LBB2_7:
0x13: {  	s25 =	sadd.s32 s25, s12;
	[sflag:s16] =	ssyncadd.s32 $0xFFFFD800  }
0x14: {  	[tilespmem:s3], [sflag:$0x3] =	stream.linear.gather [hbm4b:s25+s3], $0x50, $0x38;
	[tilespmem:$0x18980] =	vst v63  }
0x15: {  	_ =	swait.ge [sflag:s16], $0x50  }
0x16: {  	[sflag:s16] =	ssyncset.done $0x0  }
0x17: {  	[sflag:s16] =	ssyncadd.s32 $0xFFFFFFB0  }
0x18: {  	[tilespmem:s18], [sflag:$0x1] =	stream.indirect.gather [spmem:s2], $0x80, s3, s17, $0xb8;
	[tilespmem:$0x18980] =	vst v63  }
0x19: {  	s25 =	sadd.s32 $0xA, s25  }
0x1a: {  	[tilespmem:s19], [sflag:$0x3] =	stream.linear.gather [hbm4b:s25+s3], $0x50, $0x38;
	[tilespmem:$0x18980] =	vst v63  }
0x1b: {  	_ =	swait.ge [sflag:s16], $0x50  }
0x1c: {  	[sflag:s16] =	ssyncset.done $0x0  }
0x1d: {  	[sflag:s16] =	ssyncadd.s32 $0xFFFFFFB0  }
0x1e: {  	[tilespmem:s20], [sflag:$0x2] =	stream.indirect.gather [spmem:s2], $0x80, s19, s17, $0xb8;
	[tilespmem:$0x18980] =	vst v63  }
0x1f: {  	_ =	swait.ge [sflag:s21], $0x2800  }
0x20: {  	[sflag:s21] =	ssyncset.done $0x0  }
0x21: {  	[sflag:s21] =	ssyncadd.s32 $0xFFFFD800  }
0x22: {  	[hbm4b:s24+s3] =	stream.linear.scatter [tilespmem:s18], [sflag:$0x3], $0x2800, $0x38;
	[tilespmem:$0x18980] =	vst v63  }
0x23: {  	_ =	swait.ge [sflag:s16], $0x2800  }
0x24: {  	[sflag:s16] =	ssyncset.done $0x0  }
0x25: {  	[sflag:s16] =	ssyncadd.s32 $0xFFFFD800  }
0x26: {  	_ =	swait.ge [sflag:s22], $0x2800  }
0x27: {  	[sflag:s22] =	ssyncset.done $0x0  }
0x28: {  	s31 =	sadd.s32 $0x500, s24;
	[sflag:s22] =	ssyncadd.s32 $0xFFFFD800  }
0x29: {  	[hbm4b:s31+s3] =	stream.linear.scatter [tilespmem:s20], [sflag:$0x3], $0x2800, $0x38;
	[tilespmem:$0x18980] =	vst v63  }
0x2a: {  	_ =	swait.ge [sflag:s16], $0x2800  }
0x2b: {  	[sflag:s16] =	ssyncset.done $0x0  }
0x2c: {  	[sflag:s16] =	ssyncadd.s32 $0xFFFFD800  }
.LBB2_8:
0x2d: {  	s23 =	sadd.s32 $0x1, s23  }
0x2e: {  	p2 =	sne.s32 s23, s8  }
.Ltmp1:
0x2f: {  	_ = 	snop;
	(pc) =	sbr.rel @!p2 .LBB2_9-.Ltmp1, $1  }
0x30: {  	_ =	sdelay $0x3  }
.LBB2_1:
.Ltmp2:
0x31: {  	(pc) =	sbr.rel @!p0 .LBB2_2-.Ltmp2, $1  }
0x32: {  	_ =	sdelay $0x3  }
0x33: {  	s24 =	simm.s32 @p1 $0x1FC3  }
0x34: {  	[spmem:s13], [sflag:s24] =	dma.local @p1 [hbm:s7], $0x1900  }
0x35: {  	s24 =	simm.s32 @p1 $0x3  }
0x36: {  	_ =	swait.ge @p1 [sflag:s24], $0x1900  }
0x37: {  	[sflag:s24] =	ssyncset.done @p1 $0x0  }
0x38: {  	[sflag:s24] =	ssyncadd.s32 @p1 $0xFFFFE700;
	s24 =	simm.s32 @!p1 $0x3  }
0x39: {  	[spmem:s15], [sflag:s14] =	dma.local @!p1 [hbm:s6], $0x2800  }
0x3a: {  	_ =	swait.ge @!p1 [sflag:s24], $0x2800  }
0x3b: {  	[sflag:s24] =	ssyncset.done @!p1 $0x0  }
0x3c: {  	[sflag:s24] =	ssyncadd.s32 @!p1 $0xFFFFD800  }
0x3d: {  	s30 =	sadd.s32 $0x0, s12;
	[bflag:$0x0] =	sbarrier.arrive $0xFFFF  }
0x3e: {  	[tilespmem:s3], [sflag:$0x3] =	stream.linear.gather [hbm4b:s30+s3], $0x50, $0x38;
	[tilespmem:$0x18980] =	vst v63  }
0x3f: {  	_ =	swait.ge [sflag:s16], $0x50  }
0x40: {  	[sflag:s16] =	ssyncset.done $0x0  }
0x41: {  	[sflag:s16] =	ssyncadd.s32 $0xFFFFFFB0  }
0x42: {  	[tilespmem:s18], [sflag:$0x1] =	stream.indirect.gather [spmem:s2], $0x80, s3, s17, $0xb8;
	[tilespmem:$0x18980] =	vst v63  }
0x43: {  	s24 =	sadd.s32 $0xA, s30  }
0x44: {  	[tilespmem:s19], [sflag:$0x3] =	stream.linear.gather [hbm4b:s24+s3], $0x50, $0x38;
	[tilespmem:$0x18980] =	vst v63  }
0x45: {  	_ =	swait.ge [sflag:s16], $0x50  }
0x46: {  	[sflag:s16] =	ssyncset.done $0x0  }
0x47: {  	[sflag:s16] =	ssyncadd.s32 $0xFFFFFFB0  }
0x48: {  	[tilespmem:s20], [sflag:$0x2] =	stream.indirect.gather [spmem:s2], $0x80, s19, s17, $0xb8;
	[tilespmem:$0x18980] =	vst v63  }
0x49: {  	_ =	swait.ge [sflag:s21], $0x2800  }
0x4a: {  	[sflag:s21] =	ssyncset.done $0x0  }
0x4b: {  	[sflag:s21] =	ssyncadd.s32 $0xFFFFD800  }
0x4c: {  	[hbm4b:s11+s3] =	stream.linear.scatter [tilespmem:s18], [sflag:$0x3], $0x2800, $0x38;
	[tilespmem:$0x18980] =	vst v63  }
0x4d: {  	_ =	swait.ge [sflag:s16], $0x2800  }
0x4e: {  	[sflag:s16] =	ssyncset.done $0x0  }
0x4f: {  	[sflag:s16] =	ssyncadd.s32 $0xFFFFD800  }
0x50: {  	_ =	swait.ge [sflag:s22], $0x2800  }
0x51: {  	[sflag:s22] =	ssyncset.done $0x0  }
0x52: {  	s31 =	sadd.s32 $0x500, s11;
	[sflag:s22] =	ssyncadd.s32 $0xFFFFD800  }
0x53: {  	[hbm4b:s31+s3] =	stream.linear.scatter [tilespmem:s20], [sflag:$0x3], $0x2800, $0x38;
	[tilespmem:$0x18980] =	vst v63  }
0x54: {  	s25 =	simm.s32 $0x14;
	_ =	swait.ge [sflag:s16], $0x2800  }
0x55: {  	s26 =	simm.s32 $0x28;
	s24 =	sadd.s32 $0xA00, s11;
	[sflag:s16] =	ssyncset.done $0x0  }
.LBB2_6:
0x56: {  	s28 =	sadd.s32 s25, s12  }
0x57: {  	[sflag:s16] =	ssyncadd.s32 $0xFFFFD800;
	s25 =	smov.u32 s26;
	s29 =	sadd.s32 $0x14, s26  }
0x58: {  	[tilespmem:s3], [sflag:$0x3] =	stream.linear.gather [hbm4b:s28+s3], $0x50, $0x38;
	[tilespmem:$0x18980] =	vst v63  }
0x59: {  	p2 =	sne.s32 s26, $0x1E0;
	_ =	swait.ge [sflag:s16], $0x50  }
0x5a: {  	[sflag:s16] =	ssyncset.done $0x0  }
0x5b: {  	[sflag:s16] =	ssyncadd.s32 $0xFFFFFFB0  }
0x5c: {  	[tilespmem:s18], [sflag:$0x1] =	stream.indirect.gather [spmem:s2], $0x80, s3, s17, $0xb8;
	[tilespmem:$0x18980] =	vst v63  }
0x5d: {  	s26 =	sadd.s32 $0xA, s28  }
0x5e: {  	[tilespmem:s19], [sflag:$0x3] =	stream.linear.gather [hbm4b:s26+s3], $0x50, $0x38;
	[tilespmem:$0x18980] =	vst v63  }
0x5f: {  	_ =	swait.ge [sflag:s16], $0x50  }
0x60: {  	[sflag:s16] =	ssyncset.done $0x0  }
0x61: {  	[sflag:s16] =	ssyncadd.s32 $0xFFFFFFB0  }
0x62: {  	[tilespmem:s20], [sflag:$0x2] =	stream.indirect.gather [spmem:s2], $0x80, s19, s17, $0xb8;
	[tilespmem:$0x18980] =	vst v63  }
0x63: {  	_ =	swait.ge [sflag:s21], $0x2800  }
0x64: {  	[sflag:s21] =	ssyncset.done $0x0  }
0x65: {  	[sflag:s21] =	ssyncadd.s32 $0xFFFFD800  }
0x66: {  	[hbm4b:s24+s3] =	stream.linear.scatter [tilespmem:s18], [sflag:$0x3], $0x2800, $0x38;
	[tilespmem:$0x18980] =	vst v63  }
0x67: {  	_ =	swait.ge [sflag:s16], $0x2800  }
0x68: {  	[sflag:s16] =	ssyncset.done $0x0  }
0x69: {  	[sflag:s16] =	ssyncadd.s32 $0xFFFFD800  }
0x6a: {  	_ =	swait.ge [sflag:s22], $0x2800  }
.Ltmp3:
0x6b: {  	[sflag:s22] =	ssyncset.done $0x0;
	(pc) =	sbr.rel @p2 .LBB2_6-.Ltmp3, $4  }
0x6c: {  	s26 =	sadd.s32 $0x500, s24;
	[sflag:s22] =	ssyncadd.s32 $0xFFFFD800  }
0x6d: {  	[hbm4b:s26+s3] =	stream.linear.scatter [tilespmem:s20], [sflag:$0x3], $0x2800, $0x38;
	[tilespmem:$0x18980] =	vst v63  }
0x6e: {  	_ =	swait.ge [sflag:s16], $0x2800  }
0x6f: {  	s24 =	sadd.s32 $0xA00, s24;
	s26 =	smov.u32 s29;
	[sflag:s16] =	ssyncset.done $0x0  }
.Ltmp4:
0x70: {  	_ = 	snop;
	(pc) =	sbr.rel .LBB2_7-.Ltmp4, $1  }
0x71: {  	_ =	sdelay $0x3  }
.LBB2_2:
0x72: {  	s24 =	simm.s32 @p1 $0x1FC3  }
0x73: {  	[spmem:s13], [sflag:s24] =	dma.local @p1 [hbm:s5], $0x1900  }
0x74: {  	s24 =	simm.s32 @p1 $0x3  }
0x75: {  	_ =	swait.ge @p1 [sflag:s24], $0x1900  }
0x76: {  	[sflag:s24] =	ssyncset.done @p1 $0x0  }
0x77: {  	[sflag:s24] =	ssyncadd.s32 @p1 $0xFFFFE700;
	s24 =	simm.s32 @!p1 $0x3  }
0x78: {  	[spmem:s15], [sflag:s14] =	dma.local @!p1 [hbm:s4], $0x2800  }
0x79: {  	_ =	swait.ge @!p1 [sflag:s24], $0x2800  }
0x7a: {  	[sflag:s24] =	ssyncset.done @!p1 $0x0  }
0x7b: {  	[sflag:s24] =	ssyncadd.s32 @!p1 $0xFFFFD800  }
0x7c: {  	s30 =	sadd.s32 $0x0, s10;
	[bflag:$0x0] =	sbarrier.arrive $0xFFFF  }
0x7d: {  	[tilespmem:s3], [sflag:$0x3] =	stream.linear.gather [hbm4b:s30+s3], $0x50, $0x38;
	[tilespmem:$0x18980] =	vst v63  }
0x7e: {  	_ =	swait.ge [sflag:s16], $0x50  }
0x7f: {  	[sflag:s16] =	ssyncset.done $0x0  }
0x80: {  	[sflag:s16] =	ssyncadd.s32 $0xFFFFFFB0  }
0x81: {  	[tilespmem:s18], [sflag:$0x1] =	stream.indirect.gather [spmem:s2], $0x80, s3, s17, $0xb8;
	[tilespmem:$0x18980] =	vst v63  }
0x82: {  	s24 =	sadd.s32 $0xA, s30  }
0x83: {  	[tilespmem:s19], [sflag:$0x3] =	stream.linear.gather [hbm4b:s24+s3], $0x50, $0x38;
	[tilespmem:$0x18980] =	vst v63  }
0x84: {  	_ =	swait.ge [sflag:s16], $0x50  }
0x85: {  	[sflag:s16] =	ssyncset.done $0x0  }
0x86: {  	[sflag:s16] =	ssyncadd.s32 $0xFFFFFFB0  }
0x87: {  	[tilespmem:s20], [sflag:$0x2] =	stream.indirect.gather [spmem:s2], $0x80, s19, s17, $0xb8;
	[tilespmem:$0x18980] =	vst v63  }
0x88: {  	_ =	swait.ge [sflag:s21], $0x2800  }
0x89: {  	[sflag:s21] =	ssyncset.done $0x0  }
0x8a: {  	[sflag:s21] =	ssyncadd.s32 $0xFFFFD800  }
0x8b: {  	[hbm4b:s9+s3] =	stream.linear.scatter [tilespmem:s18], [sflag:$0x3], $0x2800, $0x38;
	[tilespmem:$0x18980] =	vst v63  }
0x8c: {  	_ =	swait.ge [sflag:s16], $0x2800  }
0x8d: {  	[sflag:s16] =	ssyncset.done $0x0  }
0x8e: {  	[sflag:s16] =	ssyncadd.s32 $0xFFFFD800  }
0x8f: {  	_ =	swait.ge [sflag:s22], $0x2800  }
0x90: {  	[sflag:s22] =	ssyncset.done $0x0  }
0x91: {  	s31 =	sadd.s32 $0x500, s9;
	[sflag:s22] =	ssyncadd.s32 $0xFFFFD800  }
0x92: {  	[hbm4b:s31+s3] =	stream.linear.scatter [tilespmem:s20], [sflag:$0x3], $0x2800, $0x38;
	[tilespmem:$0x18980] =	vst v63  }
0x93: {  	s25 =	simm.s32 $0x14;
	_ =	swait.ge [sflag:s16], $0x2800  }
0x94: {  	s26 =	simm.s32 $0x28;
	s24 =	sadd.s32 $0xA00, s9;
	[sflag:s16] =	ssyncset.done $0x0  }
.LBB2_3:
0x95: {  	s28 =	sadd.s32 s25, s10  }
0x96: {  	[sflag:s16] =	ssyncadd.s32 $0xFFFFD800;
	s25 =	smov.u32 s26;
	s29 =	sadd.s32 $0x14, s26  }
0x97: {  	[tilespmem:s3], [sflag:$0x3] =	stream.linear.gather [hbm4b:s28+s3], $0x50, $0x38;
	[tilespmem:$0x18980] =	vst v63  }
0x98: {  	p2 =	seq.s32 s26, $0x1E0;
	_ =	swait.ge [sflag:s16], $0x50  }
0x99: {  	[sflag:s16] =	ssyncset.done $0x0  }
0x9a: {  	[sflag:s16] =	ssyncadd.s32 $0xFFFFFFB0  }
0x9b: {  	[tilespmem:s18], [sflag:$0x1] =	stream.indirect.gather [spmem:s2], $0x80, s3, s17, $0xb8;
	[tilespmem:$0x18980] =	vst v63  }
0x9c: {  	s26 =	sadd.s32 $0xA, s28  }
0x9d: {  	[tilespmem:s19], [sflag:$0x3] =	stream.linear.gather [hbm4b:s26+s3], $0x50, $0x38;
	[tilespmem:$0x18980] =	vst v63  }
0x9e: {  	_ =	swait.ge [sflag:s16], $0x50  }
0x9f: {  	[sflag:s16] =	ssyncset.done $0x0  }
0xa0: {  	[sflag:s16] =	ssyncadd.s32 $0xFFFFFFB0  }
0xa1: {  	[tilespmem:s20], [sflag:$0x2] =	stream.indirect.gather [spmem:s2], $0x80, s19, s17, $0xb8;
	[tilespmem:$0x18980] =	vst v63  }
0xa2: {  	_ =	swait.ge [sflag:s21], $0x2800  }
0xa3: {  	[sflag:s21] =	ssyncset.done $0x0  }
0xa4: {  	[sflag:s21] =	ssyncadd.s32 $0xFFFFD800  }
0xa5: {  	[hbm4b:s24+s3] =	stream.linear.scatter [tilespmem:s18], [sflag:$0x3], $0x2800, $0x38;
	[tilespmem:$0x18980] =	vst v63  }
0xa6: {  	_ =	swait.ge [sflag:s16], $0x2800  }
0xa7: {  	[sflag:s16] =	ssyncset.done $0x0  }
0xa8: {  	[sflag:s16] =	ssyncadd.s32 $0xFFFFD800  }
0xa9: {  	_ =	swait.ge [sflag:s22], $0x2800  }
.Ltmp5:
0xaa: {  	[sflag:s22] =	ssyncset.done $0x0;
	(pc) =	sbr.rel @!p2 .LBB2_3-.Ltmp5, $4  }
0xab: {  	s26 =	sadd.s32 $0x500, s24;
	[sflag:s22] =	ssyncadd.s32 $0xFFFFD800  }
0xac: {  	[hbm4b:s26+s3] =	stream.linear.scatter [tilespmem:s20], [sflag:$0x3], $0x2800, $0x38;
	[tilespmem:$0x18980] =	vst v63  }
0xad: {  	_ =	swait.ge [sflag:s16], $0x2800  }
0xae: {  	s24 =	sadd.s32 $0xA00, s24;
	s26 =	smov.u32 s29;
	[sflag:s16] =	ssyncset.done $0x0  }
0xaf: {  	s25 =	sadd.s32 s25, s10;
	[sflag:s16] =	ssyncadd.s32 $0xFFFFD800  }
0xb0: {  	[tilespmem:s3], [sflag:$0x3] =	stream.linear.gather [hbm4b:s25+s3], $0x50, $0x38;
	[tilespmem:$0x18980] =	vst v63  }
0xb1: {  	_ =	swait.ge [sflag:s16], $0x50  }
0xb2: {  	[sflag:s16] =	ssyncset.done $0x0  }
0xb3: {  	[sflag:s16] =	ssyncadd.s32 $0xFFFFFFB0  }
0xb4: {  	[tilespmem:s18], [sflag:$0x1] =	stream.indirect.gather [spmem:s2], $0x80, s3, s17, $0xb8;
	[tilespmem:$0x18980] =	vst v63  }
0xb5: {  	s25 =	sadd.s32 $0xA, s25  }
0xb6: {  	[tilespmem:s19], [sflag:$0x3] =	stream.linear.gather [hbm4b:s25+s3], $0x50, $0x38;
	[tilespmem:$0x18980] =	vst v63  }
0xb7: {  	_ =	swait.ge [sflag:s16], $0x50  }
0xb8: {  	[sflag:s16] =	ssyncset.done $0x0  }
0xb9: {  	[sflag:s16] =	ssyncadd.s32 $0xFFFFFFB0  }
0xba: {  	[tilespmem:s20], [sflag:$0x2] =	stream.indirect.gather [spmem:s2], $0x80, s19, s17, $0xb8;
	[tilespmem:$0x18980] =	vst v63  }
0xbb: {  	_ =	swait.ge [sflag:s21], $0x2800  }
0xbc: {  	[sflag:s21] =	ssyncset.done $0x0  }
0xbd: {  	[sflag:s21] =	ssyncadd.s32 $0xFFFFD800  }
0xbe: {  	[hbm4b:s24+s3] =	stream.linear.scatter [tilespmem:s18], [sflag:$0x3], $0x2800, $0x38;
	[tilespmem:$0x18980] =	vst v63  }
0xbf: {  	_ =	swait.ge [sflag:s16], $0x2800  }
0xc0: {  	[sflag:s16] =	ssyncset.done $0x0  }
0xc1: {  	[sflag:s16] =	ssyncadd.s32 $0xFFFFD800  }
0xc2: {  	_ =	swait.ge [sflag:s22], $0x2800  }
0xc3: {  	[sflag:s22] =	ssyncset.done $0x0  }
.Ltmp6:
0xc4: {  	s31 =	sadd.s32 $0x500, s24;
	[sflag:s22] =	ssyncadd.s32 $0xFFFFD800;
	(pc) =	sbr.rel .LBB2_8-.Ltmp6, $4  }
0xc5: {  	[hbm4b:s31+s3] =	stream.linear.scatter [tilespmem:s20], [sflag:$0x3], $0x2800, $0x38;
	[tilespmem:$0x18980] =	vst v63  }
0xc6: {  	_ =	swait.ge [sflag:s16], $0x2800  }
0xc7: {  	[sflag:s16] =	ssyncset.done $0x0  }
0xc8: {  	[sflag:s16] =	ssyncadd.s32 $0xFFFFD800  }
.LBB2_9:
0xc9: {  	_ =	sfence.sel $0x180000  }
0xca: {  	[bflag:$0x0] =	sbarrier.arrive $0xFFFF  }
0xcb: {  	p0 =	sne.s32 s1, $0x0;
	_ =	strace $0x90000050  }
0xcc: {  	s0 =	sadd.s32 @!p0 $0x100000, s0;
	[bflag:$0x2] =	sbarrier.arrive $0xFFFF  }
0xcd: {  	[sflag:s0] =	ssyncadd.tile.s32 @!p0 $0x1;
	_ =	shalt  }
.Lfunc_end2:
_tile_overlayer_lowered:
.L_overlay_start_2:
0xce: {  	(tag) =	ssettag $0x2  }
0xcf: {  	s0 =	rddreg [dreg:$0x0];
	s2 =	stileid.u32  }
0xd0: {  	s1 =	rddreg [dreg:$0x1];
	p0 =	sne.s32 s2, $0x0  }
0xd1: {  	s3 =	rddreg [dreg:$0x2];
	[bflag:$0x3] =	sbarrier.arrive $0xFFFF;
	s2 =	simm.s32 @!p0 $0x1C03  }
0xd2: {  	[timem:s3], [sflag:s2] =	dma.local @!p0 [hbm:s0], s1  }
0xd3: {  	s0 =	simm.s32 @!p0 $0x3  }
0xd4: {  	_ =	swait.ge @!p0 [sflag:s0], s1  }
0xd5: {  	s1 =	ssub.s32 @!p0 $0x0, s1;
	[sflag:s0] =	ssyncset.done @!p0 $0x0  }
0xd6: {  	[sflag:s0] =	ssyncadd.s32 @!p0 s1  }
0xd7: {  	[bflag:$0x3] =	sbarrier.arrive $0xFFFF  }
0xd8: {  	_ =	shalt  }

// kernel: kernel.28.cloned.1.call-start
scs
__scs_entry_jumppad:
0x0: {  	(pc) =	sbr.rel $0x88, $3  }
0x1: {  	(tag) =	ssettag $0x0;
	lr =	simm.s32 $0x1  }
0x2: {  	[smem:$0x3F8D] =	sst lr;
	_ =	strace $0xD0000000  }
0x3: {  	_ = 	snop  }
0x4: {  	_ = 	snop  }
0x5: {  	_ = 	snop  }
0x6: {  	_ = 	snop  }
0x7: {  	_ = 	snop  }
__scs_overlays_trampoline_lowered:
0x8: {  	[smem:$0x3F9C] =	sst s0  }
0x9: {  	[smem:$0x3F9D] =	sst s1  }
0xa: {  	[smem:$0x3F9E] =	sst s2  }
0xb: {  	[smem:$0x3F9F] =	sst s3  }
0xc: {  	[smem:$0x3FA0] =	sst s4  }
0xd: {  	[smem:$0x3FA1] =	sst s5  }
0xe: {  	[smem:$0x3FA2] =	sst s6  }
0xf: {  	[smem:$0x3FA3] =	sst s7  }
0x10: {  	[smem:$0x3FA4] =	sst s8  }
0x11: {  	[smem:$0x3FA5] =	sst s9;
	s0 =	simm.s32 @!p0 $0x0  }
0x12: {  	s1 =	sld [smem:$0x3F8B];
	s0 =	simm.s32 @p0 $0x1  }
0x13: {  	[smem:$0x3FA6] =	sst s0;
	s0 =	simm.s32 @!p1 $0x0  }
0x14: {  	s2 =	sld [smem:$0x3F8A];
	s0 =	simm.s32 @p1 $0x1  }
0x15: {  	[smem:$0x3FA7] =	sst s0;
	s0 =	simm.s32 @!p2 $0x0  }
0x16: {  	s3 =	sld [smem:$0x3FDB];
	s0 =	simm.s32 @p2 $0x1  }
0x17: {  	s4 =	simm.s32 $0x1BF5;
	[smem:$0x3FA9] =	sst s0  }
0x18: {  	s0 =	sld [smem:$0x3F8C];
	_ =	swait.ge [sflag:s4], $0x0  }
0x19: {  	s7 =	sld [smem:$0x3F8D]  }
0x1a: {  	s8 =	sadd.s32 $0xFFFFE003, lr  }
0x1b: {  	s9 =	sadd.s32 $0xFFFFFEF7, lr;
	s5 =	simm.s32 $0xFFFFFFFF;
	p2 =	slt.u32 s8, $0xFFFFF086  }
0x1c: {  	p1 =	slt.u32 s9, $0xF7A;
	s5 =	simm.s32 @!p2 $0x0  }
0x1d: {  	s5 =	simm.s32 @p1 $0x1;
	p0 =	seq.s32 s7, s2  }
0x1e: {  	s7 =	smul.u32 @!p0 $0xF7A, s2;
	p2 =	seq.s32 @!p0 s5, $0x0  }
0x1f: {  	s9 =	smul.u32 $0xF7A, s1;
	s8 =	simm.s32 @!p0 $0x1BF5;
	p2 =	por !p2, p0  }
0x20: {  	[sflag:s8] =	ssyncset.s32 @!p0 $0xFFFFF086;
	s6 =	sadd.s32 @!p0 s3, s7;
	s7 =	simm.s32 @!p0 $0x108  }
0x21: {  	s3 =	sadd.s32 s3, s9;
	s6 =	sadd.s32 @!p0 $0x88, s6;
	s7 =	simm.s32 @p2 $0x1082  }
0x22: {  	[simem:s7], [sflag:s8] =	dma.local @!p0 [hbm:s6], $0xF7A  }
0x23: {  	s9 =	sor.u32 $0xD0000000, s2;
	s6 =	simm.s32 $0x108;
	_ =	swait.ge @!p0 [sflag:s8], $0x0  }
0x24: {  	s3 =	sadd.s32 $0x88, s3;
	s6 =	simm.s32 @!p1 $0x1082;
	[sflag:s4] =	ssyncset.s32 $0xFFFFF086  }
0x25: {  	[simem:s6], [sflag:s4] =	dma.local [hbm:s3], $0xF7A  }
0x26: {  	[smem:$0x3F8D] =	sst s1;
	(tag) =	ssettag s2;
	_ =	strace s9  }
0x27: {  	s1 =	sld [smem:$0x3F9D]  }
0x28: {  	s2 =	sld [smem:$0x3F9E]  }
0x29: {  	s4 =	sld [smem:$0x3FA0]  }
0x2a: {  	p0 =	seq.s32 s5, $0x0;
	s5 =	sld [smem:$0x3FA1]  }
0x2b: {  	s6 =	sld [smem:$0x3FA2]  }
0x2c: {  	s7 =	sld [smem:$0x3FA3]  }
0x2d: {  	s3 =	simm.s32 $0x108;
	s8 =	sld [smem:$0x3FA4]  }
0x2e: {  	s3 =	simm.s32 @!p0 $0x1082;
	s9 =	sld [smem:$0x3FA5]  }
0x2f: {  	lr =	sadd.s32 s0, s3;
	s0 =	sld [smem:$0x3F9C]  }
0x30: {  	s3 =	sld [smem:$0x3F9F]  }
0x31: {  	[smem:$0x3FA8] =	sst s10  }
0x32: {  	s10 =	sld [smem:$0x3FA6];
	_ =	sdelay $0x3  }
0x33: {  	p0 =	seq.s32 s10, $0x1;
	s10 =	sld [smem:$0x3FA8];
	_ =	sdelay $0x3  }
0x34: {  	[smem:$0x3FA8] =	sst s10  }
0x35: {  	s10 =	sld [smem:$0x3FA7];
	_ =	sdelay $0x3  }
0x36: {  	p1 =	seq.s32 s10, $0x1;
	s10 =	sld [smem:$0x3FA8];
	_ =	sdelay $0x3  }
0x37: {  	[smem:$0x3FA8] =	sst s10  }
0x38: {  	s10 =	sld [smem:$0x3FA9]  }
0x39: {  	_ = 	snop;
	(pc) =	sbr.ind lr, $3  }
0x3a: {  	_ = 	snop  }
0x3b: {  	_ = 	snop  }
0x3c: {  	p2 =	seq.s32 s10, $0x1;
	s10 =	sld [smem:$0x3FA8]  }
0x3d: {  	_ =	shalt  }
0x3e: {  	_ =	shalt  }
0x3f: {  	_ =	shalt  }
0x40: {  	_ =	shalt  }
0x41: {  	_ =	shalt  }
0x42: {  	_ =	shalt  }
0x43: {  	_ =	shalt  }
0x44: {  	_ =	shalt  }
0x45: {  	_ =	shalt  }
0x46: {  	_ =	shalt  }
0x47: {  	_ =	shalt  }
0x48: {  	_ =	shalt  }
0x49: {  	_ =	shalt  }
0x4a: {  	_ =	shalt  }
0x4b: {  	_ =	shalt  }
0x4c: {  	_ =	shalt  }
0x4d: {  	_ =	shalt  }
0x4e: {  	_ =	shalt  }
0x4f: {  	_ =	shalt  }
0x50: {  	_ =	shalt  }
0x51: {  	_ =	shalt  }
0x52: {  	_ =	shalt  }
0x53: {  	_ =	shalt  }
0x54: {  	_ =	shalt  }
0x55: {  	_ =	shalt  }
0x56: {  	_ =	shalt  }
0x57: {  	_ =	shalt  }
0x58: {  	_ =	shalt  }
0x59: {  	_ =	shalt  }
0x5a: {  	_ =	shalt  }
0x5b: {  	_ =	shalt  }
0x5c: {  	_ =	shalt  }
0x5d: {  	_ =	shalt  }
0x5e: {  	_ =	shalt  }
0x5f: {  	_ =	shalt  }
0x60: {  	_ =	shalt  }
0x61: {  	_ =	shalt  }
0x62: {  	_ =	shalt  }
0x63: {  	_ =	shalt  }
0x64: {  	_ =	shalt  }
0x65: {  	_ =	shalt  }
0x66: {  	_ =	shalt  }
0x67: {  	_ =	shalt  }
0x68: {  	_ =	shalt  }
0x69: {  	_ =	shalt  }
0x6a: {  	_ =	shalt  }
0x6b: {  	_ =	shalt  }
0x6c: {  	_ =	shalt  }
0x6d: {  	_ =	shalt  }
0x6e: {  	_ =	shalt  }
0x6f: {  	_ =	shalt  }
0x70: {  	_ =	shalt  }
0x71: {  	_ =	shalt  }
0x72: {  	_ =	shalt  }
0x73: {  	_ =	shalt  }
0x74: {  	_ =	shalt  }
0x75: {  	_ =	shalt  }
0x76: {  	_ =	shalt  }
0x77: {  	_ =	shalt  }
0x78: {  	_ =	shalt  }
0x79: {  	_ =	shalt  }
0x7a: {  	_ =	shalt  }
0x7b: {  	_ =	shalt  }
0x7c: {  	_ =	shalt  }
0x7d: {  	_ =	shalt  }
0x7e: {  	_ =	shalt  }
0x7f: {  	_ =	shalt  }
0x80: {  	_ =	shalt  }
0x81: {  	_ =	shalt  }
0x82: {  	_ =	shalt  }
0x83: {  	_ =	shalt  }
0x84: {  	_ =	shalt  }
0x85: {  	_ =	shalt  }
0x86: {  	_ =	shalt  }
0x87: {  	_ =	shalt  }
.Lfunc_end0:
.L_simem_size_0:
called_computation.4_lowered:
.L_overlay_start_0:
0x88: {  	s2 =	sld [smem:$0x3FD9]  }
0x89: {  	s3 =	sld [smem:$0x3FFE];
	_ =	sdelay $0x1  }
0x8a: {  	s1 =	srdreg.scid  }
0x8b: {  	s0 =	sand.u32 $0x1, s1  }
0x8c: {  	s15 =	sshll.u32 s0, $0xA;
	s2 =	sadd.s32 s3, s2  }
0x8d: {  	s2 =	sadd.s32 s2, s15  }
0x8e: {  	[smem:$0x3FB4] =	sst s2  }
0x8f: {  	_ = 	snop  }
0x90: {  	s2 =	sld [smem:$0x3FD0];
	_ =	sdelay $0x2  }
0x91: {  	s16 =	simm.s32 $0xE;
	s4 =	simm.s32 $0x10  }
0x92: {  	[smem:s4], [sflag:s16] =	dma.local [hbm:s2], $0x1  }
0x93: {  	_ =	swait.eq [sflag:s16], $0x1  }
0x94: {  	[sflag:s16] =	ssyncset.done $0x0  }
0x95: {  	[sflag:s16] =	ssyncadd.s32 $0xFFFFFFFF  }
0x96: {  	s17 =	sld [smem:$0x10];
	(tm) =	ssettm $0x1  }
0x97: {  	s18 =	sld [smem:$0x3FFB];
	_ =	sdelay $0x3  }
0x98: {  	_ =	strace s18  }
0x99: {  	s2 =	sld [smem:$0x3FFC];
	_ =	sdelay $0x3  }
0x9a: {  	_ =	strace s2  }
0x9b: {  	s2 =	sld [smem:$0x3FFD];
	_ =	sdelay $0x3  }
0x9c: {  	_ =	strace s2  }
0x9d: {  	_ =	strace $0x8FFFFFFF  }
0x9e: {  	s19 =	sld [smem:$0x3FDB];
	_ =	sdelay $0x1  }
0x9f: {  	s20 =	simm.s32 $_scs_section_size  }
0xa0: {  	s5 =	simm.s32 $_size__tile_overlayer_lowered;
	s6 =	simm.s32 $_tile_overlayer_lowered  }
0xa1: {  	s7 =	simm.s32 $0x1BFF;
	s21 =	sshll.u32 s6, $0x1;
	s4 =	sadd.s32 s20, s19  }
0xa2: {  	s22 =	simm.s32 $0x0;
	s5 =	sshll.u32 s5, $0x1;
	s6 =	sadd.s32 s21, s4  }
0xa3: {  	[timem:s22], [sflag:s7] =	dma.local [hbm:s6], s5  }
0xa4: {  	_ =	swait.ge [sflag:s7], s5  }
0xa5: {  	s5 =	ssub.s32 $0x0, s5;
	[sflag:s7] =	ssyncset.done $0x0  }
0xa6: {  	[sflag:s7] =	ssyncadd.s32 s5;
	_ =	sdelay $0x1  }
0xa7: {  	s23 =	simm.s32 $0x1B8B  }
0xa8: {  	_ =	swait.ge [sflag:s23], $0x1  }
0xa9: {  	[sflag:s23] =	ssyncset.done $0x0  }
0xaa: {  	[sflag:s23] =	ssyncadd.s32 $0xFFFFFFFF  }
0xab: {  	s5 =	sld [smem:$0x0]  }
0xac: {  	s6 =	sand.u32 $0xFFFFFFFE, s1  }
0xad: {  	p0 =	sne.s32 s1, s6  }
0xae: {  	s6 =	sshll.u32 @p0 s6, $0xE  }
0xaf: {  	s6 =	sadd.s32 @p0 $0x11B8D, s6;
	s7 =	sshll.u32 @p0 s5, $0x11  }
0xb0: {  	s6 =	sor.u32 @p0 s7, s6  }
0xb1: {  	[sflag:s6] =	ssyncadd.remote.s32 @p0 $0x1;
	_ =	sdelay $0x1  }
0xb2: {  	s6 =	simm.s32 @p0 $0x1B8D  }
0xb3: {  	_ =	swait.eq @p0 [sflag:s6], $0x1  }
0xb4: {  	[sflag:s6] =	ssyncadd.s32 @p0 $0xFFFFFFFF  }
0xb5: {  	s7 =	sshll.u32 @!p0 s1, $0xE  }
0xb6: {  	s7 =	sor.u32 @!p0 $0x4000, s7;
	s6 =	simm.s32 @!p0 $0x1B8D  }
0xb7: {  	s5 =	sshll.u32 @!p0 s5, $0x11;
	s7 =	sadd.s32 @!p0 $0x11B8D, s7;
	_ =	swait.eq @!p0 [sflag:s6], $0x1  }
0xb8: {  	s5 =	sor.u32 @!p0 s5, s7;
	[sflag:s6] =	ssyncadd.s32 @!p0 $0xFFFFFFFF  }
0xb9: {  	s25 =	simm.s32 $0x1B8E;
	s24 =	sld [smem:$0x3FFE];
	[sflag:s5] =	ssyncadd.remote.s32 @!p0 $0x1  }
0xba: {  	s26 =	simm.s32 $execute0_lowered;
	[smem:$0x3FD2] =	sst s25  }
0xbb: {  	s6 =	sshll.u32 s26, $0x1;
	_ =	strace $0x80000052;
	[dreg:$0x1] =	wrdreg $0xFFFFFFFF  }
0xbc: {  	s28 =	simm.s32 $_size_execute0_lowered;
	s4 =	sadd.s32 s4, s6;
	[dreg:$0x0] =	wrdreg $0x0  }
0xbd: {  	s6 =	sshll.u32 s28, $0x1;
	[dreg:$0x2] =	wrdreg s4  }
0xbe: {  	[dreg:$0x3] =	wrdreg s6  }
0xbf: {  	[dreg:$0x4] =	wrdreg $0xC0  }
0xc0: {  	_ =	task [dreg:s22], $0x5FFFF  }
0xc1: {  	[dreg:$0x1] =	wrdreg $0xFFFFFFFF  }
0xc2: {  	[dreg:$0x0] =	wrdreg $0x60  }
0xc3: {  	[dreg:$0x2] =	wrdreg s17  }
0xc4: {  	[dreg:$0x3] =	wrdreg s24  }
0xc5: {  	[dreg:$0x4] =	wrdreg $0x51000  }
0xc6: {  	[dreg:$0x5] =	wrdreg $0xA  }
0xc7: {  	_ =	task.clear_ibuf [dreg:s22], $0x6FFFF;
	_ =	strace $0x90000052  }
0xc8: {  	s29 =	simm.s32 $0xA;
	_ =	strace $0x80000054  }
0xc9: {  	_ =	swait.ge [sflag:s29], $0x1  }
0xca: {  	[sflag:s29] =	ssyncadd.s32 $0xFFFFFFFF  }
0xcb: {  	_ =	strace $0x90000054  }
0xcc: {  	_ =	sfence  }
0xcd: {  	s30 =	sld [smem:$0x0];
	_ =	sdelay $0x2  }
0xce: {  	s31 =	sshll.u32 s1, $0xD;
	s1 =	sshrl.u32 s1, $0x2  }
0xcf: {  	s4 =	sand.u32 $0x4000, s31;
	s1 =	sadd.s32 s1, s30  }
0xd0: {  	s0 =	sor.u32 s4, s0;
	s1 =	sshll.u32 s1, $0x11  }
0xd1: {  	s0 =	sor.u32 s1, s0  }
0xd2: {  	s0 =	sadd.s32 $0x8F2B, s0  }
0xd3: {  	[sflag:s0] =	ssyncadd.remote.s32 $0x1  }
0xd4: {  	_ =	sfence.sel $0xFFFF  }
0xd5: {  	[dreg:$0x0] =	wrdreg $0xFFFFFFFF;
	(pc) =	sbr.abs _section_cstart, $3  }
0xd6: {  	[dreg:$0x1] =	wrdreg $0xFFFFFFFF  }
0xd7: {  	_ =	task.clear_ibuf [dreg:s22], $0x2FFFF;
	_ =	strace $0x9FFFFFFF  }
0xd8: {  	(tm) =	ssettm $0x7FFFFFFF  }
0xd9: {  	_ =	shalt  }
tec
execute0_lowered:
.L_overlay_start_1:
0x0: {  	(tag) =	ssettag $0x1  }
0x1: {  	s5 =	rddreg [dreg:$0x0]  }
0x2: {  	s7 =	rddreg [dreg:$0x1]  }
0x3: {  	s2 =	rddreg [dreg:$0x2]  }
0x4: {  	s0 =	rddreg [dreg:$0x3];
	s3 =	simm.s32 $0x0  }
0x5: {  	s1 =	stileid.u32;
	s8 =	srdreg.scid;
	s17 =	simm.s32 $0x50  }
0x6: {  	s18 =	simm.s32 $0x100;
	s19 =	simm.s32 $0x80;
	s4 =	smul.u32 $0x2800, s1  }
0x7: {  	s20 =	simm.s32 $0x2900;
	s21 =	simm.s32 $0x1;
	s6 =	smul.u32 $0x1F4, s1  }
0x8: {  	s22 =	simm.s32 $0x2;
	s23 =	simm.s32 $0x0;
	s9 =	smul.u32 $0xFA00, s1  }
0x9: {  	[smem:$0x7FF] =	sst s3;
	s8 =	sand.u32 $0x1, s8;
	s12 =	smul.u32 $0x50000, s1  }
0xa: {  	s16 =	sadd.s32 $0x12C000, s2;
	p1 =	seq.s32 s1, $0xF;
	_ =	strace $0x80000053  }
0xb: {  	s11 =	ssub.s32 $0x2, s8;
	p0 =	seq.s32 s8, $0x1;
	s10 =	sadd.s32 s4, s7  }
0xc: {  	s13 =	sadd.s32 s6, s7;
	s14 =	sadd.s32 s9, s7;
	s29 =	sshrl.u32 s11, $0x1  }
0xd: {  	s31 =	sshrl.u32 s12, $0x2;
	s4 =	sadd.s32 s5, s4;
	s5 =	sadd.s32 $0x25800, s5  }
.Ltmp0:
0xe: {  	s7 =	sadd.s32 $0x3E200, s7;
	s30 =	ssub.s32 s11, s29;
	(pc) =	sbr.rel .LBB2_1-.Ltmp0, $4  }
0xf: {  	s15 =	sadd.s32 s31, s2;
	s6 =	sadd.s32 $0x18A00, s10;
	s9 =	sadd.s32 $0x80FC00, s14  }
0x10: {  	s10 =	sadd.s32 $0x16A00, s13;
	s11 =	sadd.s32 $0x909C00, s14;
	s14 =	sshll.u32 @!p1 s1, $0x6  }
0x11: {  	s12 =	sadd.s32 $0x14A00, s13;
	s13 =	sshrl.u32 @p1 s16, $0x3;
	s16 =	simm.s32 $0x3  }
0x12: {  	s8 =	smax.u32 s30, $0x1;
	s14 =	sor.u32 @!p1 $0x1C03, s14;
	s15 =	sshrl.u32 @!p1 s15, $0x3  }
.LBB2_7:
0x13: {  	s25 =	sadd.s32 s25, s12;
	[sflag:s16] =	ssyncadd.s32 $0xFFFFD800  }
0x14: {  	[tilespmem:s3], [sflag:$0x3] =	stream.linear.gather [hbm4b:s25+s3], $0x50, $0x38;
	[tilespmem:$0x18980] =	vst v63  }
0x15: {  	_ =	swait.ge [sflag:s16], $0x50  }
0x16: {  	[sflag:s16] =	ssyncset.done $0x0  }
0x17: {  	[sflag:s16] =	ssyncadd.s32 $0xFFFFFFB0  }
0x18: {  	[tilespmem:s18], [sflag:$0x1] =	stream.indirect.gather [spmem:s2], $0x80, s3, s17, $0xb8;
	[tilespmem:$0x18980] =	vst v63  }
0x19: {  	s25 =	sadd.s32 $0xA, s25  }
0x1a: {  	[tilespmem:s19], [sflag:$0x3] =	stream.linear.gather [hbm4b:s25+s3], $0x50, $0x38;
	[tilespmem:$0x18980] =	vst v63  }
0x1b: {  	_ =	swait.ge [sflag:s16], $0x50  }
0x1c: {  	[sflag:s16] =	ssyncset.done $0x0  }
0x1d: {  	[sflag:s16] =	ssyncadd.s32 $0xFFFFFFB0  }
0x1e: {  	[tilespmem:s20], [sflag:$0x2] =	stream.indirect.gather [spmem:s2], $0x80, s19, s17, $0xb8;
	[tilespmem:$0x18980] =	vst v63  }
0x1f: {  	_ =	swait.ge [sflag:s21], $0x2800  }
0x20: {  	[sflag:s21] =	ssyncset.done $0x0  }
0x21: {  	[sflag:s21] =	ssyncadd.s32 $0xFFFFD800  }
0x22: {  	[hbm4b:s24+s3] =	stream.linear.scatter [tilespmem:s18], [sflag:$0x3], $0x2800, $0x38;
	[tilespmem:$0x18980] =	vst v63  }
0x23: {  	_ =	swait.ge [sflag:s16], $0x2800  }
0x24: {  	[sflag:s16] =	ssyncset.done $0x0  }
0x25: {  	[sflag:s16] =	ssyncadd.s32 $0xFFFFD800  }
0x26: {  	_ =	swait.ge [sflag:s22], $0x2800  }
0x27: {  	[sflag:s22] =	ssyncset.done $0x0  }
0x28: {  	s31 =	sadd.s32 $0x500, s24;
	[sflag:s22] =	ssyncadd.s32 $0xFFFFD800  }
0x29: {  	[hbm4b:s31+s3] =	stream.linear.scatter [tilespmem:s20], [sflag:$0x3], $0x2800, $0x38;
	[tilespmem:$0x18980] =	vst v63  }
0x2a: {  	_ =	swait.ge [sflag:s16], $0x2800  }
0x2b: {  	[sflag:s16] =	ssyncset.done $0x0  }
0x2c: {  	[sflag:s16] =	ssyncadd.s32 $0xFFFFD800  }
.LBB2_8:
0x2d: {  	s23 =	sadd.s32 $0x1, s23  }
0x2e: {  	p2 =	sne.s32 s23, s8  }
.Ltmp1:
0x2f: {  	_ = 	snop;
	(pc) =	sbr.rel @!p2 .LBB2_9-.Ltmp1, $1  }
0x30: {  	_ =	sdelay $0x3  }
.LBB2_1:
.Ltmp2:
0x31: {  	(pc) =	sbr.rel @!p0 .LBB2_2-.Ltmp2, $1  }
0x32: {  	_ =	sdelay $0x3  }
0x33: {  	s24 =	simm.s32 @p1 $0x1FC3  }
0x34: {  	[spmem:s13], [sflag:s24] =	dma.local @p1 [hbm:s7], $0x1900  }
0x35: {  	s24 =	simm.s32 @p1 $0x3  }
0x36: {  	_ =	swait.ge @p1 [sflag:s24], $0x1900  }
0x37: {  	[sflag:s24] =	ssyncset.done @p1 $0x0  }
0x38: {  	[sflag:s24] =	ssyncadd.s32 @p1 $0xFFFFE700;
	s24 =	simm.s32 @!p1 $0x3  }
0x39: {  	[spmem:s15], [sflag:s14] =	dma.local @!p1 [hbm:s6], $0x2800  }
0x3a: {  	_ =	swait.ge @!p1 [sflag:s24], $0x2800  }
0x3b: {  	[sflag:s24] =	ssyncset.done @!p1 $0x0  }
0x3c: {  	[sflag:s24] =	ssyncadd.s32 @!p1 $0xFFFFD800  }
0x3d: {  	s30 =	sadd.s32 $0x0, s12;
	[bflag:$0x0] =	sbarrier.arrive $0xFFFF  }
0x3e: {  	[tilespmem:s3], [sflag:$0x3] =	stream.linear.gather [hbm4b:s30+s3], $0x50, $0x38;
	[tilespmem:$0x18980] =	vst v63  }
0x3f: {  	_ =	swait.ge [sflag:s16], $0x50  }
0x40: {  	[sflag:s16] =	ssyncset.done $0x0  }
0x41: {  	[sflag:s16] =	ssyncadd.s32 $0xFFFFFFB0  }
0x42: {  	[tilespmem:s18], [sflag:$0x1] =	stream.indirect.gather [spmem:s2], $0x80, s3, s17, $0xb8;
	[tilespmem:$0x18980] =	vst v63  }
0x43: {  	s24 =	sadd.s32 $0xA, s30  }
0x44: {  	[tilespmem:s19], [sflag:$0x3] =	stream.linear.gather [hbm4b:s24+s3], $0x50, $0x38;
	[tilespmem:$0x18980] =	vst v63  }
0x45: {  	_ =	swait.ge [sflag:s16], $0x50  }
0x46: {  	[sflag:s16] =	ssyncset.done $0x0  }
0x47: {  	[sflag:s16] =	ssyncadd.s32 $0xFFFFFFB0  }
0x48: {  	[tilespmem:s20], [sflag:$0x2] =	stream.indirect.gather [spmem:s2], $0x80, s19, s17, $0xb8;
	[tilespmem:$0x18980] =	vst v63  }
0x49: {  	_ =	swait.ge [sflag:s21], $0x2800  }
0x4a: {  	[sflag:s21] =	ssyncset.done $0x0  }
0x4b: {  	[sflag:s21] =	ssyncadd.s32 $0xFFFFD800  }
0x4c: {  	[hbm4b:s11+s3] =	stream.linear.scatter [tilespmem:s18], [sflag:$0x3], $0x2800, $0x38;
	[tilespmem:$0x18980] =	vst v63  }
0x4d: {  	_ =	swait.ge [sflag:s16], $0x2800  }
0x4e: {  	[sflag:s16] =	ssyncset.done $0x0  }
0x4f: {  	[sflag:s16] =	ssyncadd.s32 $0xFFFFD800  }
0x50: {  	_ =	swait.ge [sflag:s22], $0x2800  }
0x51: {  	[sflag:s22] =	ssyncset.done $0x0  }
0x52: {  	s31 =	sadd.s32 $0x500, s11;
	[sflag:s22] =	ssyncadd.s32 $0xFFFFD800  }
0x53: {  	[hbm4b:s31+s3] =	stream.linear.scatter [tilespmem:s20], [sflag:$0x3], $0x2800, $0x38;
	[tilespmem:$0x18980] =	vst v63  }
0x54: {  	s25 =	simm.s32 $0x14;
	_ =	swait.ge [sflag:s16], $0x2800  }
0x55: {  	s26 =	simm.s32 $0x28;
	s24 =	sadd.s32 $0xA00, s11;
	[sflag:s16] =	ssyncset.done $0x0  }
.LBB2_6:
0x56: {  	s28 =	sadd.s32 s25, s12  }
0x57: {  	[sflag:s16] =	ssyncadd.s32 $0xFFFFD800;
	s25 =	smov.u32 s26;
	s29 =	sadd.s32 $0x14, s26  }
0x58: {  	[tilespmem:s3], [sflag:$0x3] =	stream.linear.gather [hbm4b:s28+s3], $0x50, $0x38;
	[tilespmem:$0x18980] =	vst v63  }
0x59: {  	p2 =	sne.s32 s26, $0x1E0;
	_ =	swait.ge [sflag:s16], $0x50  }
0x5a: {  	[sflag:s16] =	ssyncset.done $0x0  }
0x5b: {  	[sflag:s16] =	ssyncadd.s32 $0xFFFFFFB0  }
0x5c: {  	[tilespmem:s18], [sflag:$0x1] =	stream.indirect.gather [spmem:s2], $0x80, s3, s17, $0xb8;
	[tilespmem:$0x18980] =	vst v63  }
0x5d: {  	s26 =	sadd.s32 $0xA, s28  }
0x5e: {  	[tilespmem:s19], [sflag:$0x3] =	stream.linear.gather [hbm4b:s26+s3], $0x50, $0x38;
	[tilespmem:$0x18980] =	vst v63  }
0x5f: {  	_ =	swait.ge [sflag:s16], $0x50  }
0x60: {  	[sflag:s16] =	ssyncset.done $0x0  }
0x61: {  	[sflag:s16] =	ssyncadd.s32 $0xFFFFFFB0  }
0x62: {  	[tilespmem:s20], [sflag:$0x2] =	stream.indirect.gather [spmem:s2], $0x80, s19, s17, $0xb8;
	[tilespmem:$0x18980] =	vst v63  }
0x63: {  	_ =	swait.ge [sflag:s21], $0x2800  }
0x64: {  	[sflag:s21] =	ssyncset.done $0x0  }
0x65: {  	[sflag:s21] =	ssyncadd.s32 $0xFFFFD800  }
0x66: {  	[hbm4b:s24+s3] =	stream.linear.scatter [tilespmem:s18], [sflag:$0x3], $0x2800, $0x38;
	[tilespmem:$0x18980] =	vst v63  }
0x67: {  	_ =	swait.ge [sflag:s16], $0x2800  }
0x68: {  	[sflag:s16] =	ssyncset.done $0x0  }
0x69: {  	[sflag:s16] =	ssyncadd.s32 $0xFFFFD800  }
0x6a: {  	_ =	swait.ge [sflag:s22], $0x2800  }
.Ltmp3:
0x6b: {  	[sflag:s22] =	ssyncset.done $0x0;
	(pc) =	sbr.rel @p2 .LBB2_6-.Ltmp3, $4  }
0x6c: {  	s26 =	sadd.s32 $0x500, s24;
	[sflag:s22] =	ssyncadd.s32 $0xFFFFD800  }
0x6d: {  	[hbm4b:s26+s3] =	stream.linear.scatter [tilespmem:s20], [sflag:$0x3], $0x2800, $0x38;
	[tilespmem:$0x18980] =	vst v63  }
0x6e: {  	_ =	swait.ge [sflag:s16], $0x2800  }
0x6f: {  	s24 =	sadd.s32 $0xA00, s24;
	s26 =	smov.u32 s29;
	[sflag:s16] =	ssyncset.done $0x0  }
.Ltmp4:
0x70: {  	_ = 	snop;
	(pc) =	sbr.rel .LBB2_7-.Ltmp4, $1  }
0x71: {  	_ =	sdelay $0x3  }
.LBB2_2:
0x72: {  	s24 =	simm.s32 @p1 $0x1FC3  }
0x73: {  	[spmem:s13], [sflag:s24] =	dma.local @p1 [hbm:s5], $0x1900  }
0x74: {  	s24 =	simm.s32 @p1 $0x3  }
0x75: {  	_ =	swait.ge @p1 [sflag:s24], $0x1900  }
0x76: {  	[sflag:s24] =	ssyncset.done @p1 $0x0  }
0x77: {  	[sflag:s24] =	ssyncadd.s32 @p1 $0xFFFFE700;
	s24 =	simm.s32 @!p1 $0x3  }
0x78: {  	[spmem:s15], [sflag:s14] =	dma.local @!p1 [hbm:s4], $0x2800  }
0x79: {  	_ =	swait.ge @!p1 [sflag:s24], $0x2800  }
0x7a: {  	[sflag:s24] =	ssyncset.done @!p1 $0x0  }
0x7b: {  	[sflag:s24] =	ssyncadd.s32 @!p1 $0xFFFFD800  }
0x7c: {  	s30 =	sadd.s32 $0x0, s10;
	[bflag:$0x0] =	sbarrier.arrive $0xFFFF  }
0x7d: {  	[tilespmem:s3], [sflag:$0x3] =	stream.linear.gather [hbm4b:s30+s3], $0x50, $0x38;
	[tilespmem:$0x18980] =	vst v63  }
0x7e: {  	_ =	swait.ge [sflag:s16], $0x50  }
0x7f: {  	[sflag:s16] =	ssyncset.done $0x0  }
0x80: {  	[sflag:s16] =	ssyncadd.s32 $0xFFFFFFB0  }
0x81: {  	[tilespmem:s18], [sflag:$0x1] =	stream.indirect.gather [spmem:s2], $0x80, s3, s17, $0xb8;
	[tilespmem:$0x18980] =	vst v63  }
0x82: {  	s24 =	sadd.s32 $0xA, s30  }
0x83: {  	[tilespmem:s19], [sflag:$0x3] =	stream.linear.gather [hbm4b:s24+s3], $0x50, $0x38;
	[tilespmem:$0x18980] =	vst v63  }
0x84: {  	_ =	swait.ge [sflag:s16], $0x50  }
0x85: {  	[sflag:s16] =	ssyncset.done $0x0  }
0x86: {  	[sflag:s16] =	ssyncadd.s32 $0xFFFFFFB0  }
0x87: {  	[tilespmem:s20], [sflag:$0x2] =	stream.indirect.gather [spmem:s2], $0x80, s19, s17, $0xb8;
	[tilespmem:$0x18980] =	vst v63  }
0x88: {  	_ =	swait.ge [sflag:s21], $0x2800  }
0x89: {  	[sflag:s21] =	ssyncset.done $0x0  }
0x8a: {  	[sflag:s21] =	ssyncadd.s32 $0xFFFFD800  }
0x8b: {  	[hbm4b:s9+s3] =	stream.linear.scatter [tilespmem:s18], [sflag:$0x3], $0x2800, $0x38;
	[tilespmem:$0x18980] =	vst v63  }
0x8c: {  	_ =	swait.ge [sflag:s16], $0x2800  }
0x8d: {  	[sflag:s16] =	ssyncset.done $0x0  }
0x8e: {  	[sflag:s16] =	ssyncadd.s32 $0xFFFFD800  }
0x8f: {  	_ =	swait.ge [sflag:s22], $0x2800  }
0x90: {  	[sflag:s22] =	ssyncset.done $0x0  }
0x91: {  	s31 =	sadd.s32 $0x500, s9;
	[sflag:s22] =	ssyncadd.s32 $0xFFFFD800  }
0x92: {  	[hbm4b:s31+s3] =	stream.linear.scatter [tilespmem:s20], [sflag:$0x3], $0x2800, $0x38;
	[tilespmem:$0x18980] =	vst v63  }
0x93: {  	s25 =	simm.s32 $0x14;
	_ =	swait.ge [sflag:s16], $0x2800  }
0x94: {  	s26 =	simm.s32 $0x28;
	s24 =	sadd.s32 $0xA00, s9;
	[sflag:s16] =	ssyncset.done $0x0  }
.LBB2_3:
0x95: {  	s28 =	sadd.s32 s25, s10  }
0x96: {  	[sflag:s16] =	ssyncadd.s32 $0xFFFFD800;
	s25 =	smov.u32 s26;
	s29 =	sadd.s32 $0x14, s26  }
0x97: {  	[tilespmem:s3], [sflag:$0x3] =	stream.linear.gather [hbm4b:s28+s3], $0x50, $0x38;
	[tilespmem:$0x18980] =	vst v63  }
0x98: {  	p2 =	seq.s32 s26, $0x1E0;
	_ =	swait.ge [sflag:s16], $0x50  }
0x99: {  	[sflag:s16] =	ssyncset.done $0x0  }
0x9a: {  	[sflag:s16] =	ssyncadd.s32 $0xFFFFFFB0  }
0x9b: {  	[tilespmem:s18], [sflag:$0x1] =	stream.indirect.gather [spmem:s2], $0x80, s3, s17, $0xb8;
	[tilespmem:$0x18980] =	vst v63  }
0x9c: {  	s26 =	sadd.s32 $0xA, s28  }
0x9d: {  	[tilespmem:s19], [sflag:$0x3] =	stream.linear.gather [hbm4b:s26+s3], $0x50, $0x38;
	[tilespmem:$0x18980] =	vst v63  }
0x9e: {  	_ =	swait.ge [sflag:s16], $0x50  }
0x9f: {  	[sflag:s16] =	ssyncset.done $0x0  }
0xa0: {  	[sflag:s16] =	ssyncadd.s32 $0xFFFFFFB0  }
0xa1: {  	[tilespmem:s20], [sflag:$0x2] =	stream.indirect.gather [spmem:s2], $0x80, s19, s17, $0xb8;
	[tilespmem:$0x18980] =	vst v63  }
0xa2: {  	_ =	swait.ge [sflag:s21], $0x2800  }
0xa3: {  	[sflag:s21] =	ssyncset.done $0x0  }
0xa4: {  	[sflag:s21] =	ssyncadd.s32 $0xFFFFD800  }
0xa5: {  	[hbm4b:s24+s3] =	stream.linear.scatter [tilespmem:s18], [sflag:$0x3], $0x2800, $0x38;
	[tilespmem:$0x18980] =	vst v63  }
0xa6: {  	_ =	swait.ge [sflag:s16], $0x2800  }
0xa7: {  	[sflag:s16] =	ssyncset.done $0x0  }
0xa8: {  	[sflag:s16] =	ssyncadd.s32 $0xFFFFD800  }
0xa9: {  	_ =	swait.ge [sflag:s22], $0x2800  }
.Ltmp5:
0xaa: {  	[sflag:s22] =	ssyncset.done $0x0;
	(pc) =	sbr.rel @!p2 .LBB2_3-.Ltmp5, $4  }
0xab: {  	s26 =	sadd.s32 $0x500, s24;
	[sflag:s22] =	ssyncadd.s32 $0xFFFFD800  }
0xac: {  	[hbm4b:s26+s3] =	stream.linear.scatter [tilespmem:s20], [sflag:$0x3], $0x2800, $0x38;
	[tilespmem:$0x18980] =	vst v63  }
0xad: {  	_ =	swait.ge [sflag:s16], $0x2800  }
0xae: {  	s24 =	sadd.s32 $0xA00, s24;
	s26 =	smov.u32 s29;
	[sflag:s16] =	ssyncset.done $0x0  }
0xaf: {  	s25 =	sadd.s32 s25, s10;
	[sflag:s16] =	ssyncadd.s32 $0xFFFFD800  }
0xb0: {  	[tilespmem:s3], [sflag:$0x3] =	stream.linear.gather [hbm4b:s25+s3], $0x50, $0x38;
	[tilespmem:$0x18980] =	vst v63  }
0xb1: {  	_ =	swait.ge [sflag:s16], $0x50  }
0xb2: {  	[sflag:s16] =	ssyncset.done $0x0  }
0xb3: {  	[sflag:s16] =	ssyncadd.s32 $0xFFFFFFB0  }
0xb4: {  	[tilespmem:s18], [sflag:$0x1] =	stream.indirect.gather [spmem:s2], $0x80, s3, s17, $0xb8;
	[tilespmem:$0x18980] =	vst v63  }
0xb5: {  	s25 =	sadd.s32 $0xA, s25  }
0xb6: {  	[tilespmem:s19], [sflag:$0x3] =	stream.linear.gather [hbm4b:s25+s3], $0x50, $0x38;
	[tilespmem:$0x18980] =	vst v63  }
0xb7: {  	_ =	swait.ge [sflag:s16], $0x50  }
0xb8: {  	[sflag:s16] =	ssyncset.done $0x0  }
0xb9: {  	[sflag:s16] =	ssyncadd.s32 $0xFFFFFFB0  }
0xba: {  	[tilespmem:s20], [sflag:$0x2] =	stream.indirect.gather [spmem:s2], $0x80, s19, s17, $0xb8;
	[tilespmem:$0x18980] =	vst v63  }
0xbb: {  	_ =	swait.ge [sflag:s21], $0x2800  }
0xbc: {  	[sflag:s21] =	ssyncset.done $0x0  }
0xbd: {  	[sflag:s21] =	ssyncadd.s32 $0xFFFFD800  }
0xbe: {  	[hbm4b:s24+s3] =	stream.linear.scatter [tilespmem:s18], [sflag:$0x3], $0x2800, $0x38;
	[tilespmem:$0x18980] =	vst v63  }
0xbf: {  	_ =	swait.ge [sflag:s16], $0x2800  }
0xc0: {  	[sflag:s16] =	ssyncset.done $0x0  }
0xc1: {  	[sflag:s16] =	ssyncadd.s32 $0xFFFFD800  }
0xc2: {  	_ =	swait.ge [sflag:s22], $0x2800  }
0xc3: {  	[sflag:s22] =	ssyncset.done $0x0  }
.Ltmp6:
0xc4: {  	s31 =	sadd.s32 $0x500, s24;
	[sflag:s22] =	ssyncadd.s32 $0xFFFFD800;
	(pc) =	sbr.rel .LBB2_8-.Ltmp6, $4  }
0xc5: {  	[hbm4b:s31+s3] =	stream.linear.scatter [tilespmem:s20], [sflag:$0x3], $0x2800, $0x38;
	[tilespmem:$0x18980] =	vst v63  }
0xc6: {  	_ =	swait.ge [sflag:s16], $0x2800  }
0xc7: {  	[sflag:s16] =	ssyncset.done $0x0  }
0xc8: {  	[sflag:s16] =	ssyncadd.s32 $0xFFFFD800  }
.LBB2_9:
0xc9: {  	_ =	sfence.sel $0x180000  }
0xca: {  	[bflag:$0x0] =	sbarrier.arrive $0xFFFF  }
0xcb: {  	p0 =	sne.s32 s1, $0x0;
	_ =	strace $0x90000053  }
0xcc: {  	s0 =	sadd.s32 @!p0 $0x100000, s0;
	[bflag:$0x2] =	sbarrier.arrive $0xFFFF  }
0xcd: {  	[sflag:s0] =	ssyncadd.tile.s32 @!p0 $0x1;
	_ =	shalt  }
.Lfunc_end2:
_tile_overlayer_lowered:
.L_overlay_start_2:
0xce: {  	(tag) =	ssettag $0x2  }
0xcf: {  	s0 =	rddreg [dreg:$0x0];
	s2 =	stileid.u32  }
0xd0: {  	s1 =	rddreg [dreg:$0x1];
	p0 =	sne.s32 s2, $0x0  }
0xd1: {  	s3 =	rddreg [dreg:$0x2];
	[bflag:$0x3] =	sbarrier.arrive $0xFFFF;
	s2 =	simm.s32 @!p0 $0x1C03  }
0xd2: {  	[timem:s3], [sflag:s2] =	dma.local @!p0 [hbm:s0], s1  }
0xd3: {  	s0 =	simm.s32 @!p0 $0x3  }
0xd4: {  	_ =	swait.ge @!p0 [sflag:s0], s1  }
0xd5: {  	s1 =	ssub.s32 @!p0 $0x0, s1;
	[sflag:s0] =	ssyncset.done @!p0 $0x0  }
0xd6: {  	[sflag:s0] =	ssyncadd.s32 @!p0 s1  }
0xd7: {  	[bflag:$0x3] =	sbarrier.arrive $0xFFFF  }
0xd8: {  	_ =	shalt  }

// kernel: kernel.31.cloned.1.call-start
scs
__scs_entry_jumppad:
0x0: {  	(pc) =	sbr.rel $0x88, $3  }
0x1: {  	(tag) =	ssettag $0x0;
	lr =	simm.s32 $0x1  }
0x2: {  	[smem:$0x3F8D] =	sst lr;
	_ =	strace $0xD0000000  }
0x3: {  	_ = 	snop  }
0x4: {  	_ = 	snop  }
0x5: {  	_ = 	snop  }
0x6: {  	_ = 	snop  }
0x7: {  	_ = 	snop  }
__scs_overlays_trampoline_lowered:
0x8: {  	[smem:$0x3F9C] =	sst s0  }
0x9: {  	[smem:$0x3F9D] =	sst s1  }
0xa: {  	[smem:$0x3F9E] =	sst s2  }
0xb: {  	[smem:$0x3F9F] =	sst s3  }
0xc: {  	[smem:$0x3FA0] =	sst s4  }
0xd: {  	[smem:$0x3FA1] =	sst s5  }
0xe: {  	[smem:$0x3FA2] =	sst s6  }
0xf: {  	[smem:$0x3FA3] =	sst s7  }
0x10: {  	[smem:$0x3FA4] =	sst s8  }
0x11: {  	[smem:$0x3FA5] =	sst s9;
	s0 =	simm.s32 @!p0 $0x0  }
0x12: {  	s1 =	sld [smem:$0x3F8B];
	s0 =	simm.s32 @p0 $0x1  }
0x13: {  	[smem:$0x3FA6] =	sst s0;
	s0 =	simm.s32 @!p1 $0x0  }
0x14: {  	s2 =	sld [smem:$0x3F8A];
	s0 =	simm.s32 @p1 $0x1  }
0x15: {  	[smem:$0x3FA7] =	sst s0;
	s0 =	simm.s32 @!p2 $0x0  }
0x16: {  	s3 =	sld [smem:$0x3FDB];
	s0 =	simm.s32 @p2 $0x1  }
0x17: {  	s4 =	simm.s32 $0x1BF5;
	[smem:$0x3FA9] =	sst s0  }
0x18: {  	s0 =	sld [smem:$0x3F8C];
	_ =	swait.ge [sflag:s4], $0x0  }
0x19: {  	s7 =	sld [smem:$0x3F8D]  }
0x1a: {  	s8 =	sadd.s32 $0xFFFFE003, lr  }
0x1b: {  	s9 =	sadd.s32 $0xFFFFFEF7, lr;
	s5 =	simm.s32 $0xFFFFFFFF;
	p2 =	slt.u32 s8, $0xFFFFF086  }
0x1c: {  	p1 =	slt.u32 s9, $0xF7A;
	s5 =	simm.s32 @!p2 $0x0  }
0x1d: {  	s5 =	simm.s32 @p1 $0x1;
	p0 =	seq.s32 s7, s2  }
0x1e: {  	s7 =	smul.u32 @!p0 $0xF7A, s2;
	p2 =	seq.s32 @!p0 s5, $0x0  }
0x1f: {  	s9 =	smul.u32 $0xF7A, s1;
	s8 =	simm.s32 @!p0 $0x1BF5;
	p2 =	por !p2, p0  }
0x20: {  	[sflag:s8] =	ssyncset.s32 @!p0 $0xFFFFF086;
	s6 =	sadd.s32 @!p0 s3, s7;
	s7 =	simm.s32 @!p0 $0x108  }
0x21: {  	s3 =	sadd.s32 s3, s9;
	s6 =	sadd.s32 @!p0 $0x88, s6;
	s7 =	simm.s32 @p2 $0x1082  }
0x22: {  	[simem:s7], [sflag:s8] =	dma.local @!p0 [hbm:s6], $0xF7A  }
0x23: {  	s9 =	sor.u32 $0xD0000000, s2;
	s6 =	simm.s32 $0x108;
	_ =	swait.ge @!p0 [sflag:s8], $0x0  }
0x24: {  	s3 =	sadd.s32 $0x88, s3;
	s6 =	simm.s32 @!p1 $0x1082;
	[sflag:s4] =	ssyncset.s32 $0xFFFFF086  }
0x25: {  	[simem:s6], [sflag:s4] =	dma.local [hbm:s3], $0xF7A  }
0x26: {  	[smem:$0x3F8D] =	sst s1;
	(tag) =	ssettag s2;
	_ =	strace s9  }
0x27: {  	s1 =	sld [smem:$0x3F9D]  }
0x28: {  	s2 =	sld [smem:$0x3F9E]  }
0x29: {  	s4 =	sld [smem:$0x3FA0]  }
0x2a: {  	p0 =	seq.s32 s5, $0x0;
	s5 =	sld [smem:$0x3FA1]  }
0x2b: {  	s6 =	sld [smem:$0x3FA2]  }
0x2c: {  	s7 =	sld [smem:$0x3FA3]  }
0x2d: {  	s3 =	simm.s32 $0x108;
	s8 =	sld [smem:$0x3FA4]  }
0x2e: {  	s3 =	simm.s32 @!p0 $0x1082;
	s9 =	sld [smem:$0x3FA5]  }
0x2f: {  	lr =	sadd.s32 s0, s3;
	s0 =	sld [smem:$0x3F9C]  }
0x30: {  	s3 =	sld [smem:$0x3F9F]  }
0x31: {  	[smem:$0x3FA8] =	sst s10  }
0x32: {  	s10 =	sld [smem:$0x3FA6];
	_ =	sdelay $0x3  }
0x33: {  	p0 =	seq.s32 s10, $0x1;
	s10 =	sld [smem:$0x3FA8];
	_ =	sdelay $0x3  }
0x34: {  	[smem:$0x3FA8] =	sst s10  }
0x35: {  	s10 =	sld [smem:$0x3FA7];
	_ =	sdelay $0x3  }
0x36: {  	p1 =	seq.s32 s10, $0x1;
	s10 =	sld [smem:$0x3FA8];
	_ =	sdelay $0x3  }
0x37: {  	[smem:$0x3FA8] =	sst s10  }
0x38: {  	s10 =	sld [smem:$0x3FA9]  }
0x39: {  	_ = 	snop;
	(pc) =	sbr.ind lr, $3  }
0x3a: {  	_ = 	snop  }
0x3b: {  	_ = 	snop  }
0x3c: {  	p2 =	seq.s32 s10, $0x1;
	s10 =	sld [smem:$0x3FA8]  }
0x3d: {  	_ =	shalt  }
0x3e: {  	_ =	shalt  }
0x3f: {  	_ =	shalt  }
0x40: {  	_ =	shalt  }
0x41: {  	_ =	shalt  }
0x42: {  	_ =	shalt  }
0x43: {  	_ =	shalt  }
0x44: {  	_ =	shalt  }
0x45: {  	_ =	shalt  }
0x46: {  	_ =	shalt  }
0x47: {  	_ =	shalt  }
0x48: {  	_ =	shalt  }
0x49: {  	_ =	shalt  }
0x4a: {  	_ =	shalt  }
0x4b: {  	_ =	shalt  }
0x4c: {  	_ =	shalt  }
0x4d: {  	_ =	shalt  }
0x4e: {  	_ =	shalt  }
0x4f: {  	_ =	shalt  }
0x50: {  	_ =	shalt  }
0x51: {  	_ =	shalt  }
0x52: {  	_ =	shalt  }
0x53: {  	_ =	shalt  }
0x54: {  	_ =	shalt  }
0x55: {  	_ =	shalt  }
0x56: {  	_ =	shalt  }
0x57: {  	_ =	shalt  }
0x58: {  	_ =	shalt  }
0x59: {  	_ =	shalt  }
0x5a: {  	_ =	shalt  }
0x5b: {  	_ =	shalt  }
0x5c: {  	_ =	shalt  }
0x5d: {  	_ =	shalt  }
0x5e: {  	_ =	shalt  }
0x5f: {  	_ =	shalt  }
0x60: {  	_ =	shalt  }
0x61: {  	_ =	shalt  }
0x62: {  	_ =	shalt  }
0x63: {  	_ =	shalt  }
0x64: {  	_ =	shalt  }
0x65: {  	_ =	shalt  }
0x66: {  	_ =	shalt  }
0x67: {  	_ =	shalt  }
0x68: {  	_ =	shalt  }
0x69: {  	_ =	shalt  }
0x6a: {  	_ =	shalt  }
0x6b: {  	_ =	shalt  }
0x6c: {  	_ =	shalt  }
0x6d: {  	_ =	shalt  }
0x6e: {  	_ =	shalt  }
0x6f: {  	_ =	shalt  }
0x70: {  	_ =	shalt  }
0x71: {  	_ =	shalt  }
0x72: {  	_ =	shalt  }
0x73: {  	_ =	shalt  }
0x74: {  	_ =	shalt  }
0x75: {  	_ =	shalt  }
0x76: {  	_ =	shalt  }
0x77: {  	_ =	shalt  }
0x78: {  	_ =	shalt  }
0x79: {  	_ =	shalt  }
0x7a: {  	_ =	shalt  }
0x7b: {  	_ =	shalt  }
0x7c: {  	_ =	shalt  }
0x7d: {  	_ =	shalt  }
0x7e: {  	_ =	shalt  }
0x7f: {  	_ =	shalt  }
0x80: {  	_ =	shalt  }
0x81: {  	_ =	shalt  }
0x82: {  	_ =	shalt  }
0x83: {  	_ =	shalt  }
0x84: {  	_ =	shalt  }
0x85: {  	_ =	shalt  }
0x86: {  	_ =	shalt  }
0x87: {  	_ =	shalt  }
.Lfunc_end0:
.L_simem_size_0:
called_computation.5_lowered:
.L_overlay_start_0:
0x88: {  	s2 =	sld [smem:$0x3FD9]  }
0x89: {  	s3 =	sld [smem:$0x3FFE];
	_ =	sdelay $0x1  }
0x8a: {  	s1 =	srdreg.scid  }
0x8b: {  	s0 =	sand.u32 $0x1, s1  }
0x8c: {  	s17 =	sshll.u32 s0, $0xA;
	s2 =	sadd.s32 s3, s2  }
0x8d: {  	s2 =	sadd.s32 s2, s17  }
0x8e: {  	[smem:$0x3FB4] =	sst s2  }
0x8f: {  	_ = 	snop  }
0x90: {  	s18 =	sld [smem:$0x3FC6];
	(tm) =	ssettm $0x1  }
0x91: {  	s19 =	sld [smem:$0x3FFB];
	_ =	sdelay $0x3  }
0x92: {  	_ =	strace s19  }
0x93: {  	s2 =	sld [smem:$0x3FFC];
	_ =	sdelay $0x3  }
0x94: {  	_ =	strace s2  }
0x95: {  	s2 =	sld [smem:$0x3FFD];
	_ =	sdelay $0x3  }
0x96: {  	_ =	strace s2  }
0x97: {  	_ =	strace $0x8FFFFFFF  }
0x98: {  	s20 =	sld [smem:$0x3FDB];
	_ =	sdelay $0x1  }
0x99: {  	s4 =	simm.s32 $_scs_section_size  }
0x9a: {  	s5 =	simm.s32 $_size__tile_overlayer_lowered;
	s6 =	simm.s32 $_tile_overlayer_lowered  }
0x9b: {  	s7 =	simm.s32 $0x1BFF;
	s21 =	sshll.u32 s6, $0x1;
	s4 =	sadd.s32 s4, s20  }
0x9c: {  	s22 =	simm.s32 $0x0;
	s5 =	sshll.u32 s5, $0x1;
	s6 =	sadd.s32 s21, s4  }
0x9d: {  	[timem:s22], [sflag:s7] =	dma.local [hbm:s6], s5  }
0x9e: {  	_ =	swait.ge [sflag:s7], s5  }
0x9f: {  	s5 =	ssub.s32 $0x0, s5;
	[sflag:s7] =	ssyncset.done $0x0  }
0xa0: {  	[sflag:s7] =	ssyncadd.s32 s5;
	_ =	sdelay $0x1  }
0xa1: {  	s23 =	simm.s32 $0x1B8B  }
0xa2: {  	_ =	swait.ge [sflag:s23], $0x1  }
0xa3: {  	[sflag:s23] =	ssyncset.done $0x0  }
0xa4: {  	[sflag:s23] =	ssyncadd.s32 $0xFFFFFFFF  }
0xa5: {  	s5 =	sld [smem:$0x0]  }
0xa6: {  	s6 =	sand.u32 $0xFFFFFFFE, s1  }
0xa7: {  	p0 =	sne.s32 s1, s6  }
0xa8: {  	s6 =	sshll.u32 @p0 s6, $0xE  }
0xa9: {  	s6 =	sadd.s32 @p0 $0x11B8D, s6;
	s7 =	sshll.u32 @p0 s5, $0x11  }
0xaa: {  	s6 =	sor.u32 @p0 s7, s6  }
0xab: {  	[sflag:s6] =	ssyncadd.remote.s32 @p0 $0x1;
	_ =	sdelay $0x1  }
0xac: {  	s6 =	simm.s32 @p0 $0x1B8D  }
0xad: {  	_ =	swait.eq @p0 [sflag:s6], $0x1  }
0xae: {  	[sflag:s6] =	ssyncadd.s32 @p0 $0xFFFFFFFF  }
0xaf: {  	s7 =	sshll.u32 @!p0 s1, $0xE  }
0xb0: {  	s7 =	sor.u32 @!p0 $0x4000, s7;
	s6 =	simm.s32 @!p0 $0x1B8D  }
0xb1: {  	s5 =	sshll.u32 @!p0 s5, $0x11;
	s7 =	sadd.s32 @!p0 $0x11B8D, s7;
	_ =	swait.eq @!p0 [sflag:s6], $0x1  }
0xb2: {  	s5 =	sor.u32 @!p0 s5, s7;
	[sflag:s6] =	ssyncadd.s32 @!p0 $0xFFFFFFFF  }
0xb3: {  	s25 =	simm.s32 $0x1B8E;
	s24 =	sld [smem:$0x3FFE];
	[sflag:s5] =	ssyncadd.remote.s32 @!p0 $0x1  }
0xb4: {  	s26 =	simm.s32 $execute0_lowered;
	[smem:$0x3FD2] =	sst s25  }
0xb5: {  	s6 =	sshll.u32 s26, $0x1;
	_ =	strace $0x80000055;
	[dreg:$0x1] =	wrdreg $0xFFFFFFFF  }
0xb6: {  	s28 =	simm.s32 $_size_execute0_lowered;
	s4 =	sadd.s32 s4, s6;
	[dreg:$0x0] =	wrdreg $0x0  }
0xb7: {  	s6 =	sshll.u32 s28, $0x1;
	[dreg:$0x2] =	wrdreg s4  }
0xb8: {  	[dreg:$0x3] =	wrdreg s6  }
0xb9: {  	[dreg:$0x4] =	wrdreg $0xC0  }
0xba: {  	_ =	task [dreg:s22], $0x5FFFF  }
0xbb: {  	[dreg:$0x1] =	wrdreg $0xFFFFFFFF  }
0xbc: {  	[dreg:$0x0] =	wrdreg $0x60  }
0xbd: {  	[dreg:$0x2] =	wrdreg s24  }
0xbe: {  	[dreg:$0x3] =	wrdreg s18  }
0xbf: {  	[dreg:$0x4] =	wrdreg $0x51000  }
0xc0: {  	[dreg:$0x5] =	wrdreg $0xB  }
0xc1: {  	_ =	task.clear_ibuf [dreg:s22], $0x6FFFF;
	_ =	strace $0x90000055  }
0xc2: {  	s29 =	simm.s32 $0xB;
	_ =	strace $0x80000057  }
0xc3: {  	_ =	swait.ge [sflag:s29], $0x1  }
0xc4: {  	[sflag:s29] =	ssyncadd.s32 $0xFFFFFFFF  }
0xc5: {  	_ =	strace $0x90000057  }
0xc6: {  	_ =	sfence  }
0xc7: {  	s30 =	sld [smem:$0x0];
	_ =	sdelay $0x2  }
0xc8: {  	s31 =	sshll.u32 s1, $0xD;
	s1 =	sshrl.u32 s1, $0x2  }
0xc9: {  	s4 =	sand.u32 $0x4000, s31;
	s1 =	sadd.s32 s1, s30  }
0xca: {  	s0 =	sor.u32 s4, s0;
	s1 =	sshll.u32 s1, $0x11  }
0xcb: {  	s0 =	sor.u32 s1, s0  }
0xcc: {  	s0 =	sadd.s32 $0x8F2B, s0  }
0xcd: {  	[sflag:s0] =	ssyncadd.remote.s32 $0x1  }
0xce: {  	_ =	sfence.sel $0xFFFF  }
0xcf: {  	[dreg:$0x0] =	wrdreg $0xFFFFFFFF;
	(pc) =	sbr.abs _section_cstart, $3  }
0xd0: {  	[dreg:$0x1] =	wrdreg $0xFFFFFFFF  }
0xd1: {  	_ =	task.clear_ibuf [dreg:s22], $0x2FFFF;
	_ =	strace $0x9FFFFFFF  }
0xd2: {  	(tm) =	ssettm $0x7FFFFFFF  }
0xd3: {  	_ =	shalt  }
tec
execute0_lowered:
.L_overlay_start_1:
0x0: {  	(tag) =	ssettag $0x1  }
0x1: {  	s0 =	rddreg [dreg:$0x0]  }
0x2: {  	s1 =	rddreg [dreg:$0x1]  }
0x3: {  	s2 =	rddreg [dreg:$0x2];
	s3 =	simm.s32 $0x0  }
0x4: {  	s19 =	stileid.u32;
	s5 =	srdreg.scid;
	s28 =	simm.s32 $0x100  }
0x5: {  	s29 =	simm.s32 $0x80;
	s30 =	simm.s32 $0x2900;
	s4 =	smul.u32 $0x2800, s19  }
0x6: {  	[smem:$0x7FF] =	sst s3;
	s6 =	sadd.s32 $0xA03C00, s0;
	s7 =	smul.u32 $0x50000, s19  }
0x7: {  	s5 =	sand.u32 $0x1, s5;
	s11 =	sadd.s32 $0x139C00, s0;
	s13 =	smul.u32 $0x7D0, s19  }
0x8: {  	s8 =	sadd.s32 $0x3FC00, s0;
	s14 =	sadd.s32 $0x25AE00, s0;
	s22 =	smul.u32 $0x14000, s19  }
0x9: {  	s20 =	sadd.s32 $0x12C000, s2;
	p0 =	seq.s32 s19, $0xF;
	s10 =	smul.u32 $0x7D00, s5  }
0xa: {  	s31 =	simm.s32 $0x1;
	_ =	strace $0x80000056;
	s15 =	smul.u32 $0x138800, s5  }
0xb: {  	s9 =	ssub.s32 $0x2, s5;
	[dreg:$0x6] =	wrdreg s20;
	s5 =	smul.u32 $0x7D000, s5  }
0xc: {  	s12 =	sshrl.u32 s9, $0x1;
	s4 =	sadd.s32 s4, s0;
	s7 =	sshrl.u32 s7, $0x2  }
0xd: {  	s0 =	sadd.s32 $0x259400, s0;
	s9 =	ssub.s32 s9, s12;
	s4 =	sadd.s32 $0x233C00, s4  }
0xe: {  	s7 =	sadd.s32 s7, s2;
	[dreg:$0x7] =	wrdreg s0;
	s12 =	sadd.s32 s22, s15  }
0xf: {  	s15 =	sshrl.u32 s15, $0x3;
	s22 =	smul.u32 $0x7D00, s19;
	[dreg:$0x4] =	wrdreg s4  }
0x10: {  	s4 =	sadd.s32 s13, s10;
	[dreg:$0x5] =	wrdreg s7;
	s12 =	sshrl.u32 s12, $0x3  }
0x11: {  	s18 =	sadd.s32 $0x780, s4;
	s25 =	sshrl.u32 s4, $0x3;
	s13 =	sadd.s32 s14, s12  }
0x12: {  	s16 =	sadd.s32 $0x50, s4;
	s17 =	sadd.s32 $0xFA00, s4;
	s20 =	sadd.s32 $0xFA50, s4  }
0x13: {  	s21 =	sshrl.u32 s18, $0x3;
	s24 =	sshll.u32 s18, $0x4;
	s10 =	sadd.s32 s25, s1  }
0x14: {  	[dreg:$0xc] =	wrdreg s13;
	s18 =	sshrl.u32 s17, $0x3;
	s17 =	sadd.s32 $0x1F400, s4  }
0x15: {  	s4 =	sadd.s32 $0x1F450, s4;
	s23 =	sadd.s32 s1, s21;
	s7 =	sadd.s32 s6, s24  }
0x16: {  	s26 =	sadd.s32 s8, s24;
	s0 =	sadd.s32 s11, s24;
	[dreg:$0x8] =	wrdreg s23  }
0x17: {  	s21 =	sshrl.u32 s17, $0x3;
	s4 =	sshrl.u32 s4, $0x3;
	[dreg:$0x9] =	wrdreg s7  }
0x18: {  	s24 =	sadd.s32 s5, s8;
	s25 =	sadd.s32 $0x2030, s10;
	[dreg:$0xa] =	wrdreg s26  }
0x19: {  	[dreg:$0xb] =	wrdreg s0;
	s0 =	sadd.s32 s14, s15;
	s7 =	sshrl.u32 s16, $0x3  }
0x1a: {  	s15 =	sadd.s32 s18, s1;
	s17 =	sadd.s32 s21, s1;
	s18 =	sadd.s32 s4, s1  }
0x1b: {  	s23 =	sadd.s32 s5, s6;
	s5 =	sadd.s32 s5, s11;
	[dreg:$0xd] =	wrdreg s25  }
0x1c: {  	s26 =	sadd.s32 s22, s24;
	s21 =	sadd.s32 $0x3F70, s10;
	s4 =	simm.s32 $0x0  }
0x1d: {  	s14 =	sadd.s32 s7, s1;
	s7 =	sshrl.u32 s20, $0x3;
	s20 =	sadd.s32 s22, s23  }
0x1e: {  	s23 =	smax.u32 s9, $0x1;
	s24 =	sadd.s32 $0x500, s26;
	s26 =	simm.s32 $0x3  }
0x1f: {  	s16 =	sadd.s32 s7, s1;
	s1 =	sadd.s32 s22, s5;
	s22 =	sadd.s32 $0x25800, s0  }
0x20: {  	s0 =	simm.s32 $0x50;
	s25 =	sadd.s32 $0x500, s1;
	s1 =	simm.s32 $0x2  }
.LBB2_1:
0x21: {  	s5 =	rddreg [dreg:$0x6]  }
0x22: {  	s6 =	simm.s32 @p0 $0x1FC3;
	s7 =	rddreg [dreg:$0x7];
	s5 =	sshrl.u32 @p0 s5, $0x3  }
0x23: {  	[spmem:s5], [sflag:s6] =	dma.local @p0 [hbm:s7], $0x1900  }
0x24: {  	s6 =	simm.s32 @p0 $0x3  }
0x25: {  	s7 =	stileid.u32;
	_ =	swait.ge @p0 [sflag:s6], $0x1900  }
0x26: {  	s7 =	sshll.u32 @!p0 s7, $0x6;
	[sflag:s6] =	ssyncset.done @p0 $0x0  }
0x27: {  	[sflag:s6] =	ssyncadd.s32 @p0 $0xFFFFE700;
	s6 =	sor.u32 @!p0 $0x1C03, s7;
	s7 =	rddreg [dreg:$0x5]  }
0x28: {  	s8 =	rddreg [dreg:$0x4];
	s7 =	sshrl.u32 @!p0 s7, $0x3  }
0x29: {  	[spmem:s7], [sflag:s6] =	dma.local @!p0 [hbm:s8], $0x2800  }
0x2a: {  	s8 =	simm.s32 @!p0 $0x3  }
0x2b: {  	_ =	swait.ge @!p0 [sflag:s8], $0x2800  }
0x2c: {  	[sflag:s8] =	ssyncset.done @!p0 $0x0  }
0x2d: {  	[sflag:s8] =	ssyncadd.s32 @!p0 $0xFFFFD800  }
0x2e: {  	s12 =	sadd.s32 $0x0, s10;
	[bflag:$0x0] =	sbarrier.arrive $0xFFFF  }
0x2f: {  	[tilespmem:s3], [sflag:$0x3] =	stream.linear.gather [hbm4b:s12+s3], $0x50, $0x38;
	[tilespmem:$0x18980] =	vst v63  }
0x30: {  	_ =	swait.ge [sflag:s26], $0x50  }
0x31: {  	[sflag:s26] =	ssyncset.done $0x0  }
0x32: {  	[sflag:s26] =	ssyncadd.s32 $0xFFFFFFB0  }
0x33: {  	[tilespmem:s28], [sflag:$0x1] =	stream.linear.gather [hbm4b:s20+s3], $0x2800, $0x38;
	[tilespmem:$0x18980] =	vst v63  }
0x34: {  	s13 =	sadd.s32 $0x0, s14  }
0x35: {  	[tilespmem:s29], [sflag:$0x3] =	stream.linear.gather [hbm4b:s13+s3], $0x50, $0x38;
	[tilespmem:$0x18980] =	vst v63  }
0x36: {  	_ =	swait.ge [sflag:s26], $0x50  }
0x37: {  	[sflag:s26] =	ssyncset.done $0x0  }
0x38: {  	s19 =	sadd.s32 $0x500, s20;
	[sflag:s26] =	ssyncadd.s32 $0xFFFFFFB0  }
0x39: {  	[tilespmem:s30], [sflag:$0x2] =	stream.linear.gather [hbm4b:s19+s3], $0x2800, $0x38;
	[tilespmem:$0x18980] =	vst v63  }
0x3a: {  	_ =	swait.ge [sflag:s31], $0x2800  }
0x3b: {  	[sflag:s31] =	ssyncset.done $0x0  }
0x3c: {  	[sflag:s31] =	ssyncadd.s32 $0xFFFFD800  }
0x3d: {  	[spmem:s2] =	stream.indirect.scatter.add.f32 [tilespmem:s28], [sflag:$0x3], $0x80, s3, s0, $0xb8;
	[tilespmem:$0x18980] =	vst v63  }
0x3e: {  	_ =	swait.ge [sflag:s26], $0x2800  }
0x3f: {  	[sflag:s26] =	ssyncset.done $0x0  }
0x40: {  	[sflag:s26] =	ssyncadd.s32 $0xFFFFD800  }
0x41: {  	_ =	swait.ge [sflag:s1], $0x2800  }
0x42: {  	[sflag:s1] =	ssyncset.done $0x0  }
0x43: {  	[sflag:s1] =	ssyncadd.s32 $0xFFFFD800  }
0x44: {  	[spmem:s2] =	stream.indirect.scatter.add.f32 [tilespmem:s30], [sflag:$0x3], $0x80, s29, s0, $0xb8;
	[tilespmem:$0x18980] =	vst v63  }
0x45: {  	s9 =	simm.s32 $0x14;
	_ =	swait.ge [sflag:s26], $0x2800  }
0x46: {  	s11 =	simm.s32 $0x28;
	s8 =	sadd.s32 $0xA00, s20;
	[sflag:s26] =	ssyncset.done $0x0  }
.LBB2_2:
0x47: {  	s12 =	sadd.s32 s9, s10  }
0x48: {  	[sflag:s26] =	ssyncadd.s32 $0xFFFFD800;
	s13 =	smov.u32 s11;
	s19 =	sadd.s32 $0x14, s11  }
0x49: {  	[tilespmem:s3], [sflag:$0x3] =	stream.linear.gather [hbm4b:s12+s3], $0x50, $0x38;
	[tilespmem:$0x18980] =	vst v63  }
0x4a: {  	p1 =	sne.s32 s11, $0xDC;
	_ =	swait.ge [sflag:s26], $0x50  }
0x4b: {  	[sflag:s26] =	ssyncset.done $0x0  }
0x4c: {  	[sflag:s26] =	ssyncadd.s32 $0xFFFFFFB0  }
0x4d: {  	[tilespmem:s28], [sflag:$0x1] =	stream.linear.gather [hbm4b:s8+s3], $0x2800, $0x38;
	[tilespmem:$0x18980] =	vst v63  }
0x4e: {  	s11 =	sadd.s32 s9, s14;
	s9 =	smov.u32 s13  }
0x4f: {  	[tilespmem:s29], [sflag:$0x3] =	stream.linear.gather [hbm4b:s11+s3], $0x50, $0x38;
	[tilespmem:$0x18980] =	vst v63  }
0x50: {  	_ =	swait.ge [sflag:s26], $0x50  }
0x51: {  	[sflag:s26] =	ssyncset.done $0x0  }
0x52: {  	s11 =	sadd.s32 $0x500, s8;
	[sflag:s26] =	ssyncadd.s32 $0xFFFFFFB0  }
0x53: {  	[tilespmem:s30], [sflag:$0x2] =	stream.linear.gather [hbm4b:s11+s3], $0x2800, $0x38;
	[tilespmem:$0x18980] =	vst v63  }
0x54: {  	_ =	swait.ge [sflag:s31], $0x2800  }
0x55: {  	[sflag:s31] =	ssyncset.done $0x0  }
0x56: {  	[sflag:s31] =	ssyncadd.s32 $0xFFFFD800  }
0x57: {  	[spmem:s2] =	stream.indirect.scatter.add.f32 [tilespmem:s28], [sflag:$0x3], $0x80, s3, s0, $0xb8;
	[tilespmem:$0x18980] =	vst v63  }
0x58: {  	_ =	swait.ge [sflag:s26], $0x2800  }
0x59: {  	[sflag:s26] =	ssyncset.done $0x0  }
0x5a: {  	[sflag:s26] =	ssyncadd.s32 $0xFFFFD800  }
0x5b: {  	_ =	swait.ge [sflag:s1], $0x2800  }
.Ltmp0:
0x5c: {  	[sflag:s1] =	ssyncset.done $0x0;
	(pc) =	sbr.rel @p1 .LBB2_2-.Ltmp0, $4  }
0x5d: {  	[sflag:s1] =	ssyncadd.s32 $0xFFFFD800  }
0x5e: {  	[spmem:s2] =	stream.indirect.scatter.add.f32 [tilespmem:s30], [sflag:$0x3], $0x80, s29, s0, $0xb8;
	[tilespmem:$0x18980] =	vst v63  }
0x5f: {  	_ =	swait.ge [sflag:s26], $0x2800  }
0x60: {  	s8 =	sadd.s32 $0xA00, s8;
	s11 =	smov.u32 s19;
	[sflag:s26] =	ssyncset.done $0x0  }
0x61: {  	s11 =	sadd.s32 s9, s10;
	[sflag:s26] =	ssyncadd.s32 $0xFFFFD800  }
0x62: {  	[tilespmem:s3], [sflag:$0x3] =	stream.linear.gather [hbm4b:s11+s3], $0x50, $0x38;
	[tilespmem:$0x18980] =	vst v63  }
0x63: {  	_ =	swait.ge [sflag:s26], $0x50  }
0x64: {  	[sflag:s26] =	ssyncset.done $0x0  }
0x65: {  	[sflag:s26] =	ssyncadd.s32 $0xFFFFFFB0  }
0x66: {  	[tilespmem:s28], [sflag:$0x1] =	stream.linear.gather [hbm4b:s8+s3], $0x2800, $0x38;
	[tilespmem:$0x18980] =	vst v63  }
0x67: {  	s11 =	sadd.s32 s9, s14  }
0x68: {  	[tilespmem:s29], [sflag:$0x3] =	stream.linear.gather [hbm4b:s11+s3], $0x50, $0x38;
	[tilespmem:$0x18980] =	vst v63  }
0x69: {  	_ =	swait.ge [sflag:s26], $0x50  }
0x6a: {  	[sflag:s26] =	ssyncset.done $0x0  }
0x6b: {  	s12 =	sadd.s32 $0x500, s8;
	[sflag:s26] =	ssyncadd.s32 $0xFFFFFFB0  }
0x6c: {  	[tilespmem:s30], [sflag:$0x2] =	stream.linear.gather [hbm4b:s12+s3], $0x2800, $0x38;
	[tilespmem:$0x18980] =	vst v63  }
0x6d: {  	_ =	swait.ge [sflag:s31], $0x2800  }
0x6e: {  	[sflag:s31] =	ssyncset.done $0x0  }
0x6f: {  	[sflag:s31] =	ssyncadd.s32 $0xFFFFD800  }
0x70: {  	[spmem:s2] =	stream.indirect.scatter.add.f32 [tilespmem:s28], [sflag:$0x3], $0x80, s3, s0, $0xb8;
	[tilespmem:$0x18980] =	vst v63  }
0x71: {  	_ =	swait.ge [sflag:s26], $0x2800  }
0x72: {  	[sflag:s26] =	ssyncset.done $0x0  }
0x73: {  	[sflag:s26] =	ssyncadd.s32 $0xFFFFD800  }
0x74: {  	_ =	swait.ge [sflag:s1], $0x2800  }
0x75: {  	[sflag:s1] =	ssyncset.done $0x0  }
0x76: {  	[sflag:s1] =	ssyncadd.s32 $0xFFFFD800  }
0x77: {  	[spmem:s2] =	stream.indirect.scatter.add.f32 [tilespmem:s30], [sflag:$0x3], $0x80, s29, s0, $0xb8;
	[tilespmem:$0x18980] =	vst v63  }
0x78: {  	_ =	swait.ge [sflag:s26], $0x2800  }
0x79: {  	[sflag:s26] =	ssyncset.done $0x0  }
0x7a: {  	s13 =	simm.s32 $0x0;
	s19 =	rddreg [dreg:$0x8];
	[sflag:s26] =	ssyncadd.s32 $0xFFFFD800  }
0x7b: {  	[tilespmem:s13], [sflag:$0x3] =	stream.linear.gather [hbm4b:s19+s13], $0x50, $0x38;
	[tilespmem:$0x18980] =	vst v63  }
0x7c: {  	_ =	swait.ge [sflag:s26], $0x50  }
0x7d: {  	[sflag:s26] =	ssyncset.done $0x0  }
0x7e: {  	s11 =	rddreg [dreg:$0x9];
	[sflag:s26] =	ssyncadd.s32 $0xFFFFFFB0  }
0x7f: {  	[tilespmem:s28], [sflag:$0x3] =	stream.linear.gather [hbm4b:s11+s13], $0x2800, $0x38;
	[tilespmem:$0x18980] =	vst v63  }
0x80: {  	_ =	swait.ge [sflag:s26], $0x2800  }
0x81: {  	[sflag:s26] =	ssyncset.done $0x0  }
0x82: {  	[sflag:s26] =	ssyncadd.s32 $0xFFFFD800  }
0x83: {  	[spmem:s2] =	stream.indirect.scatter.add.f32 [tilespmem:s28], [sflag:$0x3], $0x80, s13, s0, $0xb8;
	[tilespmem:$0x18980] =	vst v63  }
0x84: {  	_ =	swait.ge [sflag:s26], $0x2800  }
0x85: {  	[sflag:s26] =	ssyncset.done $0x0  }
0x86: {  	s12 =	sadd.s32 $0x0, s15;
	[sflag:s26] =	ssyncadd.s32 $0xFFFFD800  }
0x87: {  	[tilespmem:s3], [sflag:$0x3] =	stream.linear.gather [hbm4b:s12+s3], $0x50, $0x38;
	[tilespmem:$0x18980] =	vst v63  }
0x88: {  	_ =	swait.ge [sflag:s26], $0x50  }
0x89: {  	[sflag:s26] =	ssyncset.done $0x0  }
0x8a: {  	s13 =	sadd.s32 $0xFFFFFB00, s24;
	[sflag:s26] =	ssyncadd.s32 $0xFFFFFFB0  }
0x8b: {  	[tilespmem:s28], [sflag:$0x1] =	stream.linear.gather [hbm4b:s13+s3], $0x2800, $0x38;
	[tilespmem:$0x18980] =	vst v63  }
0x8c: {  	s19 =	sadd.s32 $0x0, s16  }
0x8d: {  	[tilespmem:s29], [sflag:$0x3] =	stream.linear.gather [hbm4b:s19+s3], $0x50, $0x38;
	[tilespmem:$0x18980] =	vst v63  }
0x8e: {  	_ =	swait.ge [sflag:s26], $0x50  }
0x8f: {  	[sflag:s26] =	ssyncset.done $0x0  }
0x90: {  	[sflag:s26] =	ssyncadd.s32 $0xFFFFFFB0  }
0x91: {  	[tilespmem:s30], [sflag:$0x2] =	stream.linear.gather [hbm4b:s24+s3], $0x2800, $0x38;
	[tilespmem:$0x18980] =	vst v63  }
0x92: {  	_ =	swait.ge [sflag:s31], $0x2800  }
0x93: {  	[sflag:s31] =	ssyncset.done $0x0  }
0x94: {  	[sflag:s31] =	ssyncadd.s32 $0xFFFFD800  }
0x95: {  	[spmem:s2] =	stream.indirect.scatter.add.f32 [tilespmem:s28], [sflag:$0x3], $0x80, s3, s0, $0xb8;
	[tilespmem:$0x18980] =	vst v63  }
0x96: {  	_ =	swait.ge [sflag:s26], $0x2800  }
0x97: {  	[sflag:s26] =	ssyncset.done $0x0  }
0x98: {  	[sflag:s26] =	ssyncadd.s32 $0xFFFFD800  }
0x99: {  	_ =	swait.ge [sflag:s1], $0x2800  }
0x9a: {  	[sflag:s1] =	ssyncset.done $0x0  }
0x9b: {  	[sflag:s1] =	ssyncadd.s32 $0xFFFFD800  }
0x9c: {  	[spmem:s2] =	stream.indirect.scatter.add.f32 [tilespmem:s30], [sflag:$0x3], $0x80, s29, s0, $0xb8;
	[tilespmem:$0x18980] =	vst v63  }
0x9d: {  	s9 =	simm.s32 $0x14;
	_ =	swait.ge [sflag:s26], $0x2800  }
0x9e: {  	s8 =	sadd.s32 $0xA00, s24;
	s11 =	simm.s32 $0x28;
	[sflag:s26] =	ssyncset.done $0x0  }
.LBB2_4:
0x9f: {  	s12 =	sadd.s32 s9, s15  }
0xa0: {  	[sflag:s26] =	ssyncadd.s32 $0xFFFFD800;
	s13 =	smov.u32 s11;
	s19 =	sadd.s32 $0x14, s11  }
0xa1: {  	[tilespmem:s3], [sflag:$0x3] =	stream.linear.gather [hbm4b:s12+s3], $0x50, $0x38;
	[tilespmem:$0x18980] =	vst v63  }
0xa2: {  	p1 =	sne.s32 s11, $0xDC;
	_ =	swait.ge [sflag:s26], $0x50  }
0xa3: {  	[sflag:s26] =	ssyncset.done $0x0  }
0xa4: {  	s11 =	sadd.s32 $0xFFFFFB00, s8;
	[sflag:s26] =	ssyncadd.s32 $0xFFFFFFB0  }
0xa5: {  	[tilespmem:s28], [sflag:$0x1] =	stream.linear.gather [hbm4b:s11+s3], $0x2800, $0x38;
	[tilespmem:$0x18980] =	vst v63  }
0xa6: {  	s11 =	sadd.s32 s9, s16;
	s9 =	smov.u32 s13  }
0xa7: {  	[tilespmem:s29], [sflag:$0x3] =	stream.linear.gather [hbm4b:s11+s3], $0x50, $0x38;
	[tilespmem:$0x18980] =	vst v63  }
0xa8: {  	_ =	swait.ge [sflag:s26], $0x50  }
0xa9: {  	[sflag:s26] =	ssyncset.done $0x0  }
0xaa: {  	[sflag:s26] =	ssyncadd.s32 $0xFFFFFFB0  }
0xab: {  	[tilespmem:s30], [sflag:$0x2] =	stream.linear.gather [hbm4b:s8+s3], $0x2800, $0x38;
	[tilespmem:$0x18980] =	vst v63  }
0xac: {  	_ =	swait.ge [sflag:s31], $0x2800  }
0xad: {  	[sflag:s31] =	ssyncset.done $0x0  }
0xae: {  	[sflag:s31] =	ssyncadd.s32 $0xFFFFD800  }
0xaf: {  	[spmem:s2] =	stream.indirect.scatter.add.f32 [tilespmem:s28], [sflag:$0x3], $0x80, s3, s0, $0xb8;
	[tilespmem:$0x18980] =	vst v63  }
0xb0: {  	_ =	swait.ge [sflag:s26], $0x2800  }
0xb1: {  	[sflag:s26] =	ssyncset.done $0x0  }
0xb2: {  	[sflag:s26] =	ssyncadd.s32 $0xFFFFD800  }
0xb3: {  	_ =	swait.ge [sflag:s1], $0x2800  }
.Ltmp1:
0xb4: {  	[sflag:s1] =	ssyncset.done $0x0;
	(pc) =	sbr.rel @p1 .LBB2_4-.Ltmp1, $4  }
0xb5: {  	[sflag:s1] =	ssyncadd.s32 $0xFFFFD800  }
0xb6: {  	[spmem:s2] =	stream.indirect.scatter.add.f32 [tilespmem:s30], [sflag:$0x3], $0x80, s29, s0, $0xb8;
	[tilespmem:$0x18980] =	vst v63  }
0xb7: {  	_ =	swait.ge [sflag:s26], $0x2800  }
0xb8: {  	s11 =	smov.u32 s19;
	s8 =	sadd.s32 $0xA00, s8;
	[sflag:s26] =	ssyncset.done $0x0  }
0xb9: {  	s11 =	sadd.s32 s9, s15;
	[sflag:s26] =	ssyncadd.s32 $0xFFFFD800  }
0xba: {  	[tilespmem:s3], [sflag:$0x3] =	stream.linear.gather [hbm4b:s11+s3], $0x50, $0x38;
	[tilespmem:$0x18980] =	vst v63  }
0xbb: {  	_ =	swait.ge [sflag:s26], $0x50  }
0xbc: {  	[sflag:s26] =	ssyncset.done $0x0  }
0xbd: {  	s19 =	sadd.s32 $0xFFFFFB00, s8;
	[sflag:s26] =	ssyncadd.s32 $0xFFFFFFB0  }
0xbe: {  	[tilespmem:s28], [sflag:$0x1] =	stream.linear.gather [hbm4b:s19+s3], $0x2800, $0x38;
	[tilespmem:$0x18980] =	vst v63  }
0xbf: {  	s12 =	sadd.s32 s9, s16  }
0xc0: {  	[tilespmem:s29], [sflag:$0x3] =	stream.linear.gather [hbm4b:s12+s3], $0x50, $0x38;
	[tilespmem:$0x18980] =	vst v63  }
0xc1: {  	_ =	swait.ge [sflag:s26], $0x50  }
0xc2: {  	[sflag:s26] =	ssyncset.done $0x0  }
0xc3: {  	[sflag:s26] =	ssyncadd.s32 $0xFFFFFFB0  }
0xc4: {  	[tilespmem:s30], [sflag:$0x2] =	stream.linear.gather [hbm4b:s8+s3], $0x2800, $0x38;
	[tilespmem:$0x18980] =	vst v63  }
0xc5: {  	_ =	swait.ge [sflag:s31], $0x2800  }
0xc6: {  	[sflag:s31] =	ssyncset.done $0x0  }
0xc7: {  	[sflag:s31] =	ssyncadd.s32 $0xFFFFD800  }
0xc8: {  	[spmem:s2] =	stream.indirect.scatter.add.f32 [tilespmem:s28], [sflag:$0x3], $0x80, s3, s0, $0xb8;
	[tilespmem:$0x18980] =	vst v63  }
0xc9: {  	_ =	swait.ge [sflag:s26], $0x2800  }
0xca: {  	[sflag:s26] =	ssyncset.done $0x0  }
0xcb: {  	[sflag:s26] =	ssyncadd.s32 $0xFFFFD800  }
0xcc: {  	_ =	swait.ge [sflag:s1], $0x2800  }
0xcd: {  	[sflag:s1] =	ssyncset.done $0x0  }
0xce: {  	[sflag:s1] =	ssyncadd.s32 $0xFFFFD800  }
0xcf: {  	[spmem:s2] =	stream.indirect.scatter.add.f32 [tilespmem:s30], [sflag:$0x3], $0x80, s29, s0, $0xb8;
	[tilespmem:$0x18980] =	vst v63  }
0xd0: {  	_ =	swait.ge [sflag:s26], $0x2800  }
0xd1: {  	[sflag:s26] =	ssyncset.done $0x0  }
0xd2: {  	s13 =	simm.s32 $0x0;
	s19 =	rddreg [dreg:$0xd];
	[sflag:s26] =	ssyncadd.s32 $0xFFFFD800  }
0xd3: {  	[tilespmem:s13], [sflag:$0x3] =	stream.linear.gather [hbm4b:s19+s13], $0x50, $0x38;
	[tilespmem:$0x18980] =	vst v63  }
0xd4: {  	_ =	swait.ge [sflag:s26], $0x50  }
0xd5: {  	[sflag:s26] =	ssyncset.done $0x0  }
0xd6: {  	s11 =	rddreg [dreg:$0xa];
	[sflag:s26] =	ssyncadd.s32 $0xFFFFFFB0  }
0xd7: {  	[tilespmem:s28], [sflag:$0x3] =	stream.linear.gather [hbm4b:s11+s13], $0x2800, $0x38;
	[tilespmem:$0x18980] =	vst v63  }
0xd8: {  	_ =	swait.ge [sflag:s26], $0x2800  }
0xd9: {  	[sflag:s26] =	ssyncset.done $0x0  }
0xda: {  	[sflag:s26] =	ssyncadd.s32 $0xFFFFD800  }
0xdb: {  	[spmem:s2] =	stream.indirect.scatter.add.f32 [tilespmem:s28], [sflag:$0x3], $0x80, s13, s0, $0xb8;
	[tilespmem:$0x18980] =	vst v63  }
0xdc: {  	_ =	swait.ge [sflag:s26], $0x2800  }
0xdd: {  	[sflag:s26] =	ssyncset.done $0x0  }
0xde: {  	s12 =	sadd.s32 $0x0, s17;
	[sflag:s26] =	ssyncadd.s32 $0xFFFFD800  }
0xdf: {  	[tilespmem:s3], [sflag:$0x3] =	stream.linear.gather [hbm4b:s12+s3], $0x50, $0x38;
	[tilespmem:$0x18980] =	vst v63  }
0xe0: {  	_ =	swait.ge [sflag:s26], $0x50  }
0xe1: {  	[sflag:s26] =	ssyncset.done $0x0  }
0xe2: {  	s13 =	sadd.s32 $0xFFFFFB00, s25;
	[sflag:s26] =	ssyncadd.s32 $0xFFFFFFB0  }
0xe3: {  	[tilespmem:s28], [sflag:$0x1] =	stream.linear.gather [hbm4b:s13+s3], $0x2800, $0x38;
	[tilespmem:$0x18980] =	vst v63  }
0xe4: {  	s19 =	sadd.s32 $0x0, s18  }
0xe5: {  	[tilespmem:s29], [sflag:$0x3] =	stream.linear.gather [hbm4b:s19+s3], $0x50, $0x38;
	[tilespmem:$0x18980] =	vst v63  }
0xe6: {  	_ =	swait.ge [sflag:s26], $0x50  }
0xe7: {  	[sflag:s26] =	ssyncset.done $0x0  }
0xe8: {  	[sflag:s26] =	ssyncadd.s32 $0xFFFFFFB0  }
0xe9: {  	[tilespmem:s30], [sflag:$0x2] =	stream.linear.gather [hbm4b:s25+s3], $0x2800, $0x38;
	[tilespmem:$0x18980] =	vst v63  }
0xea: {  	_ =	swait.ge [sflag:s31], $0x2800  }
0xeb: {  	[sflag:s31] =	ssyncset.done $0x0  }
0xec: {  	[sflag:s31] =	ssyncadd.s32 $0xFFFFD800  }
0xed: {  	[spmem:s2] =	stream.indirect.scatter.add.f32 [tilespmem:s28], [sflag:$0x3], $0x80, s3, s0, $0xb8;
	[tilespmem:$0x18980] =	vst v63  }
0xee: {  	_ =	swait.ge [sflag:s26], $0x2800  }
0xef: {  	[sflag:s26] =	ssyncset.done $0x0  }
0xf0: {  	[sflag:s26] =	ssyncadd.s32 $0xFFFFD800  }
0xf1: {  	_ =	swait.ge [sflag:s1], $0x2800  }
0xf2: {  	[sflag:s1] =	ssyncset.done $0x0  }
0xf3: {  	[sflag:s1] =	ssyncadd.s32 $0xFFFFD800  }
0xf4: {  	[spmem:s2] =	stream.indirect.scatter.add.f32 [tilespmem:s30], [sflag:$0x3], $0x80, s29, s0, $0xb8;
	[tilespmem:$0x18980] =	vst v63  }
0xf5: {  	s9 =	simm.s32 $0x14;
	_ =	swait.ge [sflag:s26], $0x2800  }
0xf6: {  	s8 =	sadd.s32 $0xA00, s25;
	s11 =	simm.s32 $0x28;
	[sflag:s26] =	ssyncset.done $0x0  }
.LBB2_6:
0xf7: {  	s12 =	sadd.s32 s9, s17  }
0xf8: {  	[sflag:s26] =	ssyncadd.s32 $0xFFFFD800;
	s13 =	smov.u32 s11;
	s19 =	sadd.s32 $0x14, s11  }
0xf9: {  	[tilespmem:s3], [sflag:$0x3] =	stream.linear.gather [hbm4b:s12+s3], $0x50, $0x38;
	[tilespmem:$0x18980] =	vst v63  }
0xfa: {  	p1 =	sne.s32 s11, $0xDC;
	_ =	swait.ge [sflag:s26], $0x50  }
0xfb: {  	[sflag:s26] =	ssyncset.done $0x0  }
0xfc: {  	s11 =	sadd.s32 $0xFFFFFB00, s8;
	[sflag:s26] =	ssyncadd.s32 $0xFFFFFFB0  }
0xfd: {  	[tilespmem:s28], [sflag:$0x1] =	stream.linear.gather [hbm4b:s11+s3], $0x2800, $0x38;
	[tilespmem:$0x18980] =	vst v63  }
0xfe: {  	s11 =	sadd.s32 s9, s18;
	s9 =	smov.u32 s13  }
0xff: {  	[tilespmem:s29], [sflag:$0x3] =	stream.linear.gather [hbm4b:s11+s3], $0x50, $0x38;
	[tilespmem:$0x18980] =	vst v63  }
0x100: {  	_ =	swait.ge [sflag:s26], $0x50  }
0x101: {  	[sflag:s26] =	ssyncset.done $0x0  }
0x102: {  	[sflag:s26] =	ssyncadd.s32 $0xFFFFFFB0  }
0x103: {  	[tilespmem:s30], [sflag:$0x2] =	stream.linear.gather [hbm4b:s8+s3], $0x2800, $0x38;
	[tilespmem:$0x18980] =	vst v63  }
0x104: {  	_ =	swait.ge [sflag:s31], $0x2800  }
0x105: {  	[sflag:s31] =	ssyncset.done $0x0  }
0x106: {  	[sflag:s31] =	ssyncadd.s32 $0xFFFFD800  }
0x107: {  	[spmem:s2] =	stream.indirect.scatter.add.f32 [tilespmem:s28], [sflag:$0x3], $0x80, s3, s0, $0xb8;
	[tilespmem:$0x18980] =	vst v63  }
0x108: {  	_ =	swait.ge [sflag:s26], $0x2800  }
0x109: {  	[sflag:s26] =	ssyncset.done $0x0  }
0x10a: {  	[sflag:s26] =	ssyncadd.s32 $0xFFFFD800  }
0x10b: {  	_ =	swait.ge [sflag:s1], $0x2800  }
.Ltmp2:
0x10c: {  	[sflag:s1] =	ssyncset.done $0x0;
	(pc) =	sbr.rel @p1 .LBB2_6-.Ltmp2, $4  }
0x10d: {  	[sflag:s1] =	ssyncadd.s32 $0xFFFFD800  }
0x10e: {  	[spmem:s2] =	stream.indirect.scatter.add.f32 [tilespmem:s30], [sflag:$0x3], $0x80, s29, s0, $0xb8;
	[tilespmem:$0x18980] =	vst v63  }
0x10f: {  	_ =	swait.ge [sflag:s26], $0x2800  }
0x110: {  	s11 =	smov.u32 s19;
	s8 =	sadd.s32 $0xA00, s8;
	[sflag:s26] =	ssyncset.done $0x0  }
0x111: {  	s11 =	sadd.s32 s9, s17;
	[sflag:s26] =	ssyncadd.s32 $0xFFFFD800  }
0x112: {  	[tilespmem:s3], [sflag:$0x3] =	stream.linear.gather [hbm4b:s11+s3], $0x50, $0x38;
	[tilespmem:$0x18980] =	vst v63  }
0x113: {  	_ =	swait.ge [sflag:s26], $0x50  }
0x114: {  	[sflag:s26] =	ssyncset.done $0x0  }
0x115: {  	s12 =	sadd.s32 $0xFFFFFB00, s8;
	[sflag:s26] =	ssyncadd.s32 $0xFFFFFFB0  }
0x116: {  	[tilespmem:s28], [sflag:$0x1] =	stream.linear.gather [hbm4b:s12+s3], $0x2800, $0x38;
	[tilespmem:$0x18980] =	vst v63  }
0x117: {  	s13 =	sadd.s32 s9, s18  }
0x118: {  	[tilespmem:s29], [sflag:$0x3] =	stream.linear.gather [hbm4b:s13+s3], $0x50, $0x38;
	[tilespmem:$0x18980] =	vst v63  }
0x119: {  	_ =	swait.ge [sflag:s26], $0x50  }
0x11a: {  	[sflag:s26] =	ssyncset.done $0x0  }
0x11b: {  	[sflag:s26] =	ssyncadd.s32 $0xFFFFFFB0  }
0x11c: {  	[tilespmem:s30], [sflag:$0x2] =	stream.linear.gather [hbm4b:s8+s3], $0x2800, $0x38;
	[tilespmem:$0x18980] =	vst v63  }
0x11d: {  	_ =	swait.ge [sflag:s31], $0x2800  }
0x11e: {  	[sflag:s31] =	ssyncset.done $0x0  }
0x11f: {  	[sflag:s31] =	ssyncadd.s32 $0xFFFFD800  }
0x120: {  	[spmem:s2] =	stream.indirect.scatter.add.f32 [tilespmem:s28], [sflag:$0x3], $0x80, s3, s0, $0xb8;
	[tilespmem:$0x18980] =	vst v63  }
0x121: {  	_ =	swait.ge [sflag:s26], $0x2800  }
0x122: {  	[sflag:s26] =	ssyncset.done $0x0  }
0x123: {  	[sflag:s26] =	ssyncadd.s32 $0xFFFFD800  }
0x124: {  	_ =	swait.ge [sflag:s1], $0x2800  }
0x125: {  	[sflag:s1] =	ssyncset.done $0x0  }
0x126: {  	[sflag:s1] =	ssyncadd.s32 $0xFFFFD800  }
0x127: {  	[spmem:s2] =	stream.indirect.scatter.add.f32 [tilespmem:s30], [sflag:$0x3], $0x80, s29, s0, $0xb8;
	[tilespmem:$0x18980] =	vst v63  }
0x128: {  	_ =	swait.ge [sflag:s26], $0x2800  }
0x129: {  	[sflag:s26] =	ssyncset.done $0x0  }
0x12a: {  	[sflag:s26] =	ssyncadd.s32 $0xFFFFD800  }
0x12b: {  	[tilespmem:s3], [sflag:$0x3] =	stream.linear.gather [hbm4b:s21+s3], $0x50, $0x38;
	[tilespmem:$0x18980] =	vst v63  }
0x12c: {  	_ =	swait.ge [sflag:s26], $0x50  }
0x12d: {  	[sflag:s26] =	ssyncset.done $0x0  }
0x12e: {  	s19 =	rddreg [dreg:$0xb];
	[sflag:s26] =	ssyncadd.s32 $0xFFFFFFB0  }
0x12f: {  	[tilespmem:s28], [sflag:$0x3] =	stream.linear.gather [hbm4b:s19+s3], $0x2800, $0x38;
	[tilespmem:$0x18980] =	vst v63  }
0x130: {  	_ =	swait.ge [sflag:s26], $0x2800  }
0x131: {  	[sflag:s26] =	ssyncset.done $0x0  }
0x132: {  	[sflag:s26] =	ssyncadd.s32 $0xFFFFD800  }
0x133: {  	[spmem:s2] =	stream.indirect.scatter.add.f32 [tilespmem:s28], [sflag:$0x3], $0x80, s3, s0, $0xb8;
	[tilespmem:$0x18980] =	vst v63  }
0x134: {  	_ =	swait.ge [sflag:s26], $0x2800  }
0x135: {  	[sflag:s26] =	ssyncset.done $0x0  }
0x136: {  	[sflag:s26] =	ssyncadd.s32 $0xFFFFD800  }
0x137: {  	s8 =	simm.s32 @p0 $0x1FC3;
	[bflag:$0x0] =	sbarrier.arrive $0xFFFF  }
0x138: {  	[hbm:s22], [sflag:s8] =	dma.local @p0 [spmem:s5], $0x1900  }
0x139: {  	s5 =	simm.s32 @p0 $0x3  }
0x13a: {  	_ =	swait.ge @p0 [sflag:s5], $0x1900  }
0x13b: {  	s4 =	sadd.s32 $0x1, s4;
	[sflag:s5] =	ssyncset.done @p0 $0x0  }
0x13c: {  	p1 =	sne.s32 s4, s23;
	[sflag:s5] =	ssyncadd.s32 @p0 $0xFFFFE700;
	s5 =	rddreg [dreg:$0xc]  }
0x13d: {  	[hbm:s5], [sflag:s6] =	dma.local @!p0 [spmem:s7], $0x2800  }
.Ltmp3:
0x13e: {  	_ = 	snop;
	(pc) =	sbr.rel @p1 .LBB2_1-.Ltmp3, $4  }
0x13f: {  	s5 =	simm.s32 @!p0 $0x3  }
0x140: {  	_ =	swait.ge @!p0 [sflag:s5], $0x2800  }
0x141: {  	[sflag:s5] =	ssyncset.done @!p0 $0x0  }
0x142: {  	[sflag:s5] =	ssyncadd.s32 @!p0 $0xFFFFD800  }
0x143: {  	_ =	sfence.sel $0x180000  }
0x144: {  	[bflag:$0x0] =	sbarrier.arrive $0xFFFF  }
0x145: {  	_ =	strace $0x90000056  }
0x146: {  	s0 =	stileid.u32;
	[bflag:$0x2] =	sbarrier.arrive $0xFFFF  }
0x147: {  	p0 =	sne.s32 s0, $0x0;
	s0 =	rddreg [dreg:$0x3]  }
0x148: {  	s0 =	sadd.s32 @!p0 $0x100000, s0  }
0x149: {  	[sflag:s0] =	ssyncadd.tile.s32 @!p0 $0x1;
	_ =	shalt  }
.Lfunc_end2:
_tile_overlayer_lowered:
.L_overlay_start_2:
0x14a: {  	(tag) =	ssettag $0x2  }
0x14b: {  	s0 =	rddreg [dreg:$0x0];
	s2 =	stileid.u32  }
0x14c: {  	s1 =	rddreg [dreg:$0x1];
	p0 =	sne.s32 s2, $0x0  }
0x14d: {  	s3 =	rddreg [dreg:$0x2];
	[bflag:$0x3] =	sbarrier.arrive $0xFFFF;
	s2 =	simm.s32 @!p0 $0x1C03  }
0x14e: {  	[timem:s3], [sflag:s2] =	dma.local @!p0 [hbm:s0], s1  }
0x14f: {  	s0 =	simm.s32 @!p0 $0x3  }
0x150: {  	_ =	swait.ge @!p0 [sflag:s0], s1  }
0x151: {  	s1 =	ssub.s32 @!p0 $0x0, s1;
	[sflag:s0] =	ssyncset.done @!p0 $0x0  }
0x152: {  	[sflag:s0] =	ssyncadd.s32 @!p0 s1  }
0x153: {  	[bflag:$0x3] =	sbarrier.arrive $0xFFFF  }
0x154: {  	_ =	shalt  }

// kernel: kernel.34.cloned.1.call-start
scs
__scs_entry_jumppad:
0x0: {  	(pc) =	sbr.rel $0x88, $3  }
0x1: {  	(tag) =	ssettag $0x0;
	lr =	simm.s32 $0x1  }
0x2: {  	[smem:$0x3F8D] =	sst lr;
	_ =	strace $0xD0000000  }
0x3: {  	_ = 	snop  }
0x4: {  	_ = 	snop  }
0x5: {  	_ = 	snop  }
0x6: {  	_ = 	snop  }
0x7: {  	_ = 	snop  }
__scs_overlays_trampoline_lowered:
0x8: {  	[smem:$0x3F9C] =	sst s0  }
0x9: {  	[smem:$0x3F9D] =	sst s1  }
0xa: {  	[smem:$0x3F9E] =	sst s2  }
0xb: {  	[smem:$0x3F9F] =	sst s3  }
0xc: {  	[smem:$0x3FA0] =	sst s4  }
0xd: {  	[smem:$0x3FA1] =	sst s5  }
0xe: {  	[smem:$0x3FA2] =	sst s6  }
0xf: {  	[smem:$0x3FA3] =	sst s7  }
0x10: {  	[smem:$0x3FA4] =	sst s8  }
0x11: {  	[smem:$0x3FA5] =	sst s9;
	s0 =	simm.s32 @!p0 $0x0  }
0x12: {  	s1 =	sld [smem:$0x3F8B];
	s0 =	simm.s32 @p0 $0x1  }
0x13: {  	[smem:$0x3FA6] =	sst s0;
	s0 =	simm.s32 @!p1 $0x0  }
0x14: {  	s2 =	sld [smem:$0x3F8A];
	s0 =	simm.s32 @p1 $0x1  }
0x15: {  	[smem:$0x3FA7] =	sst s0;
	s0 =	simm.s32 @!p2 $0x0  }
0x16: {  	s3 =	sld [smem:$0x3FDB];
	s0 =	simm.s32 @p2 $0x1  }
0x17: {  	s4 =	simm.s32 $0x1BF5;
	[smem:$0x3FA9] =	sst s0  }
0x18: {  	s0 =	sld [smem:$0x3F8C];
	_ =	swait.ge [sflag:s4], $0x0  }
0x19: {  	s7 =	sld [smem:$0x3F8D]  }
0x1a: {  	s8 =	sadd.s32 $0xFFFFE003, lr  }
0x1b: {  	s9 =	sadd.s32 $0xFFFFFEF7, lr;
	s5 =	simm.s32 $0xFFFFFFFF;
	p2 =	slt.u32 s8, $0xFFFFF086  }
0x1c: {  	p1 =	slt.u32 s9, $0xF7A;
	s5 =	simm.s32 @!p2 $0x0  }
0x1d: {  	s5 =	simm.s32 @p1 $0x1;
	p0 =	seq.s32 s7, s2  }
0x1e: {  	s7 =	smul.u32 @!p0 $0xF7A, s2;
	p2 =	seq.s32 @!p0 s5, $0x0  }
0x1f: {  	s9 =	smul.u32 $0xF7A, s1;
	s8 =	simm.s32 @!p0 $0x1BF5;
	p2 =	por !p2, p0  }
0x20: {  	[sflag:s8] =	ssyncset.s32 @!p0 $0xFFFFF086;
	s6 =	sadd.s32 @!p0 s3, s7;
	s7 =	simm.s32 @!p0 $0x108  }
0x21: {  	s3 =	sadd.s32 s3, s9;
	s6 =	sadd.s32 @!p0 $0x88, s6;
	s7 =	simm.s32 @p2 $0x1082  }
0x22: {  	[simem:s7], [sflag:s8] =	dma.local @!p0 [hbm:s6], $0xF7A  }
0x23: {  	s9 =	sor.u32 $0xD0000000, s2;
	s6 =	simm.s32 $0x108;
	_ =	swait.ge @!p0 [sflag:s8], $0x0  }
0x24: {  	s3 =	sadd.s32 $0x88, s3;
	s6 =	simm.s32 @!p1 $0x1082;
	[sflag:s4] =	ssyncset.s32 $0xFFFFF086  }
0x25: {  	[simem:s6], [sflag:s4] =	dma.local [hbm:s3], $0xF7A  }
0x26: {  	[smem:$0x3F8D] =	sst s1;
	(tag) =	ssettag s2;
	_ =	strace s9  }
0x27: {  	s1 =	sld [smem:$0x3F9D]  }
0x28: {  	s2 =	sld [smem:$0x3F9E]  }
0x29: {  	s4 =	sld [smem:$0x3FA0]  }
0x2a: {  	p0 =	seq.s32 s5, $0x0;
	s5 =	sld [smem:$0x3FA1]  }
0x2b: {  	s6 =	sld [smem:$0x3FA2]  }
0x2c: {  	s7 =	sld [smem:$0x3FA3]  }
0x2d: {  	s3 =	simm.s32 $0x108;
	s8 =	sld [smem:$0x3FA4]  }
0x2e: {  	s3 =	simm.s32 @!p0 $0x1082;
	s9 =	sld [smem:$0x3FA5]  }
0x2f: {  	lr =	sadd.s32 s0, s3;
	s0 =	sld [smem:$0x3F9C]  }
0x30: {  	s3 =	sld [smem:$0x3F9F]  }
0x31: {  	[smem:$0x3FA8] =	sst s10  }
0x32: {  	s10 =	sld [smem:$0x3FA6];
	_ =	sdelay $0x3  }
0x33: {  	p0 =	seq.s32 s10, $0x1;
	s10 =	sld [smem:$0x3FA8];
	_ =	sdelay $0x3  }
0x34: {  	[smem:$0x3FA8] =	sst s10  }
0x35: {  	s10 =	sld [smem:$0x3FA7];
	_ =	sdelay $0x3  }
0x36: {  	p1 =	seq.s32 s10, $0x1;
	s10 =	sld [smem:$0x3FA8];
	_ =	sdelay $0x3  }
0x37: {  	[smem:$0x3FA8] =	sst s10  }
0x38: {  	s10 =	sld [smem:$0x3FA9]  }
0x39: {  	_ = 	snop;
	(pc) =	sbr.ind lr, $3  }
0x3a: {  	_ = 	snop  }
0x3b: {  	_ = 	snop  }
0x3c: {  	p2 =	seq.s32 s10, $0x1;
	s10 =	sld [smem:$0x3FA8]  }
0x3d: {  	_ =	shalt  }
0x3e: {  	_ =	shalt  }
0x3f: {  	_ =	shalt  }
0x40: {  	_ =	shalt  }
0x41: {  	_ =	shalt  }
0x42: {  	_ =	shalt  }
0x43: {  	_ =	shalt  }
0x44: {  	_ =	shalt  }
0x45: {  	_ =	shalt  }
0x46: {  	_ =	shalt  }
0x47: {  	_ =	shalt  }
0x48: {  	_ =	shalt  }
0x49: {  	_ =	shalt  }
0x4a: {  	_ =	shalt  }
0x4b: {  	_ =	shalt  }
0x4c: {  	_ =	shalt  }
0x4d: {  	_ =	shalt  }
0x4e: {  	_ =	shalt  }
0x4f: {  	_ =	shalt  }
0x50: {  	_ =	shalt  }
0x51: {  	_ =	shalt  }
0x52: {  	_ =	shalt  }
0x53: {  	_ =	shalt  }
0x54: {  	_ =	shalt  }
0x55: {  	_ =	shalt  }
0x56: {  	_ =	shalt  }
0x57: {  	_ =	shalt  }
0x58: {  	_ =	shalt  }
0x59: {  	_ =	shalt  }
0x5a: {  	_ =	shalt  }
0x5b: {  	_ =	shalt  }
0x5c: {  	_ =	shalt  }
0x5d: {  	_ =	shalt  }
0x5e: {  	_ =	shalt  }
0x5f: {  	_ =	shalt  }
0x60: {  	_ =	shalt  }
0x61: {  	_ =	shalt  }
0x62: {  	_ =	shalt  }
0x63: {  	_ =	shalt  }
0x64: {  	_ =	shalt  }
0x65: {  	_ =	shalt  }
0x66: {  	_ =	shalt  }
0x67: {  	_ =	shalt  }
0x68: {  	_ =	shalt  }
0x69: {  	_ =	shalt  }
0x6a: {  	_ =	shalt  }
0x6b: {  	_ =	shalt  }
0x6c: {  	_ =	shalt  }
0x6d: {  	_ =	shalt  }
0x6e: {  	_ =	shalt  }
0x6f: {  	_ =	shalt  }
0x70: {  	_ =	shalt  }
0x71: {  	_ =	shalt  }
0x72: {  	_ =	shalt  }
0x73: {  	_ =	shalt  }
0x74: {  	_ =	shalt  }
0x75: {  	_ =	shalt  }
0x76: {  	_ =	shalt  }
0x77: {  	_ =	shalt  }
0x78: {  	_ =	shalt  }
0x79: {  	_ =	shalt  }
0x7a: {  	_ =	shalt  }
0x7b: {  	_ =	shalt  }
0x7c: {  	_ =	shalt  }
0x7d: {  	_ =	shalt  }
0x7e: {  	_ =	shalt  }
0x7f: {  	_ =	shalt  }
0x80: {  	_ =	shalt  }
0x81: {  	_ =	shalt  }
0x82: {  	_ =	shalt  }
0x83: {  	_ =	shalt  }
0x84: {  	_ =	shalt  }
0x85: {  	_ =	shalt  }
0x86: {  	_ =	shalt  }
0x87: {  	_ =	shalt  }
.Lfunc_end0:
.L_simem_size_0:
called_computation.6_lowered:
.L_overlay_start_0:
0x88: {  	s2 =	sld [smem:$0x3FD9]  }
0x89: {  	s3 =	sld [smem:$0x3FFE];
	_ =	sdelay $0x1  }
0x8a: {  	s1 =	srdreg.scid  }
0x8b: {  	s0 =	sand.u32 $0x1, s1  }
0x8c: {  	s17 =	sshll.u32 s0, $0xA;
	s2 =	sadd.s32 s3, s2  }
0x8d: {  	s2 =	sadd.s32 s2, s17  }
0x8e: {  	[smem:$0x3FB4] =	sst s2  }
0x8f: {  	_ = 	snop  }
0x90: {  	s18 =	sld [smem:$0x3FC6];
	(tm) =	ssettm $0x1  }
0x91: {  	s19 =	sld [smem:$0x3FFB];
	_ =	sdelay $0x3  }
0x92: {  	_ =	strace s19  }
0x93: {  	s2 =	sld [smem:$0x3FFC];
	_ =	sdelay $0x3  }
0x94: {  	_ =	strace s2  }
0x95: {  	s2 =	sld [smem:$0x3FFD];
	_ =	sdelay $0x3  }
0x96: {  	_ =	strace s2  }
0x97: {  	_ =	strace $0x8FFFFFFF  }
0x98: {  	s20 =	sld [smem:$0x3FDB];
	_ =	sdelay $0x1  }
0x99: {  	s4 =	simm.s32 $_scs_section_size  }
0x9a: {  	s5 =	simm.s32 $_size__tile_overlayer_lowered;
	s6 =	simm.s32 $_tile_overlayer_lowered  }
0x9b: {  	s7 =	simm.s32 $0x1BFF;
	s21 =	sshll.u32 s6, $0x1;
	s4 =	sadd.s32 s4, s20  }
0x9c: {  	s22 =	simm.s32 $0x0;
	s5 =	sshll.u32 s5, $0x1;
	s6 =	sadd.s32 s21, s4  }
0x9d: {  	[timem:s22], [sflag:s7] =	dma.local [hbm:s6], s5  }
0x9e: {  	_ =	swait.ge [sflag:s7], s5  }
0x9f: {  	s5 =	ssub.s32 $0x0, s5;
	[sflag:s7] =	ssyncset.done $0x0  }
0xa0: {  	[sflag:s7] =	ssyncadd.s32 s5;
	_ =	sdelay $0x1  }
0xa1: {  	s23 =	simm.s32 $0x1B8B  }
0xa2: {  	_ =	swait.ge [sflag:s23], $0x1  }
0xa3: {  	[sflag:s23] =	ssyncset.done $0x0  }
0xa4: {  	[sflag:s23] =	ssyncadd.s32 $0xFFFFFFFF  }
0xa5: {  	s5 =	sld [smem:$0x0]  }
0xa6: {  	s6 =	sand.u32 $0xFFFFFFFE, s1  }
0xa7: {  	p0 =	sne.s32 s1, s6  }
0xa8: {  	s6 =	sshll.u32 @p0 s6, $0xE  }
0xa9: {  	s6 =	sadd.s32 @p0 $0x11B8D, s6;
	s7 =	sshll.u32 @p0 s5, $0x11  }
0xaa: {  	s6 =	sor.u32 @p0 s7, s6  }
0xab: {  	[sflag:s6] =	ssyncadd.remote.s32 @p0 $0x1;
	_ =	sdelay $0x1  }
0xac: {  	s6 =	simm.s32 @p0 $0x1B8D  }
0xad: {  	_ =	swait.eq @p0 [sflag:s6], $0x1  }
0xae: {  	[sflag:s6] =	ssyncadd.s32 @p0 $0xFFFFFFFF  }
0xaf: {  	s7 =	sshll.u32 @!p0 s1, $0xE  }
0xb0: {  	s7 =	sor.u32 @!p0 $0x4000, s7;
	s6 =	simm.s32 @!p0 $0x1B8D  }
0xb1: {  	s5 =	sshll.u32 @!p0 s5, $0x11;
	s7 =	sadd.s32 @!p0 $0x11B8D, s7;
	_ =	swait.eq @!p0 [sflag:s6], $0x1  }
0xb2: {  	s5 =	sor.u32 @!p0 s5, s7;
	[sflag:s6] =	ssyncadd.s32 @!p0 $0xFFFFFFFF  }
0xb3: {  	s25 =	simm.s32 $0x1B8E;
	s24 =	sld [smem:$0x3FFE];
	[sflag:s5] =	ssyncadd.remote.s32 @!p0 $0x1  }
0xb4: {  	s26 =	simm.s32 $execute0_lowered;
	[smem:$0x3FD2] =	sst s25  }
0xb5: {  	s6 =	sshll.u32 s26, $0x1;
	_ =	strace $0x80000058;
	[dreg:$0x1] =	wrdreg $0xFFFFFFFF  }
0xb6: {  	s28 =	simm.s32 $_size_execute0_lowered;
	s4 =	sadd.s32 s4, s6;
	[dreg:$0x0] =	wrdreg $0x0  }
0xb7: {  	s6 =	sshll.u32 s28, $0x1;
	[dreg:$0x2] =	wrdreg s4  }
0xb8: {  	[dreg:$0x3] =	wrdreg s6  }
0xb9: {  	[dreg:$0x4] =	wrdreg $0xC0  }
0xba: {  	_ =	task [dreg:s22], $0x5FFFF  }
0xbb: {  	[dreg:$0x1] =	wrdreg $0xFFFFFFFF  }
0xbc: {  	[dreg:$0x0] =	wrdreg $0x60  }
0xbd: {  	[dreg:$0x2] =	wrdreg s24  }
0xbe: {  	[dreg:$0x3] =	wrdreg s18  }
0xbf: {  	[dreg:$0x4] =	wrdreg $0x51000  }
0xc0: {  	[dreg:$0x5] =	wrdreg $0x9  }
0xc1: {  	_ =	task.clear_ibuf [dreg:s22], $0x6FFFF;
	_ =	strace $0x90000058  }
0xc2: {  	s29 =	simm.s32 $0x9;
	_ =	strace $0x8000005A  }
0xc3: {  	_ =	swait.ge [sflag:s29], $0x1  }
0xc4: {  	[sflag:s29] =	ssyncadd.s32 $0xFFFFFFFF  }
0xc5: {  	_ =	strace $0x9000005A  }
0xc6: {  	_ =	sfence  }
0xc7: {  	s30 =	sld [smem:$0x0];
	_ =	sdelay $0x2  }
0xc8: {  	s31 =	sshll.u32 s1, $0xD;
	s1 =	sshrl.u32 s1, $0x2  }
0xc9: {  	s4 =	sand.u32 $0x4000, s31;
	s1 =	sadd.s32 s1, s30  }
0xca: {  	s0 =	sor.u32 s4, s0;
	s1 =	sshll.u32 s1, $0x11  }
0xcb: {  	s0 =	sor.u32 s1, s0  }
0xcc: {  	s0 =	sadd.s32 $0x8F2B, s0  }
0xcd: {  	[sflag:s0] =	ssyncadd.remote.s32 $0x1  }
0xce: {  	_ =	sfence.sel $0xFFFF  }
0xcf: {  	[dreg:$0x0] =	wrdreg $0xFFFFFFFF;
	(pc) =	sbr.abs _section_cstart, $3  }
0xd0: {  	[dreg:$0x1] =	wrdreg $0xFFFFFFFF  }
0xd1: {  	_ =	task.clear_ibuf [dreg:s22], $0x2FFFF;
	_ =	strace $0x9FFFFFFF  }
0xd2: {  	(tm) =	ssettm $0x7FFFFFFF  }
0xd3: {  	_ =	shalt  }
tec
execute0_lowered:
.L_overlay_start_1:
0x0: {  	(tag) =	ssettag $0x1  }
0x1: {  	s0 =	rddreg [dreg:$0x0]  }
0x2: {  	s1 =	rddreg [dreg:$0x1];
	s21 =	stileid.u32  }
0x3: {  	s2 =	rddreg [dreg:$0x2];
	s4 =	smul.u32 $0x2800, s21  }
0x4: {  	s3 =	simm.s32 $0x0;
	s5 =	srdreg.scid;
	s6 =	smul.u32 $0x50000, s21  }
0x5: {  	s28 =	simm.s32 $0x2;
	s29 =	simm.s32 $0x0;
	s10 =	smul.u32 $0x7D0, s21  }
0x6: {  	[smem:$0x7FF] =	sst s3;
	s5 =	sand.u32 $0x1, s5;
	s25 =	smul.u32 $0x7D00, s21  }
0x7: {  	s15 =	sadd.s32 $0x2A9000, s0;
	s18 =	sadd.s32 $0x3A3000, s0;
	s8 =	smul.u32 $0x7D00, s5  }
0x8: {  	s13 =	sadd.s32 $0x49D000, s0;
	p0 =	seq.s32 s21, $0xF;
	s12 =	smul.u32 $0x138800, s5  }
0x9: {  	_ =	strace $0x80000059;
	s7 =	ssub.s32 $0x2, s5;
	s5 =	smul.u32 $0x7D000, s5  }
0xa: {  	s4 =	sadd.s32 s4, s0;
	s6 =	sshrl.u32 s6, $0x2;
	s0 =	sadd.s32 $0x259400, s0  }
0xb: {  	s9 =	sshrl.u32 s7, $0x1;
	s6 =	sadd.s32 s6, s2;
	[dreg:$0x7] =	wrdreg s0  }
0xc: {  	s14 =	ssub.s32 s7, s9;
	s4 =	sadd.s32 $0x233C00, s4;
	[dreg:$0x4] =	wrdreg s6  }
0xd: {  	s8 =	sadd.s32 s10, s8;
	s10 =	sadd.s32 $0x12C000, s2;
	[dreg:$0x5] =	wrdreg s4  }
0xe: {  	s23 =	sshrl.u32 s12, $0x3;
	[dreg:$0x6] =	wrdreg s10;
	s11 =	sshrl.u32 s8, $0x3  }
0xf: {  	s17 =	sshll.u32 s8, $0x4;
	s24 =	sadd.s32 s13, s23;
	s14 =	smax.u32 s14, $0x1  }
0x10: {  	s26 =	sadd.s32 $0x2EE00, s8;
	s30 =	sadd.s32 $0x3E800, s8;
	s4 =	sadd.s32 $0x3E850, s8  }
0x11: {  	s23 =	simm.s32 $0x80;
	s16 =	sadd.s32 s1, s11;
	s11 =	smul.u32 $0x14000, s21  }
0x12: {  	s20 =	sadd.s32 $0x7800, s17;
	s17 =	sadd.s32 $0x2EE50, s8;
	s31 =	sshrl.u32 s30, $0x3  }
0x13: {  	s4 =	sshrl.u32 s4, $0x3;
	s21 =	simm.s32 $0x3;
	s19 =	sadd.s32 $0x5EB0, s16  }
0x14: {  	s9 =	sadd.s32 s15, s20;
	s10 =	sadd.s32 $0x7DF0, s16;
	s15 =	sadd.s32 s5, s15  }
0x15: {  	s17 =	sshrl.u32 s17, $0x3;
	s5 =	sadd.s32 s5, s18;
	[dreg:$0x8] =	wrdreg s19  }
0x16: {  	s16 =	sadd.s32 s11, s12;
	s11 =	sadd.s32 s18, s20;
	s19 =	sadd.s32 s25, s15  }
0x17: {  	s0 =	sadd.s32 s25, s5;
	s18 =	sadd.s32 s31, s1;
	s25 =	simm.s32 $0x1  }
0x18: {  	s22 =	sshrl.u32 s16, $0x3;
	s16 =	sshrl.u32 s26, $0x3;
	s20 =	sadd.s32 $0x500, s0  }
0x19: {  	s26 =	simm.s32 $0x50;
	s12 =	sadd.s32 s13, s22;
	s13 =	sadd.s32 $0x25800, s24  }
0x1a: {  	s15 =	sadd.s32 s16, s1;
	s16 =	sadd.s32 s17, s1;
	s17 =	sadd.s32 $0x500, s19  }
0x1b: {  	s19 =	sadd.s32 s4, s1;
	s22 =	simm.s32 $0x100;
	s24 =	simm.s32 $0x2900  }
.LBB2_1:
0x1c: {  	s0 =	rddreg [dreg:$0x6]  }
0x1d: {  	s1 =	rddreg [dreg:$0x7];
	s30 =	sshrl.u32 @p0 s0, $0x3;
	s0 =	simm.s32 @p0 $0x1FC3  }
0x1e: {  	[spmem:s30], [sflag:s0] =	dma.local @p0 [hbm:s1], $0x1900  }
0x1f: {  	s0 =	simm.s32 @p0 $0x3  }
0x20: {  	_ =	swait.ge @p0 [sflag:s0], $0x1900  }
0x21: {  	s1 =	stileid.u32;
	[sflag:s0] =	ssyncset.done @p0 $0x0  }
0x22: {  	s1 =	sshll.u32 @!p0 s1, $0x6;
	[sflag:s0] =	ssyncadd.s32 @p0 $0xFFFFE700;
	s0 =	rddreg [dreg:$0x4]  }
0x23: {  	s31 =	sor.u32 @!p0 $0x1C03, s1;
	s1 =	rddreg [dreg:$0x5];
	s0 =	sshrl.u32 @!p0 s0, $0x3  }
0x24: {  	[spmem:s0], [sflag:s31] =	dma.local @!p0 [hbm:s1], $0x2800  }
0x25: {  	s1 =	simm.s32 @!p0 $0x3  }
0x26: {  	_ =	swait.ge @!p0 [sflag:s1], $0x2800  }
0x27: {  	[sflag:s1] =	ssyncset.done @!p0 $0x0  }
0x28: {  	[sflag:s1] =	ssyncadd.s32 @!p0 $0xFFFFD800  }
0x29: {  	s6 =	sadd.s32 $0x0, s15;
	[bflag:$0x0] =	sbarrier.arrive $0xFFFF  }
0x2a: {  	[tilespmem:s3], [sflag:$0x3] =	stream.linear.gather [hbm4b:s6+s3], $0x50, $0x38;
	[tilespmem:$0x18980] =	vst v63  }
0x2b: {  	_ =	swait.ge [sflag:s21], $0x50  }
0x2c: {  	[sflag:s21] =	ssyncset.done $0x0  }
0x2d: {  	s7 =	sadd.s32 $0xFFFFFB00, s17;
	[sflag:s21] =	ssyncadd.s32 $0xFFFFFFB0  }
0x2e: {  	[tilespmem:s22], [sflag:$0x1] =	stream.linear.gather [hbm4b:s7+s3], $0x2800, $0x38;
	[tilespmem:$0x18980] =	vst v63  }
0x2f: {  	s8 =	sadd.s32 $0x0, s16  }
0x30: {  	[tilespmem:s23], [sflag:$0x3] =	stream.linear.gather [hbm4b:s8+s3], $0x50, $0x38;
	[tilespmem:$0x18980] =	vst v63  }
0x31: {  	_ =	swait.ge [sflag:s21], $0x50  }
0x32: {  	[sflag:s21] =	ssyncset.done $0x0  }
0x33: {  	[sflag:s21] =	ssyncadd.s32 $0xFFFFFFB0  }
0x34: {  	[tilespmem:s24], [sflag:$0x2] =	stream.linear.gather [hbm4b:s17+s3], $0x2800, $0x38;
	[tilespmem:$0x18980] =	vst v63  }
0x35: {  	_ =	swait.ge [sflag:s25], $0x2800  }
0x36: {  	[sflag:s25] =	ssyncset.done $0x0  }
0x37: {  	[sflag:s25] =	ssyncadd.s32 $0xFFFFD800  }
0x38: {  	[spmem:s2] =	stream.indirect.scatter.add.f32 [tilespmem:s22], [sflag:$0x3], $0x80, s3, s26, $0xb8;
	[tilespmem:$0x18980] =	vst v63  }
0x39: {  	_ =	swait.ge [sflag:s21], $0x2800  }
0x3a: {  	[sflag:s21] =	ssyncset.done $0x0  }
0x3b: {  	[sflag:s21] =	ssyncadd.s32 $0xFFFFD800  }
0x3c: {  	_ =	swait.ge [sflag:s28], $0x2800  }
0x3d: {  	[sflag:s28] =	ssyncset.done $0x0  }
0x3e: {  	[sflag:s28] =	ssyncadd.s32 $0xFFFFD800  }
0x3f: {  	[spmem:s2] =	stream.indirect.scatter.add.f32 [tilespmem:s24], [sflag:$0x3], $0x80, s23, s26, $0xb8;
	[tilespmem:$0x18980] =	vst v63  }
0x40: {  	s4 =	simm.s32 $0x14;
	_ =	swait.ge [sflag:s21], $0x2800  }
0x41: {  	s5 =	simm.s32 $0x28;
	s1 =	sadd.s32 $0xA00, s17;
	[sflag:s21] =	ssyncset.done $0x0  }
.LBB2_2:
0x42: {  	s6 =	sadd.s32 s4, s15  }
0x43: {  	[sflag:s21] =	ssyncadd.s32 $0xFFFFD800;
	s7 =	smov.u32 s5;
	s8 =	sadd.s32 $0x14, s5  }
0x44: {  	[tilespmem:s3], [sflag:$0x3] =	stream.linear.gather [hbm4b:s6+s3], $0x50, $0x38;
	[tilespmem:$0x18980] =	vst v63  }
0x45: {  	p1 =	sne.s32 s5, $0xDC;
	_ =	swait.ge [sflag:s21], $0x50  }
0x46: {  	[sflag:s21] =	ssyncset.done $0x0  }
0x47: {  	s5 =	sadd.s32 $0xFFFFFB00, s1;
	[sflag:s21] =	ssyncadd.s32 $0xFFFFFFB0  }
0x48: {  	[tilespmem:s22], [sflag:$0x1] =	stream.linear.gather [hbm4b:s5+s3], $0x2800, $0x38;
	[tilespmem:$0x18980] =	vst v63  }
0x49: {  	s5 =	sadd.s32 s4, s16;
	s4 =	smov.u32 s7  }
0x4a: {  	[tilespmem:s23], [sflag:$0x3] =	stream.linear.gather [hbm4b:s5+s3], $0x50, $0x38;
	[tilespmem:$0x18980] =	vst v63  }
0x4b: {  	_ =	swait.ge [sflag:s21], $0x50  }
0x4c: {  	[sflag:s21] =	ssyncset.done $0x0  }
0x4d: {  	[sflag:s21] =	ssyncadd.s32 $0xFFFFFFB0  }
0x4e: {  	[tilespmem:s24], [sflag:$0x2] =	stream.linear.gather [hbm4b:s1+s3], $0x2800, $0x38;
	[tilespmem:$0x18980] =	vst v63  }
0x4f: {  	_ =	swait.ge [sflag:s25], $0x2800  }
0x50: {  	[sflag:s25] =	ssyncset.done $0x0  }
0x51: {  	[sflag:s25] =	ssyncadd.s32 $0xFFFFD800  }
0x52: {  	[spmem:s2] =	stream.indirect.scatter.add.f32 [tilespmem:s22], [sflag:$0x3], $0x80, s3, s26, $0xb8;
	[tilespmem:$0x18980] =	vst v63  }
0x53: {  	_ =	swait.ge [sflag:s21], $0x2800  }
0x54: {  	[sflag:s21] =	ssyncset.done $0x0  }
0x55: {  	[sflag:s21] =	ssyncadd.s32 $0xFFFFD800  }
0x56: {  	_ =	swait.ge [sflag:s28], $0x2800  }
.Ltmp0:
0x57: {  	[sflag:s28] =	ssyncset.done $0x0;
	(pc) =	sbr.rel @p1 .LBB2_2-.Ltmp0, $4  }
0x58: {  	[sflag:s28] =	ssyncadd.s32 $0xFFFFD800  }
0x59: {  	[spmem:s2] =	stream.indirect.scatter.add.f32 [tilespmem:s24], [sflag:$0x3], $0x80, s23, s26, $0xb8;
	[tilespmem:$0x18980] =	vst v63  }
0x5a: {  	_ =	swait.ge [sflag:s21], $0x2800  }
0x5b: {  	s5 =	smov.u32 s8;
	s1 =	sadd.s32 $0xA00, s1;
	[sflag:s21] =	ssyncset.done $0x0  }
0x5c: {  	s5 =	sadd.s32 s4, s15;
	[sflag:s21] =	ssyncadd.s32 $0xFFFFD800  }
0x5d: {  	[tilespmem:s3], [sflag:$0x3] =	stream.linear.gather [hbm4b:s5+s3], $0x50, $0x38;
	[tilespmem:$0x18980] =	vst v63  }
0x5e: {  	_ =	swait.ge [sflag:s21], $0x50  }
0x5f: {  	[sflag:s21] =	ssyncset.done $0x0  }
0x60: {  	s6 =	sadd.s32 $0xFFFFFB00, s1;
	[sflag:s21] =	ssyncadd.s32 $0xFFFFFFB0  }
0x61: {  	[tilespmem:s22], [sflag:$0x1] =	stream.linear.gather [hbm4b:s6+s3], $0x2800, $0x38;
	[tilespmem:$0x18980] =	vst v63  }
0x62: {  	s7 =	sadd.s32 s4, s16  }
0x63: {  	[tilespmem:s23], [sflag:$0x3] =	stream.linear.gather [hbm4b:s7+s3], $0x50, $0x38;
	[tilespmem:$0x18980] =	vst v63  }
0x64: {  	_ =	swait.ge [sflag:s21], $0x50  }
0x65: {  	[sflag:s21] =	ssyncset.done $0x0  }
0x66: {  	[sflag:s21] =	ssyncadd.s32 $0xFFFFFFB0  }
0x67: {  	[tilespmem:s24], [sflag:$0x2] =	stream.linear.gather [hbm4b:s1+s3], $0x2800, $0x38;
	[tilespmem:$0x18980] =	vst v63  }
0x68: {  	_ =	swait.ge [sflag:s25], $0x2800  }
0x69: {  	[sflag:s25] =	ssyncset.done $0x0  }
0x6a: {  	[sflag:s25] =	ssyncadd.s32 $0xFFFFD800  }
0x6b: {  	[spmem:s2] =	stream.indirect.scatter.add.f32 [tilespmem:s22], [sflag:$0x3], $0x80, s3, s26, $0xb8;
	[tilespmem:$0x18980] =	vst v63  }
0x6c: {  	_ =	swait.ge [sflag:s21], $0x2800  }
0x6d: {  	[sflag:s21] =	ssyncset.done $0x0  }
0x6e: {  	[sflag:s21] =	ssyncadd.s32 $0xFFFFD800  }
0x6f: {  	_ =	swait.ge [sflag:s28], $0x2800  }
0x70: {  	[sflag:s28] =	ssyncset.done $0x0  }
0x71: {  	[sflag:s28] =	ssyncadd.s32 $0xFFFFD800  }
0x72: {  	[spmem:s2] =	stream.indirect.scatter.add.f32 [tilespmem:s24], [sflag:$0x3], $0x80, s23, s26, $0xb8;
	[tilespmem:$0x18980] =	vst v63  }
0x73: {  	_ =	swait.ge [sflag:s21], $0x2800  }
0x74: {  	[sflag:s21] =	ssyncset.done $0x0  }
0x75: {  	s8 =	simm.s32 $0x0;
	s5 =	rddreg [dreg:$0x8];
	[sflag:s21] =	ssyncadd.s32 $0xFFFFD800  }
0x76: {  	[tilespmem:s8], [sflag:$0x3] =	stream.linear.gather [hbm4b:s5+s8], $0x50, $0x38;
	[tilespmem:$0x18980] =	vst v63  }
0x77: {  	_ =	swait.ge [sflag:s21], $0x50  }
0x78: {  	[sflag:s21] =	ssyncset.done $0x0  }
0x79: {  	[sflag:s21] =	ssyncadd.s32 $0xFFFFFFB0  }
0x7a: {  	[tilespmem:s22], [sflag:$0x3] =	stream.linear.gather [hbm4b:s9+s8], $0x2800, $0x38;
	[tilespmem:$0x18980] =	vst v63  }
0x7b: {  	_ =	swait.ge [sflag:s21], $0x2800  }
0x7c: {  	[sflag:s21] =	ssyncset.done $0x0  }
0x7d: {  	[sflag:s21] =	ssyncadd.s32 $0xFFFFD800  }
0x7e: {  	[spmem:s2] =	stream.indirect.scatter.add.f32 [tilespmem:s22], [sflag:$0x3], $0x80, s8, s26, $0xb8;
	[tilespmem:$0x18980] =	vst v63  }
0x7f: {  	_ =	swait.ge [sflag:s21], $0x2800  }
0x80: {  	[sflag:s21] =	ssyncset.done $0x0  }
0x81: {  	s6 =	sadd.s32 $0x0, s18;
	[sflag:s21] =	ssyncadd.s32 $0xFFFFD800  }
0x82: {  	[tilespmem:s3], [sflag:$0x3] =	stream.linear.gather [hbm4b:s6+s3], $0x50, $0x38;
	[tilespmem:$0x18980] =	vst v63  }
0x83: {  	_ =	swait.ge [sflag:s21], $0x50  }
0x84: {  	[sflag:s21] =	ssyncset.done $0x0  }
0x85: {  	s7 =	sadd.s32 $0xFFFFFB00, s20;
	[sflag:s21] =	ssyncadd.s32 $0xFFFFFFB0  }
0x86: {  	[tilespmem:s22], [sflag:$0x1] =	stream.linear.gather [hbm4b:s7+s3], $0x2800, $0x38;
	[tilespmem:$0x18980] =	vst v63  }
0x87: {  	s8 =	sadd.s32 $0x0, s19  }
0x88: {  	[tilespmem:s23], [sflag:$0x3] =	stream.linear.gather [hbm4b:s8+s3], $0x50, $0x38;
	[tilespmem:$0x18980] =	vst v63  }
0x89: {  	_ =	swait.ge [sflag:s21], $0x50  }
0x8a: {  	[sflag:s21] =	ssyncset.done $0x0  }
0x8b: {  	[sflag:s21] =	ssyncadd.s32 $0xFFFFFFB0  }
0x8c: {  	[tilespmem:s24], [sflag:$0x2] =	stream.linear.gather [hbm4b:s20+s3], $0x2800, $0x38;
	[tilespmem:$0x18980] =	vst v63  }
0x8d: {  	_ =	swait.ge [sflag:s25], $0x2800  }
0x8e: {  	[sflag:s25] =	ssyncset.done $0x0  }
0x8f: {  	[sflag:s25] =	ssyncadd.s32 $0xFFFFD800  }
0x90: {  	[spmem:s2] =	stream.indirect.scatter.add.f32 [tilespmem:s22], [sflag:$0x3], $0x80, s3, s26, $0xb8;
	[tilespmem:$0x18980] =	vst v63  }
0x91: {  	_ =	swait.ge [sflag:s21], $0x2800  }
0x92: {  	[sflag:s21] =	ssyncset.done $0x0  }
0x93: {  	[sflag:s21] =	ssyncadd.s32 $0xFFFFD800  }
0x94: {  	_ =	swait.ge [sflag:s28], $0x2800  }
0x95: {  	[sflag:s28] =	ssyncset.done $0x0  }
0x96: {  	[sflag:s28] =	ssyncadd.s32 $0xFFFFD800  }
0x97: {  	[spmem:s2] =	stream.indirect.scatter.add.f32 [tilespmem:s24], [sflag:$0x3], $0x80, s23, s26, $0xb8;
	[tilespmem:$0x18980] =	vst v63  }
0x98: {  	s4 =	simm.s32 $0x14;
	_ =	swait.ge [sflag:s21], $0x2800  }
0x99: {  	s1 =	sadd.s32 $0xA00, s20;
	s5 =	simm.s32 $0x28;
	[sflag:s21] =	ssyncset.done $0x0  }
.LBB2_4:
0x9a: {  	s6 =	sadd.s32 s4, s18  }
0x9b: {  	[sflag:s21] =	ssyncadd.s32 $0xFFFFD800;
	s7 =	smov.u32 s5;
	s8 =	sadd.s32 $0x14, s5  }
0x9c: {  	[tilespmem:s3], [sflag:$0x3] =	stream.linear.gather [hbm4b:s6+s3], $0x50, $0x38;
	[tilespmem:$0x18980] =	vst v63  }
0x9d: {  	p1 =	sne.s32 s5, $0xDC;
	_ =	swait.ge [sflag:s21], $0x50  }
0x9e: {  	[sflag:s21] =	ssyncset.done $0x0  }
0x9f: {  	s5 =	sadd.s32 $0xFFFFFB00, s1;
	[sflag:s21] =	ssyncadd.s32 $0xFFFFFFB0  }
0xa0: {  	[tilespmem:s22], [sflag:$0x1] =	stream.linear.gather [hbm4b:s5+s3], $0x2800, $0x38;
	[tilespmem:$0x18980] =	vst v63  }
0xa1: {  	s5 =	sadd.s32 s4, s19;
	s4 =	smov.u32 s7  }
0xa2: {  	[tilespmem:s23], [sflag:$0x3] =	stream.linear.gather [hbm4b:s5+s3], $0x50, $0x38;
	[tilespmem:$0x18980] =	vst v63  }
0xa3: {  	_ =	swait.ge [sflag:s21], $0x50  }
0xa4: {  	[sflag:s21] =	ssyncset.done $0x0  }
0xa5: {  	[sflag:s21] =	ssyncadd.s32 $0xFFFFFFB0  }
0xa6: {  	[tilespmem:s24], [sflag:$0x2] =	stream.linear.gather [hbm4b:s1+s3], $0x2800, $0x38;
	[tilespmem:$0x18980] =	vst v63  }
0xa7: {  	_ =	swait.ge [sflag:s25], $0x2800  }
0xa8: {  	[sflag:s25] =	ssyncset.done $0x0  }
0xa9: {  	[sflag:s25] =	ssyncadd.s32 $0xFFFFD800  }
0xaa: {  	[spmem:s2] =	stream.indirect.scatter.add.f32 [tilespmem:s22], [sflag:$0x3], $0x80, s3, s26, $0xb8;
	[tilespmem:$0x18980] =	vst v63  }
0xab: {  	_ =	swait.ge [sflag:s21], $0x2800  }
0xac: {  	[sflag:s21] =	ssyncset.done $0x0  }
0xad: {  	[sflag:s21] =	ssyncadd.s32 $0xFFFFD800  }
0xae: {  	_ =	swait.ge [sflag:s28], $0x2800  }
.Ltmp1:
0xaf: {  	[sflag:s28] =	ssyncset.done $0x0;
	(pc) =	sbr.rel @p1 .LBB2_4-.Ltmp1, $4  }
0xb0: {  	[sflag:s28] =	ssyncadd.s32 $0xFFFFD800  }
0xb1: {  	[spmem:s2] =	stream.indirect.scatter.add.f32 [tilespmem:s24], [sflag:$0x3], $0x80, s23, s26, $0xb8;
	[tilespmem:$0x18980] =	vst v63  }
0xb2: {  	_ =	swait.ge [sflag:s21], $0x2800  }
0xb3: {  	s5 =	smov.u32 s8;
	s1 =	sadd.s32 $0xA00, s1;
	[sflag:s21] =	ssyncset.done $0x0  }
0xb4: {  	s5 =	sadd.s32 s4, s18;
	[sflag:s21] =	ssyncadd.s32 $0xFFFFD800  }
0xb5: {  	[tilespmem:s3], [sflag:$0x3] =	stream.linear.gather [hbm4b:s5+s3], $0x50, $0x38;
	[tilespmem:$0x18980] =	vst v63  }
0xb6: {  	_ =	swait.ge [sflag:s21], $0x50  }
0xb7: {  	[sflag:s21] =	ssyncset.done $0x0  }
0xb8: {  	s7 =	sadd.s32 $0xFFFFFB00, s1;
	[sflag:s21] =	ssyncadd.s32 $0xFFFFFFB0  }
0xb9: {  	[tilespmem:s22], [sflag:$0x1] =	stream.linear.gather [hbm4b:s7+s3], $0x2800, $0x38;
	[tilespmem:$0x18980] =	vst v63  }
0xba: {  	s8 =	sadd.s32 s4, s19  }
0xbb: {  	[tilespmem:s23], [sflag:$0x3] =	stream.linear.gather [hbm4b:s8+s3], $0x50, $0x38;
	[tilespmem:$0x18980] =	vst v63  }
0xbc: {  	_ =	swait.ge [sflag:s21], $0x50  }
0xbd: {  	[sflag:s21] =	ssyncset.done $0x0  }
0xbe: {  	[sflag:s21] =	ssyncadd.s32 $0xFFFFFFB0  }
0xbf: {  	[tilespmem:s24], [sflag:$0x2] =	stream.linear.gather [hbm4b:s1+s3], $0x2800, $0x38;
	[tilespmem:$0x18980] =	vst v63  }
0xc0: {  	_ =	swait.ge [sflag:s25], $0x2800  }
0xc1: {  	[sflag:s25] =	ssyncset.done $0x0  }
0xc2: {  	[sflag:s25] =	ssyncadd.s32 $0xFFFFD800  }
0xc3: {  	[spmem:s2] =	stream.indirect.scatter.add.f32 [tilespmem:s22], [sflag:$0x3], $0x80, s3, s26, $0xb8;
	[tilespmem:$0x18980] =	vst v63  }
0xc4: {  	_ =	swait.ge [sflag:s21], $0x2800  }
0xc5: {  	[sflag:s21] =	ssyncset.done $0x0  }
0xc6: {  	[sflag:s21] =	ssyncadd.s32 $0xFFFFD800  }
0xc7: {  	_ =	swait.ge [sflag:s28], $0x2800  }
0xc8: {  	[sflag:s28] =	ssyncset.done $0x0  }
0xc9: {  	[sflag:s28] =	ssyncadd.s32 $0xFFFFD800  }
0xca: {  	[spmem:s2] =	stream.indirect.scatter.add.f32 [tilespmem:s24], [sflag:$0x3], $0x80, s23, s26, $0xb8;
	[tilespmem:$0x18980] =	vst v63  }
0xcb: {  	_ =	swait.ge [sflag:s21], $0x2800  }
0xcc: {  	[sflag:s21] =	ssyncset.done $0x0  }
0xcd: {  	[sflag:s21] =	ssyncadd.s32 $0xFFFFD800  }
0xce: {  	[tilespmem:s3], [sflag:$0x3] =	stream.linear.gather [hbm4b:s10+s3], $0x50, $0x38;
	[tilespmem:$0x18980] =	vst v63  }
0xcf: {  	_ =	swait.ge [sflag:s21], $0x50  }
0xd0: {  	[sflag:s21] =	ssyncset.done $0x0  }
0xd1: {  	[sflag:s21] =	ssyncadd.s32 $0xFFFFFFB0  }
0xd2: {  	[tilespmem:s22], [sflag:$0x3] =	stream.linear.gather [hbm4b:s11+s3], $0x2800, $0x38;
	[tilespmem:$0x18980] =	vst v63  }
0xd3: {  	_ =	swait.ge [sflag:s21], $0x2800  }
0xd4: {  	[sflag:s21] =	ssyncset.done $0x0  }
0xd5: {  	[sflag:s21] =	ssyncadd.s32 $0xFFFFD800  }
0xd6: {  	[spmem:s2] =	stream.indirect.scatter.add.f32 [tilespmem:s22], [sflag:$0x3], $0x80, s3, s26, $0xb8;
	[tilespmem:$0x18980] =	vst v63  }
0xd7: {  	_ =	swait.ge [sflag:s21], $0x2800  }
0xd8: {  	[sflag:s21] =	ssyncset.done $0x0  }
0xd9: {  	[sflag:s21] =	ssyncadd.s32 $0xFFFFD800  }
0xda: {  	s1 =	simm.s32 @p0 $0x1FC3;
	[bflag:$0x0] =	sbarrier.arrive $0xFFFF  }
0xdb: {  	[hbm:s13], [sflag:s1] =	dma.local @p0 [spmem:s30], $0x1900  }
0xdc: {  	s1 =	simm.s32 @p0 $0x3  }
0xdd: {  	_ =	swait.ge @p0 [sflag:s1], $0x1900  }
0xde: {  	s29 =	sadd.s32 $0x1, s29;
	[sflag:s1] =	ssyncset.done @p0 $0x0  }
0xdf: {  	p1 =	sne.s32 s29, s14;
	[sflag:s1] =	ssyncadd.s32 @p0 $0xFFFFE700  }
0xe0: {  	[hbm:s12], [sflag:s31] =	dma.local @!p0 [spmem:s0], $0x2800  }
.Ltmp2:
0xe1: {  	_ = 	snop;
	(pc) =	sbr.rel @p1 .LBB2_1-.Ltmp2, $4  }
0xe2: {  	s0 =	simm.s32 @!p0 $0x3  }
0xe3: {  	_ =	swait.ge @!p0 [sflag:s0], $0x2800  }
0xe4: {  	[sflag:s0] =	ssyncset.done @!p0 $0x0  }
0xe5: {  	[sflag:s0] =	ssyncadd.s32 @!p0 $0xFFFFD800  }
0xe6: {  	_ =	sfence.sel $0x180000  }
0xe7: {  	[bflag:$0x0] =	sbarrier.arrive $0xFFFF  }
0xe8: {  	_ =	strace $0x90000059  }
0xe9: {  	s0 =	stileid.u32;
	[bflag:$0x2] =	sbarrier.arrive $0xFFFF  }
0xea: {  	p0 =	sne.s32 s0, $0x0;
	s0 =	rddreg [dreg:$0x3]  }
0xeb: {  	s0 =	sadd.s32 @!p0 $0x100000, s0  }
0xec: {  	[sflag:s0] =	ssyncadd.tile.s32 @!p0 $0x1;
	_ =	shalt  }
.Lfunc_end2:
_tile_overlayer_lowered:
.L_overlay_start_2:
0xed: {  	(tag) =	ssettag $0x2  }
0xee: {  	s0 =	rddreg [dreg:$0x0];
	s2 =	stileid.u32  }
0xef: {  	s1 =	rddreg [dreg:$0x1];
	p0 =	sne.s32 s2, $0x0  }
0xf0: {  	s3 =	rddreg [dreg:$0x2];
	[bflag:$0x3] =	sbarrier.arrive $0xFFFF;
	s2 =	simm.s32 @!p0 $0x1C03  }
0xf1: {  	[timem:s3], [sflag:s2] =	dma.local @!p0 [hbm:s0], s1  }
0xf2: {  	s0 =	simm.s32 @!p0 $0x3  }
0xf3: {  	_ =	swait.ge @!p0 [sflag:s0], s1  }
0xf4: {  	s1 =	ssub.s32 @!p0 $0x0, s1;
	[sflag:s0] =	ssyncset.done @!p0 $0x0  }
0xf5: {  	[sflag:s0] =	ssyncadd.s32 @!p0 s1  }
0xf6: {  	[bflag:$0x3] =	sbarrier.arrive $0xFFFF  }
0xf7: {  	_ =	shalt  }

</sc_bundles>
